<compile_context>
chip_gen: v7x
topology: tpu7x:2x2x1
jax: 0.10.2.dev20260603
libtpu: 0.0.44.dev20260713+nightly
codegen_flags: <defaults>
</compile_context>

<pallas_src>
import functools

import jax
import jax.numpy as jnp
import numpy as np
from jax import lax
from jax.experimental import pallas as pl
from jax.experimental.pallas import tpu as pltpu
from jax.experimental.pallas import tpu_sc as plsc

N = 10000
F = 128
H = 4
D = 32
E = 320000
NEG = 0.1

NC = 2
NS = 16
NW = NC * NS
K = 128
CPW = 80
EPW = K * CPW
EPAD = EPW * NW
NCH = EPAD // K
RPT = N // NS
AW = 16
DW = 8

_f32 = jnp.float32
_i32 = jnp.int32


def _proj_body(x_ref, w_ref, ma_ref, ms_ref, h_ref, acat_ref, sself_ref):
    h = jnp.dot(x_ref[...], w_ref[...], preferred_element_type=_f32)
    h_ref[...] = h
    acat_ref[...] = jnp.dot(h, ma_ref[...], preferred_element_type=_f32)
    z = jnp.dot(h, ms_ref[...], preferred_element_type=_f32)
    sself_ref[...] = jnp.exp(jnp.maximum(z, NEG * z))


def _proj(x, W, M_att, M_sum):
    bn = 1000
    return pl.pallas_call(
        _proj_body,
        grid=(N // bn,),
        in_specs=[
            pl.BlockSpec((bn, F), lambda i: (i, 0)),
            pl.BlockSpec((F, F), lambda i: (0, 0)),
            pl.BlockSpec((F, AW), lambda i: (0, 0)),
            pl.BlockSpec((F, H), lambda i: (0, 0)),
        ],
        out_specs=[
            pl.BlockSpec((bn, F), lambda i: (i, 0)),
            pl.BlockSpec((bn, AW), lambda i: (i, 0)),
            pl.BlockSpec((bn, H), lambda i: (i, 0)),
        ],
        out_shape=[
            jax.ShapeDtypeStruct((N, F), _f32),
            jax.ShapeDtypeStruct((N, AW), _f32),
            jax.ShapeDtypeStruct((N, H), _f32),
        ],
    )(x, W, M_att, M_sum)


def _edge_body(acat_hbm, sdew_hbm, h_hbm, z8_hbm, outm_hbm, outd_hbm,
               sdew0, sdew1, as_v, ad_v, rows0, rows1, sden0, sden1, sc2_v,
               accm_sh, accd_sh, sem_g, sem_a, sem_s):
    c = lax.axis_index("c")
    tid = lax.axis_index("s")
    wid = tid * NC + c
    sdew_b = (sdew0, sdew1)
    rows_b = (rows0, rows1)
    sden_b = (sden0, sden1)

    zero16 = jnp.zeros((16,), _f32)
    zero16i = jnp.zeros((16,), _i32)
    iota16 = lax.iota(_i32, 16)

    for b in range(2):
        for p in range(3):
            for q in range(K // 16):
                sdew_b[b][p, pl.ds(16 * q, 16)] = zero16i
        pltpu.sync_copy(z8_hbm, sden_b[b])

    def _zero_row(e, carry):
        for q in range(F // 16):
            rows0[e, pl.ds(16 * q, 16)] = zero16
            rows1[e, pl.ds(16 * q, 16)] = zero16
        return carry

    lax.fori_loop(0, K, _zero_row, 0)

    for off, cn in ((0, 128), (128, 128), (256, 128), (384, 128), (512, 113)):
        r = tid * RPT + off
        pltpu.sync_copy(rows0.at[pl.ds(0, cn), :], accm_sh.at[pl.ds(r, cn), :])
        pltpu.sync_copy(sden0.at[pl.ds(0, cn), :], accd_sh.at[pl.ds(r, cn), :])
    plsc.subcore_barrier()

    for b in range(2):
        pltpu.async_copy(rows_b[b], accm_sh.at[sdew_b[b].at[1]], sem_s,
                         add=True)
        pltpu.async_copy(sden_b[b], accd_sh.at[sdew_b[b].at[1]], sem_s,
                         add=True)

    def _outer(oi, carry):
        for b in range(2):
            ci = oi * 2 + b
            pltpu.make_async_copy(
                rows_b[b], accm_sh.at[sdew_b[b].at[1]], sem_s).wait()
            pltpu.make_async_copy(
                sden_b[b], accd_sh.at[sdew_b[b].at[1]], sem_s).wait()

            j = wid * CPW + ci
            pltpu.sync_copy(sdew_hbm.at[:, j, :], sdew_b[b])
            g_rows = pltpu.async_copy(
                h_hbm.at[sdew_b[b].at[0]], rows_b[b], sem_g)
            g_as = pltpu.async_copy(
                acat_hbm.at[sdew_b[b].at[0]], as_v, sem_a)
            g_ad = pltpu.async_copy(
                acat_hbm.at[sdew_b[b].at[1]], ad_v, sem_a)
            g_as.wait()
            g_ad.wait()

            for g in range(K // 16):
                ew = plsc.bitcast(sdew_b[b][2, pl.ds(16 * g, 16)], _f32)
                row16 = iota16 + (16 * g)
                for hh in range(H):
                    a = plsc.load_gather(
                        as_v, [row16, jnp.full((16,), hh, _i32)])
                    d = plsc.load_gather(
                        ad_v, [row16, jnp.full((16,), H + hh, _i32)])
                    e = a + d
                    e = jnp.maximum(e, NEG * e)
                    s = jnp.exp(e) * ew
                    col = jnp.full((16,), hh, _i32)
                    plsc.store_scatter(sc2_v, [row16, col], s)
                    plsc.store_scatter(sden_b[b], [row16, col], s)

            g_rows.wait()

            def _scale(e, carry2, _rows=rows_b[b]):
                sv = sc2_v[e, pl.ds(0, 16)]
                for hh in range(H):
                    sc = sv[hh]
                    for q2 in range(2):
                        q = hh * 2 + q2
                        _rows[e, pl.ds(16 * q, 16)] = (
                            _rows[e, pl.ds(16 * q, 16)] * sc)
                return carry2

            lax.fori_loop(0, K, _scale, 0)

            pltpu.async_copy(rows_b[b], accm_sh.at[sdew_b[b].at[1]], sem_s,
                             add=True)
            pltpu.async_copy(sden_b[b], accd_sh.at[sdew_b[b].at[1]], sem_s,
                             add=True)
        return carry

    lax.fori_loop(0, CPW // 2, _outer, 0)

    for b in range(2):
        pltpu.make_async_copy(
            rows_b[b], accm_sh.at[sdew_b[b].at[1]], sem_s).wait()
        pltpu.make_async_copy(
            sden_b[b], accd_sh.at[sdew_b[b].at[1]], sem_s).wait()
    plsc.subcore_barrier()

    for off, cn in ((0, 128), (128, 128), (256, 128), (384, 128), (512, 113)):
        r = tid * RPT + off
        pltpu.sync_copy(accm_sh.at[pl.ds(r, cn), :], rows0.at[pl.ds(0, cn), :])
        pltpu.sync_copy(rows0.at[pl.ds(0, cn), :],
                        outm_hbm.at[c, pl.ds(r, cn), :])
        pltpu.sync_copy(accd_sh.at[pl.ds(r, cn), :], sden0.at[pl.ds(0, cn), :])
        pltpu.sync_copy(sden0.at[pl.ds(0, cn), :],
                        outd_hbm.at[c, pl.ds(r, cn), :])


def _make_edge_call():
    return functools.partial(
        pl.kernel,
        out_type=[
            jax.ShapeDtypeStruct((NC, N, F), _f32),
            jax.ShapeDtypeStruct((NC, N, DW), _f32),
        ],
        mesh=plsc.VectorSubcoreMesh(
            core_axis_name="c", subcore_axis_name="s",
            num_cores=NC, num_subcores=NS),
        compiler_params=pltpu.CompilerParams(
            needs_layout_passes=False, use_tc_tiling_on_sc=False),
        scratch_types=[
            pltpu.VMEM((3, K), _i32),
            pltpu.VMEM((3, K), _i32),
            pltpu.VMEM((K, AW), _f32),
            pltpu.VMEM((K, AW), _f32),
            pltpu.VMEM((K, F), _f32),
            pltpu.VMEM((K, F), _f32),
            pltpu.VMEM((K, DW), _f32),
            pltpu.VMEM((K, DW), _f32),
            pltpu.VMEM((K, AW), _f32),
            pltpu.VMEM_SHARED((N, F), _f32),
            pltpu.VMEM_SHARED((N, DW), _f32),
            pltpu.SemaphoreType.DMA,
            pltpu.SemaphoreType.DMA,
            pltpu.SemaphoreType.DMA,
        ],
    )(_edge_body)


def _combine_body(m0_ref, m1_ref, d0_ref, d1_ref, h_ref, ss_ref, r_ref,
                  out_ref):
    num = m0_ref[...] + m1_ref[...] + h_ref[...] * jnp.dot(
        ss_ref[...], r_ref[...], preferred_element_type=_f32)
    den = jnp.dot(d0_ref[...] + d1_ref[...] + ss_ref[...], r_ref[...],
                  preferred_element_type=_f32)
    out_ref[...] = num / (den + 1e-16)


def _combine(m0, m1, d0, d1, h, sself, R):
    bn = 1000
    return pl.pallas_call(
        _combine_body,
        grid=(N // bn,),
        in_specs=[
            pl.BlockSpec((bn, F), lambda i: (i, 0)),
            pl.BlockSpec((bn, F), lambda i: (i, 0)),
            pl.BlockSpec((bn, H), lambda i: (i, 0)),
            pl.BlockSpec((bn, H), lambda i: (i, 0)),
            pl.BlockSpec((bn, F), lambda i: (i, 0)),
            pl.BlockSpec((bn, H), lambda i: (i, 0)),
            pl.BlockSpec((H, F), lambda i: (0, 0)),
        ],
        out_specs=pl.BlockSpec((bn, F), lambda i: (i, 0)),
        out_shape=jax.ShapeDtypeStruct((N, F), _f32),
    )(m0, m1, d0, d1, h, sself, R)


def kernel(x, edge_index, edge_weights, W, att_src, att_dst):
    eyeH = jnp.eye(H, dtype=_f32)
    M_src = (att_src[:, :, None] * eyeH[:, None, :]).reshape(F, H)
    M_dst = (att_dst[:, :, None] * eyeH[:, None, :]).reshape(F, H)
    M_att = jnp.concatenate(
        [M_src, M_dst, jnp.zeros((F, AW - 2 * H), _f32)], axis=1)
    M_sum = M_src + M_dst

    h, acat, sself = _proj(x, W, M_att, M_sum)

    pad = EPAD - E
    src_p = jnp.concatenate([edge_index[0], jnp.zeros((pad,), _i32)])
    dst_p = jnp.concatenate([edge_index[1], jnp.zeros((pad,), _i32)])
    ew_p = jnp.concatenate([edge_weights, jnp.zeros((pad,), _f32)])
    sdew = jnp.stack([
        src_p.reshape(NCH, K),
        dst_p.reshape(NCH, K),
        lax.bitcast_convert_type(ew_p, _i32).reshape(NCH, K),
    ])
    z8 = jnp.zeros((K, DW), _f32)

    msg, den = _make_edge_call()(acat, sdew, h, z8)

    R = jnp.asarray(np.kron(np.eye(H), np.ones((1, D))), dtype=_f32)
    return _combine(msg[0], msg[1],
                    den[0, :, :H], den[1, :, :H],
                    h, sself, R)

# --- scband reference (transcript-rebuilt; emitter-appended) ---
"""Pipeline reference for scband-icon-41850161332741 (READ-ONLY COPY).

The authoritative reference and input builder live on the scoring server;
editing this copy changes nothing except your own understanding.
"""

import jax, jax.numpy as jnp
import numpy as np

N = 10000
E = 320000
F = 128
H = 4
D = 32
NEG_SLOPE = 0.1

def setup_inputs(seed: int = 0) -> dict:
    key = jax.random.key(seed)
    ks = jax.random.split(key, 6)
    x = jax.random.normal(ks[0], (N, F), dtype=jnp.float32)
    edge_index = jax.random.randint(ks[1], (2, E), 0, N, dtype=jnp.int32)
    edge_weights = jax.random.uniform(ks[2], (E,), dtype=jnp.float32)
    # learned params of the WGATConv layer: linear projection + attention vectors
    W = jax.random.normal(ks[3], (F, H * D), dtype=jnp.float32) * 0.1
    att_src = jax.random.normal(ks[4], (H, D), dtype=jnp.float32) * 0.1
    att_dst = jax.random.normal(ks[5], (H, D), dtype=jnp.float32) * 0.1
    return {"x": x, "edge_index": edge_index, "edge_weights": edge_weights,
            "W": W, "att_src": att_src, "att_dst": att_dst}

def reference(x, edge_index, edge_weights, W, att_src, att_dst):
    # Weighted GAT conv (WGATConv) with add_self_loops=True, as used by IconGAT.
    loops = jnp.arange(N, dtype=edge_index.dtype)
    src = jnp.concatenate([edge_index[0], loops])
    dst = jnp.concatenate([edge_index[1], loops])
    ew = jnp.concatenate([edge_weights, jnp.ones((N,), dtype=x.dtype)])
    # linear projection -> [N, H, D]
    h = (x @ W).reshape(N, H, D)
    # per-node attention logits
    a_src = (h * att_src[None, :, :]).sum(-1)  # [N, H]
    a_dst = (h * att_dst[None, :, :]).sum(-1)  # [N, H]
    # edge-level gather
    e = a_src[src] + a_dst[dst]                # [E+N, H]
    e = jax.nn.leaky_relu(e, NEG_SLOPE)
    # numerically-stable softmax over incoming edges per dst node
    emax = jax.ops.segment_max(e, dst, num_segments=N)
    emax = jnp.where(jnp.isfinite(emax), emax, jnp.zeros_like(emax))
    ee = jnp.exp(e - emax[dst]) * ew[:, None]  # edge weights scale attention
    denom = jax.ops.segment_sum(ee, dst, num_segments=N)
    alpha = ee / (denom[dst] + 1e-16)          # [E+N, H]
    # message passing: scatter-add weighted source features to dst
    msg = h[src] * alpha[:, :, None]           # [E+N, H, D]
    out = jax.ops.segment_sum(msg, dst, num_segments=N)  # [N, H, D]
    return out.reshape(N, H * D)

if __name__ == "__main__":
    import jax
    _d = setup_inputs()
    print(jax.jit(kernel)(*tuple(_d.values())))

</pallas_src>

<mosaic_0001>
#map = affine_map<(d0, d1) -> (0, 0)>
#map1 = affine_map<(d0, d1) -> (0, 0, 0)>
module attributes {stable_mosaic.version = 14 : i64} {
  func.func @_edge_body(%arg0: i32, %arg1: i32, %arg2: memref<10000x16xf32, #tpu.memory_space<hbm>>, %arg3: memref<3x2560x128xi32, #tpu.memory_space<hbm>>, %arg4: memref<10000x128xf32, #tpu.memory_space<hbm>>, %arg5: memref<128x8xf32, #tpu.memory_space<hbm>>, %arg6: memref<2x10000x128xf32, #tpu.memory_space<hbm>>, %arg7: memref<2x10000x8xf32, #tpu.memory_space<hbm>>, %arg8: memref<3x128xi32, #tpu.memory_space<vmem>>, %arg9: memref<3x128xi32, #tpu.memory_space<vmem>>, %arg10: memref<128x16xf32, #tpu.memory_space<vmem>>, %arg11: memref<128x16xf32, #tpu.memory_space<vmem>>, %arg12: memref<128x128xf32, #tpu.memory_space<vmem>>, %arg13: memref<128x128xf32, #tpu.memory_space<vmem>>, %arg14: memref<128x8xf32, #tpu.memory_space<vmem>>, %arg15: memref<128x8xf32, #tpu.memory_space<vmem>>, %arg16: memref<128x16xf32, #tpu.memory_space<vmem>>, %arg17: memref<10000x128xf32, #tpu.memory_space<vmem_shared>>, %arg18: memref<10000x8xf32, #tpu.memory_space<vmem_shared>>, %arg19: memref<!tpu.dma_semaphore, #tpu.memory_space<semaphore_mem>>, %arg20: memref<!tpu.dma_semaphore, #tpu.memory_space<semaphore_mem>>, %arg21: memref<!tpu.dma_semaphore, #tpu.memory_space<semaphore_mem>>) attributes {dimension_semantics = [#tpu.dimension_semantics<core_parallel>, #tpu.dimension_semantics<subcore_parallel>], iteration_bounds = array<i64: 2, 16>, scalar_prefetch = 0 : i64, scratch_operands = 14 : i64, tpu.core_type = #tpu.core_type<sc_vector_subcore>, window_params = [{transform_indices = #map}, {transform_indices = #map1}, {transform_indices = #map}, {transform_indices = #map}, {transform_indices = #map1}, {transform_indices = #map1}]} {
    %mul3A = arith.constant 2 : i32
    %mul3A_0 = arith.muli %arg1, %mul3A : i32
    %add3A = arith.addi %mul3A_0, %arg0 : i32
    %broadcast_in_dim3A = arith.constant 0.000000e+00 : f32
    %broadcast_in_dim3A_1 = vector.broadcast %broadcast_in_dim3A : f32 to vector<16xf32>
    %broadcast_in_dim3A_2 = arith.constant 0 : i32
    %broadcast_in_dim3A_3 = vector.broadcast %broadcast_in_dim3A_2 : i32 to vector<16xi32>
    %iota3A = tpu.iota {dimensions = array<i32: 0>} : vector<16xi32>
    %swap3A = arith.constant 0 : i32
    %swap3A_4 = arith.index_cast %swap3A : i32 to index
    %swap3A_5 = arith.constant 0 : index
    %swap3A_6 = tpu.vector_load %arg8[%swap3A_4, %swap3A_5] {strides = array<i32>} : memref<3x128xi32, #tpu.memory_space<vmem>>, vector<16xi32>,
    tpu.vector_store %arg8[%swap3A_4, %swap3A_5], %broadcast_in_dim3A_3 {strides = array<i32>} : memref<3x128xi32, #tpu.memory_space<vmem>>, vector<16xi32>,
    %swap3A_7 = arith.constant 0 : i32
    %swap3A_8 = arith.index_cast %swap3A_7 : i32 to index
    %swap3A_9 = arith.constant 16 : index
    %swap3A_10 = tpu.vector_load %arg8[%swap3A_8, %swap3A_9] {strides = array<i32>} : memref<3x128xi32, #tpu.memory_space<vmem>>, vector<16xi32>,
    tpu.vector_store %arg8[%swap3A_8, %swap3A_9], %broadcast_in_dim3A_3 {strides = array<i32>} : memref<3x128xi32, #tpu.memory_space<vmem>>, vector<16xi32>,
    %swap3A_11 = arith.constant 0 : i32
    %swap3A_12 = arith.index_cast %swap3A_11 : i32 to index
    %swap3A_13 = arith.constant 32 : index
    %swap3A_14 = tpu.vector_load %arg8[%swap3A_12, %swap3A_13] {strides = array<i32>} : memref<3x128xi32, #tpu.memory_space<vmem>>, vector<16xi32>,
    tpu.vector_store %arg8[%swap3A_12, %swap3A_13], %broadcast_in_dim3A_3 {strides = array<i32>} : memref<3x128xi32, #tpu.memory_space<vmem>>, vector<16xi32>,
    %swap3A_15 = arith.constant 0 : i32
    %swap3A_16 = arith.index_cast %swap3A_15 : i32 to index
    %swap3A_17 = arith.constant 48 : index
    %swap3A_18 = tpu.vector_load %arg8[%swap3A_16, %swap3A_17] {strides = array<i32>} : memref<3x128xi32, #tpu.memory_space<vmem>>, vector<16xi32>,
    tpu.vector_store %arg8[%swap3A_16, %swap3A_17], %broadcast_in_dim3A_3 {strides = array<i32>} : memref<3x128xi32, #tpu.memory_space<vmem>>, vector<16xi32>,
    %swap3A_19 = arith.constant 0 : i32
    %swap3A_20 = arith.index_cast %swap3A_19 : i32 to index
    %swap3A_21 = arith.constant 64 : index
    %swap3A_22 = tpu.vector_load %arg8[%swap3A_20, %swap3A_21] {strides = array<i32>} : memref<3x128xi32, #tpu.memory_space<vmem>>, vector<16xi32>,
    tpu.vector_store %arg8[%swap3A_20, %swap3A_21], %broadcast_in_dim3A_3 {strides = array<i32>} : memref<3x128xi32, #tpu.memory_space<vmem>>, vector<16xi32>,
    %swap3A_23 = arith.constant 0 : i32
    %swap3A_24 = arith.index_cast %swap3A_23 : i32 to index
    %swap3A_25 = arith.constant 80 : index
    %swap3A_26 = tpu.vector_load %arg8[%swap3A_24, %swap3A_25] {strides = array<i32>} : memref<3x128xi32, #tpu.memory_space<vmem>>, vector<16xi32>,
    tpu.vector_store %arg8[%swap3A_24, %swap3A_25], %broadcast_in_dim3A_3 {strides = array<i32>} : memref<3x128xi32, #tpu.memory_space<vmem>>, vector<16xi32>,
    %swap3A_27 = arith.constant 0 : i32
    %swap3A_28 = arith.index_cast %swap3A_27 : i32 to index
    %swap3A_29 = arith.constant 96 : index
    %swap3A_30 = tpu.vector_load %arg8[%swap3A_28, %swap3A_29] {strides = array<i32>} : memref<3x128xi32, #tpu.memory_space<vmem>>, vector<16xi32>,
    tpu.vector_store %arg8[%swap3A_28, %swap3A_29], %broadcast_in_dim3A_3 {strides = array<i32>} : memref<3x128xi32, #tpu.memory_space<vmem>>, vector<16xi32>,
    %swap3A_31 = arith.constant 0 : i32
    %swap3A_32 = arith.index_cast %swap3A_31 : i32 to index
    %swap3A_33 = arith.constant 112 : index
    %swap3A_34 = tpu.vector_load %arg8[%swap3A_32, %swap3A_33] {strides = array<i32>} : memref<3x128xi32, #tpu.memory_space<vmem>>, vector<16xi32>,
    tpu.vector_store %arg8[%swap3A_32, %swap3A_33], %broadcast_in_dim3A_3 {strides = array<i32>} : memref<3x128xi32, #tpu.memory_space<vmem>>, vector<16xi32>,
    %swap3A_35 = arith.constant 1 : i32
    %swap3A_36 = arith.index_cast %swap3A_35 : i32 to index
    %swap3A_37 = arith.constant 0 : index
    %swap3A_38 = tpu.vector_load %arg8[%swap3A_36, %swap3A_37] {strides = array<i32>} : memref<3x128xi32, #tpu.memory_space<vmem>>, vector<16xi32>,
    tpu.vector_store %arg8[%swap3A_36, %swap3A_37], %broadcast_in_dim3A_3 {strides = array<i32>} : memref<3x128xi32, #tpu.memory_space<vmem>>, vector<16xi32>,
    %swap3A_39 = arith.constant 1 : i32
    %swap3A_40 = arith.index_cast %swap3A_39 : i32 to index
    %swap3A_41 = arith.constant 16 : index
    %swap3A_42 = tpu.vector_load %arg8[%swap3A_40, %swap3A_41] {strides = array<i32>} : memref<3x128xi32, #tpu.memory_space<vmem>>, vector<16xi32>,
    tpu.vector_store %arg8[%swap3A_40, %swap3A_41], %broadcast_in_dim3A_3 {strides = array<i32>} : memref<3x128xi32, #tpu.memory_space<vmem>>, vector<16xi32>,
    %swap3A_43 = arith.constant 1 : i32
    %swap3A_44 = arith.index_cast %swap3A_43 : i32 to index
    %swap3A_45 = arith.constant 32 : index
    %swap3A_46 = tpu.vector_load %arg8[%swap3A_44, %swap3A_45] {strides = array<i32>} : memref<3x128xi32, #tpu.memory_space<vmem>>, vector<16xi32>,
    tpu.vector_store %arg8[%swap3A_44, %swap3A_45], %broadcast_in_dim3A_3 {strides = array<i32>} : memref<3x128xi32, #tpu.memory_space<vmem>>, vector<16xi32>,
    %swap3A_47 = arith.constant 1 : i32
    %swap3A_48 = arith.index_cast %swap3A_47 : i32 to index
    %swap3A_49 = arith.constant 48 : index
    %swap3A_50 = tpu.vector_load %arg8[%swap3A_48, %swap3A_49] {strides = array<i32>} : memref<3x128xi32, #tpu.memory_space<vmem>>, vector<16xi32>,
    tpu.vector_store %arg8[%swap3A_48, %swap3A_49], %broadcast_in_dim3A_3 {strides = array<i32>} : memref<3x128xi32, #tpu.memory_space<vmem>>, vector<16xi32>,
    %swap3A_51 = arith.constant 1 : i32
    %swap3A_52 = arith.index_cast %swap3A_51 : i32 to index
    %swap3A_53 = arith.constant 64 : index
    %swap3A_54 = tpu.vector_load %arg8[%swap3A_52, %swap3A_53] {strides = array<i32>} : memref<3x128xi32, #tpu.memory_space<vmem>>, vector<16xi32>,
    tpu.vector_store %arg8[%swap3A_52, %swap3A_53], %broadcast_in_dim3A_3 {strides = array<i32>} : memref<3x128xi32, #tpu.memory_space<vmem>>, vector<16xi32>,
    %swap3A_55 = arith.constant 1 : i32
    %swap3A_56 = arith.index_cast %swap3A_55 : i32 to index
    %swap3A_57 = arith.constant 80 : index
    %swap3A_58 = tpu.vector_load %arg8[%swap3A_56, %swap3A_57] {strides = array<i32>} : memref<3x128xi32, #tpu.memory_space<vmem>>, vector<16xi32>,
    tpu.vector_store %arg8[%swap3A_56, %swap3A_57], %broadcast_in_dim3A_3 {strides = array<i32>} : memref<3x128xi32, #tpu.memory_space<vmem>>, vector<16xi32>,
    %swap3A_59 = arith.constant 1 : i32
    %swap3A_60 = arith.index_cast %swap3A_59 : i32 to index
    %swap3A_61 = arith.constant 96 : index
    %swap3A_62 = tpu.vector_load %arg8[%swap3A_60, %swap3A_61] {strides = array<i32>} : memref<3x128xi32, #tpu.memory_space<vmem>>, vector<16xi32>,
    tpu.vector_store %arg8[%swap3A_60, %swap3A_61], %broadcast_in_dim3A_3 {strides = array<i32>} : memref<3x128xi32, #tpu.memory_space<vmem>>, vector<16xi32>,
    %swap3A_63 = arith.constant 1 : i32
    %swap3A_64 = arith.index_cast %swap3A_63 : i32 to index
    %swap3A_65 = arith.constant 112 : index
    %swap3A_66 = tpu.vector_load %arg8[%swap3A_64, %swap3A_65] {strides = array<i32>} : memref<3x128xi32, #tpu.memory_space<vmem>>, vector<16xi32>,
    tpu.vector_store %arg8[%swap3A_64, %swap3A_65], %broadcast_in_dim3A_3 {strides = array<i32>} : memref<3x128xi32, #tpu.memory_space<vmem>>, vector<16xi32>,
    %swap3A_67 = arith.constant 2 : i32
    %swap3A_68 = arith.index_cast %swap3A_67 : i32 to index
    %swap3A_69 = arith.constant 0 : index
    %swap3A_70 = tpu.vector_load %arg8[%swap3A_68, %swap3A_69] {strides = array<i32>} : memref<3x128xi32, #tpu.memory_space<vmem>>, vector<16xi32>,
    tpu.vector_store %arg8[%swap3A_68, %swap3A_69], %broadcast_in_dim3A_3 {strides = array<i32>} : memref<3x128xi32, #tpu.memory_space<vmem>>, vector<16xi32>,
    %swap3A_71 = arith.constant 2 : i32
    %swap3A_72 = arith.index_cast %swap3A_71 : i32 to index
    %swap3A_73 = arith.constant 16 : index
    %swap3A_74 = tpu.vector_load %arg8[%swap3A_72, %swap3A_73] {strides = array<i32>} : memref<3x128xi32, #tpu.memory_space<vmem>>, vector<16xi32>,
    tpu.vector_store %arg8[%swap3A_72, %swap3A_73], %broadcast_in_dim3A_3 {strides = array<i32>} : memref<3x128xi32, #tpu.memory_space<vmem>>, vector<16xi32>,
    %swap3A_75 = arith.constant 2 : i32
    %swap3A_76 = arith.index_cast %swap3A_75 : i32 to index
    %swap3A_77 = arith.constant 32 : index
    %swap3A_78 = tpu.vector_load %arg8[%swap3A_76, %swap3A_77] {strides = array<i32>} : memref<3x128xi32, #tpu.memory_space<vmem>>, vector<16xi32>,
    tpu.vector_store %arg8[%swap3A_76, %swap3A_77], %broadcast_in_dim3A_3 {strides = array<i32>} : memref<3x128xi32, #tpu.memory_space<vmem>>, vector<16xi32>,
    %swap3A_79 = arith.constant 2 : i32
    %swap3A_80 = arith.index_cast %swap3A_79 : i32 to index
    %swap3A_81 = arith.constant 48 : index
    %swap3A_82 = tpu.vector_load %arg8[%swap3A_80, %swap3A_81] {strides = array<i32>} : memref<3x128xi32, #tpu.memory_space<vmem>>, vector<16xi32>,
    tpu.vector_store %arg8[%swap3A_80, %swap3A_81], %broadcast_in_dim3A_3 {strides = array<i32>} : memref<3x128xi32, #tpu.memory_space<vmem>>, vector<16xi32>,
    %swap3A_83 = arith.constant 2 : i32
    %swap3A_84 = arith.index_cast %swap3A_83 : i32 to index
    %swap3A_85 = arith.constant 64 : index
    %swap3A_86 = tpu.vector_load %arg8[%swap3A_84, %swap3A_85] {strides = array<i32>} : memref<3x128xi32, #tpu.memory_space<vmem>>, vector<16xi32>,
    tpu.vector_store %arg8[%swap3A_84, %swap3A_85], %broadcast_in_dim3A_3 {strides = array<i32>} : memref<3x128xi32, #tpu.memory_space<vmem>>, vector<16xi32>,
    %swap3A_87 = arith.constant 2 : i32
    %swap3A_88 = arith.index_cast %swap3A_87 : i32 to index
    %swap3A_89 = arith.constant 80 : index
    %swap3A_90 = tpu.vector_load %arg8[%swap3A_88, %swap3A_89] {strides = array<i32>} : memref<3x128xi32, #tpu.memory_space<vmem>>, vector<16xi32>,
    tpu.vector_store %arg8[%swap3A_88, %swap3A_89], %broadcast_in_dim3A_3 {strides = array<i32>} : memref<3x128xi32, #tpu.memory_space<vmem>>, vector<16xi32>,
    %swap3A_91 = arith.constant 2 : i32
    %swap3A_92 = arith.index_cast %swap3A_91 : i32 to index
    %swap3A_93 = arith.constant 96 : index
    %swap3A_94 = tpu.vector_load %arg8[%swap3A_92, %swap3A_93] {strides = array<i32>} : memref<3x128xi32, #tpu.memory_space<vmem>>, vector<16xi32>,
    tpu.vector_store %arg8[%swap3A_92, %swap3A_93], %broadcast_in_dim3A_3 {strides = array<i32>} : memref<3x128xi32, #tpu.memory_space<vmem>>, vector<16xi32>,
    %swap3A_95 = arith.constant 2 : i32
    %swap3A_96 = arith.index_cast %swap3A_95 : i32 to index
    %swap3A_97 = arith.constant 112 : index
    %swap3A_98 = tpu.vector_load %arg8[%swap3A_96, %swap3A_97] {strides = array<i32>} : memref<3x128xi32, #tpu.memory_space<vmem>>, vector<16xi32>,
    tpu.vector_store %arg8[%swap3A_96, %swap3A_97], %broadcast_in_dim3A_3 {strides = array<i32>} : memref<3x128xi32, #tpu.memory_space<vmem>>, vector<16xi32>,
    "tpu.region"() ({
      %run_scoped3A = tpu.sem_alloc : memref<!tpu.dma_semaphore, #tpu.memory_space<semaphore_mem>>
      tpu.enqueue_dma source(%arg5 : memref<128x8xf32, #tpu.memory_space<hbm>>) target(%arg14 : memref<128x8xf32, #tpu.memory_space<vmem>>) target_semaphore(%run_scoped3A : memref<!tpu.dma_semaphore, #tpu.memory_space<semaphore_mem>>)
      tpu.wait_dma2 semaphore(%run_scoped3A : memref<!tpu.dma_semaphore, #tpu.memory_space<semaphore_mem>>) src(%arg5 : memref<128x8xf32, #tpu.memory_space<hbm>>) dst(%arg14 : memref<128x8xf32, #tpu.memory_space<vmem>>)
      tpu.yield
    }) : () -> ()
    %swap3A_99 = arith.constant 0 : i32
    %swap3A_100 = arith.index_cast %swap3A_99 : i32 to index
    %swap3A_101 = arith.constant 0 : index
    %swap3A_102 = tpu.vector_load %arg9[%swap3A_100, %swap3A_101] {strides = array<i32>} : memref<3x128xi32, #tpu.memory_space<vmem>>, vector<16xi32>,
    tpu.vector_store %arg9[%swap3A_100, %swap3A_101], %broadcast_in_dim3A_3 {strides = array<i32>} : memref<3x128xi32, #tpu.memory_space<vmem>>, vector<16xi32>,
    %swap3A_103 = arith.constant 0 : i32
    %swap3A_104 = arith.index_cast %swap3A_103 : i32 to index
    %swap3A_105 = arith.constant 16 : index
    %swap3A_106 = tpu.vector_load %arg9[%swap3A_104, %swap3A_105] {strides = array<i32>} : memref<3x128xi32, #tpu.memory_space<vmem>>, vector<16xi32>,
    tpu.vector_store %arg9[%swap3A_104, %swap3A_105], %broadcast_in_dim3A_3 {strides = array<i32>} : memref<3x128xi32, #tpu.memory_space<vmem>>, vector<16xi32>,
    %swap3A_107 = arith.constant 0 : i32
    %swap3A_108 = arith.index_cast %swap3A_107 : i32 to index
    %swap3A_109 = arith.constant 32 : index
    %swap3A_110 = tpu.vector_load %arg9[%swap3A_108, %swap3A_109] {strides = array<i32>} : memref<3x128xi32, #tpu.memory_space<vmem>>, vector<16xi32>,
    tpu.vector_store %arg9[%swap3A_108, %swap3A_109], %broadcast_in_dim3A_3 {strides = array<i32>} : memref<3x128xi32, #tpu.memory_space<vmem>>, vector<16xi32>,
    %swap3A_111 = arith.constant 0 : i32
    %swap3A_112 = arith.index_cast %swap3A_111 : i32 to index
    %swap3A_113 = arith.constant 48 : index
    %swap3A_114 = tpu.vector_load %arg9[%swap3A_112, %swap3A_113] {strides = array<i32>} : memref<3x128xi32, #tpu.memory_space<vmem>>, vector<16xi32>,
    tpu.vector_store %arg9[%swap3A_112, %swap3A_113], %broadcast_in_dim3A_3 {strides = array<i32>} : memref<3x128xi32, #tpu.memory_space<vmem>>, vector<16xi32>,
    %swap3A_115 = arith.constant 0 : i32
    %swap3A_116 = arith.index_cast %swap3A_115 : i32 to index
    %swap3A_117 = arith.constant 64 : index
    %swap3A_118 = tpu.vector_load %arg9[%swap3A_116, %swap3A_117] {strides = array<i32>} : memref<3x128xi32, #tpu.memory_space<vmem>>, vector<16xi32>,
    tpu.vector_store %arg9[%swap3A_116, %swap3A_117], %broadcast_in_dim3A_3 {strides = array<i32>} : memref<3x128xi32, #tpu.memory_space<vmem>>, vector<16xi32>,
    %swap3A_119 = arith.constant 0 : i32
    %swap3A_120 = arith.index_cast %swap3A_119 : i32 to index
    %swap3A_121 = arith.constant 80 : index
    %swap3A_122 = tpu.vector_load %arg9[%swap3A_120, %swap3A_121] {strides = array<i32>} : memref<3x128xi32, #tpu.memory_space<vmem>>, vector<16xi32>,
    tpu.vector_store %arg9[%swap3A_120, %swap3A_121], %broadcast_in_dim3A_3 {strides = array<i32>} : memref<3x128xi32, #tpu.memory_space<vmem>>, vector<16xi32>,
    %swap3A_123 = arith.constant 0 : i32
    %swap3A_124 = arith.index_cast %swap3A_123 : i32 to index
    %swap3A_125 = arith.constant 96 : index
    %swap3A_126 = tpu.vector_load %arg9[%swap3A_124, %swap3A_125] {strides = array<i32>} : memref<3x128xi32, #tpu.memory_space<vmem>>, vector<16xi32>,
    tpu.vector_store %arg9[%swap3A_124, %swap3A_125], %broadcast_in_dim3A_3 {strides = array<i32>} : memref<3x128xi32, #tpu.memory_space<vmem>>, vector<16xi32>,
    %swap3A_127 = arith.constant 0 : i32
    %swap3A_128 = arith.index_cast %swap3A_127 : i32 to index
    %swap3A_129 = arith.constant 112 : index
    %swap3A_130 = tpu.vector_load %arg9[%swap3A_128, %swap3A_129] {strides = array<i32>} : memref<3x128xi32, #tpu.memory_space<vmem>>, vector<16xi32>,
    tpu.vector_store %arg9[%swap3A_128, %swap3A_129], %broadcast_in_dim3A_3 {strides = array<i32>} : memref<3x128xi32, #tpu.memory_space<vmem>>, vector<16xi32>,
    %swap3A_131 = arith.constant 1 : i32
    %swap3A_132 = arith.index_cast %swap3A_131 : i32 to index
    %swap3A_133 = arith.constant 0 : index
    %swap3A_134 = tpu.vector_load %arg9[%swap3A_132, %swap3A_133] {strides = array<i32>} : memref<3x128xi32, #tpu.memory_space<vmem>>, vector<16xi32>,
    tpu.vector_store %arg9[%swap3A_132, %swap3A_133], %broadcast_in_dim3A_3 {strides = array<i32>} : memref<3x128xi32, #tpu.memory_space<vmem>>, vector<16xi32>,
    %swap3A_135 = arith.constant 1 : i32
    %swap3A_136 = arith.index_cast %swap3A_135 : i32 to index
    %swap3A_137 = arith.constant 16 : index
    %swap3A_138 = tpu.vector_load %arg9[%swap3A_136, %swap3A_137] {strides = array<i32>} : memref<3x128xi32, #tpu.memory_space<vmem>>, vector<16xi32>,
    tpu.vector_store %arg9[%swap3A_136, %swap3A_137], %broadcast_in_dim3A_3 {strides = array<i32>} : memref<3x128xi32, #tpu.memory_space<vmem>>, vector<16xi32>,
    %swap3A_139 = arith.constant 1 : i32
    %swap3A_140 = arith.index_cast %swap3A_139 : i32 to index
    %swap3A_141 = arith.constant 32 : index
    %swap3A_142 = tpu.vector_load %arg9[%swap3A_140, %swap3A_141] {strides = array<i32>} : memref<3x128xi32, #tpu.memory_space<vmem>>, vector<16xi32>,
    tpu.vector_store %arg9[%swap3A_140, %swap3A_141], %broadcast_in_dim3A_3 {strides = array<i32>} : memref<3x128xi32, #tpu.memory_space<vmem>>, vector<16xi32>,
    %swap3A_143 = arith.constant 1 : i32
    %swap3A_144 = arith.index_cast %swap3A_143 : i32 to index
    %swap3A_145 = arith.constant 48 : index
    %swap3A_146 = tpu.vector_load %arg9[%swap3A_144, %swap3A_145] {strides = array<i32>} : memref<3x128xi32, #tpu.memory_space<vmem>>, vector<16xi32>,
    tpu.vector_store %arg9[%swap3A_144, %swap3A_145], %broadcast_in_dim3A_3 {strides = array<i32>} : memref<3x128xi32, #tpu.memory_space<vmem>>, vector<16xi32>,
    %swap3A_147 = arith.constant 1 : i32
    %swap3A_148 = arith.index_cast %swap3A_147 : i32 to index
    %swap3A_149 = arith.constant 64 : index
    %swap3A_150 = tpu.vector_load %arg9[%swap3A_148, %swap3A_149] {strides = array<i32>} : memref<3x128xi32, #tpu.memory_space<vmem>>, vector<16xi32>,
    tpu.vector_store %arg9[%swap3A_148, %swap3A_149], %broadcast_in_dim3A_3 {strides = array<i32>} : memref<3x128xi32, #tpu.memory_space<vmem>>, vector<16xi32>,
    %swap3A_151 = arith.constant 1 : i32
    %swap3A_152 = arith.index_cast %swap3A_151 : i32 to index
    %swap3A_153 = arith.constant 80 : index
    %swap3A_154 = tpu.vector_load %arg9[%swap3A_152, %swap3A_153] {strides = array<i32>} : memref<3x128xi32, #tpu.memory_space<vmem>>, vector<16xi32>,
    tpu.vector_store %arg9[%swap3A_152, %swap3A_153], %broadcast_in_dim3A_3 {strides = array<i32>} : memref<3x128xi32, #tpu.memory_space<vmem>>, vector<16xi32>,
    %swap3A_155 = arith.constant 1 : i32
    %swap3A_156 = arith.index_cast %swap3A_155 : i32 to index
    %swap3A_157 = arith.constant 96 : index
    %swap3A_158 = tpu.vector_load %arg9[%swap3A_156, %swap3A_157] {strides = array<i32>} : memref<3x128xi32, #tpu.memory_space<vmem>>, vector<16xi32>,
    tpu.vector_store %arg9[%swap3A_156, %swap3A_157], %broadcast_in_dim3A_3 {strides = array<i32>} : memref<3x128xi32, #tpu.memory_space<vmem>>, vector<16xi32>,
    %swap3A_159 = arith.constant 1 : i32
    %swap3A_160 = arith.index_cast %swap3A_159 : i32 to index
    %swap3A_161 = arith.constant 112 : index
    %swap3A_162 = tpu.vector_load %arg9[%swap3A_160, %swap3A_161] {strides = array<i32>} : memref<3x128xi32, #tpu.memory_space<vmem>>, vector<16xi32>,
    tpu.vector_store %arg9[%swap3A_160, %swap3A_161], %broadcast_in_dim3A_3 {strides = array<i32>} : memref<3x128xi32, #tpu.memory_space<vmem>>, vector<16xi32>,
    %swap3A_163 = arith.constant 2 : i32
    %swap3A_164 = arith.index_cast %swap3A_163 : i32 to index
    %swap3A_165 = arith.constant 0 : index
    %swap3A_166 = tpu.vector_load %arg9[%swap3A_164, %swap3A_165] {strides = array<i32>} : memref<3x128xi32, #tpu.memory_space<vmem>>, vector<16xi32>,
    tpu.vector_store %arg9[%swap3A_164, %swap3A_165], %broadcast_in_dim3A_3 {strides = array<i32>} : memref<3x128xi32, #tpu.memory_space<vmem>>, vector<16xi32>,
    %swap3A_167 = arith.constant 2 : i32
    %swap3A_168 = arith.index_cast %swap3A_167 : i32 to index
    %swap3A_169 = arith.constant 16 : index
    %swap3A_170 = tpu.vector_load %arg9[%swap3A_168, %swap3A_169] {strides = array<i32>} : memref<3x128xi32, #tpu.memory_space<vmem>>, vector<16xi32>,
    tpu.vector_store %arg9[%swap3A_168, %swap3A_169], %broadcast_in_dim3A_3 {strides = array<i32>} : memref<3x128xi32, #tpu.memory_space<vmem>>, vector<16xi32>,
    %swap3A_171 = arith.constant 2 : i32
    %swap3A_172 = arith.index_cast %swap3A_171 : i32 to index
    %swap3A_173 = arith.constant 32 : index
    %swap3A_174 = tpu.vector_load %arg9[%swap3A_172, %swap3A_173] {strides = array<i32>} : memref<3x128xi32, #tpu.memory_space<vmem>>, vector<16xi32>,
    tpu.vector_store %arg9[%swap3A_172, %swap3A_173], %broadcast_in_dim3A_3 {strides = array<i32>} : memref<3x128xi32, #tpu.memory_space<vmem>>, vector<16xi32>,
    %swap3A_175 = arith.constant 2 : i32
    %swap3A_176 = arith.index_cast %swap3A_175 : i32 to index
    %swap3A_177 = arith.constant 48 : index
    %swap3A_178 = tpu.vector_load %arg9[%swap3A_176, %swap3A_177] {strides = array<i32>} : memref<3x128xi32, #tpu.memory_space<vmem>>, vector<16xi32>,
    tpu.vector_store %arg9[%swap3A_176, %swap3A_177], %broadcast_in_dim3A_3 {strides = array<i32>} : memref<3x128xi32, #tpu.memory_space<vmem>>, vector<16xi32>,
    %swap3A_179 = arith.constant 2 : i32
    %swap3A_180 = arith.index_cast %swap3A_179 : i32 to index
    %swap3A_181 = arith.constant 64 : index
    %swap3A_182 = tpu.vector_load %arg9[%swap3A_180, %swap3A_181] {strides = array<i32>} : memref<3x128xi32, #tpu.memory_space<vmem>>, vector<16xi32>,
    tpu.vector_store %arg9[%swap3A_180, %swap3A_181], %broadcast_in_dim3A_3 {strides = array<i32>} : memref<3x128xi32, #tpu.memory_space<vmem>>, vector<16xi32>,
    %swap3A_183 = arith.constant 2 : i32
    %swap3A_184 = arith.index_cast %swap3A_183 : i32 to index
    %swap3A_185 = arith.constant 80 : index
    %swap3A_186 = tpu.vector_load %arg9[%swap3A_184, %swap3A_185] {strides = array<i32>} : memref<3x128xi32, #tpu.memory_space<vmem>>, vector<16xi32>,
    tpu.vector_store %arg9[%swap3A_184, %swap3A_185], %broadcast_in_dim3A_3 {strides = array<i32>} : memref<3x128xi32, #tpu.memory_space<vmem>>, vector<16xi32>,
    %swap3A_187 = arith.constant 2 : i32
    %swap3A_188 = arith.index_cast %swap3A_187 : i32 to index
    %swap3A_189 = arith.constant 96 : index
    %swap3A_190 = tpu.vector_load %arg9[%swap3A_188, %swap3A_189] {strides = array<i32>} : memref<3x128xi32, #tpu.memory_space<vmem>>, vector<16xi32>,
    tpu.vector_store %arg9[%swap3A_188, %swap3A_189], %broadcast_in_dim3A_3 {strides = array<i32>} : memref<3x128xi32, #tpu.memory_space<vmem>>, vector<16xi32>,
    %swap3A_191 = arith.constant 2 : i32
    %swap3A_192 = arith.index_cast %swap3A_191 : i32 to index
    %swap3A_193 = arith.constant 112 : index
    %swap3A_194 = tpu.vector_load %arg9[%swap3A_192, %swap3A_193] {strides = array<i32>} : memref<3x128xi32, #tpu.memory_space<vmem>>, vector<16xi32>,
    tpu.vector_store %arg9[%swap3A_192, %swap3A_193], %broadcast_in_dim3A_3 {strides = array<i32>} : memref<3x128xi32, #tpu.memory_space<vmem>>, vector<16xi32>,
    "tpu.region"() ({
      %run_scoped3A = tpu.sem_alloc : memref<!tpu.dma_semaphore, #tpu.memory_space<semaphore_mem>>
      tpu.enqueue_dma source(%arg5 : memref<128x8xf32, #tpu.memory_space<hbm>>) target(%arg15 : memref<128x8xf32, #tpu.memory_space<vmem>>) target_semaphore(%run_scoped3A : memref<!tpu.dma_semaphore, #tpu.memory_space<semaphore_mem>>)
      tpu.wait_dma2 semaphore(%run_scoped3A : memref<!tpu.dma_semaphore, #tpu.memory_space<semaphore_mem>>) src(%arg5 : memref<128x8xf32, #tpu.memory_space<hbm>>) dst(%arg15 : memref<128x8xf32, #tpu.memory_space<vmem>>)
      tpu.yield
    }) : () -> ()
    %scan3A = arith.constant 0 : i32
    %scan3A_195 = arith.constant 0 : i32
    %scan3A_196 = arith.constant 128 : i32
    %scan3A_197 = arith.addi %scan3A_195, %scan3A_196 : i32
    %scan3A_198 = arith.constant 1 : i32
    scf.for %scan3A_301 = %scan3A_195 to %scan3A_197 step %scan3A_198  : i32 {
      %swap3A_302 = arith.index_cast %scan3A_301 : i32 to index
      %swap3A_303 = arith.constant 0 : index
      %swap3A_304 = tpu.vector_load %arg12[%swap3A_302, %swap3A_303] {strides = array<i32>} : memref<128x128xf32, #tpu.memory_space<vmem>>, vector<16xf32>,
      tpu.vector_store %arg12[%swap3A_302, %swap3A_303], %broadcast_in_dim3A_1 {strides = array<i32>} : memref<128x128xf32, #tpu.memory_space<vmem>>, vector<16xf32>,
      %swap3A_305 = arith.index_cast %scan3A_301 : i32 to index
      %swap3A_306 = arith.constant 0 : index
      %swap3A_307 = tpu.vector_load %arg13[%swap3A_305, %swap3A_306] {strides = array<i32>} : memref<128x128xf32, #tpu.memory_space<vmem>>, vector<16xf32>,
      tpu.vector_store %arg13[%swap3A_305, %swap3A_306], %broadcast_in_dim3A_1 {strides = array<i32>} : memref<128x128xf32, #tpu.memory_space<vmem>>, vector<16xf32>,
      %swap3A_308 = arith.index_cast %scan3A_301 : i32 to index
      %swap3A_309 = arith.constant 16 : index
      %swap3A_310 = tpu.vector_load %arg12[%swap3A_308, %swap3A_309] {strides = array<i32>} : memref<128x128xf32, #tpu.memory_space<vmem>>, vector<16xf32>,
      tpu.vector_store %arg12[%swap3A_308, %swap3A_309], %broadcast_in_dim3A_1 {strides = array<i32>} : memref<128x128xf32, #tpu.memory_space<vmem>>, vector<16xf32>,
      %swap3A_311 = arith.index_cast %scan3A_301 : i32 to index
      %swap3A_312 = arith.constant 16 : index
      %swap3A_313 = tpu.vector_load %arg13[%swap3A_311, %swap3A_312] {strides = array<i32>} : memref<128x128xf32, #tpu.memory_space<vmem>>, vector<16xf32>,
      tpu.vector_store %arg13[%swap3A_311, %swap3A_312], %broadcast_in_dim3A_1 {strides = array<i32>} : memref<128x128xf32, #tpu.memory_space<vmem>>, vector<16xf32>,
      %swap3A_314 = arith.index_cast %scan3A_301 : i32 to index
      %swap3A_315 = arith.constant 32 : index
      %swap3A_316 = tpu.vector_load %arg12[%swap3A_314, %swap3A_315] {strides = array<i32>} : memref<128x128xf32, #tpu.memory_space<vmem>>, vector<16xf32>,
      tpu.vector_store %arg12[%swap3A_314, %swap3A_315], %broadcast_in_dim3A_1 {strides = array<i32>} : memref<128x128xf32, #tpu.memory_space<vmem>>, vector<16xf32>,
      %swap3A_317 = arith.index_cast %scan3A_301 : i32 to index
      %swap3A_318 = arith.constant 32 : index
      %swap3A_319 = tpu.vector_load %arg13[%swap3A_317, %swap3A_318] {strides = array<i32>} : memref<128x128xf32, #tpu.memory_space<vmem>>, vector<16xf32>,
      tpu.vector_store %arg13[%swap3A_317, %swap3A_318], %broadcast_in_dim3A_1 {strides = array<i32>} : memref<128x128xf32, #tpu.memory_space<vmem>>, vector<16xf32>,
      %swap3A_320 = arith.index_cast %scan3A_301 : i32 to index
      %swap3A_321 = arith.constant 48 : index
      %swap3A_322 = tpu.vector_load %arg12[%swap3A_320, %swap3A_321] {strides = array<i32>} : memref<128x128xf32, #tpu.memory_space<vmem>>, vector<16xf32>,
      tpu.vector_store %arg12[%swap3A_320, %swap3A_321], %broadcast_in_dim3A_1 {strides = array<i32>} : memref<128x128xf32, #tpu.memory_space<vmem>>, vector<16xf32>,
      %swap3A_323 = arith.index_cast %scan3A_301 : i32 to index
      %swap3A_324 = arith.constant 48 : index
      %swap3A_325 = tpu.vector_load %arg13[%swap3A_323, %swap3A_324] {strides = array<i32>} : memref<128x128xf32, #tpu.memory_space<vmem>>, vector<16xf32>,
      tpu.vector_store %arg13[%swap3A_323, %swap3A_324], %broadcast_in_dim3A_1 {strides = array<i32>} : memref<128x128xf32, #tpu.memory_space<vmem>>, vector<16xf32>,
      %swap3A_326 = arith.index_cast %scan3A_301 : i32 to index
      %swap3A_327 = arith.constant 64 : index
      %swap3A_328 = tpu.vector_load %arg12[%swap3A_326, %swap3A_327] {strides = array<i32>} : memref<128x128xf32, #tpu.memory_space<vmem>>, vector<16xf32>,
      tpu.vector_store %arg12[%swap3A_326, %swap3A_327], %broadcast_in_dim3A_1 {strides = array<i32>} : memref<128x128xf32, #tpu.memory_space<vmem>>, vector<16xf32>,
      %swap3A_329 = arith.index_cast %scan3A_301 : i32 to index
      %swap3A_330 = arith.constant 64 : index
      %swap3A_331 = tpu.vector_load %arg13[%swap3A_329, %swap3A_330] {strides = array<i32>} : memref<128x128xf32, #tpu.memory_space<vmem>>, vector<16xf32>,
      tpu.vector_store %arg13[%swap3A_329, %swap3A_330], %broadcast_in_dim3A_1 {strides = array<i32>} : memref<128x128xf32, #tpu.memory_space<vmem>>, vector<16xf32>,
      %swap3A_332 = arith.index_cast %scan3A_301 : i32 to index
      %swap3A_333 = arith.constant 80 : index
      %swap3A_334 = tpu.vector_load %arg12[%swap3A_332, %swap3A_333] {strides = array<i32>} : memref<128x128xf32, #tpu.memory_space<vmem>>, vector<16xf32>,
      tpu.vector_store %arg12[%swap3A_332, %swap3A_333], %broadcast_in_dim3A_1 {strides = array<i32>} : memref<128x128xf32, #tpu.memory_space<vmem>>, vector<16xf32>,
      %swap3A_335 = arith.index_cast %scan3A_301 : i32 to index
      %swap3A_336 = arith.constant 80 : index
      %swap3A_337 = tpu.vector_load %arg13[%swap3A_335, %swap3A_336] {strides = array<i32>} : memref<128x128xf32, #tpu.memory_space<vmem>>, vector<16xf32>,
      tpu.vector_store %arg13[%swap3A_335, %swap3A_336], %broadcast_in_dim3A_1 {strides = array<i32>} : memref<128x128xf32, #tpu.memory_space<vmem>>, vector<16xf32>,
      %swap3A_338 = arith.index_cast %scan3A_301 : i32 to index
      %swap3A_339 = arith.constant 96 : index
      %swap3A_340 = tpu.vector_load %arg12[%swap3A_338, %swap3A_339] {strides = array<i32>} : memref<128x128xf32, #tpu.memory_space<vmem>>, vector<16xf32>,
      tpu.vector_store %arg12[%swap3A_338, %swap3A_339], %broadcast_in_dim3A_1 {strides = array<i32>} : memref<128x128xf32, #tpu.memory_space<vmem>>, vector<16xf32>,
      %swap3A_341 = arith.index_cast %scan3A_301 : i32 to index
      %swap3A_342 = arith.constant 96 : index
      %swap3A_343 = tpu.vector_load %arg13[%swap3A_341, %swap3A_342] {strides = array<i32>} : memref<128x128xf32, #tpu.memory_space<vmem>>, vector<16xf32>,
      tpu.vector_store %arg13[%swap3A_341, %swap3A_342], %broadcast_in_dim3A_1 {strides = array<i32>} : memref<128x128xf32, #tpu.memory_space<vmem>>, vector<16xf32>,
      %swap3A_344 = arith.index_cast %scan3A_301 : i32 to index
      %swap3A_345 = arith.constant 112 : index
      %swap3A_346 = tpu.vector_load %arg12[%swap3A_344, %swap3A_345] {strides = array<i32>} : memref<128x128xf32, #tpu.memory_space<vmem>>, vector<16xf32>,
      tpu.vector_store %arg12[%swap3A_344, %swap3A_345], %broadcast_in_dim3A_1 {strides = array<i32>} : memref<128x128xf32, #tpu.memory_space<vmem>>, vector<16xf32>,
      %swap3A_347 = arith.index_cast %scan3A_301 : i32 to index
      %swap3A_348 = arith.constant 112 : index
      %swap3A_349 = tpu.vector_load %arg13[%swap3A_347, %swap3A_348] {strides = array<i32>} : memref<128x128xf32, #tpu.memory_space<vmem>>, vector<16xf32>,
      tpu.vector_store %arg13[%swap3A_347, %swap3A_348], %broadcast_in_dim3A_1 {strides = array<i32>} : memref<128x128xf32, #tpu.memory_space<vmem>>, vector<16xf32>,
    }
    %scan3A_199 = arith.constant 128 : i32
    %mul3A_200 = arith.constant 625 : i32
    %mul3A_201 = arith.muli %arg1, %mul3A_200 : i32
    %add3A_202 = arith.constant 0 : i32
    %add3A_203 = arith.addi %mul3A_201, %add3A_202 : i32
    "tpu.region"() ({
      %run_scoped3A = tpu.sem_alloc : memref<!tpu.dma_semaphore, #tpu.memory_space<semaphore_mem>>
      %dma_start3A_301 = arith.constant 0 : i32
      %dma_start3A_302 = arith.constant 0 : i32
      %dma_start3A_303 = tpu.memref_slice %arg12[%dma_start3A_301, %dma_start3A_302] : memref<128x128xf32, #tpu.memory_space<vmem>> -> memref<128x128xf32, #tpu.memory_space<vmem>>
      %dma_start3A_304 = arith.constant 0 : i32
      %dma_start3A_305 = tpu.memref_slice %arg17[%add3A_203, %dma_start3A_304] : memref<10000x128xf32, #tpu.memory_space<vmem_shared>> -> memref<128x128xf32, #tpu.memory_space<vmem_shared>>
      %dma_start3A_306 = arith.constant 0 : i32
      %dma_start3A_307 = tpu.memref_slice %arg17[%add3A_203, %dma_start3A_306] : memref<10000x128xf32, #tpu.memory_space<vmem_shared>> -> memref<128x128xf32, #tpu.memory_space<vmem_shared>>
      %dma_start3A_308 = arith.constant 0 : i32
      %dma_start3A_309 = arith.constant 0 : i32
      %dma_start3A_310 = tpu.memref_slice %arg12[%dma_start3A_308, %dma_start3A_309] : memref<128x128xf32, #tpu.memory_space<vmem>> -> memref<128x128xf32, #tpu.memory_space<vmem>>
      tpu.enqueue_dma source(%dma_start3A_310 : memref<128x128xf32, #tpu.memory_space<vmem>>) target(%dma_start3A_307 : memref<128x128xf32, #tpu.memory_space<vmem_shared>>) target_semaphore(%run_scoped3A : memref<!tpu.dma_semaphore, #tpu.memory_space<semaphore_mem>>)
      %dma_wait3A_311 = arith.constant 0 : i32
      %dma_wait3A_312 = arith.constant 0 : i32
      %dma_wait3A_313 = tpu.memref_slice %arg12[%dma_wait3A_311, %dma_wait3A_312] : memref<128x128xf32, #tpu.memory_space<vmem>> -> memref<128x128xf32, #tpu.memory_space<vmem>>
      %dma_wait3A_314 = arith.constant 0 : i32
      %dma_wait3A_315 = tpu.memref_slice %arg17[%add3A_203, %dma_wait3A_314] : memref<10000x128xf32, #tpu.memory_space<vmem_shared>> -> memref<128x128xf32, #tpu.memory_space<vmem_shared>>
      %dma_wait3A_316 = arith.constant 0 : i32
      %dma_wait3A_317 = tpu.memref_slice %arg17[%add3A_203, %dma_wait3A_316] : memref<10000x128xf32, #tpu.memory_space<vmem_shared>> -> memref<128x128xf32, #tpu.memory_space<vmem_shared>>
      %dma_wait3A_318 = arith.constant 0 : i32
      %dma_wait3A_319 = arith.constant 0 : i32
      %dma_wait3A_320 = tpu.memref_slice %arg12[%dma_wait3A_318, %dma_wait3A_319] : memref<128x128xf32, #tpu.memory_space<vmem>> -> memref<128x128xf32, #tpu.memory_space<vmem>>
      tpu.wait_dma2 semaphore(%run_scoped3A : memref<!tpu.dma_semaphore, #tpu.memory_space<semaphore_mem>>) src(%dma_wait3A_320 : memref<128x128xf32, #tpu.memory_space<vmem>>) dst(%dma_wait3A_317 : memref<128x128xf32, #tpu.memory_space<vmem_shared>>)
      tpu.yield
    }) : () -> ()
    "tpu.region"() ({
      %run_scoped3A = tpu.sem_alloc : memref<!tpu.dma_semaphore, #tpu.memory_space<semaphore_mem>>
      %dma_start3A_301 = arith.constant 0 : i32
      %dma_start3A_302 = arith.constant 0 : i32
      %dma_start3A_303 = tpu.memref_slice %arg14[%dma_start3A_301, %dma_start3A_302] : memref<128x8xf32, #tpu.memory_space<vmem>> -> memref<128x8xf32, #tpu.memory_space<vmem>>
      %dma_start3A_304 = arith.constant 0 : i32
      %dma_start3A_305 = tpu.memref_slice %arg18[%add3A_203, %dma_start3A_304] : memref<10000x8xf32, #tpu.memory_space<vmem_shared>> -> memref<128x8xf32, #tpu.memory_space<vmem_shared>>
      %dma_start3A_306 = arith.constant 0 : i32
      %dma_start3A_307 = tpu.memref_slice %arg18[%add3A_203, %dma_start3A_306] : memref<10000x8xf32, #tpu.memory_space<vmem_shared>> -> memref<128x8xf32, #tpu.memory_space<vmem_shared>>
      %dma_start3A_308 = arith.constant 0 : i32
      %dma_start3A_309 = arith.constant 0 : i32
      %dma_start3A_310 = tpu.memref_slice %arg14[%dma_start3A_308, %dma_start3A_309] : memref<128x8xf32, #tpu.memory_space<vmem>> -> memref<128x8xf32, #tpu.memory_space<vmem>>
      tpu.enqueue_dma source(%dma_start3A_310 : memref<128x8xf32, #tpu.memory_space<vmem>>) target(%dma_start3A_307 : memref<128x8xf32, #tpu.memory_space<vmem_shared>>) target_semaphore(%run_scoped3A : memref<!tpu.dma_semaphore, #tpu.memory_space<semaphore_mem>>)
      %dma_wait3A_311 = arith.constant 0 : i32
      %dma_wait3A_312 = arith.constant 0 : i32
      %dma_wait3A_313 = tpu.memref_slice %arg14[%dma_wait3A_311, %dma_wait3A_312] : memref<128x8xf32, #tpu.memory_space<vmem>> -> memref<128x8xf32, #tpu.memory_space<vmem>>
      %dma_wait3A_314 = arith.constant 0 : i32
      %dma_wait3A_315 = tpu.memref_slice %arg18[%add3A_203, %dma_wait3A_314] : memref<10000x8xf32, #tpu.memory_space<vmem_shared>> -> memref<128x8xf32, #tpu.memory_space<vmem_shared>>
      %dma_wait3A_316 = arith.constant 0 : i32
      %dma_wait3A_317 = tpu.memref_slice %arg18[%add3A_203, %dma_wait3A_316] : memref<10000x8xf32, #tpu.memory_space<vmem_shared>> -> memref<128x8xf32, #tpu.memory_space<vmem_shared>>
      %dma_wait3A_318 = arith.constant 0 : i32
      %dma_wait3A_319 = arith.constant 0 : i32
      %dma_wait3A_320 = tpu.memref_slice %arg14[%dma_wait3A_318, %dma_wait3A_319] : memref<128x8xf32, #tpu.memory_space<vmem>> -> memref<128x8xf32, #tpu.memory_space<vmem>>
      tpu.wait_dma2 semaphore(%run_scoped3A : memref<!tpu.dma_semaphore, #tpu.memory_space<semaphore_mem>>) src(%dma_wait3A_320 : memref<128x8xf32, #tpu.memory_space<vmem>>) dst(%dma_wait3A_317 : memref<128x8xf32, #tpu.memory_space<vmem_shared>>)
      tpu.yield
    }) : () -> ()
    %mul3A_204 = arith.constant 625 : i32
    %mul3A_205 = arith.muli %arg1, %mul3A_204 : i32
    %add3A_206 = arith.constant 128 : i32
    %add3A_207 = arith.addi %mul3A_205, %add3A_206 : i32
    "tpu.region"() ({
      %run_scoped3A = tpu.sem_alloc : memref<!tpu.dma_semaphore, #tpu.memory_space<semaphore_mem>>
      %dma_start3A_301 = arith.constant 0 : i32
      %dma_start3A_302 = arith.constant 0 : i32
      %dma_start3A_303 = tpu.memref_slice %arg12[%dma_start3A_301, %dma_start3A_302] : memref<128x128xf32, #tpu.memory_space<vmem>> -> memref<128x128xf32, #tpu.memory_space<vmem>>
      %dma_start3A_304 = arith.constant 0 : i32
      %dma_start3A_305 = tpu.memref_slice %arg17[%add3A_207, %dma_start3A_304] : memref<10000x128xf32, #tpu.memory_space<vmem_shared>> -> memref<128x128xf32, #tpu.memory_space<vmem_shared>>
      %dma_start3A_306 = arith.constant 0 : i32
      %dma_start3A_307 = tpu.memref_slice %arg17[%add3A_207, %dma_start3A_306] : memref<10000x128xf32, #tpu.memory_space<vmem_shared>> -> memref<128x128xf32, #tpu.memory_space<vmem_shared>>
      %dma_start3A_308 = arith.constant 0 : i32
      %dma_start3A_309 = arith.constant 0 : i32
      %dma_start3A_310 = tpu.memref_slice %arg12[%dma_start3A_308, %dma_start3A_309] : memref<128x128xf32, #tpu.memory_space<vmem>> -> memref<128x128xf32, #tpu.memory_space<vmem>>
      tpu.enqueue_dma source(%dma_start3A_310 : memref<128x128xf32, #tpu.memory_space<vmem>>) target(%dma_start3A_307 : memref<128x128xf32, #tpu.memory_space<vmem_shared>>) target_semaphore(%run_scoped3A : memref<!tpu.dma_semaphore, #tpu.memory_space<semaphore_mem>>)
      %dma_wait3A_311 = arith.constant 0 : i32
      %dma_wait3A_312 = arith.constant 0 : i32
      %dma_wait3A_313 = tpu.memref_slice %arg12[%dma_wait3A_311, %dma_wait3A_312] : memref<128x128xf32, #tpu.memory_space<vmem>> -> memref<128x128xf32, #tpu.memory_space<vmem>>
      %dma_wait3A_314 = arith.constant 0 : i32
      %dma_wait3A_315 = tpu.memref_slice %arg17[%add3A_207, %dma_wait3A_314] : memref<10000x128xf32, #tpu.memory_space<vmem_shared>> -> memref<128x128xf32, #tpu.memory_space<vmem_shared>>
      %dma_wait3A_316 = arith.constant 0 : i32
      %dma_wait3A_317 = tpu.memref_slice %arg17[%add3A_207, %dma_wait3A_316] : memref<10000x128xf32, #tpu.memory_space<vmem_shared>> -> memref<128x128xf32, #tpu.memory_space<vmem_shared>>
      %dma_wait3A_318 = arith.constant 0 : i32
      %dma_wait3A_319 = arith.constant 0 : i32
      %dma_wait3A_320 = tpu.memref_slice %arg12[%dma_wait3A_318, %dma_wait3A_319] : memref<128x128xf32, #tpu.memory_space<vmem>> -> memref<128x128xf32, #tpu.memory_space<vmem>>
      tpu.wait_dma2 semaphore(%run_scoped3A : memref<!tpu.dma_semaphore, #tpu.memory_space<semaphore_mem>>) src(%dma_wait3A_320 : memref<128x128xf32, #tpu.memory_space<vmem>>) dst(%dma_wait3A_317 : memref<128x128xf32, #tpu.memory_space<vmem_shared>>)
      tpu.yield
    }) : () -> ()
    "tpu.region"() ({
      %run_scoped3A = tpu.sem_alloc : memref<!tpu.dma_semaphore, #tpu.memory_space<semaphore_mem>>
      %dma_start3A_301 = arith.constant 0 : i32
      %dma_start3A_302 = arith.constant 0 : i32
      %dma_start3A_303 = tpu.memref_slice %arg14[%dma_start3A_301, %dma_start3A_302] : memref<128x8xf32, #tpu.memory_space<vmem>> -> memref<128x8xf32, #tpu.memory_space<vmem>>
      %dma_start3A_304 = arith.constant 0 : i32
      %dma_start3A_305 = tpu.memref_slice %arg18[%add3A_207, %dma_start3A_304] : memref<10000x8xf32, #tpu.memory_space<vmem_shared>> -> memref<128x8xf32, #tpu.memory_space<vmem_shared>>
      %dma_start3A_306 = arith.constant 0 : i32
      %dma_start3A_307 = tpu.memref_slice %arg18[%add3A_207, %dma_start3A_306] : memref<10000x8xf32, #tpu.memory_space<vmem_shared>> -> memref<128x8xf32, #tpu.memory_space<vmem_shared>>
      %dma_start3A_308 = arith.constant 0 : i32
      %dma_start3A_309 = arith.constant 0 : i32
      %dma_start3A_310 = tpu.memref_slice %arg14[%dma_start3A_308, %dma_start3A_309] : memref<128x8xf32, #tpu.memory_space<vmem>> -> memref<128x8xf32, #tpu.memory_space<vmem>>
      tpu.enqueue_dma source(%dma_start3A_310 : memref<128x8xf32, #tpu.memory_space<vmem>>) target(%dma_start3A_307 : memref<128x8xf32, #tpu.memory_space<vmem_shared>>) target_semaphore(%run_scoped3A : memref<!tpu.dma_semaphore, #tpu.memory_space<semaphore_mem>>)
      %dma_wait3A_311 = arith.constant 0 : i32
      %dma_wait3A_312 = arith.constant 0 : i32
      %dma_wait3A_313 = tpu.memref_slice %arg14[%dma_wait3A_311, %dma_wait3A_312] : memref<128x8xf32, #tpu.memory_space<vmem>> -> memref<128x8xf32, #tpu.memory_space<vmem>>
      %dma_wait3A_314 = arith.constant 0 : i32
      %dma_wait3A_315 = tpu.memref_slice %arg18[%add3A_207, %dma_wait3A_314] : memref<10000x8xf32, #tpu.memory_space<vmem_shared>> -> memref<128x8xf32, #tpu.memory_space<vmem_shared>>
      %dma_wait3A_316 = arith.constant 0 : i32
      %dma_wait3A_317 = tpu.memref_slice %arg18[%add3A_207, %dma_wait3A_316] : memref<10000x8xf32, #tpu.memory_space<vmem_shared>> -> memref<128x8xf32, #tpu.memory_space<vmem_shared>>
      %dma_wait3A_318 = arith.constant 0 : i32
      %dma_wait3A_319 = arith.constant 0 : i32
      %dma_wait3A_320 = tpu.memref_slice %arg14[%dma_wait3A_318, %dma_wait3A_319] : memref<128x8xf32, #tpu.memory_space<vmem>> -> memref<128x8xf32, #tpu.memory_space<vmem>>
      tpu.wait_dma2 semaphore(%run_scoped3A : memref<!tpu.dma_semaphore, #tpu.memory_space<semaphore_mem>>) src(%dma_wait3A_320 : memref<128x8xf32, #tpu.memory_space<vmem>>) dst(%dma_wait3A_317 : memref<128x8xf32, #tpu.memory_space<vmem_shared>>)
      tpu.yield
    }) : () -> ()
    %mul3A_208 = arith.constant 625 : i32
    %mul3A_209 = arith.muli %arg1, %mul3A_208 : i32
    %add3A_210 = arith.constant 256 : i32
    %add3A_211 = arith.addi %mul3A_209, %add3A_210 : i32
    "tpu.region"() ({
      %run_scoped3A = tpu.sem_alloc : memref<!tpu.dma_semaphore, #tpu.memory_space<semaphore_mem>>
      %dma_start3A_301 = arith.constant 0 : i32
      %dma_start3A_302 = arith.constant 0 : i32
      %dma_start3A_303 = tpu.memref_slice %arg12[%dma_start3A_301, %dma_start3A_302] : memref<128x128xf32, #tpu.memory_space<vmem>> -> memref<128x128xf32, #tpu.memory_space<vmem>>
      %dma_start3A_304 = arith.constant 0 : i32
      %dma_start3A_305 = tpu.memref_slice %arg17[%add3A_211, %dma_start3A_304] : memref<10000x128xf32, #tpu.memory_space<vmem_shared>> -> memref<128x128xf32, #tpu.memory_space<vmem_shared>>
      %dma_start3A_306 = arith.constant 0 : i32
      %dma_start3A_307 = tpu.memref_slice %arg17[%add3A_211, %dma_start3A_306] : memref<10000x128xf32, #tpu.memory_space<vmem_shared>> -> memref<128x128xf32, #tpu.memory_space<vmem_shared>>
      %dma_start3A_308 = arith.constant 0 : i32
      %dma_start3A_309 = arith.constant 0 : i32
      %dma_start3A_310 = tpu.memref_slice %arg12[%dma_start3A_308, %dma_start3A_309] : memref<128x128xf32, #tpu.memory_space<vmem>> -> memref<128x128xf32, #tpu.memory_space<vmem>>
      tpu.enqueue_dma source(%dma_start3A_310 : memref<128x128xf32, #tpu.memory_space<vmem>>) target(%dma_start3A_307 : memref<128x128xf32, #tpu.memory_space<vmem_shared>>) target_semaphore(%run_scoped3A : memref<!tpu.dma_semaphore, #tpu.memory_space<semaphore_mem>>)
      %dma_wait3A_311 = arith.constant 0 : i32
      %dma_wait3A_312 = arith.constant 0 : i32
      %dma_wait3A_313 = tpu.memref_slice %arg12[%dma_wait3A_311, %dma_wait3A_312] : memref<128x128xf32, #tpu.memory_space<vmem>> -> memref<128x128xf32, #tpu.memory_space<vmem>>
      %dma_wait3A_314 = arith.constant 0 : i32
      %dma_wait3A_315 = tpu.memref_slice %arg17[%add3A_211, %dma_wait3A_314] : memref<10000x128xf32, #tpu.memory_space<vmem_shared>> -> memref<128x128xf32, #tpu.memory_space<vmem_shared>>
      %dma_wait3A_316 = arith.constant 0 : i32
      %dma_wait3A_317 = tpu.memref_slice %arg17[%add3A_211, %dma_wait3A_316] : memref<10000x128xf32, #tpu.memory_space<vmem_shared>> -> memref<128x128xf32, #tpu.memory_space<vmem_shared>>
      %dma_wait3A_318 = arith.constant 0 : i32
      %dma_wait3A_319 = arith.constant 0 : i32
      %dma_wait3A_320 = tpu.memref_slice %arg12[%dma_wait3A_318, %dma_wait3A_319] : memref<128x128xf32, #tpu.memory_space<vmem>> -> memref<128x128xf32, #tpu.memory_space<vmem>>
      tpu.wait_dma2 semaphore(%run_scoped3A : memref<!tpu.dma_semaphore, #tpu.memory_space<semaphore_mem>>) src(%dma_wait3A_320 : memref<128x128xf32, #tpu.memory_space<vmem>>) dst(%dma_wait3A_317 : memref<128x128xf32, #tpu.memory_space<vmem_shared>>)
      tpu.yield
    }) : () -> ()
    "tpu.region"() ({
      %run_scoped3A = tpu.sem_alloc : memref<!tpu.dma_semaphore, #tpu.memory_space<semaphore_mem>>
      %dma_start3A_301 = arith.constant 0 : i32
      %dma_start3A_302 = arith.constant 0 : i32
      %dma_start3A_303 = tpu.memref_slice %arg14[%dma_start3A_301, %dma_start3A_302] : memref<128x8xf32, #tpu.memory_space<vmem>> -> memref<128x8xf32, #tpu.memory_space<vmem>>
      %dma_start3A_304 = arith.constant 0 : i32
      %dma_start3A_305 = tpu.memref_slice %arg18[%add3A_211, %dma_start3A_304] : memref<10000x8xf32, #tpu.memory_space<vmem_shared>> -> memref<128x8xf32, #tpu.memory_space<vmem_shared>>
      %dma_start3A_306 = arith.constant 0 : i32
      %dma_start3A_307 = tpu.memref_slice %arg18[%add3A_211, %dma_start3A_306] : memref<10000x8xf32, #tpu.memory_space<vmem_shared>> -> memref<128x8xf32, #tpu.memory_space<vmem_shared>>
      %dma_start3A_308 = arith.constant 0 : i32
      %dma_start3A_309 = arith.constant 0 : i32
      %dma_start3A_310 = tpu.memref_slice %arg14[%dma_start3A_308, %dma_start3A_309] : memref<128x8xf32, #tpu.memory_space<vmem>> -> memref<128x8xf32, #tpu.memory_space<vmem>>
      tpu.enqueue_dma source(%dma_start3A_310 : memref<128x8xf32, #tpu.memory_space<vmem>>) target(%dma_start3A_307 : memref<128x8xf32, #tpu.memory_space<vmem_shared>>) target_semaphore(%run_scoped3A : memref<!tpu.dma_semaphore, #tpu.memory_space<semaphore_mem>>)
      %dma_wait3A_311 = arith.constant 0 : i32
      %dma_wait3A_312 = arith.constant 0 : i32
      %dma_wait3A_313 = tpu.memref_slice %arg14[%dma_wait3A_311, %dma_wait3A_312] : memref<128x8xf32, #tpu.memory_space<vmem>> -> memref<128x8xf32, #tpu.memory_space<vmem>>
      %dma_wait3A_314 = arith.constant 0 : i32
      %dma_wait3A_315 = tpu.memref_slice %arg18[%add3A_211, %dma_wait3A_314] : memref<10000x8xf32, #tpu.memory_space<vmem_shared>> -> memref<128x8xf32, #tpu.memory_space<vmem_shared>>
      %dma_wait3A_316 = arith.constant 0 : i32
      %dma_wait3A_317 = tpu.memref_slice %arg18[%add3A_211, %dma_wait3A_316] : memref<10000x8xf32, #tpu.memory_space<vmem_shared>> -> memref<128x8xf32, #tpu.memory_space<vmem_shared>>
      %dma_wait3A_318 = arith.constant 0 : i32
      %dma_wait3A_319 = arith.constant 0 : i32
      %dma_wait3A_320 = tpu.memref_slice %arg14[%dma_wait3A_318, %dma_wait3A_319] : memref<128x8xf32, #tpu.memory_space<vmem>> -> memref<128x8xf32, #tpu.memory_space<vmem>>
      tpu.wait_dma2 semaphore(%run_scoped3A : memref<!tpu.dma_semaphore, #tpu.memory_space<semaphore_mem>>) src(%dma_wait3A_320 : memref<128x8xf32, #tpu.memory_space<vmem>>) dst(%dma_wait3A_317 : memref<128x8xf32, #tpu.memory_space<vmem_shared>>)
      tpu.yield
    }) : () -> ()
    %mul3A_212 = arith.constant 625 : i32
    %mul3A_213 = arith.muli %arg1, %mul3A_212 : i32
    %add3A_214 = arith.constant 384 : i32
    %add3A_215 = arith.addi %mul3A_213, %add3A_214 : i32
    "tpu.region"() ({
      %run_scoped3A = tpu.sem_alloc : memref<!tpu.dma_semaphore, #tpu.memory_space<semaphore_mem>>
      %dma_start3A_301 = arith.constant 0 : i32
      %dma_start3A_302 = arith.constant 0 : i32
      %dma_start3A_303 = tpu.memref_slice %arg12[%dma_start3A_301, %dma_start3A_302] : memref<128x128xf32, #tpu.memory_space<vmem>> -> memref<128x128xf32, #tpu.memory_space<vmem>>
      %dma_start3A_304 = arith.constant 0 : i32
      %dma_start3A_305 = tpu.memref_slice %arg17[%add3A_215, %dma_start3A_304] : memref<10000x128xf32, #tpu.memory_space<vmem_shared>> -> memref<128x128xf32, #tpu.memory_space<vmem_shared>>
      %dma_start3A_306 = arith.constant 0 : i32
      %dma_start3A_307 = tpu.memref_slice %arg17[%add3A_215, %dma_start3A_306] : memref<10000x128xf32, #tpu.memory_space<vmem_shared>> -> memref<128x128xf32, #tpu.memory_space<vmem_shared>>
      %dma_start3A_308 = arith.constant 0 : i32
      %dma_start3A_309 = arith.constant 0 : i32
      %dma_start3A_310 = tpu.memref_slice %arg12[%dma_start3A_308, %dma_start3A_309] : memref<128x128xf32, #tpu.memory_space<vmem>> -> memref<128x128xf32, #tpu.memory_space<vmem>>
      tpu.enqueue_dma source(%dma_start3A_310 : memref<128x128xf32, #tpu.memory_space<vmem>>) target(%dma_start3A_307 : memref<128x128xf32, #tpu.memory_space<vmem_shared>>) target_semaphore(%run_scoped3A : memref<!tpu.dma_semaphore, #tpu.memory_space<semaphore_mem>>)
      %dma_wait3A_311 = arith.constant 0 : i32
      %dma_wait3A_312 = arith.constant 0 : i32
      %dma_wait3A_313 = tpu.memref_slice %arg12[%dma_wait3A_311, %dma_wait3A_312] : memref<128x128xf32, #tpu.memory_space<vmem>> -> memref<128x128xf32, #tpu.memory_space<vmem>>
      %dma_wait3A_314 = arith.constant 0 : i32
      %dma_wait3A_315 = tpu.memref_slice %arg17[%add3A_215, %dma_wait3A_314] : memref<10000x128xf32, #tpu.memory_space<vmem_shared>> -> memref<128x128xf32, #tpu.memory_space<vmem_shared>>
      %dma_wait3A_316 = arith.constant 0 : i32
      %dma_wait3A_317 = tpu.memref_slice %arg17[%add3A_215, %dma_wait3A_316] : memref<10000x128xf32, #tpu.memory_space<vmem_shared>> -> memref<128x128xf32, #tpu.memory_space<vmem_shared>>
      %dma_wait3A_318 = arith.constant 0 : i32
      %dma_wait3A_319 = arith.constant 0 : i32
      %dma_wait3A_320 = tpu.memref_slice %arg12[%dma_wait3A_318, %dma_wait3A_319] : memref<128x128xf32, #tpu.memory_space<vmem>> -> memref<128x128xf32, #tpu.memory_space<vmem>>
      tpu.wait_dma2 semaphore(%run_scoped3A : memref<!tpu.dma_semaphore, #tpu.memory_space<semaphore_mem>>) src(%dma_wait3A_320 : memref<128x128xf32, #tpu.memory_space<vmem>>) dst(%dma_wait3A_317 : memref<128x128xf32, #tpu.memory_space<vmem_shared>>)
      tpu.yield
    }) : () -> ()
    "tpu.region"() ({
      %run_scoped3A = tpu.sem_alloc : memref<!tpu.dma_semaphore, #tpu.memory_space<semaphore_mem>>
      %dma_start3A_301 = arith.constant 0 : i32
      %dma_start3A_302 = arith.constant 0 : i32
      %dma_start3A_303 = tpu.memref_slice %arg14[%dma_start3A_301, %dma_start3A_302] : memref<128x8xf32, #tpu.memory_space<vmem>> -> memref<128x8xf32, #tpu.memory_space<vmem>>
      %dma_start3A_304 = arith.constant 0 : i32
      %dma_start3A_305 = tpu.memref_slice %arg18[%add3A_215, %dma_start3A_304] : memref<10000x8xf32, #tpu.memory_space<vmem_shared>> -> memref<128x8xf32, #tpu.memory_space<vmem_shared>>
      %dma_start3A_306 = arith.constant 0 : i32
      %dma_start3A_307 = tpu.memref_slice %arg18[%add3A_215, %dma_start3A_306] : memref<10000x8xf32, #tpu.memory_space<vmem_shared>> -> memref<128x8xf32, #tpu.memory_space<vmem_shared>>
      %dma_start3A_308 = arith.constant 0 : i32
      %dma_start3A_309 = arith.constant 0 : i32
      %dma_start3A_310 = tpu.memref_slice %arg14[%dma_start3A_308, %dma_start3A_309] : memref<128x8xf32, #tpu.memory_space<vmem>> -> memref<128x8xf32, #tpu.memory_space<vmem>>
      tpu.enqueue_dma source(%dma_start3A_310 : memref<128x8xf32, #tpu.memory_space<vmem>>) target(%dma_start3A_307 : memref<128x8xf32, #tpu.memory_space<vmem_shared>>) target_semaphore(%run_scoped3A : memref<!tpu.dma_semaphore, #tpu.memory_space<semaphore_mem>>)
      %dma_wait3A_311 = arith.constant 0 : i32
      %dma_wait3A_312 = arith.constant 0 : i32
      %dma_wait3A_313 = tpu.memref_slice %arg14[%dma_wait3A_311, %dma_wait3A_312] : memref<128x8xf32, #tpu.memory_space<vmem>> -> memref<128x8xf32, #tpu.memory_space<vmem>>
      %dma_wait3A_314 = arith.constant 0 : i32
      %dma_wait3A_315 = tpu.memref_slice %arg18[%add3A_215, %dma_wait3A_314] : memref<10000x8xf32, #tpu.memory_space<vmem_shared>> -> memref<128x8xf32, #tpu.memory_space<vmem_shared>>
      %dma_wait3A_316 = arith.constant 0 : i32
      %dma_wait3A_317 = tpu.memref_slice %arg18[%add3A_215, %dma_wait3A_316] : memref<10000x8xf32, #tpu.memory_space<vmem_shared>> -> memref<128x8xf32, #tpu.memory_space<vmem_shared>>
      %dma_wait3A_318 = arith.constant 0 : i32
      %dma_wait3A_319 = arith.constant 0 : i32
      %dma_wait3A_320 = tpu.memref_slice %arg14[%dma_wait3A_318, %dma_wait3A_319] : memref<128x8xf32, #tpu.memory_space<vmem>> -> memref<128x8xf32, #tpu.memory_space<vmem>>
      tpu.wait_dma2 semaphore(%run_scoped3A : memref<!tpu.dma_semaphore, #tpu.memory_space<semaphore_mem>>) src(%dma_wait3A_320 : memref<128x8xf32, #tpu.memory_space<vmem>>) dst(%dma_wait3A_317 : memref<128x8xf32, #tpu.memory_space<vmem_shared>>)
      tpu.yield
    }) : () -> ()
    %mul3A_216 = arith.constant 625 : i32
    %mul3A_217 = arith.muli %arg1, %mul3A_216 : i32
    %add3A_218 = arith.constant 512 : i32
    %add3A_219 = arith.addi %mul3A_217, %add3A_218 : i32
    "tpu.region"() ({
      %run_scoped3A = tpu.sem_alloc : memref<!tpu.dma_semaphore, #tpu.memory_space<semaphore_mem>>
      %dma_start3A_301 = arith.constant 0 : i32
      %dma_start3A_302 = arith.constant 0 : i32
      %dma_start3A_303 = tpu.memref_slice %arg12[%dma_start3A_301, %dma_start3A_302] : memref<128x128xf32, #tpu.memory_space<vmem>> -> memref<113x128xf32, #tpu.memory_space<vmem>>
      %dma_start3A_304 = arith.constant 0 : i32
      %dma_start3A_305 = tpu.memref_slice %arg17[%add3A_219, %dma_start3A_304] : memref<10000x128xf32, #tpu.memory_space<vmem_shared>> -> memref<113x128xf32, #tpu.memory_space<vmem_shared>>
      %dma_start3A_306 = arith.constant 0 : i32
      %dma_start3A_307 = tpu.memref_slice %arg17[%add3A_219, %dma_start3A_306] : memref<10000x128xf32, #tpu.memory_space<vmem_shared>> -> memref<113x128xf32, #tpu.memory_space<vmem_shared>>
      %dma_start3A_308 = arith.constant 0 : i32
      %dma_start3A_309 = arith.constant 0 : i32
      %dma_start3A_310 = tpu.memref_slice %arg12[%dma_start3A_308, %dma_start3A_309] : memref<128x128xf32, #tpu.memory_space<vmem>> -> memref<113x128xf32, #tpu.memory_space<vmem>>
      tpu.enqueue_dma source(%dma_start3A_310 : memref<113x128xf32, #tpu.memory_space<vmem>>) target(%dma_start3A_307 : memref<113x128xf32, #tpu.memory_space<vmem_shared>>) target_semaphore(%run_scoped3A : memref<!tpu.dma_semaphore, #tpu.memory_space<semaphore_mem>>)
      %dma_wait3A_311 = arith.constant 0 : i32
      %dma_wait3A_312 = arith.constant 0 : i32
      %dma_wait3A_313 = tpu.memref_slice %arg12[%dma_wait3A_311, %dma_wait3A_312] : memref<128x128xf32, #tpu.memory_space<vmem>> -> memref<113x128xf32, #tpu.memory_space<vmem>>
      %dma_wait3A_314 = arith.constant 0 : i32
      %dma_wait3A_315 = tpu.memref_slice %arg17[%add3A_219, %dma_wait3A_314] : memref<10000x128xf32, #tpu.memory_space<vmem_shared>> -> memref<113x128xf32, #tpu.memory_space<vmem_shared>>
      %dma_wait3A_316 = arith.constant 0 : i32
      %dma_wait3A_317 = tpu.memref_slice %arg17[%add3A_219, %dma_wait3A_316] : memref<10000x128xf32, #tpu.memory_space<vmem_shared>> -> memref<113x128xf32, #tpu.memory_space<vmem_shared>>
      %dma_wait3A_318 = arith.constant 0 : i32
      %dma_wait3A_319 = arith.constant 0 : i32
      %dma_wait3A_320 = tpu.memref_slice %arg12[%dma_wait3A_318, %dma_wait3A_319] : memref<128x128xf32, #tpu.memory_space<vmem>> -> memref<113x128xf32, #tpu.memory_space<vmem>>
      tpu.wait_dma2 semaphore(%run_scoped3A : memref<!tpu.dma_semaphore, #tpu.memory_space<semaphore_mem>>) src(%dma_wait3A_320 : memref<113x128xf32, #tpu.memory_space<vmem>>) dst(%dma_wait3A_317 : memref<113x128xf32, #tpu.memory_space<vmem_shared>>)
      tpu.yield
    }) : () -> ()
    "tpu.region"() ({
      %run_scoped3A = tpu.sem_alloc : memref<!tpu.dma_semaphore, #tpu.memory_space<semaphore_mem>>
      %dma_start3A_301 = arith.constant 0 : i32
      %dma_start3A_302 = arith.constant 0 : i32
      %dma_start3A_303 = tpu.memref_slice %arg14[%dma_start3A_301, %dma_start3A_302] : memref<128x8xf32, #tpu.memory_space<vmem>> -> memref<113x8xf32, #tpu.memory_space<vmem>>
      %dma_start3A_304 = arith.constant 0 : i32
      %dma_start3A_305 = tpu.memref_slice %arg18[%add3A_219, %dma_start3A_304] : memref<10000x8xf32, #tpu.memory_space<vmem_shared>> -> memref<113x8xf32, #tpu.memory_space<vmem_shared>>
      %dma_start3A_306 = arith.constant 0 : i32
      %dma_start3A_307 = tpu.memref_slice %arg18[%add3A_219, %dma_start3A_306] : memref<10000x8xf32, #tpu.memory_space<vmem_shared>> -> memref<113x8xf32, #tpu.memory_space<vmem_shared>>
      %dma_start3A_308 = arith.constant 0 : i32
      %dma_start3A_309 = arith.constant 0 : i32
      %dma_start3A_310 = tpu.memref_slice %arg14[%dma_start3A_308, %dma_start3A_309] : memref<128x8xf32, #tpu.memory_space<vmem>> -> memref<113x8xf32, #tpu.memory_space<vmem>>
      tpu.enqueue_dma source(%dma_start3A_310 : memref<113x8xf32, #tpu.memory_space<vmem>>) target(%dma_start3A_307 : memref<113x8xf32, #tpu.memory_space<vmem_shared>>) target_semaphore(%run_scoped3A : memref<!tpu.dma_semaphore, #tpu.memory_space<semaphore_mem>>)
      %dma_wait3A_311 = arith.constant 0 : i32
      %dma_wait3A_312 = arith.constant 0 : i32
      %dma_wait3A_313 = tpu.memref_slice %arg14[%dma_wait3A_311, %dma_wait3A_312] : memref<128x8xf32, #tpu.memory_space<vmem>> -> memref<113x8xf32, #tpu.memory_space<vmem>>
      %dma_wait3A_314 = arith.constant 0 : i32
      %dma_wait3A_315 = tpu.memref_slice %arg18[%add3A_219, %dma_wait3A_314] : memref<10000x8xf32, #tpu.memory_space<vmem_shared>> -> memref<113x8xf32, #tpu.memory_space<vmem_shared>>
      %dma_wait3A_316 = arith.constant 0 : i32
      %dma_wait3A_317 = tpu.memref_slice %arg18[%add3A_219, %dma_wait3A_316] : memref<10000x8xf32, #tpu.memory_space<vmem_shared>> -> memref<113x8xf32, #tpu.memory_space<vmem_shared>>
      %dma_wait3A_318 = arith.constant 0 : i32
      %dma_wait3A_319 = arith.constant 0 : i32
      %dma_wait3A_320 = tpu.memref_slice %arg14[%dma_wait3A_318, %dma_wait3A_319] : memref<128x8xf32, #tpu.memory_space<vmem>> -> memref<113x8xf32, #tpu.memory_space<vmem>>
      tpu.wait_dma2 semaphore(%run_scoped3A : memref<!tpu.dma_semaphore, #tpu.memory_space<semaphore_mem>>) src(%dma_wait3A_320 : memref<113x8xf32, #tpu.memory_space<vmem>>) dst(%dma_wait3A_317 : memref<113x8xf32, #tpu.memory_space<vmem_shared>>)
      tpu.yield
    }) : () -> ()
    %barrier3A = arith.constant 0 : index
    tpu.barrier barrier_id(%barrier3A)
    %dma_start3A = arith.constant 1 : i32
    %dma_start3A_220 = arith.constant 0 : i32
    %dma_start3A_221 = tpu.memref_slice %arg8[%dma_start3A, %dma_start3A_220] : memref<3x128xi32, #tpu.memory_space<vmem>> -> memref<1x128xi32, #tpu.memory_space<vmem>>
    %dma_start3A_222 = tpu.memref_squeeze %dma_start3A_221 : memref<1x128xi32, #tpu.memory_space<vmem>> -> memref<128xi32, #tpu.memory_space<vmem>>
    %dma_start3A_223 = arith.constant 0 : i32
    %dma_start3A_224 = arith.constant 0 : i32
    %dma_start3A_225 = tpu.memref_slice %arg17[%dma_start3A_223, %dma_start3A_224] : memref<10000x128xf32, #tpu.memory_space<vmem_shared>> -> memref<10000x128xf32, #tpu.memory_space<vmem_shared>>
    tpu.enqueue_indirect_dma source(%arg12 : memref<128x128xf32, #tpu.memory_space<vmem>>) target(%dma_start3A_225 : memref<10000x128xf32, #tpu.memory_space<vmem_shared>>) offsets(%dma_start3A_222 : memref<128xi32, #tpu.memory_space<vmem>>) semaphore(%arg21 : memref<!tpu.dma_semaphore, #tpu.memory_space<semaphore_mem>>) {add = true}
    %dma_start3A_226 = arith.constant 1 : i32
    %dma_start3A_227 = arith.constant 0 : i32
    %dma_start3A_228 = tpu.memref_slice %arg8[%dma_start3A_226, %dma_start3A_227] : memref<3x128xi32, #tpu.memory_space<vmem>> -> memref<1x128xi32, #tpu.memory_space<vmem>>
    %dma_start3A_229 = tpu.memref_squeeze %dma_start3A_228 : memref<1x128xi32, #tpu.memory_space<vmem>> -> memref<128xi32, #tpu.memory_space<vmem>>
    %dma_start3A_230 = arith.constant 0 : i32
    %dma_start3A_231 = arith.constant 0 : i32
    %dma_start3A_232 = tpu.memref_slice %arg18[%dma_start3A_230, %dma_start3A_231] : memref<10000x8xf32, #tpu.memory_space<vmem_shared>> -> memref<10000x8xf32, #tpu.memory_space<vmem_shared>>
    tpu.enqueue_indirect_dma source(%arg14 : memref<128x8xf32, #tpu.memory_space<vmem>>) target(%dma_start3A_232 : memref<10000x8xf32, #tpu.memory_space<vmem_shared>>) offsets(%dma_start3A_229 : memref<128xi32, #tpu.memory_space<vmem>>) semaphore(%arg21 : memref<!tpu.dma_semaphore, #tpu.memory_space<semaphore_mem>>) {add = true}
    %dma_start3A_233 = arith.constant 1 : i32
    %dma_start3A_234 = arith.constant 0 : i32
    %dma_start3A_235 = tpu.memref_slice %arg9[%dma_start3A_233, %dma_start3A_234] : memref<3x128xi32, #tpu.memory_space<vmem>> -> memref<1x128xi32, #tpu.memory_space<vmem>>
    %dma_start3A_236 = tpu.memref_squeeze %dma_start3A_235 : memref<1x128xi32, #tpu.memory_space<vmem>> -> memref<128xi32, #tpu.memory_space<vmem>>
    %dma_start3A_237 = arith.constant 0 : i32
    %dma_start3A_238 = arith.constant 0 : i32
    %dma_start3A_239 = tpu.memref_slice %arg17[%dma_start3A_237, %dma_start3A_238] : memref<10000x128xf32, #tpu.memory_space<vmem_shared>> -> memref<10000x128xf32, #tpu.memory_space<vmem_shared>>
    tpu.enqueue_indirect_dma source(%arg13 : memref<128x128xf32, #tpu.memory_space<vmem>>) target(%dma_start3A_239 : memref<10000x128xf32, #tpu.memory_space<vmem_shared>>) offsets(%dma_start3A_236 : memref<128xi32, #tpu.memory_space<vmem>>) semaphore(%arg21 : memref<!tpu.dma_semaphore, #tpu.memory_space<semaphore_mem>>) {add = true}
    %dma_start3A_240 = arith.constant 1 : i32
    %dma_start3A_241 = arith.constant 0 : i32
    %dma_start3A_242 = tpu.memref_slice %arg9[%dma_start3A_240, %dma_start3A_241] : memref<3x128xi32, #tpu.memory_space<vmem>> -> memref<1x128xi32, #tpu.memory_space<vmem>>
    %dma_start3A_243 = tpu.memref_squeeze %dma_start3A_242 : memref<1x128xi32, #tpu.memory_space<vmem>> -> memref<128xi32, #tpu.memory_space<vmem>>
    %dma_start3A_244 = arith.constant 0 : i32
    %dma_start3A_245 = arith.constant 0 : i32
    %dma_start3A_246 = tpu.memref_slice %arg18[%dma_start3A_244, %dma_start3A_245] : memref<10000x8xf32, #tpu.memory_space<vmem_shared>> -> memref<10000x8xf32, #tpu.memory_space<vmem_shared>>
    tpu.enqueue_indirect_dma source(%arg15 : memref<128x8xf32, #tpu.memory_space<vmem>>) target(%dma_start3A_246 : memref<10000x8xf32, #tpu.memory_space<vmem_shared>>) offsets(%dma_start3A_243 : memref<128xi32, #tpu.memory_space<vmem>>) semaphore(%arg21 : memref<!tpu.dma_semaphore, #tpu.memory_space<semaphore_mem>>) {add = true}
    %scan3A_247 = arith.constant 0 : i32
    %scan3A_248 = arith.constant 0 : i32
    %scan3A_249 = arith.constant 40 : i32
    %scan3A_250 = arith.addi %scan3A_248, %scan3A_249 : i32
    %scan3A_251 = arith.constant 1 : i32
    scf.for %scan3A_301 = %scan3A_248 to %scan3A_250 step %scan3A_251  : i32 {
      %mul3A_302 = arith.constant 2 : i32
      %mul3A_303 = arith.muli %scan3A_301, %mul3A_302 : i32
      %add3A_304 = arith.constant 0 : i32
      %add3A_305 = arith.addi %mul3A_303, %add3A_304 : i32
      %dma_wait3A_306 = arith.constant 1 : i32
      %dma_wait3A_307 = arith.constant 0 : i32
      %dma_wait3A_308 = tpu.memref_slice %arg8[%dma_wait3A_306, %dma_wait3A_307] : memref<3x128xi32, #tpu.memory_space<vmem>> -> memref<1x128xi32, #tpu.memory_space<vmem>>
      %dma_wait3A_309 = tpu.memref_squeeze %dma_wait3A_308 : memref<1x128xi32, #tpu.memory_space<vmem>> -> memref<128xi32, #tpu.memory_space<vmem>>
      %dma_wait3A_310 = arith.constant 0 : i32
      %dma_wait3A_311 = arith.constant 0 : i32
      %dma_wait3A_312 = tpu.memref_slice %arg17[%dma_wait3A_310, %dma_wait3A_311] : memref<10000x128xf32, #tpu.memory_space<vmem_shared>> -> memref<10000x128xf32, #tpu.memory_space<vmem_shared>>
      tpu.wait_indirect_dma semaphore(%arg21 : memref<!tpu.dma_semaphore, #tpu.memory_space<semaphore_mem>>) src(%arg12 : memref<128x128xf32, #tpu.memory_space<vmem>>) dst(%dma_wait3A_312 : memref<10000x128xf32, #tpu.memory_space<vmem_shared>>)
      %dma_wait3A_313 = arith.constant 1 : i32
      %dma_wait3A_314 = arith.constant 0 : i32
      %dma_wait3A_315 = tpu.memref_slice %arg8[%dma_wait3A_313, %dma_wait3A_314] : memref<3x128xi32, #tpu.memory_space<vmem>> -> memref<1x128xi32, #tpu.memory_space<vmem>>
      %dma_wait3A_316 = tpu.memref_squeeze %dma_wait3A_315 : memref<1x128xi32, #tpu.memory_space<vmem>> -> memref<128xi32, #tpu.memory_space<vmem>>
      %dma_wait3A_317 = arith.constant 0 : i32
      %dma_wait3A_318 = arith.constant 0 : i32
      %dma_wait3A_319 = tpu.memref_slice %arg18[%dma_wait3A_317, %dma_wait3A_318] : memref<10000x8xf32, #tpu.memory_space<vmem_shared>> -> memref<10000x8xf32, #tpu.memory_space<vmem_shared>>
      tpu.wait_indirect_dma semaphore(%arg21 : memref<!tpu.dma_semaphore, #tpu.memory_space<semaphore_mem>>) src(%arg14 : memref<128x8xf32, #tpu.memory_space<vmem>>) dst(%dma_wait3A_319 : memref<10000x8xf32, #tpu.memory_space<vmem_shared>>)
      %mul3A_320 = arith.constant 80 : i32
      %mul3A_321 = arith.muli %add3A, %mul3A_320 : i32
      %add3A_322 = arith.addi %mul3A_321, %add3A_305 : i32
      "tpu.region"() ({
        %run_scoped3A = tpu.sem_alloc : memref<!tpu.dma_semaphore, #tpu.memory_space<semaphore_mem>>
        %dma_start3A_1551 = arith.constant 0 : i32
        %dma_start3A_1552 = arith.constant 0 : i32
        %dma_start3A_1553 = tpu.memref_slice %arg3[%dma_start3A_1551, %add3A_322, %dma_start3A_1552] : memref<3x2560x128xi32, #tpu.memory_space<hbm>> -> memref<3x1x128xi32, #tpu.memory_space<hbm>>
        %dma_start3A_1554 = tpu.memref_squeeze %dma_start3A_1553 : memref<3x1x128xi32, #tpu.memory_space<hbm>> -> memref<3x128xi32, #tpu.memory_space<hbm>>
        %dma_start3A_1555 = arith.constant 0 : i32
        %dma_start3A_1556 = arith.constant 0 : i32
        %dma_start3A_1557 = tpu.memref_slice %arg3[%dma_start3A_1555, %add3A_322, %dma_start3A_1556] : memref<3x2560x128xi32, #tpu.memory_space<hbm>> -> memref<3x1x128xi32, #tpu.memory_space<hbm>>
        %dma_start3A_1558 = tpu.memref_squeeze %dma_start3A_1557 : memref<3x1x128xi32, #tpu.memory_space<hbm>> -> memref<3x128xi32, #tpu.memory_space<hbm>>
        tpu.enqueue_dma source(%dma_start3A_1558 : memref<3x128xi32, #tpu.memory_space<hbm>>) target(%arg8 : memref<3x128xi32, #tpu.memory_space<vmem>>) target_semaphore(%run_scoped3A : memref<!tpu.dma_semaphore, #tpu.memory_space<semaphore_mem>>)
        %dma_wait3A_1559 = arith.constant 0 : i32
        %dma_wait3A_1560 = arith.constant 0 : i32
        %dma_wait3A_1561 = tpu.memref_slice %arg3[%dma_wait3A_1559, %add3A_322, %dma_wait3A_1560] : memref<3x2560x128xi32, #tpu.memory_space<hbm>> -> memref<3x1x128xi32, #tpu.memory_space<hbm>>
        %dma_wait3A_1562 = tpu.memref_squeeze %dma_wait3A_1561 : memref<3x1x128xi32, #tpu.memory_space<hbm>> -> memref<3x128xi32, #tpu.memory_space<hbm>>
        %dma_wait3A_1563 = arith.constant 0 : i32
        %dma_wait3A_1564 = arith.constant 0 : i32
        %dma_wait3A_1565 = tpu.memref_slice %arg3[%dma_wait3A_1563, %add3A_322, %dma_wait3A_1564] : memref<3x2560x128xi32, #tpu.memory_space<hbm>> -> memref<3x1x128xi32, #tpu.memory_space<hbm>>
        %dma_wait3A_1566 = tpu.memref_squeeze %dma_wait3A_1565 : memref<3x1x128xi32, #tpu.memory_space<hbm>> -> memref<3x128xi32, #tpu.memory_space<hbm>>
        tpu.wait_dma2 semaphore(%run_scoped3A : memref<!tpu.dma_semaphore, #tpu.memory_space<semaphore_mem>>) src(%dma_wait3A_1566 : memref<3x128xi32, #tpu.memory_space<hbm>>) dst(%arg8 : memref<3x128xi32, #tpu.memory_space<vmem>>)
        tpu.yield
      }) : () -> ()
      %dma_start3A_323 = arith.constant 0 : i32
      %dma_start3A_324 = arith.constant 0 : i32
      %dma_start3A_325 = tpu.memref_slice %arg8[%dma_start3A_323, %dma_start3A_324] : memref<3x128xi32, #tpu.memory_space<vmem>> -> memref<1x128xi32, #tpu.memory_space<vmem>>
      %dma_start3A_326 = tpu.memref_squeeze %dma_start3A_325 : memref<1x128xi32, #tpu.memory_space<vmem>> -> memref<128xi32, #tpu.memory_space<vmem>>
      %dma_start3A_327 = arith.constant 0 : i32
      %dma_start3A_328 = arith.constant 0 : i32
      %dma_start3A_329 = tpu.memref_slice %arg4[%dma_start3A_327, %dma_start3A_328] : memref<10000x128xf32, #tpu.memory_space<hbm>> -> memref<10000x128xf32, #tpu.memory_space<hbm>>
      tpu.enqueue_indirect_dma source(%dma_start3A_329 : memref<10000x128xf32, #tpu.memory_space<hbm>>) target(%arg12 : memref<128x128xf32, #tpu.memory_space<vmem>>) offsets(%dma_start3A_326 : memref<128xi32, #tpu.memory_space<vmem>>) semaphore(%arg19 : memref<!tpu.dma_semaphore, #tpu.memory_space<semaphore_mem>>)
      %dma_start3A_330 = arith.constant 0 : i32
      %dma_start3A_331 = arith.constant 0 : i32
      %dma_start3A_332 = tpu.memref_slice %arg8[%dma_start3A_330, %dma_start3A_331] : memref<3x128xi32, #tpu.memory_space<vmem>> -> memref<1x128xi32, #tpu.memory_space<vmem>>
      %dma_start3A_333 = tpu.memref_squeeze %dma_start3A_332 : memref<1x128xi32, #tpu.memory_space<vmem>> -> memref<128xi32, #tpu.memory_space<vmem>>
      %dma_start3A_334 = arith.constant 0 : i32
      %dma_start3A_335 = arith.constant 0 : i32
      %dma_start3A_336 = tpu.memref_slice %arg2[%dma_start3A_334, %dma_start3A_335] : memref<10000x16xf32, #tpu.memory_space<hbm>> -> memref<10000x16xf32, #tpu.memory_space<hbm>>
      tpu.enqueue_indirect_dma source(%dma_start3A_336 : memref<10000x16xf32, #tpu.memory_space<hbm>>) target(%arg10 : memref<128x16xf32, #tpu.memory_space<vmem>>) offsets(%dma_start3A_333 : memref<128xi32, #tpu.memory_space<vmem>>) semaphore(%arg20 : memref<!tpu.dma_semaphore, #tpu.memory_space<semaphore_mem>>)
      %dma_start3A_337 = arith.constant 1 : i32
      %dma_start3A_338 = arith.constant 0 : i32
      %dma_start3A_339 = tpu.memref_slice %arg8[%dma_start3A_337, %dma_start3A_338] : memref<3x128xi32, #tpu.memory_space<vmem>> -> memref<1x128xi32, #tpu.memory_space<vmem>>
      %dma_start3A_340 = tpu.memref_squeeze %dma_start3A_339 : memref<1x128xi32, #tpu.memory_space<vmem>> -> memref<128xi32, #tpu.memory_space<vmem>>
      %dma_start3A_341 = arith.constant 0 : i32
      %dma_start3A_342 = arith.constant 0 : i32
      %dma_start3A_343 = tpu.memref_slice %arg2[%dma_start3A_341, %dma_start3A_342] : memref<10000x16xf32, #tpu.memory_space<hbm>> -> memref<10000x16xf32, #tpu.memory_space<hbm>>
      tpu.enqueue_indirect_dma source(%dma_start3A_343 : memref<10000x16xf32, #tpu.memory_space<hbm>>) target(%arg11 : memref<128x16xf32, #tpu.memory_space<vmem>>) offsets(%dma_start3A_340 : memref<128xi32, #tpu.memory_space<vmem>>) semaphore(%arg20 : memref<!tpu.dma_semaphore, #tpu.memory_space<semaphore_mem>>)
      %dma_wait3A_344 = arith.constant 0 : i32
      %dma_wait3A_345 = arith.constant 0 : i32
      %dma_wait3A_346 = tpu.memref_slice %arg8[%dma_wait3A_344, %dma_wait3A_345] : memref<3x128xi32, #tpu.memory_space<vmem>> -> memref<1x128xi32, #tpu.memory_space<vmem>>
      %dma_wait3A_347 = tpu.memref_squeeze %dma_wait3A_346 : memref<1x128xi32, #tpu.memory_space<vmem>> -> memref<128xi32, #tpu.memory_space<vmem>>
      %dma_wait3A_348 = arith.constant 0 : i32
      %dma_wait3A_349 = arith.constant 0 : i32
      %dma_wait3A_350 = tpu.memref_slice %arg2[%dma_wait3A_348, %dma_wait3A_349] : memref<10000x16xf32, #tpu.memory_space<hbm>> -> memref<10000x16xf32, #tpu.memory_space<hbm>>
      tpu.wait_indirect_dma semaphore(%arg20 : memref<!tpu.dma_semaphore, #tpu.memory_space<semaphore_mem>>) src(%dma_wait3A_350 : memref<10000x16xf32, #tpu.memory_space<hbm>>) dst(%arg10 : memref<128x16xf32, #tpu.memory_space<vmem>>)
      %dma_wait3A_351 = arith.constant 1 : i32
      %dma_wait3A_352 = arith.constant 0 : i32
      %dma_wait3A_353 = tpu.memref_slice %arg8[%dma_wait3A_351, %dma_wait3A_352] : memref<3x128xi32, #tpu.memory_space<vmem>> -> memref<1x128xi32, #tpu.memory_space<vmem>>
      %dma_wait3A_354 = tpu.memref_squeeze %dma_wait3A_353 : memref<1x128xi32, #tpu.memory_space<vmem>> -> memref<128xi32, #tpu.memory_space<vmem>>
      %dma_wait3A_355 = arith.constant 0 : i32
      %dma_wait3A_356 = arith.constant 0 : i32
      %dma_wait3A_357 = tpu.memref_slice %arg2[%dma_wait3A_355, %dma_wait3A_356] : memref<10000x16xf32, #tpu.memory_space<hbm>> -> memref<10000x16xf32, #tpu.memory_space<hbm>>
      tpu.wait_indirect_dma semaphore(%arg20 : memref<!tpu.dma_semaphore, #tpu.memory_space<semaphore_mem>>) src(%dma_wait3A_357 : memref<10000x16xf32, #tpu.memory_space<hbm>>) dst(%arg11 : memref<128x16xf32, #tpu.memory_space<vmem>>)
      %get3A = arith.constant 2 : i32
      %get3A_358 = arith.index_cast %get3A : i32 to index
      %get3A_359 = arith.constant 0 : index
      %get3A_360 = tpu.vector_load %arg8[%get3A_358, %get3A_359] {strides = array<i32>} : memref<3x128xi32, #tpu.memory_space<vmem>>, vector<16xi32>,
      %bitcast3A = vector.bitcast %get3A_360 : vector<16xi32> to vector<16xf32>
      %add3A_361 = arith.constant 0 : i32
      %add3A_362 = vector.broadcast %add3A_361 : i32 to vector<16xi32>
      %add3A_363 = arith.addi %iota3A, %add3A_362 : vector<16xi32>
      %broadcast_in_dim3A_364 = arith.constant 0 : i32
      %broadcast_in_dim3A_365 = vector.broadcast %broadcast_in_dim3A_364 : i32 to vector<16xi32>
      %gather3A = tpu.vector_load_idx %arg10[%add3A_363, %broadcast_in_dim3A_365] : memref<128x16xf32, #tpu.memory_space<vmem>>[vector<16xi32>, vector<16xi32>], vector<16xf32>,
      %broadcast_in_dim3A_366 = arith.constant 4 : i32
      %broadcast_in_dim3A_367 = vector.broadcast %broadcast_in_dim3A_366 : i32 to vector<16xi32>
      %gather3A_368 = tpu.vector_load_idx %arg11[%add3A_363, %broadcast_in_dim3A_367] : memref<128x16xf32, #tpu.memory_space<vmem>>[vector<16xi32>, vector<16xi32>], vector<16xf32>,
      %add3A_369 = arith.addf %gather3A, %gather3A_368 : vector<16xf32>
      %mul3A_370 = arith.constant 1.000000e-01 : f32
      %mul3A_371 = vector.broadcast %mul3A_370 : f32 to vector<16xf32>
      %mul3A_372 = arith.mulf %mul3A_371, %add3A_369 : vector<16xf32>
      %max3A = arith.maximumf %add3A_369, %mul3A_372 : vector<16xf32>
      %exp3A = math.exp %max3A : vector<16xf32>
      %mul3A_373 = arith.mulf %exp3A, %bitcast3A : vector<16xf32>
      %broadcast_in_dim3A_374 = arith.constant 0 : i32
      %broadcast_in_dim3A_375 = vector.broadcast %broadcast_in_dim3A_374 : i32 to vector<16xi32>
      tpu.vector_store_idx %arg16[%add3A_363, %broadcast_in_dim3A_375], %mul3A_373 : memref<128x16xf32, #tpu.memory_space<vmem>>[vector<16xi32>, vector<16xi32>], vector<16xf32>,
      tpu.vector_store_idx %arg14[%add3A_363, %broadcast_in_dim3A_375], %mul3A_373 : memref<128x8xf32, #tpu.memory_space<vmem>>[vector<16xi32>, vector<16xi32>], vector<16xf32>,
      %broadcast_in_dim3A_376 = arith.constant 1 : i32
      %broadcast_in_dim3A_377 = vector.broadcast %broadcast_in_dim3A_376 : i32 to vector<16xi32>
      %gather3A_378 = tpu.vector_load_idx %arg10[%add3A_363, %broadcast_in_dim3A_377] : memref<128x16xf32, #tpu.memory_space<vmem>>[vector<16xi32>, vector<16xi32>], vector<16xf32>,
      %broadcast_in_dim3A_379 = arith.constant 5 : i32
      %broadcast_in_dim3A_380 = vector.broadcast %broadcast_in_dim3A_379 : i32 to vector<16xi32>
      %gather3A_381 = tpu.vector_load_idx %arg11[%add3A_363, %broadcast_in_dim3A_380] : memref<128x16xf32, #tpu.memory_space<vmem>>[vector<16xi32>, vector<16xi32>], vector<16xf32>,
      %add3A_382 = arith.addf %gather3A_378, %gather3A_381 : vector<16xf32>
      %mul3A_383 = arith.constant 1.000000e-01 : f32
      %mul3A_384 = vector.broadcast %mul3A_383 : f32 to vector<16xf32>
      %mul3A_385 = arith.mulf %mul3A_384, %add3A_382 : vector<16xf32>
      %max3A_386 = arith.maximumf %add3A_382, %mul3A_385 : vector<16xf32>
      %exp3A_387 = math.exp %max3A_386 : vector<16xf32>
      %mul3A_388 = arith.mulf %exp3A_387, %bitcast3A : vector<16xf32>
      %broadcast_in_dim3A_389 = arith.constant 1 : i32
      %broadcast_in_dim3A_390 = vector.broadcast %broadcast_in_dim3A_389 : i32 to vector<16xi32>
      tpu.vector_store_idx %arg16[%add3A_363, %broadcast_in_dim3A_390], %mul3A_388 : memref<128x16xf32, #tpu.memory_space<vmem>>[vector<16xi32>, vector<16xi32>], vector<16xf32>,
      tpu.vector_store_idx %arg14[%add3A_363, %broadcast_in_dim3A_390], %mul3A_388 : memref<128x8xf32, #tpu.memory_space<vmem>>[vector<16xi32>, vector<16xi32>], vector<16xf32>,
      %broadcast_in_dim3A_391 = arith.constant 2 : i32
      %broadcast_in_dim3A_392 = vector.broadcast %broadcast_in_dim3A_391 : i32 to vector<16xi32>
      %gather3A_393 = tpu.vector_load_idx %arg10[%add3A_363, %broadcast_in_dim3A_392] : memref<128x16xf32, #tpu.memory_space<vmem>>[vector<16xi32>, vector<16xi32>], vector<16xf32>,
      %broadcast_in_dim3A_394 = arith.constant 6 : i32
      %broadcast_in_dim3A_395 = vector.broadcast %broadcast_in_dim3A_394 : i32 to vector<16xi32>
      %gather3A_396 = tpu.vector_load_idx %arg11[%add3A_363, %broadcast_in_dim3A_395] : memref<128x16xf32, #tpu.memory_space<vmem>>[vector<16xi32>, vector<16xi32>], vector<16xf32>,
      %add3A_397 = arith.addf %gather3A_393, %gather3A_396 : vector<16xf32>
      %mul3A_398 = arith.constant 1.000000e-01 : f32
      %mul3A_399 = vector.broadcast %mul3A_398 : f32 to vector<16xf32>
      %mul3A_400 = arith.mulf %mul3A_399, %add3A_397 : vector<16xf32>
      %max3A_401 = arith.maximumf %add3A_397, %mul3A_400 : vector<16xf32>
      %exp3A_402 = math.exp %max3A_401 : vector<16xf32>
      %mul3A_403 = arith.mulf %exp3A_402, %bitcast3A : vector<16xf32>
      %broadcast_in_dim3A_404 = arith.constant 2 : i32
      %broadcast_in_dim3A_405 = vector.broadcast %broadcast_in_dim3A_404 : i32 to vector<16xi32>
      tpu.vector_store_idx %arg16[%add3A_363, %broadcast_in_dim3A_405], %mul3A_403 : memref<128x16xf32, #tpu.memory_space<vmem>>[vector<16xi32>, vector<16xi32>], vector<16xf32>,
      tpu.vector_store_idx %arg14[%add3A_363, %broadcast_in_dim3A_405], %mul3A_403 : memref<128x8xf32, #tpu.memory_space<vmem>>[vector<16xi32>, vector<16xi32>], vector<16xf32>,
      %broadcast_in_dim3A_406 = arith.constant 3 : i32
      %broadcast_in_dim3A_407 = vector.broadcast %broadcast_in_dim3A_406 : i32 to vector<16xi32>
      %gather3A_408 = tpu.vector_load_idx %arg10[%add3A_363, %broadcast_in_dim3A_407] : memref<128x16xf32, #tpu.memory_space<vmem>>[vector<16xi32>, vector<16xi32>], vector<16xf32>,
      %broadcast_in_dim3A_409 = arith.constant 7 : i32
      %broadcast_in_dim3A_410 = vector.broadcast %broadcast_in_dim3A_409 : i32 to vector<16xi32>
      %gather3A_411 = tpu.vector_load_idx %arg11[%add3A_363, %broadcast_in_dim3A_410] : memref<128x16xf32, #tpu.memory_space<vmem>>[vector<16xi32>, vector<16xi32>], vector<16xf32>,
      %add3A_412 = arith.addf %gather3A_408, %gather3A_411 : vector<16xf32>
      %mul3A_413 = arith.constant 1.000000e-01 : f32
      %mul3A_414 = vector.broadcast %mul3A_413 : f32 to vector<16xf32>
      %mul3A_415 = arith.mulf %mul3A_414, %add3A_412 : vector<16xf32>
      %max3A_416 = arith.maximumf %add3A_412, %mul3A_415 : vector<16xf32>
      %exp3A_417 = math.exp %max3A_416 : vector<16xf32>
      %mul3A_418 = arith.mulf %exp3A_417, %bitcast3A : vector<16xf32>
      %broadcast_in_dim3A_419 = arith.constant 3 : i32
      %broadcast_in_dim3A_420 = vector.broadcast %broadcast_in_dim3A_419 : i32 to vector<16xi32>
      tpu.vector_store_idx %arg16[%add3A_363, %broadcast_in_dim3A_420], %mul3A_418 : memref<128x16xf32, #tpu.memory_space<vmem>>[vector<16xi32>, vector<16xi32>], vector<16xf32>,
      tpu.vector_store_idx %arg14[%add3A_363, %broadcast_in_dim3A_420], %mul3A_418 : memref<128x8xf32, #tpu.memory_space<vmem>>[vector<16xi32>, vector<16xi32>], vector<16xf32>,
      %get3A_421 = arith.constant 2 : i32
      %get3A_422 = arith.index_cast %get3A_421 : i32 to index
      %get3A_423 = arith.constant 16 : index
      %get3A_424 = tpu.vector_load %arg8[%get3A_422, %get3A_423] {strides = array<i32>} : memref<3x128xi32, #tpu.memory_space<vmem>>, vector<16xi32>,
      %bitcast3A_425 = vector.bitcast %get3A_424 : vector<16xi32> to vector<16xf32>
      %add3A_426 = arith.constant 16 : i32
      %add3A_427 = vector.broadcast %add3A_426 : i32 to vector<16xi32>
      %add3A_428 = arith.addi %iota3A, %add3A_427 : vector<16xi32>
      %broadcast_in_dim3A_429 = arith.constant 0 : i32
      %broadcast_in_dim3A_430 = vector.broadcast %broadcast_in_dim3A_429 : i32 to vector<16xi32>
      %gather3A_431 = tpu.vector_load_idx %arg10[%add3A_428, %broadcast_in_dim3A_430] : memref<128x16xf32, #tpu.memory_space<vmem>>[vector<16xi32>, vector<16xi32>], vector<16xf32>,
      %broadcast_in_dim3A_432 = arith.constant 4 : i32
      %broadcast_in_dim3A_433 = vector.broadcast %broadcast_in_dim3A_432 : i32 to vector<16xi32>
      %gather3A_434 = tpu.vector_load_idx %arg11[%add3A_428, %broadcast_in_dim3A_433] : memref<128x16xf32, #tpu.memory_space<vmem>>[vector<16xi32>, vector<16xi32>], vector<16xf32>,
      %add3A_435 = arith.addf %gather3A_431, %gather3A_434 : vector<16xf32>
      %mul3A_436 = arith.constant 1.000000e-01 : f32
      %mul3A_437 = vector.broadcast %mul3A_436 : f32 to vector<16xf32>
      %mul3A_438 = arith.mulf %mul3A_437, %add3A_435 : vector<16xf32>
      %max3A_439 = arith.maximumf %add3A_435, %mul3A_438 : vector<16xf32>
      %exp3A_440 = math.exp %max3A_439 : vector<16xf32>
      %mul3A_441 = arith.mulf %exp3A_440, %bitcast3A_425 : vector<16xf32>
      %broadcast_in_dim3A_442 = arith.constant 0 : i32
      %broadcast_in_dim3A_443 = vector.broadcast %broadcast_in_dim3A_442 : i32 to vector<16xi32>
      tpu.vector_store_idx %arg16[%add3A_428, %broadcast_in_dim3A_443], %mul3A_441 : memref<128x16xf32, #tpu.memory_space<vmem>>[vector<16xi32>, vector<16xi32>], vector<16xf32>,
      tpu.vector_store_idx %arg14[%add3A_428, %broadcast_in_dim3A_443], %mul3A_441 : memref<128x8xf32, #tpu.memory_space<vmem>>[vector<16xi32>, vector<16xi32>], vector<16xf32>,
      %broadcast_in_dim3A_444 = arith.constant 1 : i32
      %broadcast_in_dim3A_445 = vector.broadcast %broadcast_in_dim3A_444 : i32 to vector<16xi32>
      %gather3A_446 = tpu.vector_load_idx %arg10[%add3A_428, %broadcast_in_dim3A_445] : memref<128x16xf32, #tpu.memory_space<vmem>>[vector<16xi32>, vector<16xi32>], vector<16xf32>,
      %broadcast_in_dim3A_447 = arith.constant 5 : i32
      %broadcast_in_dim3A_448 = vector.broadcast %broadcast_in_dim3A_447 : i32 to vector<16xi32>
      %gather3A_449 = tpu.vector_load_idx %arg11[%add3A_428, %broadcast_in_dim3A_448] : memref<128x16xf32, #tpu.memory_space<vmem>>[vector<16xi32>, vector<16xi32>], vector<16xf32>,
      %add3A_450 = arith.addf %gather3A_446, %gather3A_449 : vector<16xf32>
      %mul3A_451 = arith.constant 1.000000e-01 : f32
      %mul3A_452 = vector.broadcast %mul3A_451 : f32 to vector<16xf32>
      %mul3A_453 = arith.mulf %mul3A_452, %add3A_450 : vector<16xf32>
      %max3A_454 = arith.maximumf %add3A_450, %mul3A_453 : vector<16xf32>
      %exp3A_455 = math.exp %max3A_454 : vector<16xf32>
      %mul3A_456 = arith.mulf %exp3A_455, %bitcast3A_425 : vector<16xf32>
      %broadcast_in_dim3A_457 = arith.constant 1 : i32
      %broadcast_in_dim3A_458 = vector.broadcast %broadcast_in_dim3A_457 : i32 to vector<16xi32>
      tpu.vector_store_idx %arg16[%add3A_428, %broadcast_in_dim3A_458], %mul3A_456 : memref<128x16xf32, #tpu.memory_space<vmem>>[vector<16xi32>, vector<16xi32>], vector<16xf32>,
      tpu.vector_store_idx %arg14[%add3A_428, %broadcast_in_dim3A_458], %mul3A_456 : memref<128x8xf32, #tpu.memory_space<vmem>>[vector<16xi32>, vector<16xi32>], vector<16xf32>,
      %broadcast_in_dim3A_459 = arith.constant 2 : i32
      %broadcast_in_dim3A_460 = vector.broadcast %broadcast_in_dim3A_459 : i32 to vector<16xi32>
      %gather3A_461 = tpu.vector_load_idx %arg10[%add3A_428, %broadcast_in_dim3A_460] : memref<128x16xf32, #tpu.memory_space<vmem>>[vector<16xi32>, vector<16xi32>], vector<16xf32>,
      %broadcast_in_dim3A_462 = arith.constant 6 : i32
      %broadcast_in_dim3A_463 = vector.broadcast %broadcast_in_dim3A_462 : i32 to vector<16xi32>
      %gather3A_464 = tpu.vector_load_idx %arg11[%add3A_428, %broadcast_in_dim3A_463] : memref<128x16xf32, #tpu.memory_space<vmem>>[vector<16xi32>, vector<16xi32>], vector<16xf32>,
      %add3A_465 = arith.addf %gather3A_461, %gather3A_464 : vector<16xf32>
      %mul3A_466 = arith.constant 1.000000e-01 : f32
      %mul3A_467 = vector.broadcast %mul3A_466 : f32 to vector<16xf32>
      %mul3A_468 = arith.mulf %mul3A_467, %add3A_465 : vector<16xf32>
      %max3A_469 = arith.maximumf %add3A_465, %mul3A_468 : vector<16xf32>
      %exp3A_470 = math.exp %max3A_469 : vector<16xf32>
      %mul3A_471 = arith.mulf %exp3A_470, %bitcast3A_425 : vector<16xf32>
      %broadcast_in_dim3A_472 = arith.constant 2 : i32
      %broadcast_in_dim3A_473 = vector.broadcast %broadcast_in_dim3A_472 : i32 to vector<16xi32>
      tpu.vector_store_idx %arg16[%add3A_428, %broadcast_in_dim3A_473], %mul3A_471 : memref<128x16xf32, #tpu.memory_space<vmem>>[vector<16xi32>, vector<16xi32>], vector<16xf32>,
      tpu.vector_store_idx %arg14[%add3A_428, %broadcast_in_dim3A_473], %mul3A_471 : memref<128x8xf32, #tpu.memory_space<vmem>>[vector<16xi32>, vector<16xi32>], vector<16xf32>,
      %broadcast_in_dim3A_474 = arith.constant 3 : i32
      %broadcast_in_dim3A_475 = vector.broadcast %broadcast_in_dim3A_474 : i32 to vector<16xi32>
      %gather3A_476 = tpu.vector_load_idx %arg10[%add3A_428, %broadcast_in_dim3A_475] : memref<128x16xf32, #tpu.memory_space<vmem>>[vector<16xi32>, vector<16xi32>], vector<16xf32>,
      %broadcast_in_dim3A_477 = arith.constant 7 : i32
      %broadcast_in_dim3A_478 = vector.broadcast %broadcast_in_dim3A_477 : i32 to vector<16xi32>
      %gather3A_479 = tpu.vector_load_idx %arg11[%add3A_428, %broadcast_in_dim3A_478] : memref<128x16xf32, #tpu.memory_space<vmem>>[vector<16xi32>, vector<16xi32>], vector<16xf32>,
      %add3A_480 = arith.addf %gather3A_476, %gather3A_479 : vector<16xf32>
      %mul3A_481 = arith.constant 1.000000e-01 : f32
      %mul3A_482 = vector.broadcast %mul3A_481 : f32 to vector<16xf32>
      %mul3A_483 = arith.mulf %mul3A_482, %add3A_480 : vector<16xf32>
      %max3A_484 = arith.maximumf %add3A_480, %mul3A_483 : vector<16xf32>
      %exp3A_485 = math.exp %max3A_484 : vector<16xf32>
      %mul3A_486 = arith.mulf %exp3A_485, %bitcast3A_425 : vector<16xf32>
      %broadcast_in_dim3A_487 = arith.constant 3 : i32
      %broadcast_in_dim3A_488 = vector.broadcast %broadcast_in_dim3A_487 : i32 to vector<16xi32>
      tpu.vector_store_idx %arg16[%add3A_428, %broadcast_in_dim3A_488], %mul3A_486 : memref<128x16xf32, #tpu.memory_space<vmem>>[vector<16xi32>, vector<16xi32>], vector<16xf32>,
      tpu.vector_store_idx %arg14[%add3A_428, %broadcast_in_dim3A_488], %mul3A_486 : memref<128x8xf32, #tpu.memory_space<vmem>>[vector<16xi32>, vector<16xi32>], vector<16xf32>,
      %get3A_489 = arith.constant 2 : i32
      %get3A_490 = arith.index_cast %get3A_489 : i32 to index
      %get3A_491 = arith.constant 32 : index
      %get3A_492 = tpu.vector_load %arg8[%get3A_490, %get3A_491] {strides = array<i32>} : memref<3x128xi32, #tpu.memory_space<vmem>>, vector<16xi32>,
      %bitcast3A_493 = vector.bitcast %get3A_492 : vector<16xi32> to vector<16xf32>
      %add3A_494 = arith.constant 32 : i32
      %add3A_495 = vector.broadcast %add3A_494 : i32 to vector<16xi32>
      %add3A_496 = arith.addi %iota3A, %add3A_495 : vector<16xi32>
      %broadcast_in_dim3A_497 = arith.constant 0 : i32
      %broadcast_in_dim3A_498 = vector.broadcast %broadcast_in_dim3A_497 : i32 to vector<16xi32>
      %gather3A_499 = tpu.vector_load_idx %arg10[%add3A_496, %broadcast_in_dim3A_498] : memref<128x16xf32, #tpu.memory_space<vmem>>[vector<16xi32>, vector<16xi32>], vector<16xf32>,
      %broadcast_in_dim3A_500 = arith.constant 4 : i32
      %broadcast_in_dim3A_501 = vector.broadcast %broadcast_in_dim3A_500 : i32 to vector<16xi32>
      %gather3A_502 = tpu.vector_load_idx %arg11[%add3A_496, %broadcast_in_dim3A_501] : memref<128x16xf32, #tpu.memory_space<vmem>>[vector<16xi32>, vector<16xi32>], vector<16xf32>,
      %add3A_503 = arith.addf %gather3A_499, %gather3A_502 : vector<16xf32>
      %mul3A_504 = arith.constant 1.000000e-01 : f32
      %mul3A_505 = vector.broadcast %mul3A_504 : f32 to vector<16xf32>
      %mul3A_506 = arith.mulf %mul3A_505, %add3A_503 : vector<16xf32>
      %max3A_507 = arith.maximumf %add3A_503, %mul3A_506 : vector<16xf32>
      %exp3A_508 = math.exp %max3A_507 : vector<16xf32>
      %mul3A_509 = arith.mulf %exp3A_508, %bitcast3A_493 : vector<16xf32>
      %broadcast_in_dim3A_510 = arith.constant 0 : i32
      %broadcast_in_dim3A_511 = vector.broadcast %broadcast_in_dim3A_510 : i32 to vector<16xi32>
      tpu.vector_store_idx %arg16[%add3A_496, %broadcast_in_dim3A_511], %mul3A_509 : memref<128x16xf32, #tpu.memory_space<vmem>>[vector<16xi32>, vector<16xi32>], vector<16xf32>,
      tpu.vector_store_idx %arg14[%add3A_496, %broadcast_in_dim3A_511], %mul3A_509 : memref<128x8xf32, #tpu.memory_space<vmem>>[vector<16xi32>, vector<16xi32>], vector<16xf32>,
      %broadcast_in_dim3A_512 = arith.constant 1 : i32
      %broadcast_in_dim3A_513 = vector.broadcast %broadcast_in_dim3A_512 : i32 to vector<16xi32>
      %gather3A_514 = tpu.vector_load_idx %arg10[%add3A_496, %broadcast_in_dim3A_513] : memref<128x16xf32, #tpu.memory_space<vmem>>[vector<16xi32>, vector<16xi32>], vector<16xf32>,
      %broadcast_in_dim3A_515 = arith.constant 5 : i32
      %broadcast_in_dim3A_516 = vector.broadcast %broadcast_in_dim3A_515 : i32 to vector<16xi32>
      %gather3A_517 = tpu.vector_load_idx %arg11[%add3A_496, %broadcast_in_dim3A_516] : memref<128x16xf32, #tpu.memory_space<vmem>>[vector<16xi32>, vector<16xi32>], vector<16xf32>,
      %add3A_518 = arith.addf %gather3A_514, %gather3A_517 : vector<16xf32>
      %mul3A_519 = arith.constant 1.000000e-01 : f32
      %mul3A_520 = vector.broadcast %mul3A_519 : f32 to vector<16xf32>
      %mul3A_521 = arith.mulf %mul3A_520, %add3A_518 : vector<16xf32>
      %max3A_522 = arith.maximumf %add3A_518, %mul3A_521 : vector<16xf32>
      %exp3A_523 = math.exp %max3A_522 : vector<16xf32>
      %mul3A_524 = arith.mulf %exp3A_523, %bitcast3A_493 : vector<16xf32>
      %broadcast_in_dim3A_525 = arith.constant 1 : i32
      %broadcast_in_dim3A_526 = vector.broadcast %broadcast_in_dim3A_525 : i32 to vector<16xi32>
      tpu.vector_store_idx %arg16[%add3A_496, %broadcast_in_dim3A_526], %mul3A_524 : memref<128x16xf32, #tpu.memory_space<vmem>>[vector<16xi32>, vector<16xi32>], vector<16xf32>,
      tpu.vector_store_idx %arg14[%add3A_496, %broadcast_in_dim3A_526], %mul3A_524 : memref<128x8xf32, #tpu.memory_space<vmem>>[vector<16xi32>, vector<16xi32>], vector<16xf32>,
      %broadcast_in_dim3A_527 = arith.constant 2 : i32
      %broadcast_in_dim3A_528 = vector.broadcast %broadcast_in_dim3A_527 : i32 to vector<16xi32>
      %gather3A_529 = tpu.vector_load_idx %arg10[%add3A_496, %broadcast_in_dim3A_528] : memref<128x16xf32, #tpu.memory_space<vmem>>[vector<16xi32>, vector<16xi32>], vector<16xf32>,
      %broadcast_in_dim3A_530 = arith.constant 6 : i32
      %broadcast_in_dim3A_531 = vector.broadcast %broadcast_in_dim3A_530 : i32 to vector<16xi32>
      %gather3A_532 = tpu.vector_load_idx %arg11[%add3A_496, %broadcast_in_dim3A_531] : memref<128x16xf32, #tpu.memory_space<vmem>>[vector<16xi32>, vector<16xi32>], vector<16xf32>,
      %add3A_533 = arith.addf %gather3A_529, %gather3A_532 : vector<16xf32>
      %mul3A_534 = arith.constant 1.000000e-01 : f32
      %mul3A_535 = vector.broadcast %mul3A_534 : f32 to vector<16xf32>
      %mul3A_536 = arith.mulf %mul3A_535, %add3A_533 : vector<16xf32>
      %max3A_537 = arith.maximumf %add3A_533, %mul3A_536 : vector<16xf32>
      %exp3A_538 = math.exp %max3A_537 : vector<16xf32>
      %mul3A_539 = arith.mulf %exp3A_538, %bitcast3A_493 : vector<16xf32>
      %broadcast_in_dim3A_540 = arith.constant 2 : i32
      %broadcast_in_dim3A_541 = vector.broadcast %broadcast_in_dim3A_540 : i32 to vector<16xi32>
      tpu.vector_store_idx %arg16[%add3A_496, %broadcast_in_dim3A_541], %mul3A_539 : memref<128x16xf32, #tpu.memory_space<vmem>>[vector<16xi32>, vector<16xi32>], vector<16xf32>,
      tpu.vector_store_idx %arg14[%add3A_496, %broadcast_in_dim3A_541], %mul3A_539 : memref<128x8xf32, #tpu.memory_space<vmem>>[vector<16xi32>, vector<16xi32>], vector<16xf32>,
      %broadcast_in_dim3A_542 = arith.constant 3 : i32
      %broadcast_in_dim3A_543 = vector.broadcast %broadcast_in_dim3A_542 : i32 to vector<16xi32>
      %gather3A_544 = tpu.vector_load_idx %arg10[%add3A_496, %broadcast_in_dim3A_543] : memref<128x16xf32, #tpu.memory_space<vmem>>[vector<16xi32>, vector<16xi32>], vector<16xf32>,
      %broadcast_in_dim3A_545 = arith.constant 7 : i32
      %broadcast_in_dim3A_546 = vector.broadcast %broadcast_in_dim3A_545 : i32 to vector<16xi32>
      %gather3A_547 = tpu.vector_load_idx %arg11[%add3A_496, %broadcast_in_dim3A_546] : memref<128x16xf32, #tpu.memory_space<vmem>>[vector<16xi32>, vector<16xi32>], vector<16xf32>,
      %add3A_548 = arith.addf %gather3A_544, %gather3A_547 : vector<16xf32>
      %mul3A_549 = arith.constant 1.000000e-01 : f32
      %mul3A_550 = vector.broadcast %mul3A_549 : f32 to vector<16xf32>
      %mul3A_551 = arith.mulf %mul3A_550, %add3A_548 : vector<16xf32>
      %max3A_552 = arith.maximumf %add3A_548, %mul3A_551 : vector<16xf32>
      %exp3A_553 = math.exp %max3A_552 : vector<16xf32>
      %mul3A_554 = arith.mulf %exp3A_553, %bitcast3A_493 : vector<16xf32>
      %broadcast_in_dim3A_555 = arith.constant 3 : i32
      %broadcast_in_dim3A_556 = vector.broadcast %broadcast_in_dim3A_555 : i32 to vector<16xi32>
      tpu.vector_store_idx %arg16[%add3A_496, %broadcast_in_dim3A_556], %mul3A_554 : memref<128x16xf32, #tpu.memory_space<vmem>>[vector<16xi32>, vector<16xi32>], vector<16xf32>,
      tpu.vector_store_idx %arg14[%add3A_496, %broadcast_in_dim3A_556], %mul3A_554 : memref<128x8xf32, #tpu.memory_space<vmem>>[vector<16xi32>, vector<16xi32>], vector<16xf32>,
      %get3A_557 = arith.constant 2 : i32
      %get3A_558 = arith.index_cast %get3A_557 : i32 to index
      %get3A_559 = arith.constant 48 : index
      %get3A_560 = tpu.vector_load %arg8[%get3A_558, %get3A_559] {strides = array<i32>} : memref<3x128xi32, #tpu.memory_space<vmem>>, vector<16xi32>,
      %bitcast3A_561 = vector.bitcast %get3A_560 : vector<16xi32> to vector<16xf32>
      %add3A_562 = arith.constant 48 : i32
      %add3A_563 = vector.broadcast %add3A_562 : i32 to vector<16xi32>
      %add3A_564 = arith.addi %iota3A, %add3A_563 : vector<16xi32>
      %broadcast_in_dim3A_565 = arith.constant 0 : i32
      %broadcast_in_dim3A_566 = vector.broadcast %broadcast_in_dim3A_565 : i32 to vector<16xi32>
      %gather3A_567 = tpu.vector_load_idx %arg10[%add3A_564, %broadcast_in_dim3A_566] : memref<128x16xf32, #tpu.memory_space<vmem>>[vector<16xi32>, vector<16xi32>], vector<16xf32>,
      %broadcast_in_dim3A_568 = arith.constant 4 : i32
      %broadcast_in_dim3A_569 = vector.broadcast %broadcast_in_dim3A_568 : i32 to vector<16xi32>
      %gather3A_570 = tpu.vector_load_idx %arg11[%add3A_564, %broadcast_in_dim3A_569] : memref<128x16xf32, #tpu.memory_space<vmem>>[vector<16xi32>, vector<16xi32>], vector<16xf32>,
      %add3A_571 = arith.addf %gather3A_567, %gather3A_570 : vector<16xf32>
      %mul3A_572 = arith.constant 1.000000e-01 : f32
      %mul3A_573 = vector.broadcast %mul3A_572 : f32 to vector<16xf32>
      %mul3A_574 = arith.mulf %mul3A_573, %add3A_571 : vector<16xf32>
      %max3A_575 = arith.maximumf %add3A_571, %mul3A_574 : vector<16xf32>
      %exp3A_576 = math.exp %max3A_575 : vector<16xf32>
      %mul3A_577 = arith.mulf %exp3A_576, %bitcast3A_561 : vector<16xf32>
      %broadcast_in_dim3A_578 = arith.constant 0 : i32
      %broadcast_in_dim3A_579 = vector.broadcast %broadcast_in_dim3A_578 : i32 to vector<16xi32>
      tpu.vector_store_idx %arg16[%add3A_564, %broadcast_in_dim3A_579], %mul3A_577 : memref<128x16xf32, #tpu.memory_space<vmem>>[vector<16xi32>, vector<16xi32>], vector<16xf32>,
      tpu.vector_store_idx %arg14[%add3A_564, %broadcast_in_dim3A_579], %mul3A_577 : memref<128x8xf32, #tpu.memory_space<vmem>>[vector<16xi32>, vector<16xi32>], vector<16xf32>,
      %broadcast_in_dim3A_580 = arith.constant 1 : i32
      %broadcast_in_dim3A_581 = vector.broadcast %broadcast_in_dim3A_580 : i32 to vector<16xi32>
      %gather3A_582 = tpu.vector_load_idx %arg10[%add3A_564, %broadcast_in_dim3A_581] : memref<128x16xf32, #tpu.memory_space<vmem>>[vector<16xi32>, vector<16xi32>], vector<16xf32>,
      %broadcast_in_dim3A_583 = arith.constant 5 : i32
      %broadcast_in_dim3A_584 = vector.broadcast %broadcast_in_dim3A_583 : i32 to vector<16xi32>
      %gather3A_585 = tpu.vector_load_idx %arg11[%add3A_564, %broadcast_in_dim3A_584] : memref<128x16xf32, #tpu.memory_space<vmem>>[vector<16xi32>, vector<16xi32>], vector<16xf32>,
      %add3A_586 = arith.addf %gather3A_582, %gather3A_585 : vector<16xf32>
      %mul3A_587 = arith.constant 1.000000e-01 : f32
      %mul3A_588 = vector.broadcast %mul3A_587 : f32 to vector<16xf32>
      %mul3A_589 = arith.mulf %mul3A_588, %add3A_586 : vector<16xf32>
      %max3A_590 = arith.maximumf %add3A_586, %mul3A_589 : vector<16xf32>
      %exp3A_591 = math.exp %max3A_590 : vector<16xf32>
      %mul3A_592 = arith.mulf %exp3A_591, %bitcast3A_561 : vector<16xf32>
      %broadcast_in_dim3A_593 = arith.constant 1 : i32
      %broadcast_in_dim3A_594 = vector.broadcast %broadcast_in_dim3A_593 : i32 to vector<16xi32>
      tpu.vector_store_idx %arg16[%add3A_564, %broadcast_in_dim3A_594], %mul3A_592 : memref<128x16xf32, #tpu.memory_space<vmem>>[vector<16xi32>, vector<16xi32>], vector<16xf32>,
      tpu.vector_store_idx %arg14[%add3A_564, %broadcast_in_dim3A_594], %mul3A_592 : memref<128x8xf32, #tpu.memory_space<vmem>>[vector<16xi32>, vector<16xi32>], vector<16xf32>,
      %broadcast_in_dim3A_595 = arith.constant 2 : i32
      %broadcast_in_dim3A_596 = vector.broadcast %broadcast_in_dim3A_595 : i32 to vector<16xi32>
      %gather3A_597 = tpu.vector_load_idx %arg10[%add3A_564, %broadcast_in_dim3A_596] : memref<128x16xf32, #tpu.memory_space<vmem>>[vector<16xi32>, vector<16xi32>], vector<16xf32>,
      %broadcast_in_dim3A_598 = arith.constant 6 : i32
      %broadcast_in_dim3A_599 = vector.broadcast %broadcast_in_dim3A_598 : i32 to vector<16xi32>
      %gather3A_600 = tpu.vector_load_idx %arg11[%add3A_564, %broadcast_in_dim3A_599] : memref<128x16xf32, #tpu.memory_space<vmem>>[vector<16xi32>, vector<16xi32>], vector<16xf32>,
      %add3A_601 = arith.addf %gather3A_597, %gather3A_600 : vector<16xf32>
      %mul3A_602 = arith.constant 1.000000e-01 : f32
      %mul3A_603 = vector.broadcast %mul3A_602 : f32 to vector<16xf32>
      %mul3A_604 = arith.mulf %mul3A_603, %add3A_601 : vector<16xf32>
      %max3A_605 = arith.maximumf %add3A_601, %mul3A_604 : vector<16xf32>
      %exp3A_606 = math.exp %max3A_605 : vector<16xf32>
      %mul3A_607 = arith.mulf %exp3A_606, %bitcast3A_561 : vector<16xf32>
      %broadcast_in_dim3A_608 = arith.constant 2 : i32
      %broadcast_in_dim3A_609 = vector.broadcast %broadcast_in_dim3A_608 : i32 to vector<16xi32>
      tpu.vector_store_idx %arg16[%add3A_564, %broadcast_in_dim3A_609], %mul3A_607 : memref<128x16xf32, #tpu.memory_space<vmem>>[vector<16xi32>, vector<16xi32>], vector<16xf32>,
      tpu.vector_store_idx %arg14[%add3A_564, %broadcast_in_dim3A_609], %mul3A_607 : memref<128x8xf32, #tpu.memory_space<vmem>>[vector<16xi32>, vector<16xi32>], vector<16xf32>,
      %broadcast_in_dim3A_610 = arith.constant 3 : i32
      %broadcast_in_dim3A_611 = vector.broadcast %broadcast_in_dim3A_610 : i32 to vector<16xi32>
      %gather3A_612 = tpu.vector_load_idx %arg10[%add3A_564, %broadcast_in_dim3A_611] : memref<128x16xf32, #tpu.memory_space<vmem>>[vector<16xi32>, vector<16xi32>], vector<16xf32>,
      %broadcast_in_dim3A_613 = arith.constant 7 : i32
      %broadcast_in_dim3A_614 = vector.broadcast %broadcast_in_dim3A_613 : i32 to vector<16xi32>
      %gather3A_615 = tpu.vector_load_idx %arg11[%add3A_564, %broadcast_in_dim3A_614] : memref<128x16xf32, #tpu.memory_space<vmem>>[vector<16xi32>, vector<16xi32>], vector<16xf32>,
      %add3A_616 = arith.addf %gather3A_612, %gather3A_615 : vector<16xf32>
      %mul3A_617 = arith.constant 1.000000e-01 : f32
      %mul3A_618 = vector.broadcast %mul3A_617 : f32 to vector<16xf32>
      %mul3A_619 = arith.mulf %mul3A_618, %add3A_616 : vector<16xf32>
      %max3A_620 = arith.maximumf %add3A_616, %mul3A_619 : vector<16xf32>
      %exp3A_621 = math.exp %max3A_620 : vector<16xf32>
      %mul3A_622 = arith.mulf %exp3A_621, %bitcast3A_561 : vector<16xf32>
      %broadcast_in_dim3A_623 = arith.constant 3 : i32
      %broadcast_in_dim3A_624 = vector.broadcast %broadcast_in_dim3A_623 : i32 to vector<16xi32>
      tpu.vector_store_idx %arg16[%add3A_564, %broadcast_in_dim3A_624], %mul3A_622 : memref<128x16xf32, #tpu.memory_space<vmem>>[vector<16xi32>, vector<16xi32>], vector<16xf32>,
      tpu.vector_store_idx %arg14[%add3A_564, %broadcast_in_dim3A_624], %mul3A_622 : memref<128x8xf32, #tpu.memory_space<vmem>>[vector<16xi32>, vector<16xi32>], vector<16xf32>,
      %get3A_625 = arith.constant 2 : i32
      %get3A_626 = arith.index_cast %get3A_625 : i32 to index
      %get3A_627 = arith.constant 64 : index
      %get3A_628 = tpu.vector_load %arg8[%get3A_626, %get3A_627] {strides = array<i32>} : memref<3x128xi32, #tpu.memory_space<vmem>>, vector<16xi32>,
      %bitcast3A_629 = vector.bitcast %get3A_628 : vector<16xi32> to vector<16xf32>
      %add3A_630 = arith.constant 64 : i32
      %add3A_631 = vector.broadcast %add3A_630 : i32 to vector<16xi32>
      %add3A_632 = arith.addi %iota3A, %add3A_631 : vector<16xi32>
      %broadcast_in_dim3A_633 = arith.constant 0 : i32
      %broadcast_in_dim3A_634 = vector.broadcast %broadcast_in_dim3A_633 : i32 to vector<16xi32>
      %gather3A_635 = tpu.vector_load_idx %arg10[%add3A_632, %broadcast_in_dim3A_634] : memref<128x16xf32, #tpu.memory_space<vmem>>[vector<16xi32>, vector<16xi32>], vector<16xf32>,
      %broadcast_in_dim3A_636 = arith.constant 4 : i32
      %broadcast_in_dim3A_637 = vector.broadcast %broadcast_in_dim3A_636 : i32 to vector<16xi32>
      %gather3A_638 = tpu.vector_load_idx %arg11[%add3A_632, %broadcast_in_dim3A_637] : memref<128x16xf32, #tpu.memory_space<vmem>>[vector<16xi32>, vector<16xi32>], vector<16xf32>,
      %add3A_639 = arith.addf %gather3A_635, %gather3A_638 : vector<16xf32>
      %mul3A_640 = arith.constant 1.000000e-01 : f32
      %mul3A_641 = vector.broadcast %mul3A_640 : f32 to vector<16xf32>
      %mul3A_642 = arith.mulf %mul3A_641, %add3A_639 : vector<16xf32>
      %max3A_643 = arith.maximumf %add3A_639, %mul3A_642 : vector<16xf32>
      %exp3A_644 = math.exp %max3A_643 : vector<16xf32>
      %mul3A_645 = arith.mulf %exp3A_644, %bitcast3A_629 : vector<16xf32>
      %broadcast_in_dim3A_646 = arith.constant 0 : i32
      %broadcast_in_dim3A_647 = vector.broadcast %broadcast_in_dim3A_646 : i32 to vector<16xi32>
      tpu.vector_store_idx %arg16[%add3A_632, %broadcast_in_dim3A_647], %mul3A_645 : memref<128x16xf32, #tpu.memory_space<vmem>>[vector<16xi32>, vector<16xi32>], vector<16xf32>,
      tpu.vector_store_idx %arg14[%add3A_632, %broadcast_in_dim3A_647], %mul3A_645 : memref<128x8xf32, #tpu.memory_space<vmem>>[vector<16xi32>, vector<16xi32>], vector<16xf32>,
      %broadcast_in_dim3A_648 = arith.constant 1 : i32
      %broadcast_in_dim3A_649 = vector.broadcast %broadcast_in_dim3A_648 : i32 to vector<16xi32>
      %gather3A_650 = tpu.vector_load_idx %arg10[%add3A_632, %broadcast_in_dim3A_649] : memref<128x16xf32, #tpu.memory_space<vmem>>[vector<16xi32>, vector<16xi32>], vector<16xf32>,
      %broadcast_in_dim3A_651 = arith.constant 5 : i32
      %broadcast_in_dim3A_652 = vector.broadcast %broadcast_in_dim3A_651 : i32 to vector<16xi32>
      %gather3A_653 = tpu.vector_load_idx %arg11[%add3A_632, %broadcast_in_dim3A_652] : memref<128x16xf32, #tpu.memory_space<vmem>>[vector<16xi32>, vector<16xi32>], vector<16xf32>,
      %add3A_654 = arith.addf %gather3A_650, %gather3A_653 : vector<16xf32>
      %mul3A_655 = arith.constant 1.000000e-01 : f32
      %mul3A_656 = vector.broadcast %mul3A_655 : f32 to vector<16xf32>
      %mul3A_657 = arith.mulf %mul3A_656, %add3A_654 : vector<16xf32>
      %max3A_658 = arith.maximumf %add3A_654, %mul3A_657 : vector<16xf32>
      %exp3A_659 = math.exp %max3A_658 : vector<16xf32>
      %mul3A_660 = arith.mulf %exp3A_659, %bitcast3A_629 : vector<16xf32>
      %broadcast_in_dim3A_661 = arith.constant 1 : i32
      %broadcast_in_dim3A_662 = vector.broadcast %broadcast_in_dim3A_661 : i32 to vector<16xi32>
      tpu.vector_store_idx %arg16[%add3A_632, %broadcast_in_dim3A_662], %mul3A_660 : memref<128x16xf32, #tpu.memory_space<vmem>>[vector<16xi32>, vector<16xi32>], vector<16xf32>,
      tpu.vector_store_idx %arg14[%add3A_632, %broadcast_in_dim3A_662], %mul3A_660 : memref<128x8xf32, #tpu.memory_space<vmem>>[vector<16xi32>, vector<16xi32>], vector<16xf32>,
      %broadcast_in_dim3A_663 = arith.constant 2 : i32
      %broadcast_in_dim3A_664 = vector.broadcast %broadcast_in_dim3A_663 : i32 to vector<16xi32>
      %gather3A_665 = tpu.vector_load_idx %arg10[%add3A_632, %broadcast_in_dim3A_664] : memref<128x16xf32, #tpu.memory_space<vmem>>[vector<16xi32>, vector<16xi32>], vector<16xf32>,
      %broadcast_in_dim3A_666 = arith.constant 6 : i32
      %broadcast_in_dim3A_667 = vector.broadcast %broadcast_in_dim3A_666 : i32 to vector<16xi32>
      %gather3A_668 = tpu.vector_load_idx %arg11[%add3A_632, %broadcast_in_dim3A_667] : memref<128x16xf32, #tpu.memory_space<vmem>>[vector<16xi32>, vector<16xi32>], vector<16xf32>,
      %add3A_669 = arith.addf %gather3A_665, %gather3A_668 : vector<16xf32>
      %mul3A_670 = arith.constant 1.000000e-01 : f32
      %mul3A_671 = vector.broadcast %mul3A_670 : f32 to vector<16xf32>
      %mul3A_672 = arith.mulf %mul3A_671, %add3A_669 : vector<16xf32>
      %max3A_673 = arith.maximumf %add3A_669, %mul3A_672 : vector<16xf32>
      %exp3A_674 = math.exp %max3A_673 : vector<16xf32>
      %mul3A_675 = arith.mulf %exp3A_674, %bitcast3A_629 : vector<16xf32>
      %broadcast_in_dim3A_676 = arith.constant 2 : i32
      %broadcast_in_dim3A_677 = vector.broadcast %broadcast_in_dim3A_676 : i32 to vector<16xi32>
      tpu.vector_store_idx %arg16[%add3A_632, %broadcast_in_dim3A_677], %mul3A_675 : memref<128x16xf32, #tpu.memory_space<vmem>>[vector<16xi32>, vector<16xi32>], vector<16xf32>,
      tpu.vector_store_idx %arg14[%add3A_632, %broadcast_in_dim3A_677], %mul3A_675 : memref<128x8xf32, #tpu.memory_space<vmem>>[vector<16xi32>, vector<16xi32>], vector<16xf32>,
      %broadcast_in_dim3A_678 = arith.constant 3 : i32
      %broadcast_in_dim3A_679 = vector.broadcast %broadcast_in_dim3A_678 : i32 to vector<16xi32>
      %gather3A_680 = tpu.vector_load_idx %arg10[%add3A_632, %broadcast_in_dim3A_679] : memref<128x16xf32, #tpu.memory_space<vmem>>[vector<16xi32>, vector<16xi32>], vector<16xf32>,
      %broadcast_in_dim3A_681 = arith.constant 7 : i32
      %broadcast_in_dim3A_682 = vector.broadcast %broadcast_in_dim3A_681 : i32 to vector<16xi32>
      %gather3A_683 = tpu.vector_load_idx %arg11[%add3A_632, %broadcast_in_dim3A_682] : memref<128x16xf32, #tpu.memory_space<vmem>>[vector<16xi32>, vector<16xi32>], vector<16xf32>,
      %add3A_684 = arith.addf %gather3A_680, %gather3A_683 : vector<16xf32>
      %mul3A_685 = arith.constant 1.000000e-01 : f32
      %mul3A_686 = vector.broadcast %mul3A_685 : f32 to vector<16xf32>
      %mul3A_687 = arith.mulf %mul3A_686, %add3A_684 : vector<16xf32>
      %max3A_688 = arith.maximumf %add3A_684, %mul3A_687 : vector<16xf32>
      %exp3A_689 = math.exp %max3A_688 : vector<16xf32>
      %mul3A_690 = arith.mulf %exp3A_689, %bitcast3A_629 : vector<16xf32>
      %broadcast_in_dim3A_691 = arith.constant 3 : i32
      %broadcast_in_dim3A_692 = vector.broadcast %broadcast_in_dim3A_691 : i32 to vector<16xi32>
      tpu.vector_store_idx %arg16[%add3A_632, %broadcast_in_dim3A_692], %mul3A_690 : memref<128x16xf32, #tpu.memory_space<vmem>>[vector<16xi32>, vector<16xi32>], vector<16xf32>,
      tpu.vector_store_idx %arg14[%add3A_632, %broadcast_in_dim3A_692], %mul3A_690 : memref<128x8xf32, #tpu.memory_space<vmem>>[vector<16xi32>, vector<16xi32>], vector<16xf32>,
      %get3A_693 = arith.constant 2 : i32
      %get3A_694 = arith.index_cast %get3A_693 : i32 to index
      %get3A_695 = arith.constant 80 : index
      %get3A_696 = tpu.vector_load %arg8[%get3A_694, %get3A_695] {strides = array<i32>} : memref<3x128xi32, #tpu.memory_space<vmem>>, vector<16xi32>,
      %bitcast3A_697 = vector.bitcast %get3A_696 : vector<16xi32> to vector<16xf32>
      %add3A_698 = arith.constant 80 : i32
      %add3A_699 = vector.broadcast %add3A_698 : i32 to vector<16xi32>
      %add3A_700 = arith.addi %iota3A, %add3A_699 : vector<16xi32>
      %broadcast_in_dim3A_701 = arith.constant 0 : i32
      %broadcast_in_dim3A_702 = vector.broadcast %broadcast_in_dim3A_701 : i32 to vector<16xi32>
      %gather3A_703 = tpu.vector_load_idx %arg10[%add3A_700, %broadcast_in_dim3A_702] : memref<128x16xf32, #tpu.memory_space<vmem>>[vector<16xi32>, vector<16xi32>], vector<16xf32>,
      %broadcast_in_dim3A_704 = arith.constant 4 : i32
      %broadcast_in_dim3A_705 = vector.broadcast %broadcast_in_dim3A_704 : i32 to vector<16xi32>
      %gather3A_706 = tpu.vector_load_idx %arg11[%add3A_700, %broadcast_in_dim3A_705] : memref<128x16xf32, #tpu.memory_space<vmem>>[vector<16xi32>, vector<16xi32>], vector<16xf32>,
      %add3A_707 = arith.addf %gather3A_703, %gather3A_706 : vector<16xf32>
      %mul3A_708 = arith.constant 1.000000e-01 : f32
      %mul3A_709 = vector.broadcast %mul3A_708 : f32 to vector<16xf32>
      %mul3A_710 = arith.mulf %mul3A_709, %add3A_707 : vector<16xf32>
      %max3A_711 = arith.maximumf %add3A_707, %mul3A_710 : vector<16xf32>
      %exp3A_712 = math.exp %max3A_711 : vector<16xf32>
      %mul3A_713 = arith.mulf %exp3A_712, %bitcast3A_697 : vector<16xf32>
      %broadcast_in_dim3A_714 = arith.constant 0 : i32
      %broadcast_in_dim3A_715 = vector.broadcast %broadcast_in_dim3A_714 : i32 to vector<16xi32>
      tpu.vector_store_idx %arg16[%add3A_700, %broadcast_in_dim3A_715], %mul3A_713 : memref<128x16xf32, #tpu.memory_space<vmem>>[vector<16xi32>, vector<16xi32>], vector<16xf32>,
      tpu.vector_store_idx %arg14[%add3A_700, %broadcast_in_dim3A_715], %mul3A_713 : memref<128x8xf32, #tpu.memory_space<vmem>>[vector<16xi32>, vector<16xi32>], vector<16xf32>,
      %broadcast_in_dim3A_716 = arith.constant 1 : i32
      %broadcast_in_dim3A_717 = vector.broadcast %broadcast_in_dim3A_716 : i32 to vector<16xi32>
      %gather3A_718 = tpu.vector_load_idx %arg10[%add3A_700, %broadcast_in_dim3A_717] : memref<128x16xf32, #tpu.memory_space<vmem>>[vector<16xi32>, vector<16xi32>], vector<16xf32>,
      %broadcast_in_dim3A_719 = arith.constant 5 : i32
      %broadcast_in_dim3A_720 = vector.broadcast %broadcast_in_dim3A_719 : i32 to vector<16xi32>
      %gather3A_721 = tpu.vector_load_idx %arg11[%add3A_700, %broadcast_in_dim3A_720] : memref<128x16xf32, #tpu.memory_space<vmem>>[vector<16xi32>, vector<16xi32>], vector<16xf32>,
      %add3A_722 = arith.addf %gather3A_718, %gather3A_721 : vector<16xf32>
      %mul3A_723 = arith.constant 1.000000e-01 : f32
      %mul3A_724 = vector.broadcast %mul3A_723 : f32 to vector<16xf32>
      %mul3A_725 = arith.mulf %mul3A_724, %add3A_722 : vector<16xf32>
      %max3A_726 = arith.maximumf %add3A_722, %mul3A_725 : vector<16xf32>
      %exp3A_727 = math.exp %max3A_726 : vector<16xf32>
      %mul3A_728 = arith.mulf %exp3A_727, %bitcast3A_697 : vector<16xf32>
      %broadcast_in_dim3A_729 = arith.constant 1 : i32
      %broadcast_in_dim3A_730 = vector.broadcast %broadcast_in_dim3A_729 : i32 to vector<16xi32>
      tpu.vector_store_idx %arg16[%add3A_700, %broadcast_in_dim3A_730], %mul3A_728 : memref<128x16xf32, #tpu.memory_space<vmem>>[vector<16xi32>, vector<16xi32>], vector<16xf32>,
      tpu.vector_store_idx %arg14[%add3A_700, %broadcast_in_dim3A_730], %mul3A_728 : memref<128x8xf32, #tpu.memory_space<vmem>>[vector<16xi32>, vector<16xi32>], vector<16xf32>,
      %broadcast_in_dim3A_731 = arith.constant 2 : i32
      %broadcast_in_dim3A_732 = vector.broadcast %broadcast_in_dim3A_731 : i32 to vector<16xi32>
      %gather3A_733 = tpu.vector_load_idx %arg10[%add3A_700, %broadcast_in_dim3A_732] : memref<128x16xf32, #tpu.memory_space<vmem>>[vector<16xi32>, vector<16xi32>], vector<16xf32>,
      %broadcast_in_dim3A_734 = arith.constant 6 : i32
      %broadcast_in_dim3A_735 = vector.broadcast %broadcast_in_dim3A_734 : i32 to vector<16xi32>
      %gather3A_736 = tpu.vector_load_idx %arg11[%add3A_700, %broadcast_in_dim3A_735] : memref<128x16xf32, #tpu.memory_space<vmem>>[vector<16xi32>, vector<16xi32>], vector<16xf32>,
      %add3A_737 = arith.addf %gather3A_733, %gather3A_736 : vector<16xf32>
      %mul3A_738 = arith.constant 1.000000e-01 : f32
      %mul3A_739 = vector.broadcast %mul3A_738 : f32 to vector<16xf32>
      %mul3A_740 = arith.mulf %mul3A_739, %add3A_737 : vector<16xf32>
      %max3A_741 = arith.maximumf %add3A_737, %mul3A_740 : vector<16xf32>
      %exp3A_742 = math.exp %max3A_741 : vector<16xf32>
      %mul3A_743 = arith.mulf %exp3A_742, %bitcast3A_697 : vector<16xf32>
      %broadcast_in_dim3A_744 = arith.constant 2 : i32
      %broadcast_in_dim3A_745 = vector.broadcast %broadcast_in_dim3A_744 : i32 to vector<16xi32>
      tpu.vector_store_idx %arg16[%add3A_700, %broadcast_in_dim3A_745], %mul3A_743 : memref<128x16xf32, #tpu.memory_space<vmem>>[vector<16xi32>, vector<16xi32>], vector<16xf32>,
      tpu.vector_store_idx %arg14[%add3A_700, %broadcast_in_dim3A_745], %mul3A_743 : memref<128x8xf32, #tpu.memory_space<vmem>>[vector<16xi32>, vector<16xi32>], vector<16xf32>,
      %broadcast_in_dim3A_746 = arith.constant 3 : i32
      %broadcast_in_dim3A_747 = vector.broadcast %broadcast_in_dim3A_746 : i32 to vector<16xi32>
      %gather3A_748 = tpu.vector_load_idx %arg10[%add3A_700, %broadcast_in_dim3A_747] : memref<128x16xf32, #tpu.memory_space<vmem>>[vector<16xi32>, vector<16xi32>], vector<16xf32>,
      %broadcast_in_dim3A_749 = arith.constant 7 : i32
      %broadcast_in_dim3A_750 = vector.broadcast %broadcast_in_dim3A_749 : i32 to vector<16xi32>
      %gather3A_751 = tpu.vector_load_idx %arg11[%add3A_700, %broadcast_in_dim3A_750] : memref<128x16xf32, #tpu.memory_space<vmem>>[vector<16xi32>, vector<16xi32>], vector<16xf32>,
      %add3A_752 = arith.addf %gather3A_748, %gather3A_751 : vector<16xf32>
      %mul3A_753 = arith.constant 1.000000e-01 : f32
      %mul3A_754 = vector.broadcast %mul3A_753 : f32 to vector<16xf32>
      %mul3A_755 = arith.mulf %mul3A_754, %add3A_752 : vector<16xf32>
      %max3A_756 = arith.maximumf %add3A_752, %mul3A_755 : vector<16xf32>
      %exp3A_757 = math.exp %max3A_756 : vector<16xf32>
      %mul3A_758 = arith.mulf %exp3A_757, %bitcast3A_697 : vector<16xf32>
      %broadcast_in_dim3A_759 = arith.constant 3 : i32
      %broadcast_in_dim3A_760 = vector.broadcast %broadcast_in_dim3A_759 : i32 to vector<16xi32>
      tpu.vector_store_idx %arg16[%add3A_700, %broadcast_in_dim3A_760], %mul3A_758 : memref<128x16xf32, #tpu.memory_space<vmem>>[vector<16xi32>, vector<16xi32>], vector<16xf32>,
      tpu.vector_store_idx %arg14[%add3A_700, %broadcast_in_dim3A_760], %mul3A_758 : memref<128x8xf32, #tpu.memory_space<vmem>>[vector<16xi32>, vector<16xi32>], vector<16xf32>,
      %get3A_761 = arith.constant 2 : i32
      %get3A_762 = arith.index_cast %get3A_761 : i32 to index
      %get3A_763 = arith.constant 96 : index
      %get3A_764 = tpu.vector_load %arg8[%get3A_762, %get3A_763] {strides = array<i32>} : memref<3x128xi32, #tpu.memory_space<vmem>>, vector<16xi32>,
      %bitcast3A_765 = vector.bitcast %get3A_764 : vector<16xi32> to vector<16xf32>
      %add3A_766 = arith.constant 96 : i32
      %add3A_767 = vector.broadcast %add3A_766 : i32 to vector<16xi32>
      %add3A_768 = arith.addi %iota3A, %add3A_767 : vector<16xi32>
      %broadcast_in_dim3A_769 = arith.constant 0 : i32
      %broadcast_in_dim3A_770 = vector.broadcast %broadcast_in_dim3A_769 : i32 to vector<16xi32>
      %gather3A_771 = tpu.vector_load_idx %arg10[%add3A_768, %broadcast_in_dim3A_770] : memref<128x16xf32, #tpu.memory_space<vmem>>[vector<16xi32>, vector<16xi32>], vector<16xf32>,
      %broadcast_in_dim3A_772 = arith.constant 4 : i32
      %broadcast_in_dim3A_773 = vector.broadcast %broadcast_in_dim3A_772 : i32 to vector<16xi32>
      %gather3A_774 = tpu.vector_load_idx %arg11[%add3A_768, %broadcast_in_dim3A_773] : memref<128x16xf32, #tpu.memory_space<vmem>>[vector<16xi32>, vector<16xi32>], vector<16xf32>,
      %add3A_775 = arith.addf %gather3A_771, %gather3A_774 : vector<16xf32>
      %mul3A_776 = arith.constant 1.000000e-01 : f32
      %mul3A_777 = vector.broadcast %mul3A_776 : f32 to vector<16xf32>
      %mul3A_778 = arith.mulf %mul3A_777, %add3A_775 : vector<16xf32>
      %max3A_779 = arith.maximumf %add3A_775, %mul3A_778 : vector<16xf32>
      %exp3A_780 = math.exp %max3A_779 : vector<16xf32>
      %mul3A_781 = arith.mulf %exp3A_780, %bitcast3A_765 : vector<16xf32>
      %broadcast_in_dim3A_782 = arith.constant 0 : i32
      %broadcast_in_dim3A_783 = vector.broadcast %broadcast_in_dim3A_782 : i32 to vector<16xi32>
      tpu.vector_store_idx %arg16[%add3A_768, %broadcast_in_dim3A_783], %mul3A_781 : memref<128x16xf32, #tpu.memory_space<vmem>>[vector<16xi32>, vector<16xi32>], vector<16xf32>,
      tpu.vector_store_idx %arg14[%add3A_768, %broadcast_in_dim3A_783], %mul3A_781 : memref<128x8xf32, #tpu.memory_space<vmem>>[vector<16xi32>, vector<16xi32>], vector<16xf32>,
      %broadcast_in_dim3A_784 = arith.constant 1 : i32
      %broadcast_in_dim3A_785 = vector.broadcast %broadcast_in_dim3A_784 : i32 to vector<16xi32>
      %gather3A_786 = tpu.vector_load_idx %arg10[%add3A_768, %broadcast_in_dim3A_785] : memref<128x16xf32, #tpu.memory_space<vmem>>[vector<16xi32>, vector<16xi32>], vector<16xf32>,
      %broadcast_in_dim3A_787 = arith.constant 5 : i32
      %broadcast_in_dim3A_788 = vector.broadcast %broadcast_in_dim3A_787 : i32 to vector<16xi32>
      %gather3A_789 = tpu.vector_load_idx %arg11[%add3A_768, %broadcast_in_dim3A_788] : memref<128x16xf32, #tpu.memory_space<vmem>>[vector<16xi32>, vector<16xi32>], vector<16xf32>,
      %add3A_790 = arith.addf %gather3A_786, %gather3A_789 : vector<16xf32>
      %mul3A_791 = arith.constant 1.000000e-01 : f32
      %mul3A_792 = vector.broadcast %mul3A_791 : f32 to vector<16xf32>
      %mul3A_793 = arith.mulf %mul3A_792, %add3A_790 : vector<16xf32>
      %max3A_794 = arith.maximumf %add3A_790, %mul3A_793 : vector<16xf32>
      %exp3A_795 = math.exp %max3A_794 : vector<16xf32>
      %mul3A_796 = arith.mulf %exp3A_795, %bitcast3A_765 : vector<16xf32>
      %broadcast_in_dim3A_797 = arith.constant 1 : i32
      %broadcast_in_dim3A_798 = vector.broadcast %broadcast_in_dim3A_797 : i32 to vector<16xi32>
      tpu.vector_store_idx %arg16[%add3A_768, %broadcast_in_dim3A_798], %mul3A_796 : memref<128x16xf32, #tpu.memory_space<vmem>>[vector<16xi32>, vector<16xi32>], vector<16xf32>,
      tpu.vector_store_idx %arg14[%add3A_768, %broadcast_in_dim3A_798], %mul3A_796 : memref<128x8xf32, #tpu.memory_space<vmem>>[vector<16xi32>, vector<16xi32>], vector<16xf32>,
      %broadcast_in_dim3A_799 = arith.constant 2 : i32
      %broadcast_in_dim3A_800 = vector.broadcast %broadcast_in_dim3A_799 : i32 to vector<16xi32>
      %gather3A_801 = tpu.vector_load_idx %arg10[%add3A_768, %broadcast_in_dim3A_800] : memref<128x16xf32, #tpu.memory_space<vmem>>[vector<16xi32>, vector<16xi32>], vector<16xf32>,
      %broadcast_in_dim3A_802 = arith.constant 6 : i32
      %broadcast_in_dim3A_803 = vector.broadcast %broadcast_in_dim3A_802 : i32 to vector<16xi32>
      %gather3A_804 = tpu.vector_load_idx %arg11[%add3A_768, %broadcast_in_dim3A_803] : memref<128x16xf32, #tpu.memory_space<vmem>>[vector<16xi32>, vector<16xi32>], vector<16xf32>,
      %add3A_805 = arith.addf %gather3A_801, %gather3A_804 : vector<16xf32>
      %mul3A_806 = arith.constant 1.000000e-01 : f32
      %mul3A_807 = vector.broadcast %mul3A_806 : f32 to vector<16xf32>
      %mul3A_808 = arith.mulf %mul3A_807, %add3A_805 : vector<16xf32>
      %max3A_809 = arith.maximumf %add3A_805, %mul3A_808 : vector<16xf32>
      %exp3A_810 = math.exp %max3A_809 : vector<16xf32>
      %mul3A_811 = arith.mulf %exp3A_810, %bitcast3A_765 : vector<16xf32>
      %broadcast_in_dim3A_812 = arith.constant 2 : i32
      %broadcast_in_dim3A_813 = vector.broadcast %broadcast_in_dim3A_812 : i32 to vector<16xi32>
      tpu.vector_store_idx %arg16[%add3A_768, %broadcast_in_dim3A_813], %mul3A_811 : memref<128x16xf32, #tpu.memory_space<vmem>>[vector<16xi32>, vector<16xi32>], vector<16xf32>,
      tpu.vector_store_idx %arg14[%add3A_768, %broadcast_in_dim3A_813], %mul3A_811 : memref<128x8xf32, #tpu.memory_space<vmem>>[vector<16xi32>, vector<16xi32>], vector<16xf32>,
      %broadcast_in_dim3A_814 = arith.constant 3 : i32
      %broadcast_in_dim3A_815 = vector.broadcast %broadcast_in_dim3A_814 : i32 to vector<16xi32>
      %gather3A_816 = tpu.vector_load_idx %arg10[%add3A_768, %broadcast_in_dim3A_815] : memref<128x16xf32, #tpu.memory_space<vmem>>[vector<16xi32>, vector<16xi32>], vector<16xf32>,
      %broadcast_in_dim3A_817 = arith.constant 7 : i32
      %broadcast_in_dim3A_818 = vector.broadcast %broadcast_in_dim3A_817 : i32 to vector<16xi32>
      %gather3A_819 = tpu.vector_load_idx %arg11[%add3A_768, %broadcast_in_dim3A_818] : memref<128x16xf32, #tpu.memory_space<vmem>>[vector<16xi32>, vector<16xi32>], vector<16xf32>,
      %add3A_820 = arith.addf %gather3A_816, %gather3A_819 : vector<16xf32>
      %mul3A_821 = arith.constant 1.000000e-01 : f32
      %mul3A_822 = vector.broadcast %mul3A_821 : f32 to vector<16xf32>
      %mul3A_823 = arith.mulf %mul3A_822, %add3A_820 : vector<16xf32>
      %max3A_824 = arith.maximumf %add3A_820, %mul3A_823 : vector<16xf32>
      %exp3A_825 = math.exp %max3A_824 : vector<16xf32>
      %mul3A_826 = arith.mulf %exp3A_825, %bitcast3A_765 : vector<16xf32>
      %broadcast_in_dim3A_827 = arith.constant 3 : i32
      %broadcast_in_dim3A_828 = vector.broadcast %broadcast_in_dim3A_827 : i32 to vector<16xi32>
      tpu.vector_store_idx %arg16[%add3A_768, %broadcast_in_dim3A_828], %mul3A_826 : memref<128x16xf32, #tpu.memory_space<vmem>>[vector<16xi32>, vector<16xi32>], vector<16xf32>,
      tpu.vector_store_idx %arg14[%add3A_768, %broadcast_in_dim3A_828], %mul3A_826 : memref<128x8xf32, #tpu.memory_space<vmem>>[vector<16xi32>, vector<16xi32>], vector<16xf32>,
      %get3A_829 = arith.constant 2 : i32
      %get3A_830 = arith.index_cast %get3A_829 : i32 to index
      %get3A_831 = arith.constant 112 : index
      %get3A_832 = tpu.vector_load %arg8[%get3A_830, %get3A_831] {strides = array<i32>} : memref<3x128xi32, #tpu.memory_space<vmem>>, vector<16xi32>,
      %bitcast3A_833 = vector.bitcast %get3A_832 : vector<16xi32> to vector<16xf32>
      %add3A_834 = arith.constant 112 : i32
      %add3A_835 = vector.broadcast %add3A_834 : i32 to vector<16xi32>
      %add3A_836 = arith.addi %iota3A, %add3A_835 : vector<16xi32>
      %broadcast_in_dim3A_837 = arith.constant 0 : i32
      %broadcast_in_dim3A_838 = vector.broadcast %broadcast_in_dim3A_837 : i32 to vector<16xi32>
      %gather3A_839 = tpu.vector_load_idx %arg10[%add3A_836, %broadcast_in_dim3A_838] : memref<128x16xf32, #tpu.memory_space<vmem>>[vector<16xi32>, vector<16xi32>], vector<16xf32>,
      %broadcast_in_dim3A_840 = arith.constant 4 : i32
      %broadcast_in_dim3A_841 = vector.broadcast %broadcast_in_dim3A_840 : i32 to vector<16xi32>
      %gather3A_842 = tpu.vector_load_idx %arg11[%add3A_836, %broadcast_in_dim3A_841] : memref<128x16xf32, #tpu.memory_space<vmem>>[vector<16xi32>, vector<16xi32>], vector<16xf32>,
      %add3A_843 = arith.addf %gather3A_839, %gather3A_842 : vector<16xf32>
      %mul3A_844 = arith.constant 1.000000e-01 : f32
      %mul3A_845 = vector.broadcast %mul3A_844 : f32 to vector<16xf32>
      %mul3A_846 = arith.mulf %mul3A_845, %add3A_843 : vector<16xf32>
      %max3A_847 = arith.maximumf %add3A_843, %mul3A_846 : vector<16xf32>
      %exp3A_848 = math.exp %max3A_847 : vector<16xf32>
      %mul3A_849 = arith.mulf %exp3A_848, %bitcast3A_833 : vector<16xf32>
      %broadcast_in_dim3A_850 = arith.constant 0 : i32
      %broadcast_in_dim3A_851 = vector.broadcast %broadcast_in_dim3A_850 : i32 to vector<16xi32>
      tpu.vector_store_idx %arg16[%add3A_836, %broadcast_in_dim3A_851], %mul3A_849 : memref<128x16xf32, #tpu.memory_space<vmem>>[vector<16xi32>, vector<16xi32>], vector<16xf32>,
      tpu.vector_store_idx %arg14[%add3A_836, %broadcast_in_dim3A_851], %mul3A_849 : memref<128x8xf32, #tpu.memory_space<vmem>>[vector<16xi32>, vector<16xi32>], vector<16xf32>,
      %broadcast_in_dim3A_852 = arith.constant 1 : i32
      %broadcast_in_dim3A_853 = vector.broadcast %broadcast_in_dim3A_852 : i32 to vector<16xi32>
      %gather3A_854 = tpu.vector_load_idx %arg10[%add3A_836, %broadcast_in_dim3A_853] : memref<128x16xf32, #tpu.memory_space<vmem>>[vector<16xi32>, vector<16xi32>], vector<16xf32>,
      %broadcast_in_dim3A_855 = arith.constant 5 : i32
      %broadcast_in_dim3A_856 = vector.broadcast %broadcast_in_dim3A_855 : i32 to vector<16xi32>
      %gather3A_857 = tpu.vector_load_idx %arg11[%add3A_836, %broadcast_in_dim3A_856] : memref<128x16xf32, #tpu.memory_space<vmem>>[vector<16xi32>, vector<16xi32>], vector<16xf32>,
      %add3A_858 = arith.addf %gather3A_854, %gather3A_857 : vector<16xf32>
      %mul3A_859 = arith.constant 1.000000e-01 : f32
      %mul3A_860 = vector.broadcast %mul3A_859 : f32 to vector<16xf32>
      %mul3A_861 = arith.mulf %mul3A_860, %add3A_858 : vector<16xf32>
      %max3A_862 = arith.maximumf %add3A_858, %mul3A_861 : vector<16xf32>
      %exp3A_863 = math.exp %max3A_862 : vector<16xf32>
      %mul3A_864 = arith.mulf %exp3A_863, %bitcast3A_833 : vector<16xf32>
      %broadcast_in_dim3A_865 = arith.constant 1 : i32
      %broadcast_in_dim3A_866 = vector.broadcast %broadcast_in_dim3A_865 : i32 to vector<16xi32>
      tpu.vector_store_idx %arg16[%add3A_836, %broadcast_in_dim3A_866], %mul3A_864 : memref<128x16xf32, #tpu.memory_space<vmem>>[vector<16xi32>, vector<16xi32>], vector<16xf32>,
      tpu.vector_store_idx %arg14[%add3A_836, %broadcast_in_dim3A_866], %mul3A_864 : memref<128x8xf32, #tpu.memory_space<vmem>>[vector<16xi32>, vector<16xi32>], vector<16xf32>,
      %broadcast_in_dim3A_867 = arith.constant 2 : i32
      %broadcast_in_dim3A_868 = vector.broadcast %broadcast_in_dim3A_867 : i32 to vector<16xi32>
      %gather3A_869 = tpu.vector_load_idx %arg10[%add3A_836, %broadcast_in_dim3A_868] : memref<128x16xf32, #tpu.memory_space<vmem>>[vector<16xi32>, vector<16xi32>], vector<16xf32>,
      %broadcast_in_dim3A_870 = arith.constant 6 : i32
      %broadcast_in_dim3A_871 = vector.broadcast %broadcast_in_dim3A_870 : i32 to vector<16xi32>
      %gather3A_872 = tpu.vector_load_idx %arg11[%add3A_836, %broadcast_in_dim3A_871] : memref<128x16xf32, #tpu.memory_space<vmem>>[vector<16xi32>, vector<16xi32>], vector<16xf32>,
      %add3A_873 = arith.addf %gather3A_869, %gather3A_872 : vector<16xf32>
      %mul3A_874 = arith.constant 1.000000e-01 : f32
      %mul3A_875 = vector.broadcast %mul3A_874 : f32 to vector<16xf32>
      %mul3A_876 = arith.mulf %mul3A_875, %add3A_873 : vector<16xf32>
      %max3A_877 = arith.maximumf %add3A_873, %mul3A_876 : vector<16xf32>
      %exp3A_878 = math.exp %max3A_877 : vector<16xf32>
      %mul3A_879 = arith.mulf %exp3A_878, %bitcast3A_833 : vector<16xf32>
      %broadcast_in_dim3A_880 = arith.constant 2 : i32
      %broadcast_in_dim3A_881 = vector.broadcast %broadcast_in_dim3A_880 : i32 to vector<16xi32>
      tpu.vector_store_idx %arg16[%add3A_836, %broadcast_in_dim3A_881], %mul3A_879 : memref<128x16xf32, #tpu.memory_space<vmem>>[vector<16xi32>, vector<16xi32>], vector<16xf32>,
      tpu.vector_store_idx %arg14[%add3A_836, %broadcast_in_dim3A_881], %mul3A_879 : memref<128x8xf32, #tpu.memory_space<vmem>>[vector<16xi32>, vector<16xi32>], vector<16xf32>,
      %broadcast_in_dim3A_882 = arith.constant 3 : i32
      %broadcast_in_dim3A_883 = vector.broadcast %broadcast_in_dim3A_882 : i32 to vector<16xi32>
      %gather3A_884 = tpu.vector_load_idx %arg10[%add3A_836, %broadcast_in_dim3A_883] : memref<128x16xf32, #tpu.memory_space<vmem>>[vector<16xi32>, vector<16xi32>], vector<16xf32>,
      %broadcast_in_dim3A_885 = arith.constant 7 : i32
      %broadcast_in_dim3A_886 = vector.broadcast %broadcast_in_dim3A_885 : i32 to vector<16xi32>
      %gather3A_887 = tpu.vector_load_idx %arg11[%add3A_836, %broadcast_in_dim3A_886] : memref<128x16xf32, #tpu.memory_space<vmem>>[vector<16xi32>, vector<16xi32>], vector<16xf32>,
      %add3A_888 = arith.addf %gather3A_884, %gather3A_887 : vector<16xf32>
      %mul3A_889 = arith.constant 1.000000e-01 : f32
      %mul3A_890 = vector.broadcast %mul3A_889 : f32 to vector<16xf32>
      %mul3A_891 = arith.mulf %mul3A_890, %add3A_888 : vector<16xf32>
      %max3A_892 = arith.maximumf %add3A_888, %mul3A_891 : vector<16xf32>
      %exp3A_893 = math.exp %max3A_892 : vector<16xf32>
      %mul3A_894 = arith.mulf %exp3A_893, %bitcast3A_833 : vector<16xf32>
      %broadcast_in_dim3A_895 = arith.constant 3 : i32
      %broadcast_in_dim3A_896 = vector.broadcast %broadcast_in_dim3A_895 : i32 to vector<16xi32>
      tpu.vector_store_idx %arg16[%add3A_836, %broadcast_in_dim3A_896], %mul3A_894 : memref<128x16xf32, #tpu.memory_space<vmem>>[vector<16xi32>, vector<16xi32>], vector<16xf32>,
      tpu.vector_store_idx %arg14[%add3A_836, %broadcast_in_dim3A_896], %mul3A_894 : memref<128x8xf32, #tpu.memory_space<vmem>>[vector<16xi32>, vector<16xi32>], vector<16xf32>,
      %dma_wait3A_897 = arith.constant 0 : i32
      %dma_wait3A_898 = arith.constant 0 : i32
      %dma_wait3A_899 = tpu.memref_slice %arg8[%dma_wait3A_897, %dma_wait3A_898] : memref<3x128xi32, #tpu.memory_space<vmem>> -> memref<1x128xi32, #tpu.memory_space<vmem>>
      %dma_wait3A_900 = tpu.memref_squeeze %dma_wait3A_899 : memref<1x128xi32, #tpu.memory_space<vmem>> -> memref<128xi32, #tpu.memory_space<vmem>>
      %dma_wait3A_901 = arith.constant 0 : i32
      %dma_wait3A_902 = arith.constant 0 : i32
      %dma_wait3A_903 = tpu.memref_slice %arg4[%dma_wait3A_901, %dma_wait3A_902] : memref<10000x128xf32, #tpu.memory_space<hbm>> -> memref<10000x128xf32, #tpu.memory_space<hbm>>
      tpu.wait_indirect_dma semaphore(%arg19 : memref<!tpu.dma_semaphore, #tpu.memory_space<semaphore_mem>>) src(%dma_wait3A_903 : memref<10000x128xf32, #tpu.memory_space<hbm>>) dst(%arg12 : memref<128x128xf32, #tpu.memory_space<vmem>>)
      %scan3A_904 = arith.constant 0 : i32
      %scan3A_905 = arith.constant 0 : i32
      %scan3A_906 = arith.constant 128 : i32
      %scan3A_907 = arith.addi %scan3A_905, %scan3A_906 : i32
      %scan3A_908 = arith.constant 1 : i32
      scf.for %scan3A_1551 = %scan3A_905 to %scan3A_907 step %scan3A_908  : i32 {
        %get3A_1552 = arith.index_cast %scan3A_1551 : i32 to index
        %get3A_1553 = arith.constant 0 : index
        %get3A_1554 = tpu.vector_load %arg16[%get3A_1552, %get3A_1553] {strides = array<i32>} : memref<128x16xf32, #tpu.memory_space<vmem>>, vector<16xf32>,
        %slice3A = vector.extract_strided_slice %get3A_1554 {offsets = [0], sizes = [1], strides = [1]} : vector<16xf32> to vector<1xf32>
        %squeeze3A = vector.extract %slice3A[0] : f32 from vector<1xf32>
        %get3A_1555 = arith.index_cast %scan3A_1551 : i32 to index
        %get3A_1556 = arith.constant 0 : index
        %get3A_1557 = tpu.vector_load %arg12[%get3A_1555, %get3A_1556] {strides = array<i32>} : memref<128x128xf32, #tpu.memory_space<vmem>>, vector<16xf32>,
        %mul3A_1558 = vector.broadcast %squeeze3A : f32 to vector<16xf32>
        %mul3A_1559 = arith.mulf %get3A_1557, %mul3A_1558 : vector<16xf32>
        %swap3A_1560 = arith.index_cast %scan3A_1551 : i32 to index
        %swap3A_1561 = arith.constant 0 : index
        %swap3A_1562 = tpu.vector_load %arg12[%swap3A_1560, %swap3A_1561] {strides = array<i32>} : memref<128x128xf32, #tpu.memory_space<vmem>>, vector<16xf32>,
        tpu.vector_store %arg12[%swap3A_1560, %swap3A_1561], %mul3A_1559 {strides = array<i32>} : memref<128x128xf32, #tpu.memory_space<vmem>>, vector<16xf32>,
        %get3A_1563 = arith.index_cast %scan3A_1551 : i32 to index
        %get3A_1564 = arith.constant 16 : index
        %get3A_1565 = tpu.vector_load %arg12[%get3A_1563, %get3A_1564] {strides = array<i32>} : memref<128x128xf32, #tpu.memory_space<vmem>>, vector<16xf32>,
        %mul3A_1566 = vector.broadcast %squeeze3A : f32 to vector<16xf32>
        %mul3A_1567 = arith.mulf %get3A_1565, %mul3A_1566 : vector<16xf32>
        %swap3A_1568 = arith.index_cast %scan3A_1551 : i32 to index
        %swap3A_1569 = arith.constant 16 : index
        %swap3A_1570 = tpu.vector_load %arg12[%swap3A_1568, %swap3A_1569] {strides = array<i32>} : memref<128x128xf32, #tpu.memory_space<vmem>>, vector<16xf32>,
        tpu.vector_store %arg12[%swap3A_1568, %swap3A_1569], %mul3A_1567 {strides = array<i32>} : memref<128x128xf32, #tpu.memory_space<vmem>>, vector<16xf32>,
        %slice3A_1571 = vector.extract_strided_slice %get3A_1554 {offsets = [1], sizes = [1], strides = [1]} : vector<16xf32> to vector<1xf32>
        %squeeze3A_1572 = vector.extract %slice3A_1571[0] : f32 from vector<1xf32>
        %get3A_1573 = arith.index_cast %scan3A_1551 : i32 to index
        %get3A_1574 = arith.constant 32 : index
        %get3A_1575 = tpu.vector_load %arg12[%get3A_1573, %get3A_1574] {strides = array<i32>} : memref<128x128xf32, #tpu.memory_space<vmem>>, vector<16xf32>,
        %mul3A_1576 = vector.broadcast %squeeze3A_1572 : f32 to vector<16xf32>
        %mul3A_1577 = arith.mulf %get3A_1575, %mul3A_1576 : vector<16xf32>
        %swap3A_1578 = arith.index_cast %scan3A_1551 : i32 to index
        %swap3A_1579 = arith.constant 32 : index
        %swap3A_1580 = tpu.vector_load %arg12[%swap3A_1578, %swap3A_1579] {strides = array<i32>} : memref<128x128xf32, #tpu.memory_space<vmem>>, vector<16xf32>,
        tpu.vector_store %arg12[%swap3A_1578, %swap3A_1579], %mul3A_1577 {strides = array<i32>} : memref<128x128xf32, #tpu.memory_space<vmem>>, vector<16xf32>,
        %get3A_1581 = arith.index_cast %scan3A_1551 : i32 to index
        %get3A_1582 = arith.constant 48 : index
        %get3A_1583 = tpu.vector_load %arg12[%get3A_1581, %get3A_1582] {strides = array<i32>} : memref<128x128xf32, #tpu.memory_space<vmem>>, vector<16xf32>,
        %mul3A_1584 = vector.broadcast %squeeze3A_1572 : f32 to vector<16xf32>
        %mul3A_1585 = arith.mulf %get3A_1583, %mul3A_1584 : vector<16xf32>
        %swap3A_1586 = arith.index_cast %scan3A_1551 : i32 to index
        %swap3A_1587 = arith.constant 48 : index
        %swap3A_1588 = tpu.vector_load %arg12[%swap3A_1586, %swap3A_1587] {strides = array<i32>} : memref<128x128xf32, #tpu.memory_space<vmem>>, vector<16xf32>,
        tpu.vector_store %arg12[%swap3A_1586, %swap3A_1587], %mul3A_1585 {strides = array<i32>} : memref<128x128xf32, #tpu.memory_space<vmem>>, vector<16xf32>,
        %slice3A_1589 = vector.extract_strided_slice %get3A_1554 {offsets = [2], sizes = [1], strides = [1]} : vector<16xf32> to vector<1xf32>
        %squeeze3A_1590 = vector.extract %slice3A_1589[0] : f32 from vector<1xf32>
        %get3A_1591 = arith.index_cast %scan3A_1551 : i32 to index
        %get3A_1592 = arith.constant 64 : index
        %get3A_1593 = tpu.vector_load %arg12[%get3A_1591, %get3A_1592] {strides = array<i32>} : memref<128x128xf32, #tpu.memory_space<vmem>>, vector<16xf32>,
        %mul3A_1594 = vector.broadcast %squeeze3A_1590 : f32 to vector<16xf32>
        %mul3A_1595 = arith.mulf %get3A_1593, %mul3A_1594 : vector<16xf32>
        %swap3A_1596 = arith.index_cast %scan3A_1551 : i32 to index
        %swap3A_1597 = arith.constant 64 : index
        %swap3A_1598 = tpu.vector_load %arg12[%swap3A_1596, %swap3A_1597] {strides = array<i32>} : memref<128x128xf32, #tpu.memory_space<vmem>>, vector<16xf32>,
        tpu.vector_store %arg12[%swap3A_1596, %swap3A_1597], %mul3A_1595 {strides = array<i32>} : memref<128x128xf32, #tpu.memory_space<vmem>>, vector<16xf32>,
        %get3A_1599 = arith.index_cast %scan3A_1551 : i32 to index
        %get3A_1600 = arith.constant 80 : index
        %get3A_1601 = tpu.vector_load %arg12[%get3A_1599, %get3A_1600] {strides = array<i32>} : memref<128x128xf32, #tpu.memory_space<vmem>>, vector<16xf32>,
        %mul3A_1602 = vector.broadcast %squeeze3A_1590 : f32 to vector<16xf32>
        %mul3A_1603 = arith.mulf %get3A_1601, %mul3A_1602 : vector<16xf32>
        %swap3A_1604 = arith.index_cast %scan3A_1551 : i32 to index
        %swap3A_1605 = arith.constant 80 : index
        %swap3A_1606 = tpu.vector_load %arg12[%swap3A_1604, %swap3A_1605] {strides = array<i32>} : memref<128x128xf32, #tpu.memory_space<vmem>>, vector<16xf32>,
        tpu.vector_store %arg12[%swap3A_1604, %swap3A_1605], %mul3A_1603 {strides = array<i32>} : memref<128x128xf32, #tpu.memory_space<vmem>>, vector<16xf32>,
        %slice3A_1607 = vector.extract_strided_slice %get3A_1554 {offsets = [3], sizes = [1], strides = [1]} : vector<16xf32> to vector<1xf32>
        %squeeze3A_1608 = vector.extract %slice3A_1607[0] : f32 from vector<1xf32>
        %get3A_1609 = arith.index_cast %scan3A_1551 : i32 to index
        %get3A_1610 = arith.constant 96 : index
        %get3A_1611 = tpu.vector_load %arg12[%get3A_1609, %get3A_1610] {strides = array<i32>} : memref<128x128xf32, #tpu.memory_space<vmem>>, vector<16xf32>,
        %mul3A_1612 = vector.broadcast %squeeze3A_1608 : f32 to vector<16xf32>
        %mul3A_1613 = arith.mulf %get3A_1611, %mul3A_1612 : vector<16xf32>
        %swap3A_1614 = arith.index_cast %scan3A_1551 : i32 to index
        %swap3A_1615 = arith.constant 96 : index
        %swap3A_1616 = tpu.vector_load %arg12[%swap3A_1614, %swap3A_1615] {strides = array<i32>} : memref<128x128xf32, #tpu.memory_space<vmem>>, vector<16xf32>,
        tpu.vector_store %arg12[%swap3A_1614, %swap3A_1615], %mul3A_1613 {strides = array<i32>} : memref<128x128xf32, #tpu.memory_space<vmem>>, vector<16xf32>,
        %get3A_1617 = arith.index_cast %scan3A_1551 : i32 to index
        %get3A_1618 = arith.constant 112 : index
        %get3A_1619 = tpu.vector_load %arg12[%get3A_1617, %get3A_1618] {strides = array<i32>} : memref<128x128xf32, #tpu.memory_space<vmem>>, vector<16xf32>,
        %mul3A_1620 = vector.broadcast %squeeze3A_1608 : f32 to vector<16xf32>
        %mul3A_1621 = arith.mulf %get3A_1619, %mul3A_1620 : vector<16xf32>
        %swap3A_1622 = arith.index_cast %scan3A_1551 : i32 to index
        %swap3A_1623 = arith.constant 112 : index
        %swap3A_1624 = tpu.vector_load %arg12[%swap3A_1622, %swap3A_1623] {strides = array<i32>} : memref<128x128xf32, #tpu.memory_space<vmem>>, vector<16xf32>,
        tpu.vector_store %arg12[%swap3A_1622, %swap3A_1623], %mul3A_1621 {strides = array<i32>} : memref<128x128xf32, #tpu.memory_space<vmem>>, vector<16xf32>,
      }
      %scan3A_909 = arith.constant 128 : i32
      %dma_start3A_910 = arith.constant 1 : i32
      %dma_start3A_911 = arith.constant 0 : i32
      %dma_start3A_912 = tpu.memref_slice %arg8[%dma_start3A_910, %dma_start3A_911] : memref<3x128xi32, #tpu.memory_space<vmem>> -> memref<1x128xi32, #tpu.memory_space<vmem>>
      %dma_start3A_913 = tpu.memref_squeeze %dma_start3A_912 : memref<1x128xi32, #tpu.memory_space<vmem>> -> memref<128xi32, #tpu.memory_space<vmem>>
      %dma_start3A_914 = arith.constant 0 : i32
      %dma_start3A_915 = arith.constant 0 : i32
      %dma_start3A_916 = tpu.memref_slice %arg17[%dma_start3A_914, %dma_start3A_915] : memref<10000x128xf32, #tpu.memory_space<vmem_shared>> -> memref<10000x128xf32, #tpu.memory_space<vmem_shared>>
      tpu.enqueue_indirect_dma source(%arg12 : memref<128x128xf32, #tpu.memory_space<vmem>>) target(%dma_start3A_916 : memref<10000x128xf32, #tpu.memory_space<vmem_shared>>) offsets(%dma_start3A_913 : memref<128xi32, #tpu.memory_space<vmem>>) semaphore(%arg21 : memref<!tpu.dma_semaphore, #tpu.memory_space<semaphore_mem>>) {add = true}
      %dma_start3A_917 = arith.constant 1 : i32
      %dma_start3A_918 = arith.constant 0 : i32
      %dma_start3A_919 = tpu.memref_slice %arg8[%dma_start3A_917, %dma_start3A_918] : memref<3x128xi32, #tpu.memory_space<vmem>> -> memref<1x128xi32, #tpu.memory_space<vmem>>
      %dma_start3A_920 = tpu.memref_squeeze %dma_start3A_919 : memref<1x128xi32, #tpu.memory_space<vmem>> -> memref<128xi32, #tpu.memory_space<vmem>>
      %dma_start3A_921 = arith.constant 0 : i32
      %dma_start3A_922 = arith.constant 0 : i32
      %dma_start3A_923 = tpu.memref_slice %arg18[%dma_start3A_921, %dma_start3A_922] : memref<10000x8xf32, #tpu.memory_space<vmem_shared>> -> memref<10000x8xf32, #tpu.memory_space<vmem_shared>>
      tpu.enqueue_indirect_dma source(%arg14 : memref<128x8xf32, #tpu.memory_space<vmem>>) target(%dma_start3A_923 : memref<10000x8xf32, #tpu.memory_space<vmem_shared>>) offsets(%dma_start3A_920 : memref<128xi32, #tpu.memory_space<vmem>>) semaphore(%arg21 : memref<!tpu.dma_semaphore, #tpu.memory_space<semaphore_mem>>) {add = true}
      %mul3A_924 = arith.constant 2 : i32
      %mul3A_925 = arith.muli %scan3A_301, %mul3A_924 : i32
      %add3A_926 = arith.constant 1 : i32
      %add3A_927 = arith.addi %mul3A_925, %add3A_926 : i32
      %dma_wait3A_928 = arith.constant 1 : i32
      %dma_wait3A_929 = arith.constant 0 : i32
      %dma_wait3A_930 = tpu.memref_slice %arg9[%dma_wait3A_928, %dma_wait3A_929] : memref<3x128xi32, #tpu.memory_space<vmem>> -> memref<1x128xi32, #tpu.memory_space<vmem>>
      %dma_wait3A_931 = tpu.memref_squeeze %dma_wait3A_930 : memref<1x128xi32, #tpu.memory_space<vmem>> -> memref<128xi32, #tpu.memory_space<vmem>>
      %dma_wait3A_932 = arith.constant 0 : i32
      %dma_wait3A_933 = arith.constant 0 : i32
      %dma_wait3A_934 = tpu.memref_slice %arg17[%dma_wait3A_932, %dma_wait3A_933] : memref<10000x128xf32, #tpu.memory_space<vmem_shared>> -> memref<10000x128xf32, #tpu.memory_space<vmem_shared>>
      tpu.wait_indirect_dma semaphore(%arg21 : memref<!tpu.dma_semaphore, #tpu.memory_space<semaphore_mem>>) src(%arg13 : memref<128x128xf32, #tpu.memory_space<vmem>>) dst(%dma_wait3A_934 : memref<10000x128xf32, #tpu.memory_space<vmem_shared>>)
      %dma_wait3A_935 = arith.constant 1 : i32
      %dma_wait3A_936 = arith.constant 0 : i32
      %dma_wait3A_937 = tpu.memref_slice %arg9[%dma_wait3A_935, %dma_wait3A_936] : memref<3x128xi32, #tpu.memory_space<vmem>> -> memref<1x128xi32, #tpu.memory_space<vmem>>
      %dma_wait3A_938 = tpu.memref_squeeze %dma_wait3A_937 : memref<1x128xi32, #tpu.memory_space<vmem>> -> memref<128xi32, #tpu.memory_space<vmem>>
      %dma_wait3A_939 = arith.constant 0 : i32
      %dma_wait3A_940 = arith.constant 0 : i32
      %dma_wait3A_941 = tpu.memref_slice %arg18[%dma_wait3A_939, %dma_wait3A_940] : memref<10000x8xf32, #tpu.memory_space<vmem_shared>> -> memref<10000x8xf32, #tpu.memory_space<vmem_shared>>
      tpu.wait_indirect_dma semaphore(%arg21 : memref<!tpu.dma_semaphore, #tpu.memory_space<semaphore_mem>>) src(%arg15 : memref<128x8xf32, #tpu.memory_space<vmem>>) dst(%dma_wait3A_941 : memref<10000x8xf32, #tpu.memory_space<vmem_shared>>)
      %mul3A_942 = arith.constant 80 : i32
      %mul3A_943 = arith.muli %add3A, %mul3A_942 : i32
      %add3A_944 = arith.addi %mul3A_943, %add3A_927 : i32
      "tpu.region"() ({
        %run_scoped3A = tpu.sem_alloc : memref<!tpu.dma_semaphore, #tpu.memory_space<semaphore_mem>>
        %dma_start3A_1551 = arith.constant 0 : i32
        %dma_start3A_1552 = arith.constant 0 : i32
        %dma_start3A_1553 = tpu.memref_slice %arg3[%dma_start3A_1551, %add3A_944, %dma_start3A_1552] : memref<3x2560x128xi32, #tpu.memory_space<hbm>> -> memref<3x1x128xi32, #tpu.memory_space<hbm>>
        %dma_start3A_1554 = tpu.memref_squeeze %dma_start3A_1553 : memref<3x1x128xi32, #tpu.memory_space<hbm>> -> memref<3x128xi32, #tpu.memory_space<hbm>>
        %dma_start3A_1555 = arith.constant 0 : i32
        %dma_start3A_1556 = arith.constant 0 : i32
        %dma_start3A_1557 = tpu.memref_slice %arg3[%dma_start3A_1555, %add3A_944, %dma_start3A_1556] : memref<3x2560x128xi32, #tpu.memory_space<hbm>> -> memref<3x1x128xi32, #tpu.memory_space<hbm>>
        %dma_start3A_1558 = tpu.memref_squeeze %dma_start3A_1557 : memref<3x1x128xi32, #tpu.memory_space<hbm>> -> memref<3x128xi32, #tpu.memory_space<hbm>>
        tpu.enqueue_dma source(%dma_start3A_1558 : memref<3x128xi32, #tpu.memory_space<hbm>>) target(%arg9 : memref<3x128xi32, #tpu.memory_space<vmem>>) target_semaphore(%run_scoped3A : memref<!tpu.dma_semaphore, #tpu.memory_space<semaphore_mem>>)
        %dma_wait3A_1559 = arith.constant 0 : i32
        %dma_wait3A_1560 = arith.constant 0 : i32
        %dma_wait3A_1561 = tpu.memref_slice %arg3[%dma_wait3A_1559, %add3A_944, %dma_wait3A_1560] : memref<3x2560x128xi32, #tpu.memory_space<hbm>> -> memref<3x1x128xi32, #tpu.memory_space<hbm>>
        %dma_wait3A_1562 = tpu.memref_squeeze %dma_wait3A_1561 : memref<3x1x128xi32, #tpu.memory_space<hbm>> -> memref<3x128xi32, #tpu.memory_space<hbm>>
        %dma_wait3A_1563 = arith.constant 0 : i32
        %dma_wait3A_1564 = arith.constant 0 : i32
        %dma_wait3A_1565 = tpu.memref_slice %arg3[%dma_wait3A_1563, %add3A_944, %dma_wait3A_1564] : memref<3x2560x128xi32, #tpu.memory_space<hbm>> -> memref<3x1x128xi32, #tpu.memory_space<hbm>>
        %dma_wait3A_1566 = tpu.memref_squeeze %dma_wait3A_1565 : memref<3x1x128xi32, #tpu.memory_space<hbm>> -> memref<3x128xi32, #tpu.memory_space<hbm>>
        tpu.wait_dma2 semaphore(%run_scoped3A : memref<!tpu.dma_semaphore, #tpu.memory_space<semaphore_mem>>) src(%dma_wait3A_1566 : memref<3x128xi32, #tpu.memory_space<hbm>>) dst(%arg9 : memref<3x128xi32, #tpu.memory_space<vmem>>)
        tpu.yield
      }) : () -> ()
      %dma_start3A_945 = arith.constant 0 : i32
      %dma_start3A_946 = arith.constant 0 : i32
      %dma_start3A_947 = tpu.memref_slice %arg9[%dma_start3A_945, %dma_start3A_946] : memref<3x128xi32, #tpu.memory_space<vmem>> -> memref<1x128xi32, #tpu.memory_space<vmem>>
      %dma_start3A_948 = tpu.memref_squeeze %dma_start3A_947 : memref<1x128xi32, #tpu.memory_space<vmem>> -> memref<128xi32, #tpu.memory_space<vmem>>
      %dma_start3A_949 = arith.constant 0 : i32
      %dma_start3A_950 = arith.constant 0 : i32
      %dma_start3A_951 = tpu.memref_slice %arg4[%dma_start3A_949, %dma_start3A_950] : memref<10000x128xf32, #tpu.memory_space<hbm>> -> memref<10000x128xf32, #tpu.memory_space<hbm>>
      tpu.enqueue_indirect_dma source(%dma_start3A_951 : memref<10000x128xf32, #tpu.memory_space<hbm>>) target(%arg13 : memref<128x128xf32, #tpu.memory_space<vmem>>) offsets(%dma_start3A_948 : memref<128xi32, #tpu.memory_space<vmem>>) semaphore(%arg19 : memref<!tpu.dma_semaphore, #tpu.memory_space<semaphore_mem>>)
      %dma_start3A_952 = arith.constant 0 : i32
      %dma_start3A_953 = arith.constant 0 : i32
      %dma_start3A_954 = tpu.memref_slice %arg9[%dma_start3A_952, %dma_start3A_953] : memref<3x128xi32, #tpu.memory_space<vmem>> -> memref<1x128xi32, #tpu.memory_space<vmem>>
      %dma_start3A_955 = tpu.memref_squeeze %dma_start3A_954 : memref<1x128xi32, #tpu.memory_space<vmem>> -> memref<128xi32, #tpu.memory_space<vmem>>
      %dma_start3A_956 = arith.constant 0 : i32
      %dma_start3A_957 = arith.constant 0 : i32
      %dma_start3A_958 = tpu.memref_slice %arg2[%dma_start3A_956, %dma_start3A_957] : memref<10000x16xf32, #tpu.memory_space<hbm>> -> memref<10000x16xf32, #tpu.memory_space<hbm>>
      tpu.enqueue_indirect_dma source(%dma_start3A_958 : memref<10000x16xf32, #tpu.memory_space<hbm>>) target(%arg10 : memref<128x16xf32, #tpu.memory_space<vmem>>) offsets(%dma_start3A_955 : memref<128xi32, #tpu.memory_space<vmem>>) semaphore(%arg20 : memref<!tpu.dma_semaphore, #tpu.memory_space<semaphore_mem>>)
      %dma_start3A_959 = arith.constant 1 : i32
      %dma_start3A_960 = arith.constant 0 : i32
      %dma_start3A_961 = tpu.memref_slice %arg9[%dma_start3A_959, %dma_start3A_960] : memref<3x128xi32, #tpu.memory_space<vmem>> -> memref<1x128xi32, #tpu.memory_space<vmem>>
      %dma_start3A_962 = tpu.memref_squeeze %dma_start3A_961 : memref<1x128xi32, #tpu.memory_space<vmem>> -> memref<128xi32, #tpu.memory_space<vmem>>
      %dma_start3A_963 = arith.constant 0 : i32
      %dma_start3A_964 = arith.constant 0 : i32
      %dma_start3A_965 = tpu.memref_slice %arg2[%dma_start3A_963, %dma_start3A_964] : memref<10000x16xf32, #tpu.memory_space<hbm>> -> memref<10000x16xf32, #tpu.memory_space<hbm>>
      tpu.enqueue_indirect_dma source(%dma_start3A_965 : memref<10000x16xf32, #tpu.memory_space<hbm>>) target(%arg11 : memref<128x16xf32, #tpu.memory_space<vmem>>) offsets(%dma_start3A_962 : memref<128xi32, #tpu.memory_space<vmem>>) semaphore(%arg20 : memref<!tpu.dma_semaphore, #tpu.memory_space<semaphore_mem>>)
      %dma_wait3A_966 = arith.constant 0 : i32
      %dma_wait3A_967 = arith.constant 0 : i32
      %dma_wait3A_968 = tpu.memref_slice %arg9[%dma_wait3A_966, %dma_wait3A_967] : memref<3x128xi32, #tpu.memory_space<vmem>> -> memref<1x128xi32, #tpu.memory_space<vmem>>
      %dma_wait3A_969 = tpu.memref_squeeze %dma_wait3A_968 : memref<1x128xi32, #tpu.memory_space<vmem>> -> memref<128xi32, #tpu.memory_space<vmem>>
      %dma_wait3A_970 = arith.constant 0 : i32
      %dma_wait3A_971 = arith.constant 0 : i32
      %dma_wait3A_972 = tpu.memref_slice %arg2[%dma_wait3A_970, %dma_wait3A_971] : memref<10000x16xf32, #tpu.memory_space<hbm>> -> memref<10000x16xf32, #tpu.memory_space<hbm>>
      tpu.wait_indirect_dma semaphore(%arg20 : memref<!tpu.dma_semaphore, #tpu.memory_space<semaphore_mem>>) src(%dma_wait3A_972 : memref<10000x16xf32, #tpu.memory_space<hbm>>) dst(%arg10 : memref<128x16xf32, #tpu.memory_space<vmem>>)
      %dma_wait3A_973 = arith.constant 1 : i32
      %dma_wait3A_974 = arith.constant 0 : i32
      %dma_wait3A_975 = tpu.memref_slice %arg9[%dma_wait3A_973, %dma_wait3A_974] : memref<3x128xi32, #tpu.memory_space<vmem>> -> memref<1x128xi32, #tpu.memory_space<vmem>>
      %dma_wait3A_976 = tpu.memref_squeeze %dma_wait3A_975 : memref<1x128xi32, #tpu.memory_space<vmem>> -> memref<128xi32, #tpu.memory_space<vmem>>
      %dma_wait3A_977 = arith.constant 0 : i32
      %dma_wait3A_978 = arith.constant 0 : i32
      %dma_wait3A_979 = tpu.memref_slice %arg2[%dma_wait3A_977, %dma_wait3A_978] : memref<10000x16xf32, #tpu.memory_space<hbm>> -> memref<10000x16xf32, #tpu.memory_space<hbm>>
      tpu.wait_indirect_dma semaphore(%arg20 : memref<!tpu.dma_semaphore, #tpu.memory_space<semaphore_mem>>) src(%dma_wait3A_979 : memref<10000x16xf32, #tpu.memory_space<hbm>>) dst(%arg11 : memref<128x16xf32, #tpu.memory_space<vmem>>)
      %get3A_980 = arith.constant 2 : i32
      %get3A_981 = arith.index_cast %get3A_980 : i32 to index
      %get3A_982 = arith.constant 0 : index
      %get3A_983 = tpu.vector_load %arg9[%get3A_981, %get3A_982] {strides = array<i32>} : memref<3x128xi32, #tpu.memory_space<vmem>>, vector<16xi32>,
      %bitcast3A_984 = vector.bitcast %get3A_983 : vector<16xi32> to vector<16xf32>
      %add3A_985 = arith.constant 0 : i32
      %add3A_986 = vector.broadcast %add3A_985 : i32 to vector<16xi32>
      %add3A_987 = arith.addi %iota3A, %add3A_986 : vector<16xi32>
      %broadcast_in_dim3A_988 = arith.constant 0 : i32
      %broadcast_in_dim3A_989 = vector.broadcast %broadcast_in_dim3A_988 : i32 to vector<16xi32>
      %gather3A_990 = tpu.vector_load_idx %arg10[%add3A_987, %broadcast_in_dim3A_989] : memref<128x16xf32, #tpu.memory_space<vmem>>[vector<16xi32>, vector<16xi32>], vector<16xf32>,
      %broadcast_in_dim3A_991 = arith.constant 4 : i32
      %broadcast_in_dim3A_992 = vector.broadcast %broadcast_in_dim3A_991 : i32 to vector<16xi32>
      %gather3A_993 = tpu.vector_load_idx %arg11[%add3A_987, %broadcast_in_dim3A_992] : memref<128x16xf32, #tpu.memory_space<vmem>>[vector<16xi32>, vector<16xi32>], vector<16xf32>,
      %add3A_994 = arith.addf %gather3A_990, %gather3A_993 : vector<16xf32>
      %mul3A_995 = arith.constant 1.000000e-01 : f32
      %mul3A_996 = vector.broadcast %mul3A_995 : f32 to vector<16xf32>
      %mul3A_997 = arith.mulf %mul3A_996, %add3A_994 : vector<16xf32>
      %max3A_998 = arith.maximumf %add3A_994, %mul3A_997 : vector<16xf32>
      %exp3A_999 = math.exp %max3A_998 : vector<16xf32>
      %mul3A_1000 = arith.mulf %exp3A_999, %bitcast3A_984 : vector<16xf32>
      %broadcast_in_dim3A_1001 = arith.constant 0 : i32
      %broadcast_in_dim3A_1002 = vector.broadcast %broadcast_in_dim3A_1001 : i32 to vector<16xi32>
      tpu.vector_store_idx %arg16[%add3A_987, %broadcast_in_dim3A_1002], %mul3A_1000 : memref<128x16xf32, #tpu.memory_space<vmem>>[vector<16xi32>, vector<16xi32>], vector<16xf32>,
      tpu.vector_store_idx %arg15[%add3A_987, %broadcast_in_dim3A_1002], %mul3A_1000 : memref<128x8xf32, #tpu.memory_space<vmem>>[vector<16xi32>, vector<16xi32>], vector<16xf32>,
      %broadcast_in_dim3A_1003 = arith.constant 1 : i32
      %broadcast_in_dim3A_1004 = vector.broadcast %broadcast_in_dim3A_1003 : i32 to vector<16xi32>
      %gather3A_1005 = tpu.vector_load_idx %arg10[%add3A_987, %broadcast_in_dim3A_1004] : memref<128x16xf32, #tpu.memory_space<vmem>>[vector<16xi32>, vector<16xi32>], vector<16xf32>,
      %broadcast_in_dim3A_1006 = arith.constant 5 : i32
      %broadcast_in_dim3A_1007 = vector.broadcast %broadcast_in_dim3A_1006 : i32 to vector<16xi32>
      %gather3A_1008 = tpu.vector_load_idx %arg11[%add3A_987, %broadcast_in_dim3A_1007] : memref<128x16xf32, #tpu.memory_space<vmem>>[vector<16xi32>, vector<16xi32>], vector<16xf32>,
      %add3A_1009 = arith.addf %gather3A_1005, %gather3A_1008 : vector<16xf32>
      %mul3A_1010 = arith.constant 1.000000e-01 : f32
      %mul3A_1011 = vector.broadcast %mul3A_1010 : f32 to vector<16xf32>
      %mul3A_1012 = arith.mulf %mul3A_1011, %add3A_1009 : vector<16xf32>
      %max3A_1013 = arith.maximumf %add3A_1009, %mul3A_1012 : vector<16xf32>
      %exp3A_1014 = math.exp %max3A_1013 : vector<16xf32>
      %mul3A_1015 = arith.mulf %exp3A_1014, %bitcast3A_984 : vector<16xf32>
      %broadcast_in_dim3A_1016 = arith.constant 1 : i32
      %broadcast_in_dim3A_1017 = vector.broadcast %broadcast_in_dim3A_1016 : i32 to vector<16xi32>
      tpu.vector_store_idx %arg16[%add3A_987, %broadcast_in_dim3A_1017], %mul3A_1015 : memref<128x16xf32, #tpu.memory_space<vmem>>[vector<16xi32>, vector<16xi32>], vector<16xf32>,
      tpu.vector_store_idx %arg15[%add3A_987, %broadcast_in_dim3A_1017], %mul3A_1015 : memref<128x8xf32, #tpu.memory_space<vmem>>[vector<16xi32>, vector<16xi32>], vector<16xf32>,
      %broadcast_in_dim3A_1018 = arith.constant 2 : i32
      %broadcast_in_dim3A_1019 = vector.broadcast %broadcast_in_dim3A_1018 : i32 to vector<16xi32>
      %gather3A_1020 = tpu.vector_load_idx %arg10[%add3A_987, %broadcast_in_dim3A_1019] : memref<128x16xf32, #tpu.memory_space<vmem>>[vector<16xi32>, vector<16xi32>], vector<16xf32>,
      %broadcast_in_dim3A_1021 = arith.constant 6 : i32
      %broadcast_in_dim3A_1022 = vector.broadcast %broadcast_in_dim3A_1021 : i32 to vector<16xi32>
      %gather3A_1023 = tpu.vector_load_idx %arg11[%add3A_987, %broadcast_in_dim3A_1022] : memref<128x16xf32, #tpu.memory_space<vmem>>[vector<16xi32>, vector<16xi32>], vector<16xf32>,
      %add3A_1024 = arith.addf %gather3A_1020, %gather3A_1023 : vector<16xf32>
      %mul3A_1025 = arith.constant 1.000000e-01 : f32
      %mul3A_1026 = vector.broadcast %mul3A_1025 : f32 to vector<16xf32>
      %mul3A_1027 = arith.mulf %mul3A_1026, %add3A_1024 : vector<16xf32>
      %max3A_1028 = arith.maximumf %add3A_1024, %mul3A_1027 : vector<16xf32>
      %exp3A_1029 = math.exp %max3A_1028 : vector<16xf32>
      %mul3A_1030 = arith.mulf %exp3A_1029, %bitcast3A_984 : vector<16xf32>
      %broadcast_in_dim3A_1031 = arith.constant 2 : i32
      %broadcast_in_dim3A_1032 = vector.broadcast %broadcast_in_dim3A_1031 : i32 to vector<16xi32>
      tpu.vector_store_idx %arg16[%add3A_987, %broadcast_in_dim3A_1032], %mul3A_1030 : memref<128x16xf32, #tpu.memory_space<vmem>>[vector<16xi32>, vector<16xi32>], vector<16xf32>,
      tpu.vector_store_idx %arg15[%add3A_987, %broadcast_in_dim3A_1032], %mul3A_1030 : memref<128x8xf32, #tpu.memory_space<vmem>>[vector<16xi32>, vector<16xi32>], vector<16xf32>,
      %broadcast_in_dim3A_1033 = arith.constant 3 : i32
      %broadcast_in_dim3A_1034 = vector.broadcast %broadcast_in_dim3A_1033 : i32 to vector<16xi32>
      %gather3A_1035 = tpu.vector_load_idx %arg10[%add3A_987, %broadcast_in_dim3A_1034] : memref<128x16xf32, #tpu.memory_space<vmem>>[vector<16xi32>, vector<16xi32>], vector<16xf32>,
      %broadcast_in_dim3A_1036 = arith.constant 7 : i32
      %broadcast_in_dim3A_1037 = vector.broadcast %broadcast_in_dim3A_1036 : i32 to vector<16xi32>
      %gather3A_1038 = tpu.vector_load_idx %arg11[%add3A_987, %broadcast_in_dim3A_1037] : memref<128x16xf32, #tpu.memory_space<vmem>>[vector<16xi32>, vector<16xi32>], vector<16xf32>,
      %add3A_1039 = arith.addf %gather3A_1035, %gather3A_1038 : vector<16xf32>
      %mul3A_1040 = arith.constant 1.000000e-01 : f32
      %mul3A_1041 = vector.broadcast %mul3A_1040 : f32 to vector<16xf32>
      %mul3A_1042 = arith.mulf %mul3A_1041, %add3A_1039 : vector<16xf32>
      %max3A_1043 = arith.maximumf %add3A_1039, %mul3A_1042 : vector<16xf32>
      %exp3A_1044 = math.exp %max3A_1043 : vector<16xf32>
      %mul3A_1045 = arith.mulf %exp3A_1044, %bitcast3A_984 : vector<16xf32>
      %broadcast_in_dim3A_1046 = arith.constant 3 : i32
      %broadcast_in_dim3A_1047 = vector.broadcast %broadcast_in_dim3A_1046 : i32 to vector<16xi32>
      tpu.vector_store_idx %arg16[%add3A_987, %broadcast_in_dim3A_1047], %mul3A_1045 : memref<128x16xf32, #tpu.memory_space<vmem>>[vector<16xi32>, vector<16xi32>], vector<16xf32>,
      tpu.vector_store_idx %arg15[%add3A_987, %broadcast_in_dim3A_1047], %mul3A_1045 : memref<128x8xf32, #tpu.memory_space<vmem>>[vector<16xi32>, vector<16xi32>], vector<16xf32>,
      %get3A_1048 = arith.constant 2 : i32
      %get3A_1049 = arith.index_cast %get3A_1048 : i32 to index
      %get3A_1050 = arith.constant 16 : index
      %get3A_1051 = tpu.vector_load %arg9[%get3A_1049, %get3A_1050] {strides = array<i32>} : memref<3x128xi32, #tpu.memory_space<vmem>>, vector<16xi32>,
      %bitcast3A_1052 = vector.bitcast %get3A_1051 : vector<16xi32> to vector<16xf32>
      %add3A_1053 = arith.constant 16 : i32
      %add3A_1054 = vector.broadcast %add3A_1053 : i32 to vector<16xi32>
      %add3A_1055 = arith.addi %iota3A, %add3A_1054 : vector<16xi32>
      %broadcast_in_dim3A_1056 = arith.constant 0 : i32
      %broadcast_in_dim3A_1057 = vector.broadcast %broadcast_in_dim3A_1056 : i32 to vector<16xi32>
      %gather3A_1058 = tpu.vector_load_idx %arg10[%add3A_1055, %broadcast_in_dim3A_1057] : memref<128x16xf32, #tpu.memory_space<vmem>>[vector<16xi32>, vector<16xi32>], vector<16xf32>,
      %broadcast_in_dim3A_1059 = arith.constant 4 : i32
      %broadcast_in_dim3A_1060 = vector.broadcast %broadcast_in_dim3A_1059 : i32 to vector<16xi32>
      %gather3A_1061 = tpu.vector_load_idx %arg11[%add3A_1055, %broadcast_in_dim3A_1060] : memref<128x16xf32, #tpu.memory_space<vmem>>[vector<16xi32>, vector<16xi32>], vector<16xf32>,
      %add3A_1062 = arith.addf %gather3A_1058, %gather3A_1061 : vector<16xf32>
      %mul3A_1063 = arith.constant 1.000000e-01 : f32
      %mul3A_1064 = vector.broadcast %mul3A_1063 : f32 to vector<16xf32>
      %mul3A_1065 = arith.mulf %mul3A_1064, %add3A_1062 : vector<16xf32>
      %max3A_1066 = arith.maximumf %add3A_1062, %mul3A_1065 : vector<16xf32>
      %exp3A_1067 = math.exp %max3A_1066 : vector<16xf32>
      %mul3A_1068 = arith.mulf %exp3A_1067, %bitcast3A_1052 : vector<16xf32>
      %broadcast_in_dim3A_1069 = arith.constant 0 : i32
      %broadcast_in_dim3A_1070 = vector.broadcast %broadcast_in_dim3A_1069 : i32 to vector<16xi32>
      tpu.vector_store_idx %arg16[%add3A_1055, %broadcast_in_dim3A_1070], %mul3A_1068 : memref<128x16xf32, #tpu.memory_space<vmem>>[vector<16xi32>, vector<16xi32>], vector<16xf32>,
      tpu.vector_store_idx %arg15[%add3A_1055, %broadcast_in_dim3A_1070], %mul3A_1068 : memref<128x8xf32, #tpu.memory_space<vmem>>[vector<16xi32>, vector<16xi32>], vector<16xf32>,
      %broadcast_in_dim3A_1071 = arith.constant 1 : i32
      %broadcast_in_dim3A_1072 = vector.broadcast %broadcast_in_dim3A_1071 : i32 to vector<16xi32>
      %gather3A_1073 = tpu.vector_load_idx %arg10[%add3A_1055, %broadcast_in_dim3A_1072] : memref<128x16xf32, #tpu.memory_space<vmem>>[vector<16xi32>, vector<16xi32>], vector<16xf32>,
      %broadcast_in_dim3A_1074 = arith.constant 5 : i32
      %broadcast_in_dim3A_1075 = vector.broadcast %broadcast_in_dim3A_1074 : i32 to vector<16xi32>
      %gather3A_1076 = tpu.vector_load_idx %arg11[%add3A_1055, %broadcast_in_dim3A_1075] : memref<128x16xf32, #tpu.memory_space<vmem>>[vector<16xi32>, vector<16xi32>], vector<16xf32>,
      %add3A_1077 = arith.addf %gather3A_1073, %gather3A_1076 : vector<16xf32>
      %mul3A_1078 = arith.constant 1.000000e-01 : f32
      %mul3A_1079 = vector.broadcast %mul3A_1078 : f32 to vector<16xf32>
      %mul3A_1080 = arith.mulf %mul3A_1079, %add3A_1077 : vector<16xf32>
      %max3A_1081 = arith.maximumf %add3A_1077, %mul3A_1080 : vector<16xf32>
      %exp3A_1082 = math.exp %max3A_1081 : vector<16xf32>
      %mul3A_1083 = arith.mulf %exp3A_1082, %bitcast3A_1052 : vector<16xf32>
      %broadcast_in_dim3A_1084 = arith.constant 1 : i32
      %broadcast_in_dim3A_1085 = vector.broadcast %broadcast_in_dim3A_1084 : i32 to vector<16xi32>
      tpu.vector_store_idx %arg16[%add3A_1055, %broadcast_in_dim3A_1085], %mul3A_1083 : memref<128x16xf32, #tpu.memory_space<vmem>>[vector<16xi32>, vector<16xi32>], vector<16xf32>,
      tpu.vector_store_idx %arg15[%add3A_1055, %broadcast_in_dim3A_1085], %mul3A_1083 : memref<128x8xf32, #tpu.memory_space<vmem>>[vector<16xi32>, vector<16xi32>], vector<16xf32>,
      %broadcast_in_dim3A_1086 = arith.constant 2 : i32
      %broadcast_in_dim3A_1087 = vector.broadcast %broadcast_in_dim3A_1086 : i32 to vector<16xi32>
      %gather3A_1088 = tpu.vector_load_idx %arg10[%add3A_1055, %broadcast_in_dim3A_1087] : memref<128x16xf32, #tpu.memory_space<vmem>>[vector<16xi32>, vector<16xi32>], vector<16xf32>,
      %broadcast_in_dim3A_1089 = arith.constant 6 : i32
      %broadcast_in_dim3A_1090 = vector.broadcast %broadcast_in_dim3A_1089 : i32 to vector<16xi32>
      %gather3A_1091 = tpu.vector_load_idx %arg11[%add3A_1055, %broadcast_in_dim3A_1090] : memref<128x16xf32, #tpu.memory_space<vmem>>[vector<16xi32>, vector<16xi32>], vector<16xf32>,
      %add3A_1092 = arith.addf %gather3A_1088, %gather3A_1091 : vector<16xf32>
      %mul3A_1093 = arith.constant 1.000000e-01 : f32
      %mul3A_1094 = vector.broadcast %mul3A_1093 : f32 to vector<16xf32>
      %mul3A_1095 = arith.mulf %mul3A_1094, %add3A_1092 : vector<16xf32>
      %max3A_1096 = arith.maximumf %add3A_1092, %mul3A_1095 : vector<16xf32>
      %exp3A_1097 = math.exp %max3A_1096 : vector<16xf32>
      %mul3A_1098 = arith.mulf %exp3A_1097, %bitcast3A_1052 : vector<16xf32>
      %broadcast_in_dim3A_1099 = arith.constant 2 : i32
      %broadcast_in_dim3A_1100 = vector.broadcast %broadcast_in_dim3A_1099 : i32 to vector<16xi32>
      tpu.vector_store_idx %arg16[%add3A_1055, %broadcast_in_dim3A_1100], %mul3A_1098 : memref<128x16xf32, #tpu.memory_space<vmem>>[vector<16xi32>, vector<16xi32>], vector<16xf32>,
      tpu.vector_store_idx %arg15[%add3A_1055, %broadcast_in_dim3A_1100], %mul3A_1098 : memref<128x8xf32, #tpu.memory_space<vmem>>[vector<16xi32>, vector<16xi32>], vector<16xf32>,
      %broadcast_in_dim3A_1101 = arith.constant 3 : i32
      %broadcast_in_dim3A_1102 = vector.broadcast %broadcast_in_dim3A_1101 : i32 to vector<16xi32>
      %gather3A_1103 = tpu.vector_load_idx %arg10[%add3A_1055, %broadcast_in_dim3A_1102] : memref<128x16xf32, #tpu.memory_space<vmem>>[vector<16xi32>, vector<16xi32>], vector<16xf32>,
      %broadcast_in_dim3A_1104 = arith.constant 7 : i32
      %broadcast_in_dim3A_1105 = vector.broadcast %broadcast_in_dim3A_1104 : i32 to vector<16xi32>
      %gather3A_1106 = tpu.vector_load_idx %arg11[%add3A_1055, %broadcast_in_dim3A_1105] : memref<128x16xf32, #tpu.memory_space<vmem>>[vector<16xi32>, vector<16xi32>], vector<16xf32>,
      %add3A_1107 = arith.addf %gather3A_1103, %gather3A_1106 : vector<16xf32>
      %mul3A_1108 = arith.constant 1.000000e-01 : f32
      %mul3A_1109 = vector.broadcast %mul3A_1108 : f32 to vector<16xf32>
      %mul3A_1110 = arith.mulf %mul3A_1109, %add3A_1107 : vector<16xf32>
      %max3A_1111 = arith.maximumf %add3A_1107, %mul3A_1110 : vector<16xf32>
      %exp3A_1112 = math.exp %max3A_1111 : vector<16xf32>
      %mul3A_1113 = arith.mulf %exp3A_1112, %bitcast3A_1052 : vector<16xf32>
      %broadcast_in_dim3A_1114 = arith.constant 3 : i32
      %broadcast_in_dim3A_1115 = vector.broadcast %broadcast_in_dim3A_1114 : i32 to vector<16xi32>
      tpu.vector_store_idx %arg16[%add3A_1055, %broadcast_in_dim3A_1115], %mul3A_1113 : memref<128x16xf32, #tpu.memory_space<vmem>>[vector<16xi32>, vector<16xi32>], vector<16xf32>,
      tpu.vector_store_idx %arg15[%add3A_1055, %broadcast_in_dim3A_1115], %mul3A_1113 : memref<128x8xf32, #tpu.memory_space<vmem>>[vector<16xi32>, vector<16xi32>], vector<16xf32>,
      %get3A_1116 = arith.constant 2 : i32
      %get3A_1117 = arith.index_cast %get3A_1116 : i32 to index
      %get3A_1118 = arith.constant 32 : index
      %get3A_1119 = tpu.vector_load %arg9[%get3A_1117, %get3A_1118] {strides = array<i32>} : memref<3x128xi32, #tpu.memory_space<vmem>>, vector<16xi32>,
      %bitcast3A_1120 = vector.bitcast %get3A_1119 : vector<16xi32> to vector<16xf32>
      %add3A_1121 = arith.constant 32 : i32
      %add3A_1122 = vector.broadcast %add3A_1121 : i32 to vector<16xi32>
      %add3A_1123 = arith.addi %iota3A, %add3A_1122 : vector<16xi32>
      %broadcast_in_dim3A_1124 = arith.constant 0 : i32
      %broadcast_in_dim3A_1125 = vector.broadcast %broadcast_in_dim3A_1124 : i32 to vector<16xi32>
      %gather3A_1126 = tpu.vector_load_idx %arg10[%add3A_1123, %broadcast_in_dim3A_1125] : memref<128x16xf32, #tpu.memory_space<vmem>>[vector<16xi32>, vector<16xi32>], vector<16xf32>,
      %broadcast_in_dim3A_1127 = arith.constant 4 : i32
      %broadcast_in_dim3A_1128 = vector.broadcast %broadcast_in_dim3A_1127 : i32 to vector<16xi32>
      %gather3A_1129 = tpu.vector_load_idx %arg11[%add3A_1123, %broadcast_in_dim3A_1128] : memref<128x16xf32, #tpu.memory_space<vmem>>[vector<16xi32>, vector<16xi32>], vector<16xf32>,
      %add3A_1130 = arith.addf %gather3A_1126, %gather3A_1129 : vector<16xf32>
      %mul3A_1131 = arith.constant 1.000000e-01 : f32
      %mul3A_1132 = vector.broadcast %mul3A_1131 : f32 to vector<16xf32>
      %mul3A_1133 = arith.mulf %mul3A_1132, %add3A_1130 : vector<16xf32>
      %max3A_1134 = arith.maximumf %add3A_1130, %mul3A_1133 : vector<16xf32>
      %exp3A_1135 = math.exp %max3A_1134 : vector<16xf32>
      %mul3A_1136 = arith.mulf %exp3A_1135, %bitcast3A_1120 : vector<16xf32>
      %broadcast_in_dim3A_1137 = arith.constant 0 : i32
      %broadcast_in_dim3A_1138 = vector.broadcast %broadcast_in_dim3A_1137 : i32 to vector<16xi32>
      tpu.vector_store_idx %arg16[%add3A_1123, %broadcast_in_dim3A_1138], %mul3A_1136 : memref<128x16xf32, #tpu.memory_space<vmem>>[vector<16xi32>, vector<16xi32>], vector<16xf32>,
      tpu.vector_store_idx %arg15[%add3A_1123, %broadcast_in_dim3A_1138], %mul3A_1136 : memref<128x8xf32, #tpu.memory_space<vmem>>[vector<16xi32>, vector<16xi32>], vector<16xf32>,
      %broadcast_in_dim3A_1139 = arith.constant 1 : i32
      %broadcast_in_dim3A_1140 = vector.broadcast %broadcast_in_dim3A_1139 : i32 to vector<16xi32>
      %gather3A_1141 = tpu.vector_load_idx %arg10[%add3A_1123, %broadcast_in_dim3A_1140] : memref<128x16xf32, #tpu.memory_space<vmem>>[vector<16xi32>, vector<16xi32>], vector<16xf32>,
      %broadcast_in_dim3A_1142 = arith.constant 5 : i32
      %broadcast_in_dim3A_1143 = vector.broadcast %broadcast_in_dim3A_1142 : i32 to vector<16xi32>
      %gather3A_1144 = tpu.vector_load_idx %arg11[%add3A_1123, %broadcast_in_dim3A_1143] : memref<128x16xf32, #tpu.memory_space<vmem>>[vector<16xi32>, vector<16xi32>], vector<16xf32>,
      %add3A_1145 = arith.addf %gather3A_1141, %gather3A_1144 : vector<16xf32>
      %mul3A_1146 = arith.constant 1.000000e-01 : f32
      %mul3A_1147 = vector.broadcast %mul3A_1146 : f32 to vector<16xf32>
      %mul3A_1148 = arith.mulf %mul3A_1147, %add3A_1145 : vector<16xf32>
      %max3A_1149 = arith.maximumf %add3A_1145, %mul3A_1148 : vector<16xf32>
      %exp3A_1150 = math.exp %max3A_1149 : vector<16xf32>
      %mul3A_1151 = arith.mulf %exp3A_1150, %bitcast3A_1120 : vector<16xf32>
      %broadcast_in_dim3A_1152 = arith.constant 1 : i32
      %broadcast_in_dim3A_1153 = vector.broadcast %broadcast_in_dim3A_1152 : i32 to vector<16xi32>
      tpu.vector_store_idx %arg16[%add3A_1123, %broadcast_in_dim3A_1153], %mul3A_1151 : memref<128x16xf32, #tpu.memory_space<vmem>>[vector<16xi32>, vector<16xi32>], vector<16xf32>,
      tpu.vector_store_idx %arg15[%add3A_1123, %broadcast_in_dim3A_1153], %mul3A_1151 : memref<128x8xf32, #tpu.memory_space<vmem>>[vector<16xi32>, vector<16xi32>], vector<16xf32>,
      %broadcast_in_dim3A_1154 = arith.constant 2 : i32
      %broadcast_in_dim3A_1155 = vector.broadcast %broadcast_in_dim3A_1154 : i32 to vector<16xi32>
      %gather3A_1156 = tpu.vector_load_idx %arg10[%add3A_1123, %broadcast_in_dim3A_1155] : memref<128x16xf32, #tpu.memory_space<vmem>>[vector<16xi32>, vector<16xi32>], vector<16xf32>,
      %broadcast_in_dim3A_1157 = arith.constant 6 : i32
      %broadcast_in_dim3A_1158 = vector.broadcast %broadcast_in_dim3A_1157 : i32 to vector<16xi32>
      %gather3A_1159 = tpu.vector_load_idx %arg11[%add3A_1123, %broadcast_in_dim3A_1158] : memref<128x16xf32, #tpu.memory_space<vmem>>[vector<16xi32>, vector<16xi32>], vector<16xf32>,
      %add3A_1160 = arith.addf %gather3A_1156, %gather3A_1159 : vector<16xf32>
      %mul3A_1161 = arith.constant 1.000000e-01 : f32
      %mul3A_1162 = vector.broadcast %mul3A_1161 : f32 to vector<16xf32>
      %mul3A_1163 = arith.mulf %mul3A_1162, %add3A_1160 : vector<16xf32>
      %max3A_1164 = arith.maximumf %add3A_1160, %mul3A_1163 : vector<16xf32>
      %exp3A_1165 = math.exp %max3A_1164 : vector<16xf32>
      %mul3A_1166 = arith.mulf %exp3A_1165, %bitcast3A_1120 : vector<16xf32>
      %broadcast_in_dim3A_1167 = arith.constant 2 : i32
      %broadcast_in_dim3A_1168 = vector.broadcast %broadcast_in_dim3A_1167 : i32 to vector<16xi32>
      tpu.vector_store_idx %arg16[%add3A_1123, %broadcast_in_dim3A_1168], %mul3A_1166 : memref<128x16xf32, #tpu.memory_space<vmem>>[vector<16xi32>, vector<16xi32>], vector<16xf32>,
      tpu.vector_store_idx %arg15[%add3A_1123, %broadcast_in_dim3A_1168], %mul3A_1166 : memref<128x8xf32, #tpu.memory_space<vmem>>[vector<16xi32>, vector<16xi32>], vector<16xf32>,
      %broadcast_in_dim3A_1169 = arith.constant 3 : i32
      %broadcast_in_dim3A_1170 = vector.broadcast %broadcast_in_dim3A_1169 : i32 to vector<16xi32>
      %gather3A_1171 = tpu.vector_load_idx %arg10[%add3A_1123, %broadcast_in_dim3A_1170] : memref<128x16xf32, #tpu.memory_space<vmem>>[vector<16xi32>, vector<16xi32>], vector<16xf32>,
      %broadcast_in_dim3A_1172 = arith.constant 7 : i32
      %broadcast_in_dim3A_1173 = vector.broadcast %broadcast_in_dim3A_1172 : i32 to vector<16xi32>
      %gather3A_1174 = tpu.vector_load_idx %arg11[%add3A_1123, %broadcast_in_dim3A_1173] : memref<128x16xf32, #tpu.memory_space<vmem>>[vector<16xi32>, vector<16xi32>], vector<16xf32>,
      %add3A_1175 = arith.addf %gather3A_1171, %gather3A_1174 : vector<16xf32>
      %mul3A_1176 = arith.constant 1.000000e-01 : f32
      %mul3A_1177 = vector.broadcast %mul3A_1176 : f32 to vector<16xf32>
      %mul3A_1178 = arith.mulf %mul3A_1177, %add3A_1175 : vector<16xf32>
      %max3A_1179 = arith.maximumf %add3A_1175, %mul3A_1178 : vector<16xf32>
      %exp3A_1180 = math.exp %max3A_1179 : vector<16xf32>
      %mul3A_1181 = arith.mulf %exp3A_1180, %bitcast3A_1120 : vector<16xf32>
      %broadcast_in_dim3A_1182 = arith.constant 3 : i32
      %broadcast_in_dim3A_1183 = vector.broadcast %broadcast_in_dim3A_1182 : i32 to vector<16xi32>
      tpu.vector_store_idx %arg16[%add3A_1123, %broadcast_in_dim3A_1183], %mul3A_1181 : memref<128x16xf32, #tpu.memory_space<vmem>>[vector<16xi32>, vector<16xi32>], vector<16xf32>,
      tpu.vector_store_idx %arg15[%add3A_1123, %broadcast_in_dim3A_1183], %mul3A_1181 : memref<128x8xf32, #tpu.memory_space<vmem>>[vector<16xi32>, vector<16xi32>], vector<16xf32>,
      %get3A_1184 = arith.constant 2 : i32
      %get3A_1185 = arith.index_cast %get3A_1184 : i32 to index
      %get3A_1186 = arith.constant 48 : index
      %get3A_1187 = tpu.vector_load %arg9[%get3A_1185, %get3A_1186] {strides = array<i32>} : memref<3x128xi32, #tpu.memory_space<vmem>>, vector<16xi32>,
      %bitcast3A_1188 = vector.bitcast %get3A_1187 : vector<16xi32> to vector<16xf32>
      %add3A_1189 = arith.constant 48 : i32
      %add3A_1190 = vector.broadcast %add3A_1189 : i32 to vector<16xi32>
      %add3A_1191 = arith.addi %iota3A, %add3A_1190 : vector<16xi32>
      %broadcast_in_dim3A_1192 = arith.constant 0 : i32
      %broadcast_in_dim3A_1193 = vector.broadcast %broadcast_in_dim3A_1192 : i32 to vector<16xi32>
      %gather3A_1194 = tpu.vector_load_idx %arg10[%add3A_1191, %broadcast_in_dim3A_1193] : memref<128x16xf32, #tpu.memory_space<vmem>>[vector<16xi32>, vector<16xi32>], vector<16xf32>,
      %broadcast_in_dim3A_1195 = arith.constant 4 : i32
      %broadcast_in_dim3A_1196 = vector.broadcast %broadcast_in_dim3A_1195 : i32 to vector<16xi32>
      %gather3A_1197 = tpu.vector_load_idx %arg11[%add3A_1191, %broadcast_in_dim3A_1196] : memref<128x16xf32, #tpu.memory_space<vmem>>[vector<16xi32>, vector<16xi32>], vector<16xf32>,
      %add3A_1198 = arith.addf %gather3A_1194, %gather3A_1197 : vector<16xf32>
      %mul3A_1199 = arith.constant 1.000000e-01 : f32
      %mul3A_1200 = vector.broadcast %mul3A_1199 : f32 to vector<16xf32>
      %mul3A_1201 = arith.mulf %mul3A_1200, %add3A_1198 : vector<16xf32>
      %max3A_1202 = arith.maximumf %add3A_1198, %mul3A_1201 : vector<16xf32>
      %exp3A_1203 = math.exp %max3A_1202 : vector<16xf32>
      %mul3A_1204 = arith.mulf %exp3A_1203, %bitcast3A_1188 : vector<16xf32>
      %broadcast_in_dim3A_1205 = arith.constant 0 : i32
      %broadcast_in_dim3A_1206 = vector.broadcast %broadcast_in_dim3A_1205 : i32 to vector<16xi32>
      tpu.vector_store_idx %arg16[%add3A_1191, %broadcast_in_dim3A_1206], %mul3A_1204 : memref<128x16xf32, #tpu.memory_space<vmem>>[vector<16xi32>, vector<16xi32>], vector<16xf32>,
      tpu.vector_store_idx %arg15[%add3A_1191, %broadcast_in_dim3A_1206], %mul3A_1204 : memref<128x8xf32, #tpu.memory_space<vmem>>[vector<16xi32>, vector<16xi32>], vector<16xf32>,
      %broadcast_in_dim3A_1207 = arith.constant 1 : i32
      %broadcast_in_dim3A_1208 = vector.broadcast %broadcast_in_dim3A_1207 : i32 to vector<16xi32>
      %gather3A_1209 = tpu.vector_load_idx %arg10[%add3A_1191, %broadcast_in_dim3A_1208] : memref<128x16xf32, #tpu.memory_space<vmem>>[vector<16xi32>, vector<16xi32>], vector<16xf32>,
      %broadcast_in_dim3A_1210 = arith.constant 5 : i32
      %broadcast_in_dim3A_1211 = vector.broadcast %broadcast_in_dim3A_1210 : i32 to vector<16xi32>
      %gather3A_1212 = tpu.vector_load_idx %arg11[%add3A_1191, %broadcast_in_dim3A_1211] : memref<128x16xf32, #tpu.memory_space<vmem>>[vector<16xi32>, vector<16xi32>], vector<16xf32>,
      %add3A_1213 = arith.addf %gather3A_1209, %gather3A_1212 : vector<16xf32>
      %mul3A_1214 = arith.constant 1.000000e-01 : f32
      %mul3A_1215 = vector.broadcast %mul3A_1214 : f32 to vector<16xf32>
      %mul3A_1216 = arith.mulf %mul3A_1215, %add3A_1213 : vector<16xf32>
      %max3A_1217 = arith.maximumf %add3A_1213, %mul3A_1216 : vector<16xf32>
      %exp3A_1218 = math.exp %max3A_1217 : vector<16xf32>
      %mul3A_1219 = arith.mulf %exp3A_1218, %bitcast3A_1188 : vector<16xf32>
      %broadcast_in_dim3A_1220 = arith.constant 1 : i32
      %broadcast_in_dim3A_1221 = vector.broadcast %broadcast_in_dim3A_1220 : i32 to vector<16xi32>
      tpu.vector_store_idx %arg16[%add3A_1191, %broadcast_in_dim3A_1221], %mul3A_1219 : memref<128x16xf32, #tpu.memory_space<vmem>>[vector<16xi32>, vector<16xi32>], vector<16xf32>,
      tpu.vector_store_idx %arg15[%add3A_1191, %broadcast_in_dim3A_1221], %mul3A_1219 : memref<128x8xf32, #tpu.memory_space<vmem>>[vector<16xi32>, vector<16xi32>], vector<16xf32>,
      %broadcast_in_dim3A_1222 = arith.constant 2 : i32
      %broadcast_in_dim3A_1223 = vector.broadcast %broadcast_in_dim3A_1222 : i32 to vector<16xi32>
      %gather3A_1224 = tpu.vector_load_idx %arg10[%add3A_1191, %broadcast_in_dim3A_1223] : memref<128x16xf32, #tpu.memory_space<vmem>>[vector<16xi32>, vector<16xi32>], vector<16xf32>,
      %broadcast_in_dim3A_1225 = arith.constant 6 : i32
      %broadcast_in_dim3A_1226 = vector.broadcast %broadcast_in_dim3A_1225 : i32 to vector<16xi32>
      %gather3A_1227 = tpu.vector_load_idx %arg11[%add3A_1191, %broadcast_in_dim3A_1226] : memref<128x16xf32, #tpu.memory_space<vmem>>[vector<16xi32>, vector<16xi32>], vector<16xf32>,
      %add3A_1228 = arith.addf %gather3A_1224, %gather3A_1227 : vector<16xf32>
      %mul3A_1229 = arith.constant 1.000000e-01 : f32
      %mul3A_1230 = vector.broadcast %mul3A_1229 : f32 to vector<16xf32>
      %mul3A_1231 = arith.mulf %mul3A_1230, %add3A_1228 : vector<16xf32>
      %max3A_1232 = arith.maximumf %add3A_1228, %mul3A_1231 : vector<16xf32>
      %exp3A_1233 = math.exp %max3A_1232 : vector<16xf32>
      %mul3A_1234 = arith.mulf %exp3A_1233, %bitcast3A_1188 : vector<16xf32>
      %broadcast_in_dim3A_1235 = arith.constant 2 : i32
      %broadcast_in_dim3A_1236 = vector.broadcast %broadcast_in_dim3A_1235 : i32 to vector<16xi32>
      tpu.vector_store_idx %arg16[%add3A_1191, %broadcast_in_dim3A_1236], %mul3A_1234 : memref<128x16xf32, #tpu.memory_space<vmem>>[vector<16xi32>, vector<16xi32>], vector<16xf32>,
      tpu.vector_store_idx %arg15[%add3A_1191, %broadcast_in_dim3A_1236], %mul3A_1234 : memref<128x8xf32, #tpu.memory_space<vmem>>[vector<16xi32>, vector<16xi32>], vector<16xf32>,
      %broadcast_in_dim3A_1237 = arith.constant 3 : i32
      %broadcast_in_dim3A_1238 = vector.broadcast %broadcast_in_dim3A_1237 : i32 to vector<16xi32>
      %gather3A_1239 = tpu.vector_load_idx %arg10[%add3A_1191, %broadcast_in_dim3A_1238] : memref<128x16xf32, #tpu.memory_space<vmem>>[vector<16xi32>, vector<16xi32>], vector<16xf32>,
      %broadcast_in_dim3A_1240 = arith.constant 7 : i32
      %broadcast_in_dim3A_1241 = vector.broadcast %broadcast_in_dim3A_1240 : i32 to vector<16xi32>
      %gather3A_1242 = tpu.vector_load_idx %arg11[%add3A_1191, %broadcast_in_dim3A_1241] : memref<128x16xf32, #tpu.memory_space<vmem>>[vector<16xi32>, vector<16xi32>], vector<16xf32>,
      %add3A_1243 = arith.addf %gather3A_1239, %gather3A_1242 : vector<16xf32>
      %mul3A_1244 = arith.constant 1.000000e-01 : f32
      %mul3A_1245 = vector.broadcast %mul3A_1244 : f32 to vector<16xf32>
      %mul3A_1246 = arith.mulf %mul3A_1245, %add3A_1243 : vector<16xf32>
      %max3A_1247 = arith.maximumf %add3A_1243, %mul3A_1246 : vector<16xf32>
      %exp3A_1248 = math.exp %max3A_1247 : vector<16xf32>
      %mul3A_1249 = arith.mulf %exp3A_1248, %bitcast3A_1188 : vector<16xf32>
      %broadcast_in_dim3A_1250 = arith.constant 3 : i32
      %broadcast_in_dim3A_1251 = vector.broadcast %broadcast_in_dim3A_1250 : i32 to vector<16xi32>
      tpu.vector_store_idx %arg16[%add3A_1191, %broadcast_in_dim3A_1251], %mul3A_1249 : memref<128x16xf32, #tpu.memory_space<vmem>>[vector<16xi32>, vector<16xi32>], vector<16xf32>,
      tpu.vector_store_idx %arg15[%add3A_1191, %broadcast_in_dim3A_1251], %mul3A_1249 : memref<128x8xf32, #tpu.memory_space<vmem>>[vector<16xi32>, vector<16xi32>], vector<16xf32>,
      %get3A_1252 = arith.constant 2 : i32
      %get3A_1253 = arith.index_cast %get3A_1252 : i32 to index
      %get3A_1254 = arith.constant 64 : index
      %get3A_1255 = tpu.vector_load %arg9[%get3A_1253, %get3A_1254] {strides = array<i32>} : memref<3x128xi32, #tpu.memory_space<vmem>>, vector<16xi32>,
      %bitcast3A_1256 = vector.bitcast %get3A_1255 : vector<16xi32> to vector<16xf32>
      %add3A_1257 = arith.constant 64 : i32
      %add3A_1258 = vector.broadcast %add3A_1257 : i32 to vector<16xi32>
      %add3A_1259 = arith.addi %iota3A, %add3A_1258 : vector<16xi32>
      %broadcast_in_dim3A_1260 = arith.constant 0 : i32
      %broadcast_in_dim3A_1261 = vector.broadcast %broadcast_in_dim3A_1260 : i32 to vector<16xi32>
      %gather3A_1262 = tpu.vector_load_idx %arg10[%add3A_1259, %broadcast_in_dim3A_1261] : memref<128x16xf32, #tpu.memory_space<vmem>>[vector<16xi32>, vector<16xi32>], vector<16xf32>,
      %broadcast_in_dim3A_1263 = arith.constant 4 : i32
      %broadcast_in_dim3A_1264 = vector.broadcast %broadcast_in_dim3A_1263 : i32 to vector<16xi32>
      %gather3A_1265 = tpu.vector_load_idx %arg11[%add3A_1259, %broadcast_in_dim3A_1264] : memref<128x16xf32, #tpu.memory_space<vmem>>[vector<16xi32>, vector<16xi32>], vector<16xf32>,
      %add3A_1266 = arith.addf %gather3A_1262, %gather3A_1265 : vector<16xf32>
      %mul3A_1267 = arith.constant 1.000000e-01 : f32
      %mul3A_1268 = vector.broadcast %mul3A_1267 : f32 to vector<16xf32>
      %mul3A_1269 = arith.mulf %mul3A_1268, %add3A_1266 : vector<16xf32>
      %max3A_1270 = arith.maximumf %add3A_1266, %mul3A_1269 : vector<16xf32>
      %exp3A_1271 = math.exp %max3A_1270 : vector<16xf32>
      %mul3A_1272 = arith.mulf %exp3A_1271, %bitcast3A_1256 : vector<16xf32>
      %broadcast_in_dim3A_1273 = arith.constant 0 : i32
      %broadcast_in_dim3A_1274 = vector.broadcast %broadcast_in_dim3A_1273 : i32 to vector<16xi32>
      tpu.vector_store_idx %arg16[%add3A_1259, %broadcast_in_dim3A_1274], %mul3A_1272 : memref<128x16xf32, #tpu.memory_space<vmem>>[vector<16xi32>, vector<16xi32>], vector<16xf32>,
      tpu.vector_store_idx %arg15[%add3A_1259, %broadcast_in_dim3A_1274], %mul3A_1272 : memref<128x8xf32, #tpu.memory_space<vmem>>[vector<16xi32>, vector<16xi32>], vector<16xf32>,
      %broadcast_in_dim3A_1275 = arith.constant 1 : i32
      %broadcast_in_dim3A_1276 = vector.broadcast %broadcast_in_dim3A_1275 : i32 to vector<16xi32>
      %gather3A_1277 = tpu.vector_load_idx %arg10[%add3A_1259, %broadcast_in_dim3A_1276] : memref<128x16xf32, #tpu.memory_space<vmem>>[vector<16xi32>, vector<16xi32>], vector<16xf32>,
      %broadcast_in_dim3A_1278 = arith.constant 5 : i32
      %broadcast_in_dim3A_1279 = vector.broadcast %broadcast_in_dim3A_1278 : i32 to vector<16xi32>
      %gather3A_1280 = tpu.vector_load_idx %arg11[%add3A_1259, %broadcast_in_dim3A_1279] : memref<128x16xf32, #tpu.memory_space<vmem>>[vector<16xi32>, vector<16xi32>], vector<16xf32>,
      %add3A_1281 = arith.addf %gather3A_1277, %gather3A_1280 : vector<16xf32>
      %mul3A_1282 = arith.constant 1.000000e-01 : f32
      %mul3A_1283 = vector.broadcast %mul3A_1282 : f32 to vector<16xf32>
      %mul3A_1284 = arith.mulf %mul3A_1283, %add3A_1281 : vector<16xf32>
      %max3A_1285 = arith.maximumf %add3A_1281, %mul3A_1284 : vector<16xf32>
      %exp3A_1286 = math.exp %max3A_1285 : vector<16xf32>
      %mul3A_1287 = arith.mulf %exp3A_1286, %bitcast3A_1256 : vector<16xf32>
      %broadcast_in_dim3A_1288 = arith.constant 1 : i32
      %broadcast_in_dim3A_1289 = vector.broadcast %broadcast_in_dim3A_1288 : i32 to vector<16xi32>
      tpu.vector_store_idx %arg16[%add3A_1259, %broadcast_in_dim3A_1289], %mul3A_1287 : memref<128x16xf32, #tpu.memory_space<vmem>>[vector<16xi32>, vector<16xi32>], vector<16xf32>,
      tpu.vector_store_idx %arg15[%add3A_1259, %broadcast_in_dim3A_1289], %mul3A_1287 : memref<128x8xf32, #tpu.memory_space<vmem>>[vector<16xi32>, vector<16xi32>], vector<16xf32>,
      %broadcast_in_dim3A_1290 = arith.constant 2 : i32
      %broadcast_in_dim3A_1291 = vector.broadcast %broadcast_in_dim3A_1290 : i32 to vector<16xi32>
      %gather3A_1292 = tpu.vector_load_idx %arg10[%add3A_1259, %broadcast_in_dim3A_1291] : memref<128x16xf32, #tpu.memory_space<vmem>>[vector<16xi32>, vector<16xi32>], vector<16xf32>,
      %broadcast_in_dim3A_1293 = arith.constant 6 : i32
      %broadcast_in_dim3A_1294 = vector.broadcast %broadcast_in_dim3A_1293 : i32 to vector<16xi32>
      %gather3A_1295 = tpu.vector_load_idx %arg11[%add3A_1259, %broadcast_in_dim3A_1294] : memref<128x16xf32, #tpu.memory_space<vmem>>[vector<16xi32>, vector<16xi32>], vector<16xf32>,
      %add3A_1296 = arith.addf %gather3A_1292, %gather3A_1295 : vector<16xf32>
      %mul3A_1297 = arith.constant 1.000000e-01 : f32
      %mul3A_1298 = vector.broadcast %mul3A_1297 : f32 to vector<16xf32>
      %mul3A_1299 = arith.mulf %mul3A_1298, %add3A_1296 : vector<16xf32>
      %max3A_1300 = arith.maximumf %add3A_1296, %mul3A_1299 : vector<16xf32>
      %exp3A_1301 = math.exp %max3A_1300 : vector<16xf32>
      %mul3A_1302 = arith.mulf %exp3A_1301, %bitcast3A_1256 : vector<16xf32>
      %broadcast_in_dim3A_1303 = arith.constant 2 : i32
      %broadcast_in_dim3A_1304 = vector.broadcast %broadcast_in_dim3A_1303 : i32 to vector<16xi32>
      tpu.vector_store_idx %arg16[%add3A_1259, %broadcast_in_dim3A_1304], %mul3A_1302 : memref<128x16xf32, #tpu.memory_space<vmem>>[vector<16xi32>, vector<16xi32>], vector<16xf32>,
      tpu.vector_store_idx %arg15[%add3A_1259, %broadcast_in_dim3A_1304], %mul3A_1302 : memref<128x8xf32, #tpu.memory_space<vmem>>[vector<16xi32>, vector<16xi32>], vector<16xf32>,
      %broadcast_in_dim3A_1305 = arith.constant 3 : i32
      %broadcast_in_dim3A_1306 = vector.broadcast %broadcast_in_dim3A_1305 : i32 to vector<16xi32>
      %gather3A_1307 = tpu.vector_load_idx %arg10[%add3A_1259, %broadcast_in_dim3A_1306] : memref<128x16xf32, #tpu.memory_space<vmem>>[vector<16xi32>, vector<16xi32>], vector<16xf32>,
      %broadcast_in_dim3A_1308 = arith.constant 7 : i32
      %broadcast_in_dim3A_1309 = vector.broadcast %broadcast_in_dim3A_1308 : i32 to vector<16xi32>
      %gather3A_1310 = tpu.vector_load_idx %arg11[%add3A_1259, %broadcast_in_dim3A_1309] : memref<128x16xf32, #tpu.memory_space<vmem>>[vector<16xi32>, vector<16xi32>], vector<16xf32>,
      %add3A_1311 = arith.addf %gather3A_1307, %gather3A_1310 : vector<16xf32>
      %mul3A_1312 = arith.constant 1.000000e-01 : f32
      %mul3A_1313 = vector.broadcast %mul3A_1312 : f32 to vector<16xf32>
      %mul3A_1314 = arith.mulf %mul3A_1313, %add3A_1311 : vector<16xf32>
      %max3A_1315 = arith.maximumf %add3A_1311, %mul3A_1314 : vector<16xf32>
      %exp3A_1316 = math.exp %max3A_1315 : vector<16xf32>
      %mul3A_1317 = arith.mulf %exp3A_1316, %bitcast3A_1256 : vector<16xf32>
      %broadcast_in_dim3A_1318 = arith.constant 3 : i32
      %broadcast_in_dim3A_1319 = vector.broadcast %broadcast_in_dim3A_1318 : i32 to vector<16xi32>
      tpu.vector_store_idx %arg16[%add3A_1259, %broadcast_in_dim3A_1319], %mul3A_1317 : memref<128x16xf32, #tpu.memory_space<vmem>>[vector<16xi32>, vector<16xi32>], vector<16xf32>,
      tpu.vector_store_idx %arg15[%add3A_1259, %broadcast_in_dim3A_1319], %mul3A_1317 : memref<128x8xf32, #tpu.memory_space<vmem>>[vector<16xi32>, vector<16xi32>], vector<16xf32>,
      %get3A_1320 = arith.constant 2 : i32
      %get3A_1321 = arith.index_cast %get3A_1320 : i32 to index
      %get3A_1322 = arith.constant 80 : index
      %get3A_1323 = tpu.vector_load %arg9[%get3A_1321, %get3A_1322] {strides = array<i32>} : memref<3x128xi32, #tpu.memory_space<vmem>>, vector<16xi32>,
      %bitcast3A_1324 = vector.bitcast %get3A_1323 : vector<16xi32> to vector<16xf32>
      %add3A_1325 = arith.constant 80 : i32
      %add3A_1326 = vector.broadcast %add3A_1325 : i32 to vector<16xi32>
      %add3A_1327 = arith.addi %iota3A, %add3A_1326 : vector<16xi32>
      %broadcast_in_dim3A_1328 = arith.constant 0 : i32
      %broadcast_in_dim3A_1329 = vector.broadcast %broadcast_in_dim3A_1328 : i32 to vector<16xi32>
      %gather3A_1330 = tpu.vector_load_idx %arg10[%add3A_1327, %broadcast_in_dim3A_1329] : memref<128x16xf32, #tpu.memory_space<vmem>>[vector<16xi32>, vector<16xi32>], vector<16xf32>,
      %broadcast_in_dim3A_1331 = arith.constant 4 : i32
      %broadcast_in_dim3A_1332 = vector.broadcast %broadcast_in_dim3A_1331 : i32 to vector<16xi32>
      %gather3A_1333 = tpu.vector_load_idx %arg11[%add3A_1327, %broadcast_in_dim3A_1332] : memref<128x16xf32, #tpu.memory_space<vmem>>[vector<16xi32>, vector<16xi32>], vector<16xf32>,
      %add3A_1334 = arith.addf %gather3A_1330, %gather3A_1333 : vector<16xf32>
      %mul3A_1335 = arith.constant 1.000000e-01 : f32
      %mul3A_1336 = vector.broadcast %mul3A_1335 : f32 to vector<16xf32>
      %mul3A_1337 = arith.mulf %mul3A_1336, %add3A_1334 : vector<16xf32>
      %max3A_1338 = arith.maximumf %add3A_1334, %mul3A_1337 : vector<16xf32>
      %exp3A_1339 = math.exp %max3A_1338 : vector<16xf32>
      %mul3A_1340 = arith.mulf %exp3A_1339, %bitcast3A_1324 : vector<16xf32>
      %broadcast_in_dim3A_1341 = arith.constant 0 : i32
      %broadcast_in_dim3A_1342 = vector.broadcast %broadcast_in_dim3A_1341 : i32 to vector<16xi32>
      tpu.vector_store_idx %arg16[%add3A_1327, %broadcast_in_dim3A_1342], %mul3A_1340 : memref<128x16xf32, #tpu.memory_space<vmem>>[vector<16xi32>, vector<16xi32>], vector<16xf32>,
      tpu.vector_store_idx %arg15[%add3A_1327, %broadcast_in_dim3A_1342], %mul3A_1340 : memref<128x8xf32, #tpu.memory_space<vmem>>[vector<16xi32>, vector<16xi32>], vector<16xf32>,
      %broadcast_in_dim3A_1343 = arith.constant 1 : i32
      %broadcast_in_dim3A_1344 = vector.broadcast %broadcast_in_dim3A_1343 : i32 to vector<16xi32>
      %gather3A_1345 = tpu.vector_load_idx %arg10[%add3A_1327, %broadcast_in_dim3A_1344] : memref<128x16xf32, #tpu.memory_space<vmem>>[vector<16xi32>, vector<16xi32>], vector<16xf32>,
      %broadcast_in_dim3A_1346 = arith.constant 5 : i32
      %broadcast_in_dim3A_1347 = vector.broadcast %broadcast_in_dim3A_1346 : i32 to vector<16xi32>
      %gather3A_1348 = tpu.vector_load_idx %arg11[%add3A_1327, %broadcast_in_dim3A_1347] : memref<128x16xf32, #tpu.memory_space<vmem>>[vector<16xi32>, vector<16xi32>], vector<16xf32>,
      %add3A_1349 = arith.addf %gather3A_1345, %gather3A_1348 : vector<16xf32>
      %mul3A_1350 = arith.constant 1.000000e-01 : f32
      %mul3A_1351 = vector.broadcast %mul3A_1350 : f32 to vector<16xf32>
      %mul3A_1352 = arith.mulf %mul3A_1351, %add3A_1349 : vector<16xf32>
      %max3A_1353 = arith.maximumf %add3A_1349, %mul3A_1352 : vector<16xf32>
      %exp3A_1354 = math.exp %max3A_1353 : vector<16xf32>
      %mul3A_1355 = arith.mulf %exp3A_1354, %bitcast3A_1324 : vector<16xf32>
      %broadcast_in_dim3A_1356 = arith.constant 1 : i32
      %broadcast_in_dim3A_1357 = vector.broadcast %broadcast_in_dim3A_1356 : i32 to vector<16xi32>
      tpu.vector_store_idx %arg16[%add3A_1327, %broadcast_in_dim3A_1357], %mul3A_1355 : memref<128x16xf32, #tpu.memory_space<vmem>>[vector<16xi32>, vector<16xi32>], vector<16xf32>,
      tpu.vector_store_idx %arg15[%add3A_1327, %broadcast_in_dim3A_1357], %mul3A_1355 : memref<128x8xf32, #tpu.memory_space<vmem>>[vector<16xi32>, vector<16xi32>], vector<16xf32>,
      %broadcast_in_dim3A_1358 = arith.constant 2 : i32
      %broadcast_in_dim3A_1359 = vector.broadcast %broadcast_in_dim3A_1358 : i32 to vector<16xi32>
      %gather3A_1360 = tpu.vector_load_idx %arg10[%add3A_1327, %broadcast_in_dim3A_1359] : memref<128x16xf32, #tpu.memory_space<vmem>>[vector<16xi32>, vector<16xi32>], vector<16xf32>,
      %broadcast_in_dim3A_1361 = arith.constant 6 : i32
      %broadcast_in_dim3A_1362 = vector.broadcast %broadcast_in_dim3A_1361 : i32 to vector<16xi32>
      %gather3A_1363 = tpu.vector_load_idx %arg11[%add3A_1327, %broadcast_in_dim3A_1362] : memref<128x16xf32, #tpu.memory_space<vmem>>[vector<16xi32>, vector<16xi32>], vector<16xf32>,
      %add3A_1364 = arith.addf %gather3A_1360, %gather3A_1363 : vector<16xf32>
      %mul3A_1365 = arith.constant 1.000000e-01 : f32
      %mul3A_1366 = vector.broadcast %mul3A_1365 : f32 to vector<16xf32>
      %mul3A_1367 = arith.mulf %mul3A_1366, %add3A_1364 : vector<16xf32>
      %max3A_1368 = arith.maximumf %add3A_1364, %mul3A_1367 : vector<16xf32>
      %exp3A_1369 = math.exp %max3A_1368 : vector<16xf32>
      %mul3A_1370 = arith.mulf %exp3A_1369, %bitcast3A_1324 : vector<16xf32>
      %broadcast_in_dim3A_1371 = arith.constant 2 : i32
      %broadcast_in_dim3A_1372 = vector.broadcast %broadcast_in_dim3A_1371 : i32 to vector<16xi32>
      tpu.vector_store_idx %arg16[%add3A_1327, %broadcast_in_dim3A_1372], %mul3A_1370 : memref<128x16xf32, #tpu.memory_space<vmem>>[vector<16xi32>, vector<16xi32>], vector<16xf32>,
      tpu.vector_store_idx %arg15[%add3A_1327, %broadcast_in_dim3A_1372], %mul3A_1370 : memref<128x8xf32, #tpu.memory_space<vmem>>[vector<16xi32>, vector<16xi32>], vector<16xf32>,
      %broadcast_in_dim3A_1373 = arith.constant 3 : i32
      %broadcast_in_dim3A_1374 = vector.broadcast %broadcast_in_dim3A_1373 : i32 to vector<16xi32>
      %gather3A_1375 = tpu.vector_load_idx %arg10[%add3A_1327, %broadcast_in_dim3A_1374] : memref<128x16xf32, #tpu.memory_space<vmem>>[vector<16xi32>, vector<16xi32>], vector<16xf32>,
      %broadcast_in_dim3A_1376 = arith.constant 7 : i32
      %broadcast_in_dim3A_1377 = vector.broadcast %broadcast_in_dim3A_1376 : i32 to vector<16xi32>
      %gather3A_1378 = tpu.vector_load_idx %arg11[%add3A_1327, %broadcast_in_dim3A_1377] : memref<128x16xf32, #tpu.memory_space<vmem>>[vector<16xi32>, vector<16xi32>], vector<16xf32>,
      %add3A_1379 = arith.addf %gather3A_1375, %gather3A_1378 : vector<16xf32>
      %mul3A_1380 = arith.constant 1.000000e-01 : f32
      %mul3A_1381 = vector.broadcast %mul3A_1380 : f32 to vector<16xf32>
      %mul3A_1382 = arith.mulf %mul3A_1381, %add3A_1379 : vector<16xf32>
      %max3A_1383 = arith.maximumf %add3A_1379, %mul3A_1382 : vector<16xf32>
      %exp3A_1384 = math.exp %max3A_1383 : vector<16xf32>
      %mul3A_1385 = arith.mulf %exp3A_1384, %bitcast3A_1324 : vector<16xf32>
      %broadcast_in_dim3A_1386 = arith.constant 3 : i32
      %broadcast_in_dim3A_1387 = vector.broadcast %broadcast_in_dim3A_1386 : i32 to vector<16xi32>
      tpu.vector_store_idx %arg16[%add3A_1327, %broadcast_in_dim3A_1387], %mul3A_1385 : memref<128x16xf32, #tpu.memory_space<vmem>>[vector<16xi32>, vector<16xi32>], vector<16xf32>,
      tpu.vector_store_idx %arg15[%add3A_1327, %broadcast_in_dim3A_1387], %mul3A_1385 : memref<128x8xf32, #tpu.memory_space<vmem>>[vector<16xi32>, vector<16xi32>], vector<16xf32>,
      %get3A_1388 = arith.constant 2 : i32
      %get3A_1389 = arith.index_cast %get3A_1388 : i32 to index
      %get3A_1390 = arith.constant 96 : index
      %get3A_1391 = tpu.vector_load %arg9[%get3A_1389, %get3A_1390] {strides = array<i32>} : memref<3x128xi32, #tpu.memory_space<vmem>>, vector<16xi32>,
      %bitcast3A_1392 = vector.bitcast %get3A_1391 : vector<16xi32> to vector<16xf32>
      %add3A_1393 = arith.constant 96 : i32
      %add3A_1394 = vector.broadcast %add3A_1393 : i32 to vector<16xi32>
      %add3A_1395 = arith.addi %iota3A, %add3A_1394 : vector<16xi32>
      %broadcast_in_dim3A_1396 = arith.constant 0 : i32
      %broadcast_in_dim3A_1397 = vector.broadcast %broadcast_in_dim3A_1396 : i32 to vector<16xi32>
      %gather3A_1398 = tpu.vector_load_idx %arg10[%add3A_1395, %broadcast_in_dim3A_1397] : memref<128x16xf32, #tpu.memory_space<vmem>>[vector<16xi32>, vector<16xi32>], vector<16xf32>,
      %broadcast_in_dim3A_1399 = arith.constant 4 : i32
      %broadcast_in_dim3A_1400 = vector.broadcast %broadcast_in_dim3A_1399 : i32 to vector<16xi32>
      %gather3A_1401 = tpu.vector_load_idx %arg11[%add3A_1395, %broadcast_in_dim3A_1400] : memref<128x16xf32, #tpu.memory_space<vmem>>[vector<16xi32>, vector<16xi32>], vector<16xf32>,
      %add3A_1402 = arith.addf %gather3A_1398, %gather3A_1401 : vector<16xf32>
      %mul3A_1403 = arith.constant 1.000000e-01 : f32
      %mul3A_1404 = vector.broadcast %mul3A_1403 : f32 to vector<16xf32>
      %mul3A_1405 = arith.mulf %mul3A_1404, %add3A_1402 : vector<16xf32>
      %max3A_1406 = arith.maximumf %add3A_1402, %mul3A_1405 : vector<16xf32>
      %exp3A_1407 = math.exp %max3A_1406 : vector<16xf32>
      %mul3A_1408 = arith.mulf %exp3A_1407, %bitcast3A_1392 : vector<16xf32>
      %broadcast_in_dim3A_1409 = arith.constant 0 : i32
      %broadcast_in_dim3A_1410 = vector.broadcast %broadcast_in_dim3A_1409 : i32 to vector<16xi32>
      tpu.vector_store_idx %arg16[%add3A_1395, %broadcast_in_dim3A_1410], %mul3A_1408 : memref<128x16xf32, #tpu.memory_space<vmem>>[vector<16xi32>, vector<16xi32>], vector<16xf32>,
      tpu.vector_store_idx %arg15[%add3A_1395, %broadcast_in_dim3A_1410], %mul3A_1408 : memref<128x8xf32, #tpu.memory_space<vmem>>[vector<16xi32>, vector<16xi32>], vector<16xf32>,
      %broadcast_in_dim3A_1411 = arith.constant 1 : i32
      %broadcast_in_dim3A_1412 = vector.broadcast %broadcast_in_dim3A_1411 : i32 to vector<16xi32>
      %gather3A_1413 = tpu.vector_load_idx %arg10[%add3A_1395, %broadcast_in_dim3A_1412] : memref<128x16xf32, #tpu.memory_space<vmem>>[vector<16xi32>, vector<16xi32>], vector<16xf32>,
      %broadcast_in_dim3A_1414 = arith.constant 5 : i32
      %broadcast_in_dim3A_1415 = vector.broadcast %broadcast_in_dim3A_1414 : i32 to vector<16xi32>
      %gather3A_1416 = tpu.vector_load_idx %arg11[%add3A_1395, %broadcast_in_dim3A_1415] : memref<128x16xf32, #tpu.memory_space<vmem>>[vector<16xi32>, vector<16xi32>], vector<16xf32>,
      %add3A_1417 = arith.addf %gather3A_1413, %gather3A_1416 : vector<16xf32>
      %mul3A_1418 = arith.constant 1.000000e-01 : f32
      %mul3A_1419 = vector.broadcast %mul3A_1418 : f32 to vector<16xf32>
      %mul3A_1420 = arith.mulf %mul3A_1419, %add3A_1417 : vector<16xf32>
      %max3A_1421 = arith.maximumf %add3A_1417, %mul3A_1420 : vector<16xf32>
      %exp3A_1422 = math.exp %max3A_1421 : vector<16xf32>
      %mul3A_1423 = arith.mulf %exp3A_1422, %bitcast3A_1392 : vector<16xf32>
      %broadcast_in_dim3A_1424 = arith.constant 1 : i32
      %broadcast_in_dim3A_1425 = vector.broadcast %broadcast_in_dim3A_1424 : i32 to vector<16xi32>
      tpu.vector_store_idx %arg16[%add3A_1395, %broadcast_in_dim3A_1425], %mul3A_1423 : memref<128x16xf32, #tpu.memory_space<vmem>>[vector<16xi32>, vector<16xi32>], vector<16xf32>,
      tpu.vector_store_idx %arg15[%add3A_1395, %broadcast_in_dim3A_1425], %mul3A_1423 : memref<128x8xf32, #tpu.memory_space<vmem>>[vector<16xi32>, vector<16xi32>], vector<16xf32>,
      %broadcast_in_dim3A_1426 = arith.constant 2 : i32
      %broadcast_in_dim3A_1427 = vector.broadcast %broadcast_in_dim3A_1426 : i32 to vector<16xi32>
      %gather3A_1428 = tpu.vector_load_idx %arg10[%add3A_1395, %broadcast_in_dim3A_1427] : memref<128x16xf32, #tpu.memory_space<vmem>>[vector<16xi32>, vector<16xi32>], vector<16xf32>,
      %broadcast_in_dim3A_1429 = arith.constant 6 : i32
      %broadcast_in_dim3A_1430 = vector.broadcast %broadcast_in_dim3A_1429 : i32 to vector<16xi32>
      %gather3A_1431 = tpu.vector_load_idx %arg11[%add3A_1395, %broadcast_in_dim3A_1430] : memref<128x16xf32, #tpu.memory_space<vmem>>[vector<16xi32>, vector<16xi32>], vector<16xf32>,
      %add3A_1432 = arith.addf %gather3A_1428, %gather3A_1431 : vector<16xf32>
      %mul3A_1433 = arith.constant 1.000000e-01 : f32
      %mul3A_1434 = vector.broadcast %mul3A_1433 : f32 to vector<16xf32>
      %mul3A_1435 = arith.mulf %mul3A_1434, %add3A_1432 : vector<16xf32>
      %max3A_1436 = arith.maximumf %add3A_1432, %mul3A_1435 : vector<16xf32>
      %exp3A_1437 = math.exp %max3A_1436 : vector<16xf32>
      %mul3A_1438 = arith.mulf %exp3A_1437, %bitcast3A_1392 : vector<16xf32>
      %broadcast_in_dim3A_1439 = arith.constant 2 : i32
      %broadcast_in_dim3A_1440 = vector.broadcast %broadcast_in_dim3A_1439 : i32 to vector<16xi32>
      tpu.vector_store_idx %arg16[%add3A_1395, %broadcast_in_dim3A_1440], %mul3A_1438 : memref<128x16xf32, #tpu.memory_space<vmem>>[vector<16xi32>, vector<16xi32>], vector<16xf32>,
      tpu.vector_store_idx %arg15[%add3A_1395, %broadcast_in_dim3A_1440], %mul3A_1438 : memref<128x8xf32, #tpu.memory_space<vmem>>[vector<16xi32>, vector<16xi32>], vector<16xf32>,
      %broadcast_in_dim3A_1441 = arith.constant 3 : i32
      %broadcast_in_dim3A_1442 = vector.broadcast %broadcast_in_dim3A_1441 : i32 to vector<16xi32>
      %gather3A_1443 = tpu.vector_load_idx %arg10[%add3A_1395, %broadcast_in_dim3A_1442] : memref<128x16xf32, #tpu.memory_space<vmem>>[vector<16xi32>, vector<16xi32>], vector<16xf32>,
      %broadcast_in_dim3A_1444 = arith.constant 7 : i32
      %broadcast_in_dim3A_1445 = vector.broadcast %broadcast_in_dim3A_1444 : i32 to vector<16xi32>
      %gather3A_1446 = tpu.vector_load_idx %arg11[%add3A_1395, %broadcast_in_dim3A_1445] : memref<128x16xf32, #tpu.memory_space<vmem>>[vector<16xi32>, vector<16xi32>], vector<16xf32>,
      %add3A_1447 = arith.addf %gather3A_1443, %gather3A_1446 : vector<16xf32>
      %mul3A_1448 = arith.constant 1.000000e-01 : f32
      %mul3A_1449 = vector.broadcast %mul3A_1448 : f32 to vector<16xf32>
      %mul3A_1450 = arith.mulf %mul3A_1449, %add3A_1447 : vector<16xf32>
      %max3A_1451 = arith.maximumf %add3A_1447, %mul3A_1450 : vector<16xf32>
      %exp3A_1452 = math.exp %max3A_1451 : vector<16xf32>
      %mul3A_1453 = arith.mulf %exp3A_1452, %bitcast3A_1392 : vector<16xf32>
      %broadcast_in_dim3A_1454 = arith.constant 3 : i32
      %broadcast_in_dim3A_1455 = vector.broadcast %broadcast_in_dim3A_1454 : i32 to vector<16xi32>
      tpu.vector_store_idx %arg16[%add3A_1395, %broadcast_in_dim3A_1455], %mul3A_1453 : memref<128x16xf32, #tpu.memory_space<vmem>>[vector<16xi32>, vector<16xi32>], vector<16xf32>,
      tpu.vector_store_idx %arg15[%add3A_1395, %broadcast_in_dim3A_1455], %mul3A_1453 : memref<128x8xf32, #tpu.memory_space<vmem>>[vector<16xi32>, vector<16xi32>], vector<16xf32>,
      %get3A_1456 = arith.constant 2 : i32
      %get3A_1457 = arith.index_cast %get3A_1456 : i32 to index
      %get3A_1458 = arith.constant 112 : index
      %get3A_1459 = tpu.vector_load %arg9[%get3A_1457, %get3A_1458] {strides = array<i32>} : memref<3x128xi32, #tpu.memory_space<vmem>>, vector<16xi32>,
      %bitcast3A_1460 = vector.bitcast %get3A_1459 : vector<16xi32> to vector<16xf32>
      %add3A_1461 = arith.constant 112 : i32
      %add3A_1462 = vector.broadcast %add3A_1461 : i32 to vector<16xi32>
      %add3A_1463 = arith.addi %iota3A, %add3A_1462 : vector<16xi32>
      %broadcast_in_dim3A_1464 = arith.constant 0 : i32
      %broadcast_in_dim3A_1465 = vector.broadcast %broadcast_in_dim3A_1464 : i32 to vector<16xi32>
      %gather3A_1466 = tpu.vector_load_idx %arg10[%add3A_1463, %broadcast_in_dim3A_1465] : memref<128x16xf32, #tpu.memory_space<vmem>>[vector<16xi32>, vector<16xi32>], vector<16xf32>,
      %broadcast_in_dim3A_1467 = arith.constant 4 : i32
      %broadcast_in_dim3A_1468 = vector.broadcast %broadcast_in_dim3A_1467 : i32 to vector<16xi32>
      %gather3A_1469 = tpu.vector_load_idx %arg11[%add3A_1463, %broadcast_in_dim3A_1468] : memref<128x16xf32, #tpu.memory_space<vmem>>[vector<16xi32>, vector<16xi32>], vector<16xf32>,
      %add3A_1470 = arith.addf %gather3A_1466, %gather3A_1469 : vector<16xf32>
      %mul3A_1471 = arith.constant 1.000000e-01 : f32
      %mul3A_1472 = vector.broadcast %mul3A_1471 : f32 to vector<16xf32>
      %mul3A_1473 = arith.mulf %mul3A_1472, %add3A_1470 : vector<16xf32>
      %max3A_1474 = arith.maximumf %add3A_1470, %mul3A_1473 : vector<16xf32>
      %exp3A_1475 = math.exp %max3A_1474 : vector<16xf32>
      %mul3A_1476 = arith.mulf %exp3A_1475, %bitcast3A_1460 : vector<16xf32>
      %broadcast_in_dim3A_1477 = arith.constant 0 : i32
      %broadcast_in_dim3A_1478 = vector.broadcast %broadcast_in_dim3A_1477 : i32 to vector<16xi32>
      tpu.vector_store_idx %arg16[%add3A_1463, %broadcast_in_dim3A_1478], %mul3A_1476 : memref<128x16xf32, #tpu.memory_space<vmem>>[vector<16xi32>, vector<16xi32>], vector<16xf32>,
      tpu.vector_store_idx %arg15[%add3A_1463, %broadcast_in_dim3A_1478], %mul3A_1476 : memref<128x8xf32, #tpu.memory_space<vmem>>[vector<16xi32>, vector<16xi32>], vector<16xf32>,
      %broadcast_in_dim3A_1479 = arith.constant 1 : i32
      %broadcast_in_dim3A_1480 = vector.broadcast %broadcast_in_dim3A_1479 : i32 to vector<16xi32>
      %gather3A_1481 = tpu.vector_load_idx %arg10[%add3A_1463, %broadcast_in_dim3A_1480] : memref<128x16xf32, #tpu.memory_space<vmem>>[vector<16xi32>, vector<16xi32>], vector<16xf32>,
      %broadcast_in_dim3A_1482 = arith.constant 5 : i32
      %broadcast_in_dim3A_1483 = vector.broadcast %broadcast_in_dim3A_1482 : i32 to vector<16xi32>
      %gather3A_1484 = tpu.vector_load_idx %arg11[%add3A_1463, %broadcast_in_dim3A_1483] : memref<128x16xf32, #tpu.memory_space<vmem>>[vector<16xi32>, vector<16xi32>], vector<16xf32>,
      %add3A_1485 = arith.addf %gather3A_1481, %gather3A_1484 : vector<16xf32>
      %mul3A_1486 = arith.constant 1.000000e-01 : f32
      %mul3A_1487 = vector.broadcast %mul3A_1486 : f32 to vector<16xf32>
      %mul3A_1488 = arith.mulf %mul3A_1487, %add3A_1485 : vector<16xf32>
      %max3A_1489 = arith.maximumf %add3A_1485, %mul3A_1488 : vector<16xf32>
      %exp3A_1490 = math.exp %max3A_1489 : vector<16xf32>
      %mul3A_1491 = arith.mulf %exp3A_1490, %bitcast3A_1460 : vector<16xf32>
      %broadcast_in_dim3A_1492 = arith.constant 1 : i32
      %broadcast_in_dim3A_1493 = vector.broadcast %broadcast_in_dim3A_1492 : i32 to vector<16xi32>
      tpu.vector_store_idx %arg16[%add3A_1463, %broadcast_in_dim3A_1493], %mul3A_1491 : memref<128x16xf32, #tpu.memory_space<vmem>>[vector<16xi32>, vector<16xi32>], vector<16xf32>,
      tpu.vector_store_idx %arg15[%add3A_1463, %broadcast_in_dim3A_1493], %mul3A_1491 : memref<128x8xf32, #tpu.memory_space<vmem>>[vector<16xi32>, vector<16xi32>], vector<16xf32>,
      %broadcast_in_dim3A_1494 = arith.constant 2 : i32
      %broadcast_in_dim3A_1495 = vector.broadcast %broadcast_in_dim3A_1494 : i32 to vector<16xi32>
      %gather3A_1496 = tpu.vector_load_idx %arg10[%add3A_1463, %broadcast_in_dim3A_1495] : memref<128x16xf32, #tpu.memory_space<vmem>>[vector<16xi32>, vector<16xi32>], vector<16xf32>,
      %broadcast_in_dim3A_1497 = arith.constant 6 : i32
      %broadcast_in_dim3A_1498 = vector.broadcast %broadcast_in_dim3A_1497 : i32 to vector<16xi32>
      %gather3A_1499 = tpu.vector_load_idx %arg11[%add3A_1463, %broadcast_in_dim3A_1498] : memref<128x16xf32, #tpu.memory_space<vmem>>[vector<16xi32>, vector<16xi32>], vector<16xf32>,
      %add3A_1500 = arith.addf %gather3A_1496, %gather3A_1499 : vector<16xf32>
      %mul3A_1501 = arith.constant 1.000000e-01 : f32
      %mul3A_1502 = vector.broadcast %mul3A_1501 : f32 to vector<16xf32>
      %mul3A_1503 = arith.mulf %mul3A_1502, %add3A_1500 : vector<16xf32>
      %max3A_1504 = arith.maximumf %add3A_1500, %mul3A_1503 : vector<16xf32>
      %exp3A_1505 = math.exp %max3A_1504 : vector<16xf32>
      %mul3A_1506 = arith.mulf %exp3A_1505, %bitcast3A_1460 : vector<16xf32>
      %broadcast_in_dim3A_1507 = arith.constant 2 : i32
      %broadcast_in_dim3A_1508 = vector.broadcast %broadcast_in_dim3A_1507 : i32 to vector<16xi32>
      tpu.vector_store_idx %arg16[%add3A_1463, %broadcast_in_dim3A_1508], %mul3A_1506 : memref<128x16xf32, #tpu.memory_space<vmem>>[vector<16xi32>, vector<16xi32>], vector<16xf32>,
      tpu.vector_store_idx %arg15[%add3A_1463, %broadcast_in_dim3A_1508], %mul3A_1506 : memref<128x8xf32, #tpu.memory_space<vmem>>[vector<16xi32>, vector<16xi32>], vector<16xf32>,
      %broadcast_in_dim3A_1509 = arith.constant 3 : i32
      %broadcast_in_dim3A_1510 = vector.broadcast %broadcast_in_dim3A_1509 : i32 to vector<16xi32>
      %gather3A_1511 = tpu.vector_load_idx %arg10[%add3A_1463, %broadcast_in_dim3A_1510] : memref<128x16xf32, #tpu.memory_space<vmem>>[vector<16xi32>, vector<16xi32>], vector<16xf32>,
      %broadcast_in_dim3A_1512 = arith.constant 7 : i32
      %broadcast_in_dim3A_1513 = vector.broadcast %broadcast_in_dim3A_1512 : i32 to vector<16xi32>
      %gather3A_1514 = tpu.vector_load_idx %arg11[%add3A_1463, %broadcast_in_dim3A_1513] : memref<128x16xf32, #tpu.memory_space<vmem>>[vector<16xi32>, vector<16xi32>], vector<16xf32>,
      %add3A_1515 = arith.addf %gather3A_1511, %gather3A_1514 : vector<16xf32>
      %mul3A_1516 = arith.constant 1.000000e-01 : f32
      %mul3A_1517 = vector.broadcast %mul3A_1516 : f32 to vector<16xf32>
      %mul3A_1518 = arith.mulf %mul3A_1517, %add3A_1515 : vector<16xf32>
      %max3A_1519 = arith.maximumf %add3A_1515, %mul3A_1518 : vector<16xf32>
      %exp3A_1520 = math.exp %max3A_1519 : vector<16xf32>
      %mul3A_1521 = arith.mulf %exp3A_1520, %bitcast3A_1460 : vector<16xf32>
      %broadcast_in_dim3A_1522 = arith.constant 3 : i32
      %broadcast_in_dim3A_1523 = vector.broadcast %broadcast_in_dim3A_1522 : i32 to vector<16xi32>
      tpu.vector_store_idx %arg16[%add3A_1463, %broadcast_in_dim3A_1523], %mul3A_1521 : memref<128x16xf32, #tpu.memory_space<vmem>>[vector<16xi32>, vector<16xi32>], vector<16xf32>,
      tpu.vector_store_idx %arg15[%add3A_1463, %broadcast_in_dim3A_1523], %mul3A_1521 : memref<128x8xf32, #tpu.memory_space<vmem>>[vector<16xi32>, vector<16xi32>], vector<16xf32>,
      %dma_wait3A_1524 = arith.constant 0 : i32
      %dma_wait3A_1525 = arith.constant 0 : i32
      %dma_wait3A_1526 = tpu.memref_slice %arg9[%dma_wait3A_1524, %dma_wait3A_1525] : memref<3x128xi32, #tpu.memory_space<vmem>> -> memref<1x128xi32, #tpu.memory_space<vmem>>
      %dma_wait3A_1527 = tpu.memref_squeeze %dma_wait3A_1526 : memref<1x128xi32, #tpu.memory_space<vmem>> -> memref<128xi32, #tpu.memory_space<vmem>>
      %dma_wait3A_1528 = arith.constant 0 : i32
      %dma_wait3A_1529 = arith.constant 0 : i32
      %dma_wait3A_1530 = tpu.memref_slice %arg4[%dma_wait3A_1528, %dma_wait3A_1529] : memref<10000x128xf32, #tpu.memory_space<hbm>> -> memref<10000x128xf32, #tpu.memory_space<hbm>>
      tpu.wait_indirect_dma semaphore(%arg19 : memref<!tpu.dma_semaphore, #tpu.memory_space<semaphore_mem>>) src(%dma_wait3A_1530 : memref<10000x128xf32, #tpu.memory_space<hbm>>) dst(%arg13 : memref<128x128xf32, #tpu.memory_space<vmem>>)
      %scan3A_1531 = arith.constant 0 : i32
      %scan3A_1532 = arith.constant 0 : i32
      %scan3A_1533 = arith.constant 128 : i32
      %scan3A_1534 = arith.addi %scan3A_1532, %scan3A_1533 : i32
      %scan3A_1535 = arith.constant 1 : i32
      scf.for %scan3A_1551 = %scan3A_1532 to %scan3A_1534 step %scan3A_1535  : i32 {
        %get3A_1552 = arith.index_cast %scan3A_1551 : i32 to index
        %get3A_1553 = arith.constant 0 : index
        %get3A_1554 = tpu.vector_load %arg16[%get3A_1552, %get3A_1553] {strides = array<i32>} : memref<128x16xf32, #tpu.memory_space<vmem>>, vector<16xf32>,
        %slice3A = vector.extract_strided_slice %get3A_1554 {offsets = [0], sizes = [1], strides = [1]} : vector<16xf32> to vector<1xf32>
        %squeeze3A = vector.extract %slice3A[0] : f32 from vector<1xf32>
        %get3A_1555 = arith.index_cast %scan3A_1551 : i32 to index
        %get3A_1556 = arith.constant 0 : index
        %get3A_1557 = tpu.vector_load %arg13[%get3A_1555, %get3A_1556] {strides = array<i32>} : memref<128x128xf32, #tpu.memory_space<vmem>>, vector<16xf32>,
        %mul3A_1558 = vector.broadcast %squeeze3A : f32 to vector<16xf32>
        %mul3A_1559 = arith.mulf %get3A_1557, %mul3A_1558 : vector<16xf32>
        %swap3A_1560 = arith.index_cast %scan3A_1551 : i32 to index
        %swap3A_1561 = arith.constant 0 : index
        %swap3A_1562 = tpu.vector_load %arg13[%swap3A_1560, %swap3A_1561] {strides = array<i32>} : memref<128x128xf32, #tpu.memory_space<vmem>>, vector<16xf32>,
        tpu.vector_store %arg13[%swap3A_1560, %swap3A_1561], %mul3A_1559 {strides = array<i32>} : memref<128x128xf32, #tpu.memory_space<vmem>>, vector<16xf32>,
        %get3A_1563 = arith.index_cast %scan3A_1551 : i32 to index
        %get3A_1564 = arith.constant 16 : index
        %get3A_1565 = tpu.vector_load %arg13[%get3A_1563, %get3A_1564] {strides = array<i32>} : memref<128x128xf32, #tpu.memory_space<vmem>>, vector<16xf32>,
        %mul3A_1566 = vector.broadcast %squeeze3A : f32 to vector<16xf32>
        %mul3A_1567 = arith.mulf %get3A_1565, %mul3A_1566 : vector<16xf32>
        %swap3A_1568 = arith.index_cast %scan3A_1551 : i32 to index
        %swap3A_1569 = arith.constant 16 : index
        %swap3A_1570 = tpu.vector_load %arg13[%swap3A_1568, %swap3A_1569] {strides = array<i32>} : memref<128x128xf32, #tpu.memory_space<vmem>>, vector<16xf32>,
        tpu.vector_store %arg13[%swap3A_1568, %swap3A_1569], %mul3A_1567 {strides = array<i32>} : memref<128x128xf32, #tpu.memory_space<vmem>>, vector<16xf32>,
        %slice3A_1571 = vector.extract_strided_slice %get3A_1554 {offsets = [1], sizes = [1], strides = [1]} : vector<16xf32> to vector<1xf32>
        %squeeze3A_1572 = vector.extract %slice3A_1571[0] : f32 from vector<1xf32>
        %get3A_1573 = arith.index_cast %scan3A_1551 : i32 to index
        %get3A_1574 = arith.constant 32 : index
        %get3A_1575 = tpu.vector_load %arg13[%get3A_1573, %get3A_1574] {strides = array<i32>} : memref<128x128xf32, #tpu.memory_space<vmem>>, vector<16xf32>,
        %mul3A_1576 = vector.broadcast %squeeze3A_1572 : f32 to vector<16xf32>
        %mul3A_1577 = arith.mulf %get3A_1575, %mul3A_1576 : vector<16xf32>
        %swap3A_1578 = arith.index_cast %scan3A_1551 : i32 to index
        %swap3A_1579 = arith.constant 32 : index
        %swap3A_1580 = tpu.vector_load %arg13[%swap3A_1578, %swap3A_1579] {strides = array<i32>} : memref<128x128xf32, #tpu.memory_space<vmem>>, vector<16xf32>,
        tpu.vector_store %arg13[%swap3A_1578, %swap3A_1579], %mul3A_1577 {strides = array<i32>} : memref<128x128xf32, #tpu.memory_space<vmem>>, vector<16xf32>,
        %get3A_1581 = arith.index_cast %scan3A_1551 : i32 to index
        %get3A_1582 = arith.constant 48 : index
        %get3A_1583 = tpu.vector_load %arg13[%get3A_1581, %get3A_1582] {strides = array<i32>} : memref<128x128xf32, #tpu.memory_space<vmem>>, vector<16xf32>,
        %mul3A_1584 = vector.broadcast %squeeze3A_1572 : f32 to vector<16xf32>
        %mul3A_1585 = arith.mulf %get3A_1583, %mul3A_1584 : vector<16xf32>
        %swap3A_1586 = arith.index_cast %scan3A_1551 : i32 to index
        %swap3A_1587 = arith.constant 48 : index
        %swap3A_1588 = tpu.vector_load %arg13[%swap3A_1586, %swap3A_1587] {strides = array<i32>} : memref<128x128xf32, #tpu.memory_space<vmem>>, vector<16xf32>,
        tpu.vector_store %arg13[%swap3A_1586, %swap3A_1587], %mul3A_1585 {strides = array<i32>} : memref<128x128xf32, #tpu.memory_space<vmem>>, vector<16xf32>,
        %slice3A_1589 = vector.extract_strided_slice %get3A_1554 {offsets = [2], sizes = [1], strides = [1]} : vector<16xf32> to vector<1xf32>
        %squeeze3A_1590 = vector.extract %slice3A_1589[0] : f32 from vector<1xf32>
        %get3A_1591 = arith.index_cast %scan3A_1551 : i32 to index
        %get3A_1592 = arith.constant 64 : index
        %get3A_1593 = tpu.vector_load %arg13[%get3A_1591, %get3A_1592] {strides = array<i32>} : memref<128x128xf32, #tpu.memory_space<vmem>>, vector<16xf32>,
        %mul3A_1594 = vector.broadcast %squeeze3A_1590 : f32 to vector<16xf32>
        %mul3A_1595 = arith.mulf %get3A_1593, %mul3A_1594 : vector<16xf32>
        %swap3A_1596 = arith.index_cast %scan3A_1551 : i32 to index
        %swap3A_1597 = arith.constant 64 : index
        %swap3A_1598 = tpu.vector_load %arg13[%swap3A_1596, %swap3A_1597] {strides = array<i32>} : memref<128x128xf32, #tpu.memory_space<vmem>>, vector<16xf32>,
        tpu.vector_store %arg13[%swap3A_1596, %swap3A_1597], %mul3A_1595 {strides = array<i32>} : memref<128x128xf32, #tpu.memory_space<vmem>>, vector<16xf32>,
        %get3A_1599 = arith.index_cast %scan3A_1551 : i32 to index
        %get3A_1600 = arith.constant 80 : index
        %get3A_1601 = tpu.vector_load %arg13[%get3A_1599, %get3A_1600] {strides = array<i32>} : memref<128x128xf32, #tpu.memory_space<vmem>>, vector<16xf32>,
        %mul3A_1602 = vector.broadcast %squeeze3A_1590 : f32 to vector<16xf32>
        %mul3A_1603 = arith.mulf %get3A_1601, %mul3A_1602 : vector<16xf32>
        %swap3A_1604 = arith.index_cast %scan3A_1551 : i32 to index
        %swap3A_1605 = arith.constant 80 : index
        %swap3A_1606 = tpu.vector_load %arg13[%swap3A_1604, %swap3A_1605] {strides = array<i32>} : memref<128x128xf32, #tpu.memory_space<vmem>>, vector<16xf32>,
        tpu.vector_store %arg13[%swap3A_1604, %swap3A_1605], %mul3A_1603 {strides = array<i32>} : memref<128x128xf32, #tpu.memory_space<vmem>>, vector<16xf32>,
        %slice3A_1607 = vector.extract_strided_slice %get3A_1554 {offsets = [3], sizes = [1], strides = [1]} : vector<16xf32> to vector<1xf32>
        %squeeze3A_1608 = vector.extract %slice3A_1607[0] : f32 from vector<1xf32>
        %get3A_1609 = arith.index_cast %scan3A_1551 : i32 to index
        %get3A_1610 = arith.constant 96 : index
        %get3A_1611 = tpu.vector_load %arg13[%get3A_1609, %get3A_1610] {strides = array<i32>} : memref<128x128xf32, #tpu.memory_space<vmem>>, vector<16xf32>,
        %mul3A_1612 = vector.broadcast %squeeze3A_1608 : f32 to vector<16xf32>
        %mul3A_1613 = arith.mulf %get3A_1611, %mul3A_1612 : vector<16xf32>
        %swap3A_1614 = arith.index_cast %scan3A_1551 : i32 to index
        %swap3A_1615 = arith.constant 96 : index
        %swap3A_1616 = tpu.vector_load %arg13[%swap3A_1614, %swap3A_1615] {strides = array<i32>} : memref<128x128xf32, #tpu.memory_space<vmem>>, vector<16xf32>,
        tpu.vector_store %arg13[%swap3A_1614, %swap3A_1615], %mul3A_1613 {strides = array<i32>} : memref<128x128xf32, #tpu.memory_space<vmem>>, vector<16xf32>,
        %get3A_1617 = arith.index_cast %scan3A_1551 : i32 to index
        %get3A_1618 = arith.constant 112 : index
        %get3A_1619 = tpu.vector_load %arg13[%get3A_1617, %get3A_1618] {strides = array<i32>} : memref<128x128xf32, #tpu.memory_space<vmem>>, vector<16xf32>,
        %mul3A_1620 = vector.broadcast %squeeze3A_1608 : f32 to vector<16xf32>
        %mul3A_1621 = arith.mulf %get3A_1619, %mul3A_1620 : vector<16xf32>
        %swap3A_1622 = arith.index_cast %scan3A_1551 : i32 to index
        %swap3A_1623 = arith.constant 112 : index
        %swap3A_1624 = tpu.vector_load %arg13[%swap3A_1622, %swap3A_1623] {strides = array<i32>} : memref<128x128xf32, #tpu.memory_space<vmem>>, vector<16xf32>,
        tpu.vector_store %arg13[%swap3A_1622, %swap3A_1623], %mul3A_1621 {strides = array<i32>} : memref<128x128xf32, #tpu.memory_space<vmem>>, vector<16xf32>,
      }
      %scan3A_1536 = arith.constant 128 : i32
      %dma_start3A_1537 = arith.constant 1 : i32
      %dma_start3A_1538 = arith.constant 0 : i32
      %dma_start3A_1539 = tpu.memref_slice %arg9[%dma_start3A_1537, %dma_start3A_1538] : memref<3x128xi32, #tpu.memory_space<vmem>> -> memref<1x128xi32, #tpu.memory_space<vmem>>
      %dma_start3A_1540 = tpu.memref_squeeze %dma_start3A_1539 : memref<1x128xi32, #tpu.memory_space<vmem>> -> memref<128xi32, #tpu.memory_space<vmem>>
      %dma_start3A_1541 = arith.constant 0 : i32
      %dma_start3A_1542 = arith.constant 0 : i32
      %dma_start3A_1543 = tpu.memref_slice %arg17[%dma_start3A_1541, %dma_start3A_1542] : memref<10000x128xf32, #tpu.memory_space<vmem_shared>> -> memref<10000x128xf32, #tpu.memory_space<vmem_shared>>
      tpu.enqueue_indirect_dma source(%arg13 : memref<128x128xf32, #tpu.memory_space<vmem>>) target(%dma_start3A_1543 : memref<10000x128xf32, #tpu.memory_space<vmem_shared>>) offsets(%dma_start3A_1540 : memref<128xi32, #tpu.memory_space<vmem>>) semaphore(%arg21 : memref<!tpu.dma_semaphore, #tpu.memory_space<semaphore_mem>>) {add = true}
      %dma_start3A_1544 = arith.constant 1 : i32
      %dma_start3A_1545 = arith.constant 0 : i32
      %dma_start3A_1546 = tpu.memref_slice %arg9[%dma_start3A_1544, %dma_start3A_1545] : memref<3x128xi32, #tpu.memory_space<vmem>> -> memref<1x128xi32, #tpu.memory_space<vmem>>
      %dma_start3A_1547 = tpu.memref_squeeze %dma_start3A_1546 : memref<1x128xi32, #tpu.memory_space<vmem>> -> memref<128xi32, #tpu.memory_space<vmem>>
      %dma_start3A_1548 = arith.constant 0 : i32
      %dma_start3A_1549 = arith.constant 0 : i32
      %dma_start3A_1550 = tpu.memref_slice %arg18[%dma_start3A_1548, %dma_start3A_1549] : memref<10000x8xf32, #tpu.memory_space<vmem_shared>> -> memref<10000x8xf32, #tpu.memory_space<vmem_shared>>
      tpu.enqueue_indirect_dma source(%arg15 : memref<128x8xf32, #tpu.memory_space<vmem>>) target(%dma_start3A_1550 : memref<10000x8xf32, #tpu.memory_space<vmem_shared>>) offsets(%dma_start3A_1547 : memref<128xi32, #tpu.memory_space<vmem>>) semaphore(%arg21 : memref<!tpu.dma_semaphore, #tpu.memory_space<semaphore_mem>>) {add = true}
    }
    %scan3A_252 = arith.constant 40 : i32
    %dma_wait3A = arith.constant 1 : i32
    %dma_wait3A_253 = arith.constant 0 : i32
    %dma_wait3A_254 = tpu.memref_slice %arg8[%dma_wait3A, %dma_wait3A_253] : memref<3x128xi32, #tpu.memory_space<vmem>> -> memref<1x128xi32, #tpu.memory_space<vmem>>
    %dma_wait3A_255 = tpu.memref_squeeze %dma_wait3A_254 : memref<1x128xi32, #tpu.memory_space<vmem>> -> memref<128xi32, #tpu.memory_space<vmem>>
    %dma_wait3A_256 = arith.constant 0 : i32
    %dma_wait3A_257 = arith.constant 0 : i32
    %dma_wait3A_258 = tpu.memref_slice %arg17[%dma_wait3A_256, %dma_wait3A_257] : memref<10000x128xf32, #tpu.memory_space<vmem_shared>> -> memref<10000x128xf32, #tpu.memory_space<vmem_shared>>
    tpu.wait_indirect_dma semaphore(%arg21 : memref<!tpu.dma_semaphore, #tpu.memory_space<semaphore_mem>>) src(%arg12 : memref<128x128xf32, #tpu.memory_space<vmem>>) dst(%dma_wait3A_258 : memref<10000x128xf32, #tpu.memory_space<vmem_shared>>)
    %dma_wait3A_259 = arith.constant 1 : i32
    %dma_wait3A_260 = arith.constant 0 : i32
    %dma_wait3A_261 = tpu.memref_slice %arg8[%dma_wait3A_259, %dma_wait3A_260] : memref<3x128xi32, #tpu.memory_space<vmem>> -> memref<1x128xi32, #tpu.memory_space<vmem>>
    %dma_wait3A_262 = tpu.memref_squeeze %dma_wait3A_261 : memref<1x128xi32, #tpu.memory_space<vmem>> -> memref<128xi32, #tpu.memory_space<vmem>>
    %dma_wait3A_263 = arith.constant 0 : i32
    %dma_wait3A_264 = arith.constant 0 : i32
    %dma_wait3A_265 = tpu.memref_slice %arg18[%dma_wait3A_263, %dma_wait3A_264] : memref<10000x8xf32, #tpu.memory_space<vmem_shared>> -> memref<10000x8xf32, #tpu.memory_space<vmem_shared>>
    tpu.wait_indirect_dma semaphore(%arg21 : memref<!tpu.dma_semaphore, #tpu.memory_space<semaphore_mem>>) src(%arg14 : memref<128x8xf32, #tpu.memory_space<vmem>>) dst(%dma_wait3A_265 : memref<10000x8xf32, #tpu.memory_space<vmem_shared>>)
    %dma_wait3A_266 = arith.constant 1 : i32
    %dma_wait3A_267 = arith.constant 0 : i32
    %dma_wait3A_268 = tpu.memref_slice %arg9[%dma_wait3A_266, %dma_wait3A_267] : memref<3x128xi32, #tpu.memory_space<vmem>> -> memref<1x128xi32, #tpu.memory_space<vmem>>
    %dma_wait3A_269 = tpu.memref_squeeze %dma_wait3A_268 : memref<1x128xi32, #tpu.memory_space<vmem>> -> memref<128xi32, #tpu.memory_space<vmem>>
    %dma_wait3A_270 = arith.constant 0 : i32
    %dma_wait3A_271 = arith.constant 0 : i32
    %dma_wait3A_272 = tpu.memref_slice %arg17[%dma_wait3A_270, %dma_wait3A_271] : memref<10000x128xf32, #tpu.memory_space<vmem_shared>> -> memref<10000x128xf32, #tpu.memory_space<vmem_shared>>
    tpu.wait_indirect_dma semaphore(%arg21 : memref<!tpu.dma_semaphore, #tpu.memory_space<semaphore_mem>>) src(%arg13 : memref<128x128xf32, #tpu.memory_space<vmem>>) dst(%dma_wait3A_272 : memref<10000x128xf32, #tpu.memory_space<vmem_shared>>)
    %dma_wait3A_273 = arith.constant 1 : i32
    %dma_wait3A_274 = arith.constant 0 : i32
    %dma_wait3A_275 = tpu.memref_slice %arg9[%dma_wait3A_273, %dma_wait3A_274] : memref<3x128xi32, #tpu.memory_space<vmem>> -> memref<1x128xi32, #tpu.memory_space<vmem>>
    %dma_wait3A_276 = tpu.memref_squeeze %dma_wait3A_275 : memref<1x128xi32, #tpu.memory_space<vmem>> -> memref<128xi32, #tpu.memory_space<vmem>>
    %dma_wait3A_277 = arith.constant 0 : i32
    %dma_wait3A_278 = arith.constant 0 : i32
    %dma_wait3A_279 = tpu.memref_slice %arg18[%dma_wait3A_277, %dma_wait3A_278] : memref<10000x8xf32, #tpu.memory_space<vmem_shared>> -> memref<10000x8xf32, #tpu.memory_space<vmem_shared>>
    tpu.wait_indirect_dma semaphore(%arg21 : memref<!tpu.dma_semaphore, #tpu.memory_space<semaphore_mem>>) src(%arg15 : memref<128x8xf32, #tpu.memory_space<vmem>>) dst(%dma_wait3A_279 : memref<10000x8xf32, #tpu.memory_space<vmem_shared>>)
    %barrier3A_280 = arith.constant 0 : index
    tpu.barrier barrier_id(%barrier3A_280)
    %mul3A_281 = arith.constant 625 : i32
    %mul3A_282 = arith.muli %arg1, %mul3A_281 : i32
    %add3A_283 = arith.constant 0 : i32
    %add3A_284 = arith.addi %mul3A_282, %add3A_283 : i32
    "tpu.region"() ({
      %run_scoped3A = tpu.sem_alloc : memref<!tpu.dma_semaphore, #tpu.memory_space<semaphore_mem>>
      %dma_start3A_301 = arith.constant 0 : i32
      %dma_start3A_302 = arith.constant 0 : i32
      %dma_start3A_303 = tpu.memref_slice %arg12[%dma_start3A_301, %dma_start3A_302] : memref<128x128xf32, #tpu.memory_space<vmem>> -> memref<128x128xf32, #tpu.memory_space<vmem>>
      %dma_start3A_304 = arith.constant 0 : i32
      %dma_start3A_305 = tpu.memref_slice %arg17[%add3A_284, %dma_start3A_304] : memref<10000x128xf32, #tpu.memory_space<vmem_shared>> -> memref<128x128xf32, #tpu.memory_space<vmem_shared>>
      %dma_start3A_306 = arith.constant 0 : i32
      %dma_start3A_307 = arith.constant 0 : i32
      %dma_start3A_308 = tpu.memref_slice %arg12[%dma_start3A_306, %dma_start3A_307] : memref<128x128xf32, #tpu.memory_space<vmem>> -> memref<128x128xf32, #tpu.memory_space<vmem>>
      %dma_start3A_309 = arith.constant 0 : i32
      %dma_start3A_310 = tpu.memref_slice %arg17[%add3A_284, %dma_start3A_309] : memref<10000x128xf32, #tpu.memory_space<vmem_shared>> -> memref<128x128xf32, #tpu.memory_space<vmem_shared>>
      tpu.enqueue_dma source(%dma_start3A_310 : memref<128x128xf32, #tpu.memory_space<vmem_shared>>) target(%dma_start3A_308 : memref<128x128xf32, #tpu.memory_space<vmem>>) target_semaphore(%run_scoped3A : memref<!tpu.dma_semaphore, #tpu.memory_space<semaphore_mem>>)
      %dma_wait3A_311 = arith.constant 0 : i32
      %dma_wait3A_312 = arith.constant 0 : i32
      %dma_wait3A_313 = tpu.memref_slice %arg12[%dma_wait3A_311, %dma_wait3A_312] : memref<128x128xf32, #tpu.memory_space<vmem>> -> memref<128x128xf32, #tpu.memory_space<vmem>>
      %dma_wait3A_314 = arith.constant 0 : i32
      %dma_wait3A_315 = tpu.memref_slice %arg17[%add3A_284, %dma_wait3A_314] : memref<10000x128xf32, #tpu.memory_space<vmem_shared>> -> memref<128x128xf32, #tpu.memory_space<vmem_shared>>
      %dma_wait3A_316 = arith.constant 0 : i32
      %dma_wait3A_317 = arith.constant 0 : i32
      %dma_wait3A_318 = tpu.memref_slice %arg12[%dma_wait3A_316, %dma_wait3A_317] : memref<128x128xf32, #tpu.memory_space<vmem>> -> memref<128x128xf32, #tpu.memory_space<vmem>>
      %dma_wait3A_319 = arith.constant 0 : i32
      %dma_wait3A_320 = tpu.memref_slice %arg17[%add3A_284, %dma_wait3A_319] : memref<10000x128xf32, #tpu.memory_space<vmem_shared>> -> memref<128x128xf32, #tpu.memory_space<vmem_shared>>
      tpu.wait_dma2 semaphore(%run_scoped3A : memref<!tpu.dma_semaphore, #tpu.memory_space<semaphore_mem>>) src(%dma_wait3A_320 : memref<128x128xf32, #tpu.memory_space<vmem_shared>>) dst(%dma_wait3A_318 : memref<128x128xf32, #tpu.memory_space<vmem>>)
      tpu.yield
    }) : () -> ()
    "tpu.region"() ({
      %run_scoped3A = tpu.sem_alloc : memref<!tpu.dma_semaphore, #tpu.memory_space<semaphore_mem>>
      %dma_start3A_301 = arith.constant 0 : i32
      %dma_start3A_302 = arith.constant 0 : i32
      %dma_start3A_303 = tpu.memref_slice %arg12[%dma_start3A_301, %dma_start3A_302] : memref<128x128xf32, #tpu.memory_space<vmem>> -> memref<128x128xf32, #tpu.memory_space<vmem>>
      %dma_start3A_304 = arith.constant 0 : i32
      %dma_start3A_305 = tpu.memref_slice %arg6[%arg0, %add3A_284, %dma_start3A_304] : memref<2x10000x128xf32, #tpu.memory_space<hbm>> -> memref<1x128x128xf32, #tpu.memory_space<hbm>>
      %dma_start3A_306 = tpu.memref_squeeze %dma_start3A_305 : memref<1x128x128xf32, #tpu.memory_space<hbm>> -> memref<128x128xf32, #tpu.memory_space<hbm>>
      %dma_start3A_307 = arith.constant 0 : i32
      %dma_start3A_308 = tpu.memref_slice %arg6[%arg0, %add3A_284, %dma_start3A_307] : memref<2x10000x128xf32, #tpu.memory_space<hbm>> -> memref<1x128x128xf32, #tpu.memory_space<hbm>>
      %dma_start3A_309 = tpu.memref_squeeze %dma_start3A_308 : memref<1x128x128xf32, #tpu.memory_space<hbm>> -> memref<128x128xf32, #tpu.memory_space<hbm>>
      %dma_start3A_310 = arith.constant 0 : i32
      %dma_start3A_311 = arith.constant 0 : i32
      %dma_start3A_312 = tpu.memref_slice %arg12[%dma_start3A_310, %dma_start3A_311] : memref<128x128xf32, #tpu.memory_space<vmem>> -> memref<128x128xf32, #tpu.memory_space<vmem>>
      tpu.enqueue_dma source(%dma_start3A_312 : memref<128x128xf32, #tpu.memory_space<vmem>>) target(%dma_start3A_309 : memref<128x128xf32, #tpu.memory_space<hbm>>) target_semaphore(%run_scoped3A : memref<!tpu.dma_semaphore, #tpu.memory_space<semaphore_mem>>)
      %dma_wait3A_313 = arith.constant 0 : i32
      %dma_wait3A_314 = arith.constant 0 : i32
      %dma_wait3A_315 = tpu.memref_slice %arg12[%dma_wait3A_313, %dma_wait3A_314] : memref<128x128xf32, #tpu.memory_space<vmem>> -> memref<128x128xf32, #tpu.memory_space<vmem>>
      %dma_wait3A_316 = arith.constant 0 : i32
      %dma_wait3A_317 = tpu.memref_slice %arg6[%arg0, %add3A_284, %dma_wait3A_316] : memref<2x10000x128xf32, #tpu.memory_space<hbm>> -> memref<1x128x128xf32, #tpu.memory_space<hbm>>
      %dma_wait3A_318 = tpu.memref_squeeze %dma_wait3A_317 : memref<1x128x128xf32, #tpu.memory_space<hbm>> -> memref<128x128xf32, #tpu.memory_space<hbm>>
      %dma_wait3A_319 = arith.constant 0 : i32
      %dma_wait3A_320 = tpu.memref_slice %arg6[%arg0, %add3A_284, %dma_wait3A_319] : memref<2x10000x128xf32, #tpu.memory_space<hbm>> -> memref<1x128x128xf32, #tpu.memory_space<hbm>>
      %dma_wait3A_321 = tpu.memref_squeeze %dma_wait3A_320 : memref<1x128x128xf32, #tpu.memory_space<hbm>> -> memref<128x128xf32, #tpu.memory_space<hbm>>
      %dma_wait3A_322 = arith.constant 0 : i32
      %dma_wait3A_323 = arith.constant 0 : i32
      %dma_wait3A_324 = tpu.memref_slice %arg12[%dma_wait3A_322, %dma_wait3A_323] : memref<128x128xf32, #tpu.memory_space<vmem>> -> memref<128x128xf32, #tpu.memory_space<vmem>>
      tpu.wait_dma2 semaphore(%run_scoped3A : memref<!tpu.dma_semaphore, #tpu.memory_space<semaphore_mem>>) src(%dma_wait3A_324 : memref<128x128xf32, #tpu.memory_space<vmem>>) dst(%dma_wait3A_321 : memref<128x128xf32, #tpu.memory_space<hbm>>)
      tpu.yield
    }) : () -> ()
    "tpu.region"() ({
      %run_scoped3A = tpu.sem_alloc : memref<!tpu.dma_semaphore, #tpu.memory_space<semaphore_mem>>
      %dma_start3A_301 = arith.constant 0 : i32
      %dma_start3A_302 = arith.constant 0 : i32
      %dma_start3A_303 = tpu.memref_slice %arg14[%dma_start3A_301, %dma_start3A_302] : memref<128x8xf32, #tpu.memory_space<vmem>> -> memref<128x8xf32, #tpu.memory_space<vmem>>
      %dma_start3A_304 = arith.constant 0 : i32
      %dma_start3A_305 = tpu.memref_slice %arg18[%add3A_284, %dma_start3A_304] : memref<10000x8xf32, #tpu.memory_space<vmem_shared>> -> memref<128x8xf32, #tpu.memory_space<vmem_shared>>
      %dma_start3A_306 = arith.constant 0 : i32
      %dma_start3A_307 = arith.constant 0 : i32
      %dma_start3A_308 = tpu.memref_slice %arg14[%dma_start3A_306, %dma_start3A_307] : memref<128x8xf32, #tpu.memory_space<vmem>> -> memref<128x8xf32, #tpu.memory_space<vmem>>
      %dma_start3A_309 = arith.constant 0 : i32
      %dma_start3A_310 = tpu.memref_slice %arg18[%add3A_284, %dma_start3A_309] : memref<10000x8xf32, #tpu.memory_space<vmem_shared>> -> memref<128x8xf32, #tpu.memory_space<vmem_shared>>
      tpu.enqueue_dma source(%dma_start3A_310 : memref<128x8xf32, #tpu.memory_space<vmem_shared>>) target(%dma_start3A_308 : memref<128x8xf32, #tpu.memory_space<vmem>>) target_semaphore(%run_scoped3A : memref<!tpu.dma_semaphore, #tpu.memory_space<semaphore_mem>>)
      %dma_wait3A_311 = arith.constant 0 : i32
      %dma_wait3A_312 = arith.constant 0 : i32
      %dma_wait3A_313 = tpu.memref_slice %arg14[%dma_wait3A_311, %dma_wait3A_312] : memref<128x8xf32, #tpu.memory_space<vmem>> -> memref<128x8xf32, #tpu.memory_space<vmem>>
      %dma_wait3A_314 = arith.constant 0 : i32
      %dma_wait3A_315 = tpu.memref_slice %arg18[%add3A_284, %dma_wait3A_314] : memref<10000x8xf32, #tpu.memory_space<vmem_shared>> -> memref<128x8xf32, #tpu.memory_space<vmem_shared>>
      %dma_wait3A_316 = arith.constant 0 : i32
      %dma_wait3A_317 = arith.constant 0 : i32
      %dma_wait3A_318 = tpu.memref_slice %arg14[%dma_wait3A_316, %dma_wait3A_317] : memref<128x8xf32, #tpu.memory_space<vmem>> -> memref<128x8xf32, #tpu.memory_space<vmem>>
      %dma_wait3A_319 = arith.constant 0 : i32
      %dma_wait3A_320 = tpu.memref_slice %arg18[%add3A_284, %dma_wait3A_319] : memref<10000x8xf32, #tpu.memory_space<vmem_shared>> -> memref<128x8xf32, #tpu.memory_space<vmem_shared>>
      tpu.wait_dma2 semaphore(%run_scoped3A : memref<!tpu.dma_semaphore, #tpu.memory_space<semaphore_mem>>) src(%dma_wait3A_320 : memref<128x8xf32, #tpu.memory_space<vmem_shared>>) dst(%dma_wait3A_318 : memref<128x8xf32, #tpu.memory_space<vmem>>)
      tpu.yield
    }) : () -> ()
    "tpu.region"() ({
      %run_scoped3A = tpu.sem_alloc : memref<!tpu.dma_semaphore, #tpu.memory_space<semaphore_mem>>
      %dma_start3A_301 = arith.constant 0 : i32
      %dma_start3A_302 = arith.constant 0 : i32
      %dma_start3A_303 = tpu.memref_slice %arg14[%dma_start3A_301, %dma_start3A_302] : memref<128x8xf32, #tpu.memory_space<vmem>> -> memref<128x8xf32, #tpu.memory_space<vmem>>
      %dma_start3A_304 = arith.constant 0 : i32
      %dma_start3A_305 = tpu.memref_slice %arg7[%arg0, %add3A_284, %dma_start3A_304] : memref<2x10000x8xf32, #tpu.memory_space<hbm>> -> memref<1x128x8xf32, #tpu.memory_space<hbm>>
      %dma_start3A_306 = tpu.memref_squeeze %dma_start3A_305 : memref<1x128x8xf32, #tpu.memory_space<hbm>> -> memref<128x8xf32, #tpu.memory_space<hbm>>
      %dma_start3A_307 = arith.constant 0 : i32
      %dma_start3A_308 = tpu.memref_slice %arg7[%arg0, %add3A_284, %dma_start3A_307] : memref<2x10000x8xf32, #tpu.memory_space<hbm>> -> memref<1x128x8xf32, #tpu.memory_space<hbm>>
      %dma_start3A_309 = tpu.memref_squeeze %dma_start3A_308 : memref<1x128x8xf32, #tpu.memory_space<hbm>> -> memref<128x8xf32, #tpu.memory_space<hbm>>
      %dma_start3A_310 = arith.constant 0 : i32
      %dma_start3A_311 = arith.constant 0 : i32
      %dma_start3A_312 = tpu.memref_slice %arg14[%dma_start3A_310, %dma_start3A_311] : memref<128x8xf32, #tpu.memory_space<vmem>> -> memref<128x8xf32, #tpu.memory_space<vmem>>
      tpu.enqueue_dma source(%dma_start3A_312 : memref<128x8xf32, #tpu.memory_space<vmem>>) target(%dma_start3A_309 : memref<128x8xf32, #tpu.memory_space<hbm>>) target_semaphore(%run_scoped3A : memref<!tpu.dma_semaphore, #tpu.memory_space<semaphore_mem>>)
      %dma_wait3A_313 = arith.constant 0 : i32
      %dma_wait3A_314 = arith.constant 0 : i32
      %dma_wait3A_315 = tpu.memref_slice %arg14[%dma_wait3A_313, %dma_wait3A_314] : memref<128x8xf32, #tpu.memory_space<vmem>> -> memref<128x8xf32, #tpu.memory_space<vmem>>
      %dma_wait3A_316 = arith.constant 0 : i32
      %dma_wait3A_317 = tpu.memref_slice %arg7[%arg0, %add3A_284, %dma_wait3A_316] : memref<2x10000x8xf32, #tpu.memory_space<hbm>> -> memref<1x128x8xf32, #tpu.memory_space<hbm>>
      %dma_wait3A_318 = tpu.memref_squeeze %dma_wait3A_317 : memref<1x128x8xf32, #tpu.memory_space<hbm>> -> memref<128x8xf32, #tpu.memory_space<hbm>>
      %dma_wait3A_319 = arith.constant 0 : i32
      %dma_wait3A_320 = tpu.memref_slice %arg7[%arg0, %add3A_284, %dma_wait3A_319] : memref<2x10000x8xf32, #tpu.memory_space<hbm>> -> memref<1x128x8xf32, #tpu.memory_space<hbm>>
      %dma_wait3A_321 = tpu.memref_squeeze %dma_wait3A_320 : memref<1x128x8xf32, #tpu.memory_space<hbm>> -> memref<128x8xf32, #tpu.memory_space<hbm>>
      %dma_wait3A_322 = arith.constant 0 : i32
      %dma_wait3A_323 = arith.constant 0 : i32
      %dma_wait3A_324 = tpu.memref_slice %arg14[%dma_wait3A_322, %dma_wait3A_323] : memref<128x8xf32, #tpu.memory_space<vmem>> -> memref<128x8xf32, #tpu.memory_space<vmem>>
      tpu.wait_dma2 semaphore(%run_scoped3A : memref<!tpu.dma_semaphore, #tpu.memory_space<semaphore_mem>>) src(%dma_wait3A_324 : memref<128x8xf32, #tpu.memory_space<vmem>>) dst(%dma_wait3A_321 : memref<128x8xf32, #tpu.memory_space<hbm>>)
      tpu.yield
    }) : () -> ()
    %mul3A_285 = arith.constant 625 : i32
    %mul3A_286 = arith.muli %arg1, %mul3A_285 : i32
    %add3A_287 = arith.constant 128 : i32
    %add3A_288 = arith.addi %mul3A_286, %add3A_287 : i32
    "tpu.region"() ({
      %run_scoped3A = tpu.sem_alloc : memref<!tpu.dma_semaphore, #tpu.memory_space<semaphore_mem>>
      %dma_start3A_301 = arith.constant 0 : i32
      %dma_start3A_302 = arith.constant 0 : i32
      %dma_start3A_303 = tpu.memref_slice %arg12[%dma_start3A_301, %dma_start3A_302] : memref<128x128xf32, #tpu.memory_space<vmem>> -> memref<128x128xf32, #tpu.memory_space<vmem>>
      %dma_start3A_304 = arith.constant 0 : i32
      %dma_start3A_305 = tpu.memref_slice %arg17[%add3A_288, %dma_start3A_304] : memref<10000x128xf32, #tpu.memory_space<vmem_shared>> -> memref<128x128xf32, #tpu.memory_space<vmem_shared>>
      %dma_start3A_306 = arith.constant 0 : i32
      %dma_start3A_307 = arith.constant 0 : i32
      %dma_start3A_308 = tpu.memref_slice %arg12[%dma_start3A_306, %dma_start3A_307] : memref<128x128xf32, #tpu.memory_space<vmem>> -> memref<128x128xf32, #tpu.memory_space<vmem>>
      %dma_start3A_309 = arith.constant 0 : i32
      %dma_start3A_310 = tpu.memref_slice %arg17[%add3A_288, %dma_start3A_309] : memref<10000x128xf32, #tpu.memory_space<vmem_shared>> -> memref<128x128xf32, #tpu.memory_space<vmem_shared>>
      tpu.enqueue_dma source(%dma_start3A_310 : memref<128x128xf32, #tpu.memory_space<vmem_shared>>) target(%dma_start3A_308 : memref<128x128xf32, #tpu.memory_space<vmem>>) target_semaphore(%run_scoped3A : memref<!tpu.dma_semaphore, #tpu.memory_space<semaphore_mem>>)
      %dma_wait3A_311 = arith.constant 0 : i32
      %dma_wait3A_312 = arith.constant 0 : i32
      %dma_wait3A_313 = tpu.memref_slice %arg12[%dma_wait3A_311, %dma_wait3A_312] : memref<128x128xf32, #tpu.memory_space<vmem>> -> memref<128x128xf32, #tpu.memory_space<vmem>>
      %dma_wait3A_314 = arith.constant 0 : i32
      %dma_wait3A_315 = tpu.memref_slice %arg17[%add3A_288, %dma_wait3A_314] : memref<10000x128xf32, #tpu.memory_space<vmem_shared>> -> memref<128x128xf32, #tpu.memory_space<vmem_shared>>
      %dma_wait3A_316 = arith.constant 0 : i32
      %dma_wait3A_317 = arith.constant 0 : i32
      %dma_wait3A_318 = tpu.memref_slice %arg12[%dma_wait3A_316, %dma_wait3A_317] : memref<128x128xf32, #tpu.memory_space<vmem>> -> memref<128x128xf32, #tpu.memory_space<vmem>>
      %dma_wait3A_319 = arith.constant 0 : i32
      %dma_wait3A_320 = tpu.memref_slice %arg17[%add3A_288, %dma_wait3A_319] : memref<10000x128xf32, #tpu.memory_space<vmem_shared>> -> memref<128x128xf32, #tpu.memory_space<vmem_shared>>
      tpu.wait_dma2 semaphore(%run_scoped3A : memref<!tpu.dma_semaphore, #tpu.memory_space<semaphore_mem>>) src(%dma_wait3A_320 : memref<128x128xf32, #tpu.memory_space<vmem_shared>>) dst(%dma_wait3A_318 : memref<128x128xf32, #tpu.memory_space<vmem>>)
      tpu.yield
    }) : () -> ()
    "tpu.region"() ({
      %run_scoped3A = tpu.sem_alloc : memref<!tpu.dma_semaphore, #tpu.memory_space<semaphore_mem>>
      %dma_start3A_301 = arith.constant 0 : i32
      %dma_start3A_302 = arith.constant 0 : i32
      %dma_start3A_303 = tpu.memref_slice %arg12[%dma_start3A_301, %dma_start3A_302] : memref<128x128xf32, #tpu.memory_space<vmem>> -> memref<128x128xf32, #tpu.memory_space<vmem>>
      %dma_start3A_304 = arith.constant 0 : i32
      %dma_start3A_305 = tpu.memref_slice %arg6[%arg0, %add3A_288, %dma_start3A_304] : memref<2x10000x128xf32, #tpu.memory_space<hbm>> -> memref<1x128x128xf32, #tpu.memory_space<hbm>>
      %dma_start3A_306 = tpu.memref_squeeze %dma_start3A_305 : memref<1x128x128xf32, #tpu.memory_space<hbm>> -> memref<128x128xf32, #tpu.memory_space<hbm>>
      %dma_start3A_307 = arith.constant 0 : i32
      %dma_start3A_308 = tpu.memref_slice %arg6[%arg0, %add3A_288, %dma_start3A_307] : memref<2x10000x128xf32, #tpu.memory_space<hbm>> -> memref<1x128x128xf32, #tpu.memory_space<hbm>>
      %dma_start3A_309 = tpu.memref_squeeze %dma_start3A_308 : memref<1x128x128xf32, #tpu.memory_space<hbm>> -> memref<128x128xf32, #tpu.memory_space<hbm>>
      %dma_start3A_310 = arith.constant 0 : i32
      %dma_start3A_311 = arith.constant 0 : i32
      %dma_start3A_312 = tpu.memref_slice %arg12[%dma_start3A_310, %dma_start3A_311] : memref<128x128xf32, #tpu.memory_space<vmem>> -> memref<128x128xf32, #tpu.memory_space<vmem>>
      tpu.enqueue_dma source(%dma_start3A_312 : memref<128x128xf32, #tpu.memory_space<vmem>>) target(%dma_start3A_309 : memref<128x128xf32, #tpu.memory_space<hbm>>) target_semaphore(%run_scoped3A : memref<!tpu.dma_semaphore, #tpu.memory_space<semaphore_mem>>)
      %dma_wait3A_313 = arith.constant 0 : i32
      %dma_wait3A_314 = arith.constant 0 : i32
      %dma_wait3A_315 = tpu.memref_slice %arg12[%dma_wait3A_313, %dma_wait3A_314] : memref<128x128xf32, #tpu.memory_space<vmem>> -> memref<128x128xf32, #tpu.memory_space<vmem>>
      %dma_wait3A_316 = arith.constant 0 : i32
      %dma_wait3A_317 = tpu.memref_slice %arg6[%arg0, %add3A_288, %dma_wait3A_316] : memref<2x10000x128xf32, #tpu.memory_space<hbm>> -> memref<1x128x128xf32, #tpu.memory_space<hbm>>
      %dma_wait3A_318 = tpu.memref_squeeze %dma_wait3A_317 : memref<1x128x128xf32, #tpu.memory_space<hbm>> -> memref<128x128xf32, #tpu.memory_space<hbm>>
      %dma_wait3A_319 = arith.constant 0 : i32
      %dma_wait3A_320 = tpu.memref_slice %arg6[%arg0, %add3A_288, %dma_wait3A_319] : memref<2x10000x128xf32, #tpu.memory_space<hbm>> -> memref<1x128x128xf32, #tpu.memory_space<hbm>>
      %dma_wait3A_321 = tpu.memref_squeeze %dma_wait3A_320 : memref<1x128x128xf32, #tpu.memory_space<hbm>> -> memref<128x128xf32, #tpu.memory_space<hbm>>
      %dma_wait3A_322 = arith.constant 0 : i32
      %dma_wait3A_323 = arith.constant 0 : i32
      %dma_wait3A_324 = tpu.memref_slice %arg12[%dma_wait3A_322, %dma_wait3A_323] : memref<128x128xf32, #tpu.memory_space<vmem>> -> memref<128x128xf32, #tpu.memory_space<vmem>>
      tpu.wait_dma2 semaphore(%run_scoped3A : memref<!tpu.dma_semaphore, #tpu.memory_space<semaphore_mem>>) src(%dma_wait3A_324 : memref<128x128xf32, #tpu.memory_space<vmem>>) dst(%dma_wait3A_321 : memref<128x128xf32, #tpu.memory_space<hbm>>)
      tpu.yield
    }) : () -> ()
    "tpu.region"() ({
      %run_scoped3A = tpu.sem_alloc : memref<!tpu.dma_semaphore, #tpu.memory_space<semaphore_mem>>
      %dma_start3A_301 = arith.constant 0 : i32
      %dma_start3A_302 = arith.constant 0 : i32
      %dma_start3A_303 = tpu.memref_slice %arg14[%dma_start3A_301, %dma_start3A_302] : memref<128x8xf32, #tpu.memory_space<vmem>> -> memref<128x8xf32, #tpu.memory_space<vmem>>
      %dma_start3A_304 = arith.constant 0 : i32
      %dma_start3A_305 = tpu.memref_slice %arg18[%add3A_288, %dma_start3A_304] : memref<10000x8xf32, #tpu.memory_space<vmem_shared>> -> memref<128x8xf32, #tpu.memory_space<vmem_shared>>
      %dma_start3A_306 = arith.constant 0 : i32
      %dma_start3A_307 = arith.constant 0 : i32
      %dma_start3A_308 = tpu.memref_slice %arg14[%dma_start3A_306, %dma_start3A_307] : memref<128x8xf32, #tpu.memory_space<vmem>> -> memref<128x8xf32, #tpu.memory_space<vmem>>
      %dma_start3A_309 = arith.constant 0 : i32
      %dma_start3A_310 = tpu.memref_slice %arg18[%add3A_288, %dma_start3A_309] : memref<10000x8xf32, #tpu.memory_space<vmem_shared>> -> memref<128x8xf32, #tpu.memory_space<vmem_shared>>
      tpu.enqueue_dma source(%dma_start3A_310 : memref<128x8xf32, #tpu.memory_space<vmem_shared>>) target(%dma_start3A_308 : memref<128x8xf32, #tpu.memory_space<vmem>>) target_semaphore(%run_scoped3A : memref<!tpu.dma_semaphore, #tpu.memory_space<semaphore_mem>>)
      %dma_wait3A_311 = arith.constant 0 : i32
      %dma_wait3A_312 = arith.constant 0 : i32
      %dma_wait3A_313 = tpu.memref_slice %arg14[%dma_wait3A_311, %dma_wait3A_312] : memref<128x8xf32, #tpu.memory_space<vmem>> -> memref<128x8xf32, #tpu.memory_space<vmem>>
      %dma_wait3A_314 = arith.constant 0 : i32
      %dma_wait3A_315 = tpu.memref_slice %arg18[%add3A_288, %dma_wait3A_314] : memref<10000x8xf32, #tpu.memory_space<vmem_shared>> -> memref<128x8xf32, #tpu.memory_space<vmem_shared>>
      %dma_wait3A_316 = arith.constant 0 : i32
      %dma_wait3A_317 = arith.constant 0 : i32
      %dma_wait3A_318 = tpu.memref_slice %arg14[%dma_wait3A_316, %dma_wait3A_317] : memref<128x8xf32, #tpu.memory_space<vmem>> -> memref<128x8xf32, #tpu.memory_space<vmem>>
      %dma_wait3A_319 = arith.constant 0 : i32
      %dma_wait3A_320 = tpu.memref_slice %arg18[%add3A_288, %dma_wait3A_319] : memref<10000x8xf32, #tpu.memory_space<vmem_shared>> -> memref<128x8xf32, #tpu.memory_space<vmem_shared>>
      tpu.wait_dma2 semaphore(%run_scoped3A : memref<!tpu.dma_semaphore, #tpu.memory_space<semaphore_mem>>) src(%dma_wait3A_320 : memref<128x8xf32, #tpu.memory_space<vmem_shared>>) dst(%dma_wait3A_318 : memref<128x8xf32, #tpu.memory_space<vmem>>)
      tpu.yield
    }) : () -> ()
    "tpu.region"() ({
      %run_scoped3A = tpu.sem_alloc : memref<!tpu.dma_semaphore, #tpu.memory_space<semaphore_mem>>
      %dma_start3A_301 = arith.constant 0 : i32
      %dma_start3A_302 = arith.constant 0 : i32
      %dma_start3A_303 = tpu.memref_slice %arg14[%dma_start3A_301, %dma_start3A_302] : memref<128x8xf32, #tpu.memory_space<vmem>> -> memref<128x8xf32, #tpu.memory_space<vmem>>
      %dma_start3A_304 = arith.constant 0 : i32
      %dma_start3A_305 = tpu.memref_slice %arg7[%arg0, %add3A_288, %dma_start3A_304] : memref<2x10000x8xf32, #tpu.memory_space<hbm>> -> memref<1x128x8xf32, #tpu.memory_space<hbm>>
      %dma_start3A_306 = tpu.memref_squeeze %dma_start3A_305 : memref<1x128x8xf32, #tpu.memory_space<hbm>> -> memref<128x8xf32, #tpu.memory_space<hbm>>
      %dma_start3A_307 = arith.constant 0 : i32
      %dma_start3A_308 = tpu.memref_slice %arg7[%arg0, %add3A_288, %dma_start3A_307] : memref<2x10000x8xf32, #tpu.memory_space<hbm>> -> memref<1x128x8xf32, #tpu.memory_space<hbm>>
      %dma_start3A_309 = tpu.memref_squeeze %dma_start3A_308 : memref<1x128x8xf32, #tpu.memory_space<hbm>> -> memref<128x8xf32, #tpu.memory_space<hbm>>
      %dma_start3A_310 = arith.constant 0 : i32
      %dma_start3A_311 = arith.constant 0 : i32
      %dma_start3A_312 = tpu.memref_slice %arg14[%dma_start3A_310, %dma_start3A_311] : memref<128x8xf32, #tpu.memory_space<vmem>> -> memref<128x8xf32, #tpu.memory_space<vmem>>
      tpu.enqueue_dma source(%dma_start3A_312 : memref<128x8xf32, #tpu.memory_space<vmem>>) target(%dma_start3A_309 : memref<128x8xf32, #tpu.memory_space<hbm>>) target_semaphore(%run_scoped3A : memref<!tpu.dma_semaphore, #tpu.memory_space<semaphore_mem>>)
      %dma_wait3A_313 = arith.constant 0 : i32
      %dma_wait3A_314 = arith.constant 0 : i32
      %dma_wait3A_315 = tpu.memref_slice %arg14[%dma_wait3A_313, %dma_wait3A_314] : memref<128x8xf32, #tpu.memory_space<vmem>> -> memref<128x8xf32, #tpu.memory_space<vmem>>
      %dma_wait3A_316 = arith.constant 0 : i32
      %dma_wait3A_317 = tpu.memref_slice %arg7[%arg0, %add3A_288, %dma_wait3A_316] : memref<2x10000x8xf32, #tpu.memory_space<hbm>> -> memref<1x128x8xf32, #tpu.memory_space<hbm>>
      %dma_wait3A_318 = tpu.memref_squeeze %dma_wait3A_317 : memref<1x128x8xf32, #tpu.memory_space<hbm>> -> memref<128x8xf32, #tpu.memory_space<hbm>>
      %dma_wait3A_319 = arith.constant 0 : i32
      %dma_wait3A_320 = tpu.memref_slice %arg7[%arg0, %add3A_288, %dma_wait3A_319] : memref<2x10000x8xf32, #tpu.memory_space<hbm>> -> memref<1x128x8xf32, #tpu.memory_space<hbm>>
      %dma_wait3A_321 = tpu.memref_squeeze %dma_wait3A_320 : memref<1x128x8xf32, #tpu.memory_space<hbm>> -> memref<128x8xf32, #tpu.memory_space<hbm>>
      %dma_wait3A_322 = arith.constant 0 : i32
      %dma_wait3A_323 = arith.constant 0 : i32
      %dma_wait3A_324 = tpu.memref_slice %arg14[%dma_wait3A_322, %dma_wait3A_323] : memref<128x8xf32, #tpu.memory_space<vmem>> -> memref<128x8xf32, #tpu.memory_space<vmem>>
      tpu.wait_dma2 semaphore(%run_scoped3A : memref<!tpu.dma_semaphore, #tpu.memory_space<semaphore_mem>>) src(%dma_wait3A_324 : memref<128x8xf32, #tpu.memory_space<vmem>>) dst(%dma_wait3A_321 : memref<128x8xf32, #tpu.memory_space<hbm>>)
      tpu.yield
    }) : () -> ()
    %mul3A_289 = arith.constant 625 : i32
    %mul3A_290 = arith.muli %arg1, %mul3A_289 : i32
    %add3A_291 = arith.constant 256 : i32
    %add3A_292 = arith.addi %mul3A_290, %add3A_291 : i32
    "tpu.region"() ({
      %run_scoped3A = tpu.sem_alloc : memref<!tpu.dma_semaphore, #tpu.memory_space<semaphore_mem>>
      %dma_start3A_301 = arith.constant 0 : i32
      %dma_start3A_302 = arith.constant 0 : i32
      %dma_start3A_303 = tpu.memref_slice %arg12[%dma_start3A_301, %dma_start3A_302] : memref<128x128xf32, #tpu.memory_space<vmem>> -> memref<128x128xf32, #tpu.memory_space<vmem>>
      %dma_start3A_304 = arith.constant 0 : i32
      %dma_start3A_305 = tpu.memref_slice %arg17[%add3A_292, %dma_start3A_304] : memref<10000x128xf32, #tpu.memory_space<vmem_shared>> -> memref<128x128xf32, #tpu.memory_space<vmem_shared>>
      %dma_start3A_306 = arith.constant 0 : i32
      %dma_start3A_307 = arith.constant 0 : i32
      %dma_start3A_308 = tpu.memref_slice %arg12[%dma_start3A_306, %dma_start3A_307] : memref<128x128xf32, #tpu.memory_space<vmem>> -> memref<128x128xf32, #tpu.memory_space<vmem>>
      %dma_start3A_309 = arith.constant 0 : i32
      %dma_start3A_310 = tpu.memref_slice %arg17[%add3A_292, %dma_start3A_309] : memref<10000x128xf32, #tpu.memory_space<vmem_shared>> -> memref<128x128xf32, #tpu.memory_space<vmem_shared>>
      tpu.enqueue_dma source(%dma_start3A_310 : memref<128x128xf32, #tpu.memory_space<vmem_shared>>) target(%dma_start3A_308 : memref<128x128xf32, #tpu.memory_space<vmem>>) target_semaphore(%run_scoped3A : memref<!tpu.dma_semaphore, #tpu.memory_space<semaphore_mem>>)
      %dma_wait3A_311 = arith.constant 0 : i32
      %dma_wait3A_312 = arith.constant 0 : i32
      %dma_wait3A_313 = tpu.memref_slice %arg12[%dma_wait3A_311, %dma_wait3A_312] : memref<128x128xf32, #tpu.memory_space<vmem>> -> memref<128x128xf32, #tpu.memory_space<vmem>>
      %dma_wait3A_314 = arith.constant 0 : i32
      %dma_wait3A_315 = tpu.memref_slice %arg17[%add3A_292, %dma_wait3A_314] : memref<10000x128xf32, #tpu.memory_space<vmem_shared>> -> memref<128x128xf32, #tpu.memory_space<vmem_shared>>
      %dma_wait3A_316 = arith.constant 0 : i32
      %dma_wait3A_317 = arith.constant 0 : i32
      %dma_wait3A_318 = tpu.memref_slice %arg12[%dma_wait3A_316, %dma_wait3A_317] : memref<128x128xf32, #tpu.memory_space<vmem>> -> memref<128x128xf32, #tpu.memory_space<vmem>>
      %dma_wait3A_319 = arith.constant 0 : i32
      %dma_wait3A_320 = tpu.memref_slice %arg17[%add3A_292, %dma_wait3A_319] : memref<10000x128xf32, #tpu.memory_space<vmem_shared>> -> memref<128x128xf32, #tpu.memory_space<vmem_shared>>
      tpu.wait_dma2 semaphore(%run_scoped3A : memref<!tpu.dma_semaphore, #tpu.memory_space<semaphore_mem>>) src(%dma_wait3A_320 : memref<128x128xf32, #tpu.memory_space<vmem_shared>>) dst(%dma_wait3A_318 : memref<128x128xf32, #tpu.memory_space<vmem>>)
      tpu.yield
    }) : () -> ()
    "tpu.region"() ({
      %run_scoped3A = tpu.sem_alloc : memref<!tpu.dma_semaphore, #tpu.memory_space<semaphore_mem>>
      %dma_start3A_301 = arith.constant 0 : i32
      %dma_start3A_302 = arith.constant 0 : i32
      %dma_start3A_303 = tpu.memref_slice %arg12[%dma_start3A_301, %dma_start3A_302] : memref<128x128xf32, #tpu.memory_space<vmem>> -> memref<128x128xf32, #tpu.memory_space<vmem>>
      %dma_start3A_304 = arith.constant 0 : i32
      %dma_start3A_305 = tpu.memref_slice %arg6[%arg0, %add3A_292, %dma_start3A_304] : memref<2x10000x128xf32, #tpu.memory_space<hbm>> -> memref<1x128x128xf32, #tpu.memory_space<hbm>>
      %dma_start3A_306 = tpu.memref_squeeze %dma_start3A_305 : memref<1x128x128xf32, #tpu.memory_space<hbm>> -> memref<128x128xf32, #tpu.memory_space<hbm>>
      %dma_start3A_307 = arith.constant 0 : i32
      %dma_start3A_308 = tpu.memref_slice %arg6[%arg0, %add3A_292, %dma_start3A_307] : memref<2x10000x128xf32, #tpu.memory_space<hbm>> -> memref<1x128x128xf32, #tpu.memory_space<hbm>>
      %dma_start3A_309 = tpu.memref_squeeze %dma_start3A_308 : memref<1x128x128xf32, #tpu.memory_space<hbm>> -> memref<128x128xf32, #tpu.memory_space<hbm>>
      %dma_start3A_310 = arith.constant 0 : i32
      %dma_start3A_311 = arith.constant 0 : i32
      %dma_start3A_312 = tpu.memref_slice %arg12[%dma_start3A_310, %dma_start3A_311] : memref<128x128xf32, #tpu.memory_space<vmem>> -> memref<128x128xf32, #tpu.memory_space<vmem>>
      tpu.enqueue_dma source(%dma_start3A_312 : memref<128x128xf32, #tpu.memory_space<vmem>>) target(%dma_start3A_309 : memref<128x128xf32, #tpu.memory_space<hbm>>) target_semaphore(%run_scoped3A : memref<!tpu.dma_semaphore, #tpu.memory_space<semaphore_mem>>)
      %dma_wait3A_313 = arith.constant 0 : i32
      %dma_wait3A_314 = arith.constant 0 : i32
      %dma_wait3A_315 = tpu.memref_slice %arg12[%dma_wait3A_313, %dma_wait3A_314] : memref<128x128xf32, #tpu.memory_space<vmem>> -> memref<128x128xf32, #tpu.memory_space<vmem>>
      %dma_wait3A_316 = arith.constant 0 : i32
      %dma_wait3A_317 = tpu.memref_slice %arg6[%arg0, %add3A_292, %dma_wait3A_316] : memref<2x10000x128xf32, #tpu.memory_space<hbm>> -> memref<1x128x128xf32, #tpu.memory_space<hbm>>
      %dma_wait3A_318 = tpu.memref_squeeze %dma_wait3A_317 : memref<1x128x128xf32, #tpu.memory_space<hbm>> -> memref<128x128xf32, #tpu.memory_space<hbm>>
      %dma_wait3A_319 = arith.constant 0 : i32
      %dma_wait3A_320 = tpu.memref_slice %arg6[%arg0, %add3A_292, %dma_wait3A_319] : memref<2x10000x128xf32, #tpu.memory_space<hbm>> -> memref<1x128x128xf32, #tpu.memory_space<hbm>>
      %dma_wait3A_321 = tpu.memref_squeeze %dma_wait3A_320 : memref<1x128x128xf32, #tpu.memory_space<hbm>> -> memref<128x128xf32, #tpu.memory_space<hbm>>
      %dma_wait3A_322 = arith.constant 0 : i32
      %dma_wait3A_323 = arith.constant 0 : i32
      %dma_wait3A_324 = tpu.memref_slice %arg12[%dma_wait3A_322, %dma_wait3A_323] : memref<128x128xf32, #tpu.memory_space<vmem>> -> memref<128x128xf32, #tpu.memory_space<vmem>>
      tpu.wait_dma2 semaphore(%run_scoped3A : memref<!tpu.dma_semaphore, #tpu.memory_space<semaphore_mem>>) src(%dma_wait3A_324 : memref<128x128xf32, #tpu.memory_space<vmem>>) dst(%dma_wait3A_321 : memref<128x128xf32, #tpu.memory_space<hbm>>)
      tpu.yield
    }) : () -> ()
    "tpu.region"() ({
      %run_scoped3A = tpu.sem_alloc : memref<!tpu.dma_semaphore, #tpu.memory_space<semaphore_mem>>
      %dma_start3A_301 = arith.constant 0 : i32
      %dma_start3A_302 = arith.constant 0 : i32
      %dma_start3A_303 = tpu.memref_slice %arg14[%dma_start3A_301, %dma_start3A_302] : memref<128x8xf32, #tpu.memory_space<vmem>> -> memref<128x8xf32, #tpu.memory_space<vmem>>
      %dma_start3A_304 = arith.constant 0 : i32
      %dma_start3A_305 = tpu.memref_slice %arg18[%add3A_292, %dma_start3A_304] : memref<10000x8xf32, #tpu.memory_space<vmem_shared>> -> memref<128x8xf32, #tpu.memory_space<vmem_shared>>
      %dma_start3A_306 = arith.constant 0 : i32
      %dma_start3A_307 = arith.constant 0 : i32
      %dma_start3A_308 = tpu.memref_slice %arg14[%dma_start3A_306, %dma_start3A_307] : memref<128x8xf32, #tpu.memory_space<vmem>> -> memref<128x8xf32, #tpu.memory_space<vmem>>
      %dma_start3A_309 = arith.constant 0 : i32
      %dma_start3A_310 = tpu.memref_slice %arg18[%add3A_292, %dma_start3A_309] : memref<10000x8xf32, #tpu.memory_space<vmem_shared>> -> memref<128x8xf32, #tpu.memory_space<vmem_shared>>
      tpu.enqueue_dma source(%dma_start3A_310 : memref<128x8xf32, #tpu.memory_space<vmem_shared>>) target(%dma_start3A_308 : memref<128x8xf32, #tpu.memory_space<vmem>>) target_semaphore(%run_scoped3A : memref<!tpu.dma_semaphore, #tpu.memory_space<semaphore_mem>>)
      %dma_wait3A_311 = arith.constant 0 : i32
      %dma_wait3A_312 = arith.constant 0 : i32
      %dma_wait3A_313 = tpu.memref_slice %arg14[%dma_wait3A_311, %dma_wait3A_312] : memref<128x8xf32, #tpu.memory_space<vmem>> -> memref<128x8xf32, #tpu.memory_space<vmem>>
      %dma_wait3A_314 = arith.constant 0 : i32
      %dma_wait3A_315 = tpu.memref_slice %arg18[%add3A_292, %dma_wait3A_314] : memref<10000x8xf32, #tpu.memory_space<vmem_shared>> -> memref<128x8xf32, #tpu.memory_space<vmem_shared>>
      %dma_wait3A_316 = arith.constant 0 : i32
      %dma_wait3A_317 = arith.constant 0 : i32
      %dma_wait3A_318 = tpu.memref_slice %arg14[%dma_wait3A_316, %dma_wait3A_317] : memref<128x8xf32, #tpu.memory_space<vmem>> -> memref<128x8xf32, #tpu.memory_space<vmem>>
      %dma_wait3A_319 = arith.constant 0 : i32
      %dma_wait3A_320 = tpu.memref_slice %arg18[%add3A_292, %dma_wait3A_319] : memref<10000x8xf32, #tpu.memory_space<vmem_shared>> -> memref<128x8xf32, #tpu.memory_space<vmem_shared>>
      tpu.wait_dma2 semaphore(%run_scoped3A : memref<!tpu.dma_semaphore, #tpu.memory_space<semaphore_mem>>) src(%dma_wait3A_320 : memref<128x8xf32, #tpu.memory_space<vmem_shared>>) dst(%dma_wait3A_318 : memref<128x8xf32, #tpu.memory_space<vmem>>)
      tpu.yield
    }) : () -> ()
    "tpu.region"() ({
      %run_scoped3A = tpu.sem_alloc : memref<!tpu.dma_semaphore, #tpu.memory_space<semaphore_mem>>
      %dma_start3A_301 = arith.constant 0 : i32
      %dma_start3A_302 = arith.constant 0 : i32
      %dma_start3A_303 = tpu.memref_slice %arg14[%dma_start3A_301, %dma_start3A_302] : memref<128x8xf32, #tpu.memory_space<vmem>> -> memref<128x8xf32, #tpu.memory_space<vmem>>
      %dma_start3A_304 = arith.constant 0 : i32
      %dma_start3A_305 = tpu.memref_slice %arg7[%arg0, %add3A_292, %dma_start3A_304] : memref<2x10000x8xf32, #tpu.memory_space<hbm>> -> memref<1x128x8xf32, #tpu.memory_space<hbm>>
      %dma_start3A_306 = tpu.memref_squeeze %dma_start3A_305 : memref<1x128x8xf32, #tpu.memory_space<hbm>> -> memref<128x8xf32, #tpu.memory_space<hbm>>
      %dma_start3A_307 = arith.constant 0 : i32
      %dma_start3A_308 = tpu.memref_slice %arg7[%arg0, %add3A_292, %dma_start3A_307] : memref<2x10000x8xf32, #tpu.memory_space<hbm>> -> memref<1x128x8xf32, #tpu.memory_space<hbm>>
      %dma_start3A_309 = tpu.memref_squeeze %dma_start3A_308 : memref<1x128x8xf32, #tpu.memory_space<hbm>> -> memref<128x8xf32, #tpu.memory_space<hbm>>
      %dma_start3A_310 = arith.constant 0 : i32
      %dma_start3A_311 = arith.constant 0 : i32
      %dma_start3A_312 = tpu.memref_slice %arg14[%dma_start3A_310, %dma_start3A_311] : memref<128x8xf32, #tpu.memory_space<vmem>> -> memref<128x8xf32, #tpu.memory_space<vmem>>
      tpu.enqueue_dma source(%dma_start3A_312 : memref<128x8xf32, #tpu.memory_space<vmem>>) target(%dma_start3A_309 : memref<128x8xf32, #tpu.memory_space<hbm>>) target_semaphore(%run_scoped3A : memref<!tpu.dma_semaphore, #tpu.memory_space<semaphore_mem>>)
      %dma_wait3A_313 = arith.constant 0 : i32
      %dma_wait3A_314 = arith.constant 0 : i32
      %dma_wait3A_315 = tpu.memref_slice %arg14[%dma_wait3A_313, %dma_wait3A_314] : memref<128x8xf32, #tpu.memory_space<vmem>> -> memref<128x8xf32, #tpu.memory_space<vmem>>
      %dma_wait3A_316 = arith.constant 0 : i32
      %dma_wait3A_317 = tpu.memref_slice %arg7[%arg0, %add3A_292, %dma_wait3A_316] : memref<2x10000x8xf32, #tpu.memory_space<hbm>> -> memref<1x128x8xf32, #tpu.memory_space<hbm>>
      %dma_wait3A_318 = tpu.memref_squeeze %dma_wait3A_317 : memref<1x128x8xf32, #tpu.memory_space<hbm>> -> memref<128x8xf32, #tpu.memory_space<hbm>>
      %dma_wait3A_319 = arith.constant 0 : i32
      %dma_wait3A_320 = tpu.memref_slice %arg7[%arg0, %add3A_292, %dma_wait3A_319] : memref<2x10000x8xf32, #tpu.memory_space<hbm>> -> memref<1x128x8xf32, #tpu.memory_space<hbm>>
      %dma_wait3A_321 = tpu.memref_squeeze %dma_wait3A_320 : memref<1x128x8xf32, #tpu.memory_space<hbm>> -> memref<128x8xf32, #tpu.memory_space<hbm>>
      %dma_wait3A_322 = arith.constant 0 : i32
      %dma_wait3A_323 = arith.constant 0 : i32
      %dma_wait3A_324 = tpu.memref_slice %arg14[%dma_wait3A_322, %dma_wait3A_323] : memref<128x8xf32, #tpu.memory_space<vmem>> -> memref<128x8xf32, #tpu.memory_space<vmem>>
      tpu.wait_dma2 semaphore(%run_scoped3A : memref<!tpu.dma_semaphore, #tpu.memory_space<semaphore_mem>>) src(%dma_wait3A_324 : memref<128x8xf32, #tpu.memory_space<vmem>>) dst(%dma_wait3A_321 : memref<128x8xf32, #tpu.memory_space<hbm>>)
      tpu.yield
    }) : () -> ()
    %mul3A_293 = arith.constant 625 : i32
    %mul3A_294 = arith.muli %arg1, %mul3A_293 : i32
    %add3A_295 = arith.constant 384 : i32
    %add3A_296 = arith.addi %mul3A_294, %add3A_295 : i32
    "tpu.region"() ({
      %run_scoped3A = tpu.sem_alloc : memref<!tpu.dma_semaphore, #tpu.memory_space<semaphore_mem>>
      %dma_start3A_301 = arith.constant 0 : i32
      %dma_start3A_302 = arith.constant 0 : i32
      %dma_start3A_303 = tpu.memref_slice %arg12[%dma_start3A_301, %dma_start3A_302] : memref<128x128xf32, #tpu.memory_space<vmem>> -> memref<128x128xf32, #tpu.memory_space<vmem>>
      %dma_start3A_304 = arith.constant 0 : i32
      %dma_start3A_305 = tpu.memref_slice %arg17[%add3A_296, %dma_start3A_304] : memref<10000x128xf32, #tpu.memory_space<vmem_shared>> -> memref<128x128xf32, #tpu.memory_space<vmem_shared>>
      %dma_start3A_306 = arith.constant 0 : i32
      %dma_start3A_307 = arith.constant 0 : i32
      %dma_start3A_308 = tpu.memref_slice %arg12[%dma_start3A_306, %dma_start3A_307] : memref<128x128xf32, #tpu.memory_space<vmem>> -> memref<128x128xf32, #tpu.memory_space<vmem>>
      %dma_start3A_309 = arith.constant 0 : i32
      %dma_start3A_310 = tpu.memref_slice %arg17[%add3A_296, %dma_start3A_309] : memref<10000x128xf32, #tpu.memory_space<vmem_shared>> -> memref<128x128xf32, #tpu.memory_space<vmem_shared>>
      tpu.enqueue_dma source(%dma_start3A_310 : memref<128x128xf32, #tpu.memory_space<vmem_shared>>) target(%dma_start3A_308 : memref<128x128xf32, #tpu.memory_space<vmem>>) target_semaphore(%run_scoped3A : memref<!tpu.dma_semaphore, #tpu.memory_space<semaphore_mem>>)
      %dma_wait3A_311 = arith.constant 0 : i32
      %dma_wait3A_312 = arith.constant 0 : i32
      %dma_wait3A_313 = tpu.memref_slice %arg12[%dma_wait3A_311, %dma_wait3A_312] : memref<128x128xf32, #tpu.memory_space<vmem>> -> memref<128x128xf32, #tpu.memory_space<vmem>>
      %dma_wait3A_314 = arith.constant 0 : i32
      %dma_wait3A_315 = tpu.memref_slice %arg17[%add3A_296, %dma_wait3A_314] : memref<10000x128xf32, #tpu.memory_space<vmem_shared>> -> memref<128x128xf32, #tpu.memory_space<vmem_shared>>
      %dma_wait3A_316 = arith.constant 0 : i32
      %dma_wait3A_317 = arith.constant 0 : i32
      %dma_wait3A_318 = tpu.memref_slice %arg12[%dma_wait3A_316, %dma_wait3A_317] : memref<128x128xf32, #tpu.memory_space<vmem>> -> memref<128x128xf32, #tpu.memory_space<vmem>>
      %dma_wait3A_319 = arith.constant 0 : i32
      %dma_wait3A_320 = tpu.memref_slice %arg17[%add3A_296, %dma_wait3A_319] : memref<10000x128xf32, #tpu.memory_space<vmem_shared>> -> memref<128x128xf32, #tpu.memory_space<vmem_shared>>
      tpu.wait_dma2 semaphore(%run_scoped3A : memref<!tpu.dma_semaphore, #tpu.memory_space<semaphore_mem>>) src(%dma_wait3A_320 : memref<128x128xf32, #tpu.memory_space<vmem_shared>>) dst(%dma_wait3A_318 : memref<128x128xf32, #tpu.memory_space<vmem>>)
      tpu.yield
    }) : () -> ()
    "tpu.region"() ({
      %run_scoped3A = tpu.sem_alloc : memref<!tpu.dma_semaphore, #tpu.memory_space<semaphore_mem>>
      %dma_start3A_301 = arith.constant 0 : i32
      %dma_start3A_302 = arith.constant 0 : i32
      %dma_start3A_303 = tpu.memref_slice %arg12[%dma_start3A_301, %dma_start3A_302] : memref<128x128xf32, #tpu.memory_space<vmem>> -> memref<128x128xf32, #tpu.memory_space<vmem>>
      %dma_start3A_304 = arith.constant 0 : i32
      %dma_start3A_305 = tpu.memref_slice %arg6[%arg0, %add3A_296, %dma_start3A_304] : memref<2x10000x128xf32, #tpu.memory_space<hbm>> -> memref<1x128x128xf32, #tpu.memory_space<hbm>>
      %dma_start3A_306 = tpu.memref_squeeze %dma_start3A_305 : memref<1x128x128xf32, #tpu.memory_space<hbm>> -> memref<128x128xf32, #tpu.memory_space<hbm>>
      %dma_start3A_307 = arith.constant 0 : i32
      %dma_start3A_308 = tpu.memref_slice %arg6[%arg0, %add3A_296, %dma_start3A_307] : memref<2x10000x128xf32, #tpu.memory_space<hbm>> -> memref<1x128x128xf32, #tpu.memory_space<hbm>>
      %dma_start3A_309 = tpu.memref_squeeze %dma_start3A_308 : memref<1x128x128xf32, #tpu.memory_space<hbm>> -> memref<128x128xf32, #tpu.memory_space<hbm>>
      %dma_start3A_310 = arith.constant 0 : i32
      %dma_start3A_311 = arith.constant 0 : i32
      %dma_start3A_312 = tpu.memref_slice %arg12[%dma_start3A_310, %dma_start3A_311] : memref<128x128xf32, #tpu.memory_space<vmem>> -> memref<128x128xf32, #tpu.memory_space<vmem>>
      tpu.enqueue_dma source(%dma_start3A_312 : memref<128x128xf32, #tpu.memory_space<vmem>>) target(%dma_start3A_309 : memref<128x128xf32, #tpu.memory_space<hbm>>) target_semaphore(%run_scoped3A : memref<!tpu.dma_semaphore, #tpu.memory_space<semaphore_mem>>)
      %dma_wait3A_313 = arith.constant 0 : i32
      %dma_wait3A_314 = arith.constant 0 : i32
      %dma_wait3A_315 = tpu.memref_slice %arg12[%dma_wait3A_313, %dma_wait3A_314] : memref<128x128xf32, #tpu.memory_space<vmem>> -> memref<128x128xf32, #tpu.memory_space<vmem>>
      %dma_wait3A_316 = arith.constant 0 : i32
      %dma_wait3A_317 = tpu.memref_slice %arg6[%arg0, %add3A_296, %dma_wait3A_316] : memref<2x10000x128xf32, #tpu.memory_space<hbm>> -> memref<1x128x128xf32, #tpu.memory_space<hbm>>
      %dma_wait3A_318 = tpu.memref_squeeze %dma_wait3A_317 : memref<1x128x128xf32, #tpu.memory_space<hbm>> -> memref<128x128xf32, #tpu.memory_space<hbm>>
      %dma_wait3A_319 = arith.constant 0 : i32
      %dma_wait3A_320 = tpu.memref_slice %arg6[%arg0, %add3A_296, %dma_wait3A_319] : memref<2x10000x128xf32, #tpu.memory_space<hbm>> -> memref<1x128x128xf32, #tpu.memory_space<hbm>>
      %dma_wait3A_321 = tpu.memref_squeeze %dma_wait3A_320 : memref<1x128x128xf32, #tpu.memory_space<hbm>> -> memref<128x128xf32, #tpu.memory_space<hbm>>
      %dma_wait3A_322 = arith.constant 0 : i32
      %dma_wait3A_323 = arith.constant 0 : i32
      %dma_wait3A_324 = tpu.memref_slice %arg12[%dma_wait3A_322, %dma_wait3A_323] : memref<128x128xf32, #tpu.memory_space<vmem>> -> memref<128x128xf32, #tpu.memory_space<vmem>>
      tpu.wait_dma2 semaphore(%run_scoped3A : memref<!tpu.dma_semaphore, #tpu.memory_space<semaphore_mem>>) src(%dma_wait3A_324 : memref<128x128xf32, #tpu.memory_space<vmem>>) dst(%dma_wait3A_321 : memref<128x128xf32, #tpu.memory_space<hbm>>)
      tpu.yield
    }) : () -> ()
    "tpu.region"() ({
      %run_scoped3A = tpu.sem_alloc : memref<!tpu.dma_semaphore, #tpu.memory_space<semaphore_mem>>
      %dma_start3A_301 = arith.constant 0 : i32
      %dma_start3A_302 = arith.constant 0 : i32
      %dma_start3A_303 = tpu.memref_slice %arg14[%dma_start3A_301, %dma_start3A_302] : memref<128x8xf32, #tpu.memory_space<vmem>> -> memref<128x8xf32, #tpu.memory_space<vmem>>
      %dma_start3A_304 = arith.constant 0 : i32
      %dma_start3A_305 = tpu.memref_slice %arg18[%add3A_296, %dma_start3A_304] : memref<10000x8xf32, #tpu.memory_space<vmem_shared>> -> memref<128x8xf32, #tpu.memory_space<vmem_shared>>
      %dma_start3A_306 = arith.constant 0 : i32
      %dma_start3A_307 = arith.constant 0 : i32
      %dma_start3A_308 = tpu.memref_slice %arg14[%dma_start3A_306, %dma_start3A_307] : memref<128x8xf32, #tpu.memory_space<vmem>> -> memref<128x8xf32, #tpu.memory_space<vmem>>
      %dma_start3A_309 = arith.constant 0 : i32
      %dma_start3A_310 = tpu.memref_slice %arg18[%add3A_296, %dma_start3A_309] : memref<10000x8xf32, #tpu.memory_space<vmem_shared>> -> memref<128x8xf32, #tpu.memory_space<vmem_shared>>
      tpu.enqueue_dma source(%dma_start3A_310 : memref<128x8xf32, #tpu.memory_space<vmem_shared>>) target(%dma_start3A_308 : memref<128x8xf32, #tpu.memory_space<vmem>>) target_semaphore(%run_scoped3A : memref<!tpu.dma_semaphore, #tpu.memory_space<semaphore_mem>>)
      %dma_wait3A_311 = arith.constant 0 : i32
      %dma_wait3A_312 = arith.constant 0 : i32
      %dma_wait3A_313 = tpu.memref_slice %arg14[%dma_wait3A_311, %dma_wait3A_312] : memref<128x8xf32, #tpu.memory_space<vmem>> -> memref<128x8xf32, #tpu.memory_space<vmem>>
      %dma_wait3A_314 = arith.constant 0 : i32
      %dma_wait3A_315 = tpu.memref_slice %arg18[%add3A_296, %dma_wait3A_314] : memref<10000x8xf32, #tpu.memory_space<vmem_shared>> -> memref<128x8xf32, #tpu.memory_space<vmem_shared>>
      %dma_wait3A_316 = arith.constant 0 : i32
      %dma_wait3A_317 = arith.constant 0 : i32
      %dma_wait3A_318 = tpu.memref_slice %arg14[%dma_wait3A_316, %dma_wait3A_317] : memref<128x8xf32, #tpu.memory_space<vmem>> -> memref<128x8xf32, #tpu.memory_space<vmem>>
      %dma_wait3A_319 = arith.constant 0 : i32
      %dma_wait3A_320 = tpu.memref_slice %arg18[%add3A_296, %dma_wait3A_319] : memref<10000x8xf32, #tpu.memory_space<vmem_shared>> -> memref<128x8xf32, #tpu.memory_space<vmem_shared>>
      tpu.wait_dma2 semaphore(%run_scoped3A : memref<!tpu.dma_semaphore, #tpu.memory_space<semaphore_mem>>) src(%dma_wait3A_320 : memref<128x8xf32, #tpu.memory_space<vmem_shared>>) dst(%dma_wait3A_318 : memref<128x8xf32, #tpu.memory_space<vmem>>)
      tpu.yield
    }) : () -> ()
    "tpu.region"() ({
      %run_scoped3A = tpu.sem_alloc : memref<!tpu.dma_semaphore, #tpu.memory_space<semaphore_mem>>
      %dma_start3A_301 = arith.constant 0 : i32
      %dma_start3A_302 = arith.constant 0 : i32
      %dma_start3A_303 = tpu.memref_slice %arg14[%dma_start3A_301, %dma_start3A_302] : memref<128x8xf32, #tpu.memory_space<vmem>> -> memref<128x8xf32, #tpu.memory_space<vmem>>
      %dma_start3A_304 = arith.constant 0 : i32
      %dma_start3A_305 = tpu.memref_slice %arg7[%arg0, %add3A_296, %dma_start3A_304] : memref<2x10000x8xf32, #tpu.memory_space<hbm>> -> memref<1x128x8xf32, #tpu.memory_space<hbm>>
      %dma_start3A_306 = tpu.memref_squeeze %dma_start3A_305 : memref<1x128x8xf32, #tpu.memory_space<hbm>> -> memref<128x8xf32, #tpu.memory_space<hbm>>
      %dma_start3A_307 = arith.constant 0 : i32
      %dma_start3A_308 = tpu.memref_slice %arg7[%arg0, %add3A_296, %dma_start3A_307] : memref<2x10000x8xf32, #tpu.memory_space<hbm>> -> memref<1x128x8xf32, #tpu.memory_space<hbm>>
      %dma_start3A_309 = tpu.memref_squeeze %dma_start3A_308 : memref<1x128x8xf32, #tpu.memory_space<hbm>> -> memref<128x8xf32, #tpu.memory_space<hbm>>
      %dma_start3A_310 = arith.constant 0 : i32
      %dma_start3A_311 = arith.constant 0 : i32
      %dma_start3A_312 = tpu.memref_slice %arg14[%dma_start3A_310, %dma_start3A_311] : memref<128x8xf32, #tpu.memory_space<vmem>> -> memref<128x8xf32, #tpu.memory_space<vmem>>
      tpu.enqueue_dma source(%dma_start3A_312 : memref<128x8xf32, #tpu.memory_space<vmem>>) target(%dma_start3A_309 : memref<128x8xf32, #tpu.memory_space<hbm>>) target_semaphore(%run_scoped3A : memref<!tpu.dma_semaphore, #tpu.memory_space<semaphore_mem>>)
      %dma_wait3A_313 = arith.constant 0 : i32
      %dma_wait3A_314 = arith.constant 0 : i32
      %dma_wait3A_315 = tpu.memref_slice %arg14[%dma_wait3A_313, %dma_wait3A_314] : memref<128x8xf32, #tpu.memory_space<vmem>> -> memref<128x8xf32, #tpu.memory_space<vmem>>
      %dma_wait3A_316 = arith.constant 0 : i32
      %dma_wait3A_317 = tpu.memref_slice %arg7[%arg0, %add3A_296, %dma_wait3A_316] : memref<2x10000x8xf32, #tpu.memory_space<hbm>> -> memref<1x128x8xf32, #tpu.memory_space<hbm>>
      %dma_wait3A_318 = tpu.memref_squeeze %dma_wait3A_317 : memref<1x128x8xf32, #tpu.memory_space<hbm>> -> memref<128x8xf32, #tpu.memory_space<hbm>>
      %dma_wait3A_319 = arith.constant 0 : i32
      %dma_wait3A_320 = tpu.memref_slice %arg7[%arg0, %add3A_296, %dma_wait3A_319] : memref<2x10000x8xf32, #tpu.memory_space<hbm>> -> memref<1x128x8xf32, #tpu.memory_space<hbm>>
      %dma_wait3A_321 = tpu.memref_squeeze %dma_wait3A_320 : memref<1x128x8xf32, #tpu.memory_space<hbm>> -> memref<128x8xf32, #tpu.memory_space<hbm>>
      %dma_wait3A_322 = arith.constant 0 : i32
      %dma_wait3A_323 = arith.constant 0 : i32
      %dma_wait3A_324 = tpu.memref_slice %arg14[%dma_wait3A_322, %dma_wait3A_323] : memref<128x8xf32, #tpu.memory_space<vmem>> -> memref<128x8xf32, #tpu.memory_space<vmem>>
      tpu.wait_dma2 semaphore(%run_scoped3A : memref<!tpu.dma_semaphore, #tpu.memory_space<semaphore_mem>>) src(%dma_wait3A_324 : memref<128x8xf32, #tpu.memory_space<vmem>>) dst(%dma_wait3A_321 : memref<128x8xf32, #tpu.memory_space<hbm>>)
      tpu.yield
    }) : () -> ()
    %mul3A_297 = arith.constant 625 : i32
    %mul3A_298 = arith.muli %arg1, %mul3A_297 : i32
    %add3A_299 = arith.constant 512 : i32
    %add3A_300 = arith.addi %mul3A_298, %add3A_299 : i32
    "tpu.region"() ({
      %run_scoped3A = tpu.sem_alloc : memref<!tpu.dma_semaphore, #tpu.memory_space<semaphore_mem>>
      %dma_start3A_301 = arith.constant 0 : i32
      %dma_start3A_302 = arith.constant 0 : i32
      %dma_start3A_303 = tpu.memref_slice %arg12[%dma_start3A_301, %dma_start3A_302] : memref<128x128xf32, #tpu.memory_space<vmem>> -> memref<113x128xf32, #tpu.memory_space<vmem>>
      %dma_start3A_304 = arith.constant 0 : i32
      %dma_start3A_305 = tpu.memref_slice %arg17[%add3A_300, %dma_start3A_304] : memref<10000x128xf32, #tpu.memory_space<vmem_shared>> -> memref<113x128xf32, #tpu.memory_space<vmem_shared>>
      %dma_start3A_306 = arith.constant 0 : i32
      %dma_start3A_307 = arith.constant 0 : i32
      %dma_start3A_308 = tpu.memref_slice %arg12[%dma_start3A_306, %dma_start3A_307] : memref<128x128xf32, #tpu.memory_space<vmem>> -> memref<113x128xf32, #tpu.memory_space<vmem>>
      %dma_start3A_309 = arith.constant 0 : i32
      %dma_start3A_310 = tpu.memref_slice %arg17[%add3A_300, %dma_start3A_309] : memref<10000x128xf32, #tpu.memory_space<vmem_shared>> -> memref<113x128xf32, #tpu.memory_space<vmem_shared>>
      tpu.enqueue_dma source(%dma_start3A_310 : memref<113x128xf32, #tpu.memory_space<vmem_shared>>) target(%dma_start3A_308 : memref<113x128xf32, #tpu.memory_space<vmem>>) target_semaphore(%run_scoped3A : memref<!tpu.dma_semaphore, #tpu.memory_space<semaphore_mem>>)
      %dma_wait3A_311 = arith.constant 0 : i32
      %dma_wait3A_312 = arith.constant 0 : i32
      %dma_wait3A_313 = tpu.memref_slice %arg12[%dma_wait3A_311, %dma_wait3A_312] : memref<128x128xf32, #tpu.memory_space<vmem>> -> memref<113x128xf32, #tpu.memory_space<vmem>>
      %dma_wait3A_314 = arith.constant 0 : i32
      %dma_wait3A_315 = tpu.memref_slice %arg17[%add3A_300, %dma_wait3A_314] : memref<10000x128xf32, #tpu.memory_space<vmem_shared>> -> memref<113x128xf32, #tpu.memory_space<vmem_shared>>
      %dma_wait3A_316 = arith.constant 0 : i32
      %dma_wait3A_317 = arith.constant 0 : i32
      %dma_wait3A_318 = tpu.memref_slice %arg12[%dma_wait3A_316, %dma_wait3A_317] : memref<128x128xf32, #tpu.memory_space<vmem>> -> memref<113x128xf32, #tpu.memory_space<vmem>>
      %dma_wait3A_319 = arith.constant 0 : i32
      %dma_wait3A_320 = tpu.memref_slice %arg17[%add3A_300, %dma_wait3A_319] : memref<10000x128xf32, #tpu.memory_space<vmem_shared>> -> memref<113x128xf32, #tpu.memory_space<vmem_shared>>
      tpu.wait_dma2 semaphore(%run_scoped3A : memref<!tpu.dma_semaphore, #tpu.memory_space<semaphore_mem>>) src(%dma_wait3A_320 : memref<113x128xf32, #tpu.memory_space<vmem_shared>>) dst(%dma_wait3A_318 : memref<113x128xf32, #tpu.memory_space<vmem>>)
      tpu.yield
    }) : () -> ()
    "tpu.region"() ({
      %run_scoped3A = tpu.sem_alloc : memref<!tpu.dma_semaphore, #tpu.memory_space<semaphore_mem>>
      %dma_start3A_301 = arith.constant 0 : i32
      %dma_start3A_302 = arith.constant 0 : i32
      %dma_start3A_303 = tpu.memref_slice %arg12[%dma_start3A_301, %dma_start3A_302] : memref<128x128xf32, #tpu.memory_space<vmem>> -> memref<113x128xf32, #tpu.memory_space<vmem>>
      %dma_start3A_304 = arith.constant 0 : i32
      %dma_start3A_305 = tpu.memref_slice %arg6[%arg0, %add3A_300, %dma_start3A_304] : memref<2x10000x128xf32, #tpu.memory_space<hbm>> -> memref<1x113x128xf32, #tpu.memory_space<hbm>>
      %dma_start3A_306 = tpu.memref_squeeze %dma_start3A_305 : memref<1x113x128xf32, #tpu.memory_space<hbm>> -> memref<113x128xf32, #tpu.memory_space<hbm>>
      %dma_start3A_307 = arith.constant 0 : i32
      %dma_start3A_308 = tpu.memref_slice %arg6[%arg0, %add3A_300, %dma_start3A_307] : memref<2x10000x128xf32, #tpu.memory_space<hbm>> -> memref<1x113x128xf32, #tpu.memory_space<hbm>>
      %dma_start3A_309 = tpu.memref_squeeze %dma_start3A_308 : memref<1x113x128xf32, #tpu.memory_space<hbm>> -> memref<113x128xf32, #tpu.memory_space<hbm>>
      %dma_start3A_310 = arith.constant 0 : i32
      %dma_start3A_311 = arith.constant 0 : i32
      %dma_start3A_312 = tpu.memref_slice %arg12[%dma_start3A_310, %dma_start3A_311] : memref<128x128xf32, #tpu.memory_space<vmem>> -> memref<113x128xf32, #tpu.memory_space<vmem>>
      tpu.enqueue_dma source(%dma_start3A_312 : memref<113x128xf32, #tpu.memory_space<vmem>>) target(%dma_start3A_309 : memref<113x128xf32, #tpu.memory_space<hbm>>) target_semaphore(%run_scoped3A : memref<!tpu.dma_semaphore, #tpu.memory_space<semaphore_mem>>)
      %dma_wait3A_313 = arith.constant 0 : i32
      %dma_wait3A_314 = arith.constant 0 : i32
      %dma_wait3A_315 = tpu.memref_slice %arg12[%dma_wait3A_313, %dma_wait3A_314] : memref<128x128xf32, #tpu.memory_space<vmem>> -> memref<113x128xf32, #tpu.memory_space<vmem>>
      %dma_wait3A_316 = arith.constant 0 : i32
      %dma_wait3A_317 = tpu.memref_slice %arg6[%arg0, %add3A_300, %dma_wait3A_316] : memref<2x10000x128xf32, #tpu.memory_space<hbm>> -> memref<1x113x128xf32, #tpu.memory_space<hbm>>
      %dma_wait3A_318 = tpu.memref_squeeze %dma_wait3A_317 : memref<1x113x128xf32, #tpu.memory_space<hbm>> -> memref<113x128xf32, #tpu.memory_space<hbm>>
      %dma_wait3A_319 = arith.constant 0 : i32
      %dma_wait3A_320 = tpu.memref_slice %arg6[%arg0, %add3A_300, %dma_wait3A_319] : memref<2x10000x128xf32, #tpu.memory_space<hbm>> -> memref<1x113x128xf32, #tpu.memory_space<hbm>>
      %dma_wait3A_321 = tpu.memref_squeeze %dma_wait3A_320 : memref<1x113x128xf32, #tpu.memory_space<hbm>> -> memref<113x128xf32, #tpu.memory_space<hbm>>
      %dma_wait3A_322 = arith.constant 0 : i32
      %dma_wait3A_323 = arith.constant 0 : i32
      %dma_wait3A_324 = tpu.memref_slice %arg12[%dma_wait3A_322, %dma_wait3A_323] : memref<128x128xf32, #tpu.memory_space<vmem>> -> memref<113x128xf32, #tpu.memory_space<vmem>>
      tpu.wait_dma2 semaphore(%run_scoped3A : memref<!tpu.dma_semaphore, #tpu.memory_space<semaphore_mem>>) src(%dma_wait3A_324 : memref<113x128xf32, #tpu.memory_space<vmem>>) dst(%dma_wait3A_321 : memref<113x128xf32, #tpu.memory_space<hbm>>)
      tpu.yield
    }) : () -> ()
    "tpu.region"() ({
      %run_scoped3A = tpu.sem_alloc : memref<!tpu.dma_semaphore, #tpu.memory_space<semaphore_mem>>
      %dma_start3A_301 = arith.constant 0 : i32
      %dma_start3A_302 = arith.constant 0 : i32
      %dma_start3A_303 = tpu.memref_slice %arg14[%dma_start3A_301, %dma_start3A_302] : memref<128x8xf32, #tpu.memory_space<vmem>> -> memref<113x8xf32, #tpu.memory_space<vmem>>
      %dma_start3A_304 = arith.constant 0 : i32
      %dma_start3A_305 = tpu.memref_slice %arg18[%add3A_300, %dma_start3A_304] : memref<10000x8xf32, #tpu.memory_space<vmem_shared>> -> memref<113x8xf32, #tpu.memory_space<vmem_shared>>
      %dma_start3A_306 = arith.constant 0 : i32
      %dma_start3A_307 = arith.constant 0 : i32
      %dma_start3A_308 = tpu.memref_slice %arg14[%dma_start3A_306, %dma_start3A_307] : memref<128x8xf32, #tpu.memory_space<vmem>> -> memref<113x8xf32, #tpu.memory_space<vmem>>
      %dma_start3A_309 = arith.constant 0 : i32
      %dma_start3A_310 = tpu.memref_slice %arg18[%add3A_300, %dma_start3A_309] : memref<10000x8xf32, #tpu.memory_space<vmem_shared>> -> memref<113x8xf32, #tpu.memory_space<vmem_shared>>
      tpu.enqueue_dma source(%dma_start3A_310 : memref<113x8xf32, #tpu.memory_space<vmem_shared>>) target(%dma_start3A_308 : memref<113x8xf32, #tpu.memory_space<vmem>>) target_semaphore(%run_scoped3A : memref<!tpu.dma_semaphore, #tpu.memory_space<semaphore_mem>>)
      %dma_wait3A_311 = arith.constant 0 : i32
      %dma_wait3A_312 = arith.constant 0 : i32
      %dma_wait3A_313 = tpu.memref_slice %arg14[%dma_wait3A_311, %dma_wait3A_312] : memref<128x8xf32, #tpu.memory_space<vmem>> -> memref<113x8xf32, #tpu.memory_space<vmem>>
      %dma_wait3A_314 = arith.constant 0 : i32
      %dma_wait3A_315 = tpu.memref_slice %arg18[%add3A_300, %dma_wait3A_314] : memref<10000x8xf32, #tpu.memory_space<vmem_shared>> -> memref<113x8xf32, #tpu.memory_space<vmem_shared>>
      %dma_wait3A_316 = arith.constant 0 : i32
      %dma_wait3A_317 = arith.constant 0 : i32
      %dma_wait3A_318 = tpu.memref_slice %arg14[%dma_wait3A_316, %dma_wait3A_317] : memref<128x8xf32, #tpu.memory_space<vmem>> -> memref<113x8xf32, #tpu.memory_space<vmem>>
      %dma_wait3A_319 = arith.constant 0 : i32
      %dma_wait3A_320 = tpu.memref_slice %arg18[%add3A_300, %dma_wait3A_319] : memref<10000x8xf32, #tpu.memory_space<vmem_shared>> -> memref<113x8xf32, #tpu.memory_space<vmem_shared>>
      tpu.wait_dma2 semaphore(%run_scoped3A : memref<!tpu.dma_semaphore, #tpu.memory_space<semaphore_mem>>) src(%dma_wait3A_320 : memref<113x8xf32, #tpu.memory_space<vmem_shared>>) dst(%dma_wait3A_318 : memref<113x8xf32, #tpu.memory_space<vmem>>)
      tpu.yield
    }) : () -> ()
    "tpu.region"() ({
      %run_scoped3A = tpu.sem_alloc : memref<!tpu.dma_semaphore, #tpu.memory_space<semaphore_mem>>
      %dma_start3A_301 = arith.constant 0 : i32
      %dma_start3A_302 = arith.constant 0 : i32
      %dma_start3A_303 = tpu.memref_slice %arg14[%dma_start3A_301, %dma_start3A_302] : memref<128x8xf32, #tpu.memory_space<vmem>> -> memref<113x8xf32, #tpu.memory_space<vmem>>
      %dma_start3A_304 = arith.constant 0 : i32
      %dma_start3A_305 = tpu.memref_slice %arg7[%arg0, %add3A_300, %dma_start3A_304] : memref<2x10000x8xf32, #tpu.memory_space<hbm>> -> memref<1x113x8xf32, #tpu.memory_space<hbm>>
      %dma_start3A_306 = tpu.memref_squeeze %dma_start3A_305 : memref<1x113x8xf32, #tpu.memory_space<hbm>> -> memref<113x8xf32, #tpu.memory_space<hbm>>
      %dma_start3A_307 = arith.constant 0 : i32
      %dma_start3A_308 = tpu.memref_slice %arg7[%arg0, %add3A_300, %dma_start3A_307] : memref<2x10000x8xf32, #tpu.memory_space<hbm>> -> memref<1x113x8xf32, #tpu.memory_space<hbm>>
      %dma_start3A_309 = tpu.memref_squeeze %dma_start3A_308 : memref<1x113x8xf32, #tpu.memory_space<hbm>> -> memref<113x8xf32, #tpu.memory_space<hbm>>
      %dma_start3A_310 = arith.constant 0 : i32
      %dma_start3A_311 = arith.constant 0 : i32
      %dma_start3A_312 = tpu.memref_slice %arg14[%dma_start3A_310, %dma_start3A_311] : memref<128x8xf32, #tpu.memory_space<vmem>> -> memref<113x8xf32, #tpu.memory_space<vmem>>
      tpu.enqueue_dma source(%dma_start3A_312 : memref<113x8xf32, #tpu.memory_space<vmem>>) target(%dma_start3A_309 : memref<113x8xf32, #tpu.memory_space<hbm>>) target_semaphore(%run_scoped3A : memref<!tpu.dma_semaphore, #tpu.memory_space<semaphore_mem>>)
      %dma_wait3A_313 = arith.constant 0 : i32
      %dma_wait3A_314 = arith.constant 0 : i32
      %dma_wait3A_315 = tpu.memref_slice %arg14[%dma_wait3A_313, %dma_wait3A_314] : memref<128x8xf32, #tpu.memory_space<vmem>> -> memref<113x8xf32, #tpu.memory_space<vmem>>
      %dma_wait3A_316 = arith.constant 0 : i32
      %dma_wait3A_317 = tpu.memref_slice %arg7[%arg0, %add3A_300, %dma_wait3A_316] : memref<2x10000x8xf32, #tpu.memory_space<hbm>> -> memref<1x113x8xf32, #tpu.memory_space<hbm>>
      %dma_wait3A_318 = tpu.memref_squeeze %dma_wait3A_317 : memref<1x113x8xf32, #tpu.memory_space<hbm>> -> memref<113x8xf32, #tpu.memory_space<hbm>>
      %dma_wait3A_319 = arith.constant 0 : i32
      %dma_wait3A_320 = tpu.memref_slice %arg7[%arg0, %add3A_300, %dma_wait3A_319] : memref<2x10000x8xf32, #tpu.memory_space<hbm>> -> memref<1x113x8xf32, #tpu.memory_space<hbm>>
      %dma_wait3A_321 = tpu.memref_squeeze %dma_wait3A_320 : memref<1x113x8xf32, #tpu.memory_space<hbm>> -> memref<113x8xf32, #tpu.memory_space<hbm>>
      %dma_wait3A_322 = arith.constant 0 : i32
      %dma_wait3A_323 = arith.constant 0 : i32
      %dma_wait3A_324 = tpu.memref_slice %arg14[%dma_wait3A_322, %dma_wait3A_323] : memref<128x8xf32, #tpu.memory_space<vmem>> -> memref<113x8xf32, #tpu.memory_space<vmem>>
      tpu.wait_dma2 semaphore(%run_scoped3A : memref<!tpu.dma_semaphore, #tpu.memory_space<semaphore_mem>>) src(%dma_wait3A_324 : memref<113x8xf32, #tpu.memory_space<vmem>>) dst(%dma_wait3A_321 : memref<113x8xf32, #tpu.memory_space<hbm>>)
      tpu.yield
    }) : () -> ()
    return
  }
}

module attributes {stable_mosaic.version = 14 : i64} {
  func.func @_proj_body(%arg0: i32, %arg1: memref<1000x128xf32, #tpu.memory_space<vmem>>, %arg2: memref<128x128xf32, #tpu.memory_space<vmem>>, %arg3: memref<128x16xf32, #tpu.memory_space<vmem>>, %arg4: memref<128x4xf32, #tpu.memory_space<vmem>>, %arg5: memref<1000x128xf32, #tpu.memory_space<vmem>>, %arg6: memref<1000x16xf32, #tpu.memory_space<vmem>>, %arg7: memref<1000x4xf32, #tpu.memory_space<vmem>>) attributes {dimension_semantics = [#tpu.dimension_semantics<arbitrary>], iteration_bounds = array<i64: 10>, scalar_prefetch = 0 : i64, scratch_operands = 0 : i64, tpu.core_type = #tpu.core_type<tc>, window_params = [{transform_indices = @transform_0, window_bounds = array<i64: 1000, 128>}, {pipeline_mode = #tpu.pipeline_mode<synchronous>, transform_indices = @transform_1, window_bounds = array<i64: 128, 128>}, {pipeline_mode = #tpu.pipeline_mode<synchronous>, transform_indices = @transform_2, window_bounds = array<i64: 128, 16>}, {pipeline_mode = #tpu.pipeline_mode<synchronous>, transform_indices = @transform_3, window_bounds = array<i64: 128, 4>}, {transform_indices = @transform_4, window_bounds = array<i64: 1000, 128>}, {transform_indices = @transform_5, window_bounds = array<i64: 1000, 16>}, {transform_indices = @transform_6, window_bounds = array<i64: 1000, 4>}]} {
    %get3A = arith.constant 0 : index
    %get3A_0 = arith.constant 0 : index
    %get3A_1 = vector.load %arg1[%get3A, %get3A_0] : memref<1000x128xf32, #tpu.memory_space<vmem>>, vector<1000x128xf32>
    %get3A_2 = arith.constant 0 : index
    %get3A_3 = arith.constant 0 : index
    %get3A_4 = vector.load %arg2[%get3A_2, %get3A_3] : memref<128x128xf32, #tpu.memory_space<vmem>>, vector<128x128xf32>
    %dot_general3A = arith.constant dense<0.000000e+00> : vector<1000x128xf32>
    %dot_general3A_5 = tpu.matmul %get3A_1, %get3A_4, %dot_general3A {dimension_numbers = #tpu.dot_dimension_numbers<[1], [0], [0], [1], [0, 0, 1, 1], [], []>, transpose_lhs_hint = false} : vector<1000x128xf32>, vector<128x128xf32>, vector<1000x128xf32> -> vector<1000x128xf32>
    %swap3A = arith.constant 0 : index
    %swap3A_6 = arith.constant 0 : index
    %swap3A_7 = vector.load %arg5[%swap3A, %swap3A_6] : memref<1000x128xf32, #tpu.memory_space<vmem>>, vector<1000x128xf32>
    tpu.vector_store %arg5[%swap3A, %swap3A_6], %dot_general3A_5 {strides = array<i32>} : memref<1000x128xf32, #tpu.memory_space<vmem>>, vector<1000x128xf32>,
    %get3A_8 = arith.constant 0 : index
    %get3A_9 = arith.constant 0 : index
    %get3A_10 = vector.load %arg3[%get3A_8, %get3A_9] : memref<128x16xf32, #tpu.memory_space<vmem>>, vector<128x16xf32>
    %dot_general3A_11 = arith.constant dense<0.000000e+00> : vector<1000x16xf32>
    %dot_general3A_12 = tpu.matmul %dot_general3A_5, %get3A_10, %dot_general3A_11 {dimension_numbers = #tpu.dot_dimension_numbers<[1], [0], [0], [1], [0, 0, 1, 1], [], []>, transpose_lhs_hint = false} : vector<1000x128xf32>, vector<128x16xf32>, vector<1000x16xf32> -> vector<1000x16xf32>
    %swap3A_13 = arith.constant 0 : index
    %swap3A_14 = arith.constant 0 : index
    %swap3A_15 = vector.load %arg6[%swap3A_13, %swap3A_14] : memref<1000x16xf32, #tpu.memory_space<vmem>>, vector<1000x16xf32>
    tpu.vector_store %arg6[%swap3A_13, %swap3A_14], %dot_general3A_12 {strides = array<i32>} : memref<1000x16xf32, #tpu.memory_space<vmem>>, vector<1000x16xf32>,
    %get3A_16 = arith.constant 0 : index
    %get3A_17 = arith.constant 0 : index
    %get3A_18 = vector.load %arg4[%get3A_16, %get3A_17] : memref<128x4xf32, #tpu.memory_space<vmem>>, vector<128x4xf32>
    %dot_general3A_19 = arith.constant dense<0.000000e+00> : vector<1000x4xf32>
    %dot_general3A_20 = tpu.matmul %dot_general3A_5, %get3A_18, %dot_general3A_19 {dimension_numbers = #tpu.dot_dimension_numbers<[1], [0], [0], [1], [0, 0, 1, 1], [], []>, transpose_lhs_hint = false} : vector<1000x128xf32>, vector<128x4xf32>, vector<1000x4xf32> -> vector<1000x4xf32>
    %mul3A = arith.constant 1.000000e-01 : f32
    %mul3A_21 = vector.broadcast %mul3A : f32 to vector<1000x4xf32>
    %mul3A_22 = arith.mulf %mul3A_21, %dot_general3A_20 : vector<1000x4xf32>
    %max3A = arith.maximumf %dot_general3A_20, %mul3A_22 : vector<1000x4xf32>
    %exp3A = math.exp %max3A : vector<1000x4xf32>
    %swap3A_23 = arith.constant 0 : index
    %swap3A_24 = arith.constant 0 : index
    %swap3A_25 = vector.load %arg7[%swap3A_23, %swap3A_24] : memref<1000x4xf32, #tpu.memory_space<vmem>>, vector<1000x4xf32>
    tpu.vector_store %arg7[%swap3A_23, %swap3A_24], %exp3A {strides = array<i32>} : memref<1000x4xf32, #tpu.memory_space<vmem>>, vector<1000x4xf32>,
    return
  }
  func.func @transform_0(%arg0: i32) -> (i32, i32) {
    %c0_i32 = arith.constant 0 : i32
    %c0_i32_0 = arith.constant 0 : i32
    return %arg0, %c0_i32 : i32, i32
  }
  func.func @transform_1(%arg0: i32) -> (i32, i32) {
    %c0_i32 = arith.constant 0 : i32
    %c0_i32_0 = arith.constant 0 : i32
    %c0_i32_1 = arith.constant 0 : i32
    return %c0_i32, %c0_i32_0 : i32, i32
  }
  func.func @transform_2(%arg0: i32) -> (i32, i32) {
    %c0_i32 = arith.constant 0 : i32
    %c0_i32_0 = arith.constant 0 : i32
    %c0_i32_1 = arith.constant 0 : i32
    return %c0_i32, %c0_i32_0 : i32, i32
  }
  func.func @transform_3(%arg0: i32) -> (i32, i32) {
    %c0_i32 = arith.constant 0 : i32
    %c0_i32_0 = arith.constant 0 : i32
    %c0_i32_1 = arith.constant 0 : i32
    return %c0_i32, %c0_i32_0 : i32, i32
  }
  func.func @transform_4(%arg0: i32) -> (i32, i32) {
    %c0_i32 = arith.constant 0 : i32
    %c0_i32_0 = arith.constant 0 : i32
    return %arg0, %c0_i32 : i32, i32
  }
  func.func @transform_5(%arg0: i32) -> (i32, i32) {
    %c0_i32 = arith.constant 0 : i32
    %c0_i32_0 = arith.constant 0 : i32
    return %arg0, %c0_i32 : i32, i32
  }
  func.func @transform_6(%arg0: i32) -> (i32, i32) {
    %c0_i32 = arith.constant 0 : i32
    %c0_i32_0 = arith.constant 0 : i32
    return %arg0, %c0_i32 : i32, i32
  }
}

module attributes {stable_mosaic.version = 14 : i64} {
  func.func @_combine_body(%arg0: i32, %arg1: memref<1000x128xf32, #tpu.memory_space<vmem>>, %arg2: memref<1000x128xf32, #tpu.memory_space<vmem>>, %arg3: memref<1000x4xf32, #tpu.memory_space<vmem>>, %arg4: memref<1000x4xf32, #tpu.memory_space<vmem>>, %arg5: memref<1000x128xf32, #tpu.memory_space<vmem>>, %arg6: memref<1000x4xf32, #tpu.memory_space<vmem>>, %arg7: memref<4x128xf32, #tpu.memory_space<vmem>>, %arg8: memref<1000x128xf32, #tpu.memory_space<vmem>>) attributes {dimension_semantics = [#tpu.dimension_semantics<arbitrary>], iteration_bounds = array<i64: 10>, scalar_prefetch = 0 : i64, scratch_operands = 0 : i64, tpu.core_type = #tpu.core_type<tc>, window_params = [{transform_indices = @transform_0, window_bounds = array<i64: 1000, 128>}, {transform_indices = @transform_1, window_bounds = array<i64: 1000, 128>}, {transform_indices = @transform_2, window_bounds = array<i64: 1000, 4>}, {transform_indices = @transform_3, window_bounds = array<i64: 1000, 4>}, {transform_indices = @transform_4, window_bounds = array<i64: 1000, 128>}, {transform_indices = @transform_5, window_bounds = array<i64: 1000, 4>}, {pipeline_mode = #tpu.pipeline_mode<synchronous>, transform_indices = @transform_6, window_bounds = array<i64: 4, 128>}, {transform_indices = @transform_7, window_bounds = array<i64: 1000, 128>}]} {
    %get3A = arith.constant 0 : index
    %get3A_0 = arith.constant 0 : index
    %get3A_1 = vector.load %arg1[%get3A, %get3A_0] : memref<1000x128xf32, #tpu.memory_space<vmem>>, vector<1000x128xf32>
    %get3A_2 = arith.constant 0 : index
    %get3A_3 = arith.constant 0 : index
    %get3A_4 = vector.load %arg2[%get3A_2, %get3A_3] : memref<1000x128xf32, #tpu.memory_space<vmem>>, vector<1000x128xf32>
    %add3A = arith.addf %get3A_1, %get3A_4 : vector<1000x128xf32>
    %get3A_5 = arith.constant 0 : index
    %get3A_6 = arith.constant 0 : index
    %get3A_7 = vector.load %arg5[%get3A_5, %get3A_6] : memref<1000x128xf32, #tpu.memory_space<vmem>>, vector<1000x128xf32>
    %get3A_8 = arith.constant 0 : index
    %get3A_9 = arith.constant 0 : index
    %get3A_10 = vector.load %arg6[%get3A_8, %get3A_9] : memref<1000x4xf32, #tpu.memory_space<vmem>>, vector<1000x4xf32>
    %get3A_11 = arith.constant 0 : index
    %get3A_12 = arith.constant 0 : index
    %get3A_13 = vector.load %arg7[%get3A_11, %get3A_12] : memref<4x128xf32, #tpu.memory_space<vmem>>, vector<4x128xf32>
    %dot_general3A = arith.constant dense<0.000000e+00> : vector<1000x128xf32>
    %dot_general3A_14 = tpu.matmul %get3A_10, %get3A_13, %dot_general3A {dimension_numbers = #tpu.dot_dimension_numbers<[1], [0], [0], [1], [0, 0, 1, 1], [], []>, transpose_lhs_hint = false} : vector<1000x4xf32>, vector<4x128xf32>, vector<1000x128xf32> -> vector<1000x128xf32>
    %mul3A = arith.mulf %get3A_7, %dot_general3A_14 : vector<1000x128xf32>
    %add3A_15 = arith.addf %add3A, %mul3A : vector<1000x128xf32>
    %get3A_16 = arith.constant 0 : index
    %get3A_17 = arith.constant 0 : index
    %get3A_18 = vector.load %arg3[%get3A_16, %get3A_17] : memref<1000x4xf32, #tpu.memory_space<vmem>>, vector<1000x4xf32>
    %get3A_19 = arith.constant 0 : index
    %get3A_20 = arith.constant 0 : index
    %get3A_21 = vector.load %arg4[%get3A_19, %get3A_20] : memref<1000x4xf32, #tpu.memory_space<vmem>>, vector<1000x4xf32>
    %add3A_22 = arith.addf %get3A_18, %get3A_21 : vector<1000x4xf32>
    %get3A_23 = arith.constant 0 : index
    %get3A_24 = arith.constant 0 : index
    %get3A_25 = vector.load %arg6[%get3A_23, %get3A_24] : memref<1000x4xf32, #tpu.memory_space<vmem>>, vector<1000x4xf32>
    %add3A_26 = arith.addf %add3A_22, %get3A_25 : vector<1000x4xf32>
    %get3A_27 = arith.constant 0 : index
    %get3A_28 = arith.constant 0 : index
    %get3A_29 = vector.load %arg7[%get3A_27, %get3A_28] : memref<4x128xf32, #tpu.memory_space<vmem>>, vector<4x128xf32>
    %dot_general3A_30 = arith.constant dense<0.000000e+00> : vector<1000x128xf32>
    %dot_general3A_31 = tpu.matmul %add3A_26, %get3A_29, %dot_general3A_30 {dimension_numbers = #tpu.dot_dimension_numbers<[1], [0], [0], [1], [0, 0, 1, 1], [], []>, transpose_lhs_hint = false} : vector<1000x4xf32>, vector<4x128xf32>, vector<1000x128xf32> -> vector<1000x128xf32>
    %add3A_32 = arith.constant 1.000000e-16 : f32
    %add3A_33 = vector.broadcast %add3A_32 : f32 to vector<1000x128xf32>
    %add3A_34 = arith.addf %dot_general3A_31, %add3A_33 : vector<1000x128xf32>
    %div3A = arith.divf %add3A_15, %add3A_34 : vector<1000x128xf32>
    %swap3A = arith.constant 0 : index
    %swap3A_35 = arith.constant 0 : index
    %swap3A_36 = vector.load %arg8[%swap3A, %swap3A_35] : memref<1000x128xf32, #tpu.memory_space<vmem>>, vector<1000x128xf32>
    tpu.vector_store %arg8[%swap3A, %swap3A_35], %div3A {strides = array<i32>} : memref<1000x128xf32, #tpu.memory_space<vmem>>, vector<1000x128xf32>,
    return
  }
  func.func @transform_0(%arg0: i32) -> (i32, i32) {
    %c0_i32 = arith.constant 0 : i32
    %c0_i32_0 = arith.constant 0 : i32
    return %arg0, %c0_i32 : i32, i32
  }
  func.func @transform_1(%arg0: i32) -> (i32, i32) {
    %c0_i32 = arith.constant 0 : i32
    %c0_i32_0 = arith.constant 0 : i32
    return %arg0, %c0_i32 : i32, i32
  }
  func.func @transform_2(%arg0: i32) -> (i32, i32) {
    %c0_i32 = arith.constant 0 : i32
    %c0_i32_0 = arith.constant 0 : i32
    return %arg0, %c0_i32 : i32, i32
  }
  func.func @transform_3(%arg0: i32) -> (i32, i32) {
    %c0_i32 = arith.constant 0 : i32
    %c0_i32_0 = arith.constant 0 : i32
    return %arg0, %c0_i32 : i32, i32
  }
  func.func @transform_4(%arg0: i32) -> (i32, i32) {
    %c0_i32 = arith.constant 0 : i32
    %c0_i32_0 = arith.constant 0 : i32
    return %arg0, %c0_i32 : i32, i32
  }
  func.func @transform_5(%arg0: i32) -> (i32, i32) {
    %c0_i32 = arith.constant 0 : i32
    %c0_i32_0 = arith.constant 0 : i32
    return %arg0, %c0_i32 : i32, i32
  }
  func.func @transform_6(%arg0: i32) -> (i32, i32) {
    %c0_i32 = arith.constant 0 : i32
    %c0_i32_0 = arith.constant 0 : i32
    %c0_i32_1 = arith.constant 0 : i32
    return %c0_i32, %c0_i32_0 : i32, i32
  }
  func.func @transform_7(%arg0: i32) -> (i32, i32) {
    %c0_i32 = arith.constant 0 : i32
    %c0_i32_0 = arith.constant 0 : i32
    return %arg0, %c0_i32 : i32, i32
  }
}

</mosaic_0001>

<sc_bundles>
// kernel: kernel.5.cloned.1.call-start
scs
__scs_entry_jumppad:
0x0: {  	(pc) =	sbr.rel $0x88, $3  }
0x1: {  	(tag) =	ssettag $0x0;
	lr =	simm.s32 $0x1  }
0x2: {  	[smem:$0x3F9B] =	sst lr;
	_ =	strace $0xD0000000  }
0x3: {  	_ = 	snop  }
0x4: {  	_ = 	snop  }
0x5: {  	_ = 	snop  }
0x6: {  	_ = 	snop  }
0x7: {  	_ = 	snop  }
__scs_overlays_trampoline_lowered:
0x8: {  	[smem:$0x3FAA] =	sst s0  }
0x9: {  	[smem:$0x3FAB] =	sst s1  }
0xa: {  	[smem:$0x3FAC] =	sst s2  }
0xb: {  	[smem:$0x3FAD] =	sst s3  }
0xc: {  	[smem:$0x3FAE] =	sst s4  }
0xd: {  	[smem:$0x3FAF] =	sst s5  }
0xe: {  	[smem:$0x3FB0] =	sst s6  }
0xf: {  	[smem:$0x3FB1] =	sst s7  }
0x10: {  	[smem:$0x3FB2] =	sst s8  }
0x11: {  	[smem:$0x3FB3] =	sst s9;
	s0 =	simm.s32 @!p0 $0x0  }
0x12: {  	s1 =	sld [smem:$0x3F99];
	s0 =	simm.s32 @p0 $0x1  }
0x13: {  	[smem:$0x3FB4] =	sst s0;
	s0 =	simm.s32 @!p1 $0x0  }
0x14: {  	s2 =	sld [smem:$0x3F98];
	s0 =	simm.s32 @p1 $0x1  }
0x15: {  	[smem:$0x3FB5] =	sst s0;
	s0 =	simm.s32 @!p2 $0x0  }
0x16: {  	s3 =	sld [smem:$0x3FDB];
	s0 =	simm.s32 @p2 $0x1  }
0x17: {  	s4 =	simm.s32 $0x1BF5;
	[smem:$0x3FB7] =	sst s0  }
0x18: {  	s0 =	sld [smem:$0x3F9A];
	_ =	swait.ge [sflag:s4], $0x0  }
0x19: {  	s7 =	sld [smem:$0x3F9B]  }
0x1a: {  	s8 =	sadd.s32 $0xFFFFE003, lr  }
0x1b: {  	s9 =	sadd.s32 $0xFFFFFEF7, lr;
	s5 =	simm.s32 $0xFFFFFFFF;
	p2 =	slt.u32 s8, $0xFFFFF086  }
0x1c: {  	p1 =	slt.u32 s9, $0xF7A;
	s5 =	simm.s32 @!p2 $0x0  }
0x1d: {  	s5 =	simm.s32 @p1 $0x1;
	p0 =	seq.s32 s7, s2  }
0x1e: {  	s7 =	smul.u32 @!p0 $0xF7A, s2;
	p2 =	seq.s32 @!p0 s5, $0x0  }
0x1f: {  	s9 =	smul.u32 $0xF7A, s1;
	s8 =	simm.s32 @!p0 $0x1BF5;
	p2 =	por !p2, p0  }
0x20: {  	[sflag:s8] =	ssyncset.s32 @!p0 $0xFFFFF086;
	s6 =	sadd.s32 @!p0 s3, s7;
	s7 =	simm.s32 @!p0 $0x108  }
0x21: {  	s3 =	sadd.s32 s3, s9;
	s6 =	sadd.s32 @!p0 $0x88, s6;
	s7 =	simm.s32 @p2 $0x1082  }
0x22: {  	[simem:s7], [sflag:s8] =	dma.local @!p0 [hbm:s6], $0xF7A  }
0x23: {  	s9 =	sor.u32 $0xD0000000, s2;
	s6 =	simm.s32 $0x108;
	_ =	swait.ge @!p0 [sflag:s8], $0x0  }
0x24: {  	s3 =	sadd.s32 $0x88, s3;
	s6 =	simm.s32 @!p1 $0x1082;
	[sflag:s4] =	ssyncset.s32 $0xFFFFF086  }
0x25: {  	[simem:s6], [sflag:s4] =	dma.local [hbm:s3], $0xF7A  }
0x26: {  	[smem:$0x3F9B] =	sst s1;
	(tag) =	ssettag s2;
	_ =	strace s9  }
0x27: {  	s1 =	sld [smem:$0x3FAB]  }
0x28: {  	s2 =	sld [smem:$0x3FAC]  }
0x29: {  	s4 =	sld [smem:$0x3FAE]  }
0x2a: {  	p0 =	seq.s32 s5, $0x0;
	s5 =	sld [smem:$0x3FAF]  }
0x2b: {  	s6 =	sld [smem:$0x3FB0]  }
0x2c: {  	s7 =	sld [smem:$0x3FB1]  }
0x2d: {  	s3 =	simm.s32 $0x108;
	s8 =	sld [smem:$0x3FB2]  }
0x2e: {  	s3 =	simm.s32 @!p0 $0x1082;
	s9 =	sld [smem:$0x3FB3]  }
0x2f: {  	lr =	sadd.s32 s0, s3;
	s0 =	sld [smem:$0x3FAA]  }
0x30: {  	s3 =	sld [smem:$0x3FAD]  }
0x31: {  	[smem:$0x3FB6] =	sst s10  }
0x32: {  	s10 =	sld [smem:$0x3FB4];
	_ =	sdelay $0x3  }
0x33: {  	p0 =	seq.s32 s10, $0x1;
	s10 =	sld [smem:$0x3FB6];
	_ =	sdelay $0x3  }
0x34: {  	[smem:$0x3FB6] =	sst s10  }
0x35: {  	s10 =	sld [smem:$0x3FB5];
	_ =	sdelay $0x3  }
0x36: {  	p1 =	seq.s32 s10, $0x1;
	s10 =	sld [smem:$0x3FB6];
	_ =	sdelay $0x3  }
0x37: {  	[smem:$0x3FB6] =	sst s10  }
0x38: {  	s10 =	sld [smem:$0x3FB7]  }
0x39: {  	_ = 	snop;
	(pc) =	sbr.ind lr, $3  }
0x3a: {  	_ = 	snop  }
0x3b: {  	_ = 	snop  }
0x3c: {  	p2 =	seq.s32 s10, $0x1;
	s10 =	sld [smem:$0x3FB6]  }
0x3d: {  	_ =	shalt  }
0x3e: {  	_ =	shalt  }
0x3f: {  	_ =	shalt  }
0x40: {  	_ =	shalt  }
0x41: {  	_ =	shalt  }
0x42: {  	_ =	shalt  }
0x43: {  	_ =	shalt  }
0x44: {  	_ =	shalt  }
0x45: {  	_ =	shalt  }
0x46: {  	_ =	shalt  }
0x47: {  	_ =	shalt  }
0x48: {  	_ =	shalt  }
0x49: {  	_ =	shalt  }
0x4a: {  	_ =	shalt  }
0x4b: {  	_ =	shalt  }
0x4c: {  	_ =	shalt  }
0x4d: {  	_ =	shalt  }
0x4e: {  	_ =	shalt  }
0x4f: {  	_ =	shalt  }
0x50: {  	_ =	shalt  }
0x51: {  	_ =	shalt  }
0x52: {  	_ =	shalt  }
0x53: {  	_ =	shalt  }
0x54: {  	_ =	shalt  }
0x55: {  	_ =	shalt  }
0x56: {  	_ =	shalt  }
0x57: {  	_ =	shalt  }
0x58: {  	_ =	shalt  }
0x59: {  	_ =	shalt  }
0x5a: {  	_ =	shalt  }
0x5b: {  	_ =	shalt  }
0x5c: {  	_ =	shalt  }
0x5d: {  	_ =	shalt  }
0x5e: {  	_ =	shalt  }
0x5f: {  	_ =	shalt  }
0x60: {  	_ =	shalt  }
0x61: {  	_ =	shalt  }
0x62: {  	_ =	shalt  }
0x63: {  	_ =	shalt  }
0x64: {  	_ =	shalt  }
0x65: {  	_ =	shalt  }
0x66: {  	_ =	shalt  }
0x67: {  	_ =	shalt  }
0x68: {  	_ =	shalt  }
0x69: {  	_ =	shalt  }
0x6a: {  	_ =	shalt  }
0x6b: {  	_ =	shalt  }
0x6c: {  	_ =	shalt  }
0x6d: {  	_ =	shalt  }
0x6e: {  	_ =	shalt  }
0x6f: {  	_ =	shalt  }
0x70: {  	_ =	shalt  }
0x71: {  	_ =	shalt  }
0x72: {  	_ =	shalt  }
0x73: {  	_ =	shalt  }
0x74: {  	_ =	shalt  }
0x75: {  	_ =	shalt  }
0x76: {  	_ =	shalt  }
0x77: {  	_ =	shalt  }
0x78: {  	_ =	shalt  }
0x79: {  	_ =	shalt  }
0x7a: {  	_ =	shalt  }
0x7b: {  	_ =	shalt  }
0x7c: {  	_ =	shalt  }
0x7d: {  	_ =	shalt  }
0x7e: {  	_ =	shalt  }
0x7f: {  	_ =	shalt  }
0x80: {  	_ =	shalt  }
0x81: {  	_ =	shalt  }
0x82: {  	_ =	shalt  }
0x83: {  	_ =	shalt  }
0x84: {  	_ =	shalt  }
0x85: {  	_ =	shalt  }
0x86: {  	_ =	shalt  }
0x87: {  	_ =	shalt  }
.Lfunc_end0:
.L_simem_size_0:
called_computation_lowered:
.L_overlay_start_0:
0x88: {  	s2 =	sld [smem:$0x3FD9]  }
0x89: {  	s3 =	sld [smem:$0x3FFE];
	_ =	sdelay $0x1  }
0x8a: {  	s1 =	srdreg.scid  }
0x8b: {  	s0 =	sand.u32 $0x1, s1  }
0x8c: {  	s17 =	sshll.u32 s0, $0xA;
	s2 =	sadd.s32 s3, s2  }
0x8d: {  	s2 =	sadd.s32 s2, s17  }
0x8e: {  	[smem:$0x3FC2] =	sst s2  }
0x8f: {  	_ = 	snop  }
0x90: {  	s2 =	sld [smem:$0x3FD0];
	(tm) =	ssettm $0x1  }
0x91: {  	s18 =	sld [smem:$0x3FFB];
	_ =	sdelay $0x3  }
0x92: {  	_ =	strace s18  }
0x93: {  	s3 =	sld [smem:$0x3FFC];
	_ =	sdelay $0x3  }
0x94: {  	_ =	strace s3  }
0x95: {  	s3 =	sld [smem:$0x3FFD];
	_ =	sdelay $0x3  }
0x96: {  	_ =	strace s3  }
0x97: {  	_ =	strace $0x8FFFFFFF  }
0x98: {  	s19 =	sld [smem:$0x3FDB];
	_ =	sdelay $0x1  }
0x99: {  	s4 =	simm.s32 $_scs_section_size  }
0x9a: {  	s5 =	simm.s32 $_size__tile_overlayer_lowered;
	s6 =	simm.s32 $_tile_overlayer_lowered  }
0x9b: {  	s22 =	simm.s32 $0x1BFF;
	s21 =	sshll.u32 s6, $0x1;
	s3 =	sadd.s32 s4, s19  }
0x9c: {  	s7 =	simm.s32 $0x0;
	s20 =	sshll.u32 s5, $0x1;
	s5 =	sadd.s32 s21, s3  }
0x9d: {  	[timem:s7], [sflag:s22] =	dma.local [hbm:s5], s20  }
0x9e: {  	_ =	swait.ge [sflag:s22], s20  }
0x9f: {  	s4 =	ssub.s32 $0x0, s20;
	[sflag:s22] =	ssyncset.done $0x0  }
0xa0: {  	[sflag:s22] =	ssyncadd.s32 s4;
	_ =	sdelay $0x1  }
0xa1: {  	s23 =	simm.s32 $0x1B8B  }
0xa2: {  	_ =	swait.ge [sflag:s23], $0x1  }
0xa3: {  	[sflag:s23] =	ssyncset.done $0x0  }
0xa4: {  	s25 =	simm.s32 $0x1B8E;
	s24 =	sld [smem:$0x3FFE];
	[sflag:s23] =	ssyncadd.s32 $0xFFFFFFFF  }
0xa5: {  	s26 =	simm.s32 $execute0_lowered;
	[smem:$0x3FD2] =	sst s25  }
0xa6: {  	s5 =	sshll.u32 s26, $0x1;
	_ =	strace $0x80000046;
	[dreg:$0x1] =	wrdreg $0xFFFFFFFF  }
0xa7: {  	s28 =	simm.s32 $_size_execute0_lowered;
	s3 =	sadd.s32 s3, s5;
	[dreg:$0x0] =	wrdreg $0x0  }
0xa8: {  	s5 =	sshll.u32 s28, $0x1;
	[dreg:$0x2] =	wrdreg s3  }
0xa9: {  	[dreg:$0x3] =	wrdreg s5  }
0xaa: {  	[dreg:$0x4] =	wrdreg $0xC0  }
0xab: {  	_ =	task [dreg:s7], $0x5FFFF  }
0xac: {  	[dreg:$0x1] =	wrdreg $0xFFFFFFFF  }
0xad: {  	[dreg:$0x0] =	wrdreg $0x60  }
0xae: {  	[dreg:$0x2] =	wrdreg s24  }
0xaf: {  	[dreg:$0x3] =	wrdreg s2  }
0xb0: {  	[dreg:$0x4] =	wrdreg $0xA3000  }
0xb1: {  	[dreg:$0x5] =	wrdreg $0x1DB800  }
0xb2: {  	[dreg:$0x6] =	wrdreg $0x9  }
0xb3: {  	_ =	task.clear_ibuf [dreg:s7], $0x7FFFF;
	_ =	strace $0x90000046  }
0xb4: {  	s29 =	simm.s32 $0x9;
	_ =	strace $0x80000048  }
0xb5: {  	_ =	swait.ge [sflag:s29], $0x1  }
0xb6: {  	[sflag:s29] =	ssyncadd.s32 $0xFFFFFFFF  }
0xb7: {  	_ =	strace $0x90000048  }
0xb8: {  	_ =	sfence  }
0xb9: {  	s30 =	sld [smem:$0x0];
	_ =	sdelay $0x2  }
0xba: {  	s31 =	sshll.u32 s1, $0xD;
	s1 =	sshrl.u32 s1, $0x2  }
0xbb: {  	s3 =	sand.u32 $0x4000, s31;
	s1 =	sadd.s32 s1, s30  }
0xbc: {  	s0 =	sor.u32 s3, s0;
	s1 =	sshll.u32 s1, $0x11  }
0xbd: {  	s0 =	sor.u32 s1, s0  }
0xbe: {  	s0 =	sadd.s32 $0x8F2B, s0  }
0xbf: {  	[sflag:s0] =	ssyncadd.remote.s32 $0x1  }
0xc0: {  	_ =	sfence.sel $0xFFFF  }
0xc1: {  	[dreg:$0x0] =	wrdreg $0xFFFFFFFF;
	(pc) =	sbr.abs _section_cstart, $3  }
0xc2: {  	[dreg:$0x1] =	wrdreg $0xFFFFFFFF  }
0xc3: {  	_ =	task.clear_ibuf [dreg:s7], $0x2FFFF;
	_ =	strace $0x9FFFFFFF  }
0xc4: {  	(tm) =	ssettm $0x7FFFFFFF  }
0xc5: {  	_ =	shalt  }
tec
execute0_lowered:
.L_overlay_start_1:
0x0: {  	(tag) =	ssettag $0x1  }
0x1: {  	s6 =	rddreg [dreg:$0x0]  }
0x2: {  	s0 =	rddreg [dreg:$0x1];
	s7 =	stileid.u32  }
0x3: {  	s1 =	rddreg [dreg:$0x2];
	s8 =	smul.u32 $0x271, s7  }
0x4: {  	s2 =	simm.s32 $0x0;
	s3 =	srdreg.scid;
	s14 =	smul.u32 $0x13880, s7  }
0x5: {  	[smem:$0x7FF] =	sst s2;
	s5 =	sand.u32 $0x1, s3;
	s15 =	smul.u32 $0x1388, s7  }
0x6: {  	s13 =	sadd.s32 $0x54E00, s6;
	s16 =	sadd.s32 $0xA3000, s6;
	s17 =	smul.u32 $0x138800, s5  }
0x7: {  	s22 =	sshll.u32 s7, $0x1;
	s3 =	ssub.s32 $0x2, s5;
	s19 =	smul.u32 $0x13880, s5  }
0x8: {  	s4 =	sshrl.u32 s3, $0x1;
	s18 =	sadd.s32 $0x80, s8;
	s9 =	sadd.s32 $0x100, s8  }
0x9: {  	s7 =	sadd.s32 $0x180, s8;
	s8 =	sadd.s32 $0x200, s8;
	s3 =	ssub.s32 s3, s4  }
0xa: {  	s4 =	sor.u32 s5, s22;
	s11 =	sshll.u32 s18, $0x7;
	s12 =	sshll.u32 s9, $0x7  }
0xb: {  	s10 =	sshll.u32 s7, $0x7;
	s5 =	sshll.u32 s8, $0x7;
	s20 =	sadd.s32 s14, s17  }
0xc: {  	s21 =	sadd.s32 s15, s19;
	s19 =	sshrl.u32 s19, $0x3;
	s22 =	sadd.s32 s17, s11  }
0xd: {  	v1 =	vlaneseq.u32;
	s20 =	sshrl.u32 s20, $0x3;
	s21 =	sshrl.u32 s21, $0x3;
	s25 =	sadd.s32 s17, s12  }
0xe: {  	v2 =	vmul.u32 $0x8, v1;
	s26 =	sadd.s32 s17, s10;
	s17 =	sadd.s32 s17, s5;
	s20 =	sadd.s32 s13, s20  }
0xf: {  	v0 =	vmul.u32 $0x10, v1;
	s22 =	sshrl.u32 s22, $0x3;
	s23 =	sadd.s32 s16, s21;
	[dreg:$0x5] =	wrdreg s20  }
0x10: {  	v1 =	vor.u32 $0x80, v2;
	s21 =	sshrl.u32 s26, $0x3;
	[dreg:$0x6] =	wrdreg s23;
	s24 =	sadd.s32 s13, s22  }
0x11: {  	[tilespmem:$0x1FD20] =	vst v1;
	v1 =	vor.u32 $0x101, v0;
	s20 =	sshrl.u32 s25, $0x3;
	s22 =	sadd.s32 s13, s21;
	[dreg:$0x7] =	wrdreg s24  }
0x12: {  	[tilespmem:$0x1FD30] =	vst v1;
	v1 =	vor.u32 $0x105, v0;
	s17 =	sshrl.u32 s17, $0x3;
	s20 =	sadd.s32 s13, s20;
	[dreg:$0x9] =	wrdreg s22  }
0x13: {  	[tilespmem:$0x1FD40] =	vst v1;
	v1 =	vor.u32 $0x81, v2;
	s26 =	sadd.s32 s16, s7;
	s13 =	sadd.s32 s13, s17;
	[dreg:$0x8] =	wrdreg s20  }
0x14: {  	s23 =	sadd.s32 s16, s18;
	[tilespmem:$0x1FD50] =	vst v1;
	v1 =	vor.u32 $0x102, v0;
	s17 =	sadd.s32 s19, s26;
	[dreg:$0xa] =	wrdreg s13  }
0x15: {  	s24 =	sadd.s32 s16, s9;
	[tilespmem:$0x1FD60] =	vst v1;
	v1 =	vor.u32 $0x106, v0;
	s13 =	sadd.s32 s19, s23;
	[dreg:$0xd] =	wrdreg s17  }
0x16: {  	s16 =	sadd.s32 s16, s8;
	s25 =	sadd.s32 s19, s24;
	[tilespmem:$0x1FD70] =	vst v1;
	v1 =	vor.u32 $0x82, v2;
	[dreg:$0xb] =	wrdreg s13  }
0x17: {  	s16 =	sadd.s32 s19, s16;
	[dreg:$0xc] =	wrdreg s25;
	[tilespmem:$0x1FD80] =	vst v1;
	v1 =	vor.u32 $0x103, v0  }
0x18: {  	[dreg:$0xe] =	wrdreg s16;
	[tilespmem:$0x1FD90] =	vst v1;
	v1 =	vor.u32 $0x107, v0  }
0x19: {  	s13 =	rddreg [dreg:$0x3];
	_ =	strace $0x80000047;
	[tilespmem:$0x1FDA0] =	vst v1;
	v1 =	vor.u32 $0x83, v2  }
0x1a: {  	[tilespmem:$0x1FDB0] =	vst v1;
	v1 =	vor.u32 $0x200, v0  }
0x1b: {  	[tilespmem:$0x1FDC0] =	vst v1;
	v1 =	vor.u32 $0x204, v0  }
0x1c: {  	[tilespmem:$0x1FDD0] =	vst v1;
	v1 =	vor.u32 $0x100, v2  }
0x1d: {  	[tilespmem:$0x1FDE0] =	vst v1;
	v1 =	vor.u32 $0x201, v0  }
0x1e: {  	[tilespmem:$0x1FDF0] =	vst v1;
	v1 =	vor.u32 $0x205, v0  }
0x1f: {  	[tilespmem:$0x1FE00] =	vst v1;
	v1 =	vor.u32 $0x101, v2  }
0x20: {  	[tilespmem:$0x1FE10] =	vst v1;
	v1 =	vor.u32 $0x202, v0  }
0x21: {  	[tilespmem:$0x1FE20] =	vst v1;
	v1 =	vor.u32 $0x206, v0  }
0x22: {  	[tilespmem:$0x1FE30] =	vst v1;
	v1 =	vor.u32 $0x102, v2  }
0x23: {  	[tilespmem:$0x1FE40] =	vst v1;
	v1 =	vor.u32 $0x203, v0  }
0x24: {  	[tilespmem:$0x1FE50] =	vst v1;
	v1 =	vor.u32 $0x207, v0  }
0x25: {  	[tilespmem:$0x1FE60] =	vst v1;
	v1 =	vor.u32 $0x103, v2  }
0x26: {  	[tilespmem:$0x1FE70] =	vst v1;
	v1 =	vor.u32 $0x300, v0  }
0x27: {  	[tilespmem:$0x1FE80] =	vst v1;
	v1 =	vor.u32 $0x304, v0  }
0x28: {  	[tilespmem:$0x1FE90] =	vst v1;
	v1 =	vor.u32 $0x180, v2  }
0x29: {  	[tilespmem:$0x1FEA0] =	vst v1;
	v1 =	vor.u32 $0x301, v0  }
0x2a: {  	[tilespmem:$0x1FEB0] =	vst v1;
	v1 =	vor.u32 $0x305, v0  }
0x2b: {  	[tilespmem:$0x1FEC0] =	vst v1;
	v1 =	vor.u32 $0x181, v2  }
0x2c: {  	[tilespmem:$0x1FED0] =	vst v1;
	v1 =	vor.u32 $0x302, v0  }
0x2d: {  	[tilespmem:$0x1FEE0] =	vst v1;
	v1 =	vor.u32 $0x306, v0  }
0x2e: {  	[tilespmem:$0x1FEF0] =	vst v1;
	v1 =	vor.u32 $0x182, v2  }
0x2f: {  	s31 =	simm.s32 $0x2;
	s28 =	sadd.s32 s11, s1;
	s30 =	sadd.s32 s12, s1;
	[tilespmem:$0x1FF00] =	vst v1;
	v1 =	vor.u32 $0x303, v0  }
0x30: {  	s3 =	smax.u32 s3, $0x1;
	s11 =	simm.s32 $0x50000;
	s26 =	smul.u32 $0x50, s4;
	[tilespmem:$0x1FF10] =	vst v1;
	v1 =	vor.u32 $0x307, v0  }
0x31: {  	s22 =	sadd.s32 s5, s1;
	s17 =	sadd.s32 $0x1800, s6;
	s24 =	sadd.s32 s14, s1;
	[tilespmem:$0x1FF20] =	vst v1;
	v1 =	vor.u32 $0x183, v2  }
0x32: {  	s14 =	sshll.u32 s18, $0x3;
	s16 =	sadd.s32 $0x4FC00, s6;
	s6 =	sadd.s32 $0x54C00, s6;
	[tilespmem:$0x1FF30] =	vst v1;
	v1 =	vor.u32 $0x400, v0  }
0x33: {  	s18 =	sadd.s32 s10, s1;
	s19 =	sshll.u32 s7, $0x3;
	[dreg:$0xf] =	wrdreg s6;
	[tilespmem:$0x1FF40] =	vst v1;
	v1 =	vor.u32 $0x404, v0  }
0x34: {  	s4 =	simm.s32 $0x4;
	s21 =	sadd.s32 s19, s13;
	[dreg:$0x16] =	wrdreg s18;
	[tilespmem:$0x1FF50] =	vst v1;
	v1 =	vor.u32 $0x200, v2  }
0x35: {  	s5 =	simm.s32 $0x9700;
	s20 =	sshll.u32 s8, $0x3;
	[dreg:$0x17] =	wrdreg s21;
	[tilespmem:$0x1FF60] =	vst v1;
	v1 =	vor.u32 $0x401, v0  }
0x36: {  	s7 =	simm.s32 $0x80;
	s23 =	sadd.s32 s20, s13;
	[dreg:$0x18] =	wrdreg s22;
	[tilespmem:$0x1FF70] =	vst v1;
	v1 =	vor.u32 $0x405, v0  }
0x37: {  	s8 =	simm.s32 $0x200;
	s10 =	simm.s32 $0x3;
	[dreg:$0x19] =	wrdreg s23;
	[tilespmem:$0x1FF80] =	vst v1;
	v1 =	vor.u32 $0x201, v2  }
0x38: {  	v3 =	vimm.f32 $0.0e+00;
	s12 =	sor.u32 $0x1, s26;
	s25 =	sadd.s32 s15, s13;
	[dreg:$0x1a] =	wrdreg s3;
	[tilespmem:$0x1FF90] =	vst v1;
	v1 =	vor.u32 $0x402, v0  }
0x39: {  	v17 =	vor.u32 $0x4, v0;
	v20 =	vor.u32 $0x1, v0;
	s29 =	sadd.s32 s14, s13;
	s15 =	sshll.u32 s9, $0x3;
	[dreg:$0x10] =	wrdreg s24;
	[tilespmem:$0x1FFA0] =	vst v1;
	v1 =	vor.u32 $0x406, v0  }
0x3a: {  	v23 =	vor.u32 $0x5, v0;
	v54 =	vor.u32 $0x1, v2;
	s9 =	simm.s32 $0x5300;
	s14 =	simm.s32 $0x300;
	[dreg:$0x11] =	wrdreg s25;
	[tilespmem:$0x1FFB0] =	vst v1;
	v1 =	vor.u32 $0x202, v2  }
0x3b: {  	v55 =	vor.u32 $0x2, v0;
	v38 =	vor.u32 $0x6, v0;
	s19 =	simm.s32 $0x1;
	s20 =	simm.s32 $0x180;
	[dreg:$0x12] =	wrdreg s28;
	[tilespmem:$0x1FFC0] =	vst v1;
	v1 =	vor.u32 $0x403, v0  }
0x3c: {  	v57 =	vor.u32 $0x2, v2;
	v58 =	vor.u32 $0x3, v0;
	s6 =	sadd.s32 s15, s13;
	s3 =	simm.s32 $0x9300;
	[dreg:$0x13] =	wrdreg s29;
	[tilespmem:$0x1FFD0] =	vst v1;
	v1 =	vor.u32 $0x407, v0  }
0x3d: {  	v47 =	vor.u32 $0x7, v0;
	v60 =	vor.u32 $0x3, v2;
	s15 =	simm.s32 $0xB00;
	s18 =	simm.s32 $0x9B00;
	[dreg:$0x14] =	wrdreg s30;
	[tilespmem:$0x1FFE0] =	vst v1;
	v1 =	vor.u32 $0x203, v2  }
0x3e: {  	v61 =	vor.u32 $0x100, v0;
	v56 =	vor.u32 $0x104, v0;
	v62 =	vor.u32 $0x500, v0;
	s21 =	simm.s32 $0x0;
	[dreg:$0x15] =	wrdreg s6;
	s6 =	simm.s32 $0x1300;
	[tilespmem:$0x1FFF0] =	vst v1  }
.LBB2_1:
0x3f: {  	v1 =	vimm.s32 $0x0  }
0x40: {  	[tilespmem:$0x0] =	vst v1  }
0x41: {  	[tilespmem:$0x10] =	vst v1  }
0x42: {  	[tilespmem:$0x20] =	vst v1  }
0x43: {  	[tilespmem:$0x30] =	vst v1  }
0x44: {  	[tilespmem:$0x40] =	vst v1  }
0x45: {  	[tilespmem:$0x50] =	vst v1  }
0x46: {  	[tilespmem:$0x60] =	vst v1  }
0x47: {  	[tilespmem:$0x70] =	vst v1  }
0x48: {  	[tilespmem:$0x80] =	vst v1  }
0x49: {  	[tilespmem:$0x90] =	vst v1  }
0x4a: {  	[tilespmem:$0xA0] =	vst v1  }
0x4b: {  	[tilespmem:$0xB0] =	vst v1  }
0x4c: {  	[tilespmem:$0xC0] =	vst v1  }
0x4d: {  	[tilespmem:$0xD0] =	vst v1  }
0x4e: {  	[tilespmem:$0xE0] =	vst v1  }
0x4f: {  	[tilespmem:$0xF0] =	vst v1  }
0x50: {  	[tilespmem:$0x100] =	vst v1  }
0x51: {  	[tilespmem:$0x110] =	vst v1  }
0x52: {  	[tilespmem:$0x120] =	vst v1  }
0x53: {  	[tilespmem:$0x130] =	vst v1  }
0x54: {  	[tilespmem:$0x140] =	vst v1  }
0x55: {  	[tilespmem:$0x150] =	vst v1  }
0x56: {  	[tilespmem:$0x160] =	vst v1  }
0x57: {  	s22 =	rddreg [dreg:$0xf];
	[tilespmem:$0x170] =	vst v1  }
0x58: {  	[tilespmem:s3], [sflag:$0x4] =	stream.linear.gather [hbm4b:s22+s2], $0x400, $0x38;
	[tilespmem:$0x1EF08] =	vst v63  }
0x59: {  	_ =	swait.ge [sflag:s4], $0x400  }
0x5a: {  	[sflag:s4] =	ssyncset.done $0x0  }
0x5b: {  	[sflag:s4] =	ssyncadd.s32 $0xFFFFFC00  }
0x5c: {  	[tilespmem:$0x180] =	vst v1  }
0x5d: {  	[tilespmem:$0x190] =	vst v1  }
0x5e: {  	[tilespmem:$0x1A0] =	vst v1  }
0x5f: {  	[tilespmem:$0x1B0] =	vst v1  }
0x60: {  	[tilespmem:$0x1C0] =	vst v1  }
0x61: {  	[tilespmem:$0x1D0] =	vst v1  }
0x62: {  	[tilespmem:$0x1E0] =	vst v1  }
0x63: {  	[tilespmem:$0x1F0] =	vst v1  }
0x64: {  	[tilespmem:$0x200] =	vst v1  }
0x65: {  	[tilespmem:$0x210] =	vst v1  }
0x66: {  	[tilespmem:$0x220] =	vst v1  }
0x67: {  	[tilespmem:$0x230] =	vst v1  }
0x68: {  	[tilespmem:$0x240] =	vst v1  }
0x69: {  	[tilespmem:$0x250] =	vst v1  }
0x6a: {  	[tilespmem:$0x260] =	vst v1  }
0x6b: {  	[tilespmem:$0x270] =	vst v1  }
0x6c: {  	[tilespmem:$0x280] =	vst v1  }
0x6d: {  	[tilespmem:$0x290] =	vst v1  }
0x6e: {  	[tilespmem:$0x2A0] =	vst v1  }
0x6f: {  	[tilespmem:$0x2B0] =	vst v1  }
0x70: {  	[tilespmem:$0x2C0] =	vst v1  }
0x71: {  	[tilespmem:$0x2D0] =	vst v1  }
0x72: {  	[tilespmem:$0x2E0] =	vst v1  }
0x73: {  	[tilespmem:$0x2F0] =	vst v1  }
0x74: {  	[tilespmem:s5], [sflag:$0x4] =	stream.linear.gather [hbm4b:s22+s2], $0x400, $0x38;
	[tilespmem:$0x1EF08] =	vst v63  }
0x75: {  	_ =	swait.ge [sflag:s4], $0x400  }
0x76: {  	[sflag:s4] =	ssyncset.done $0x0  }
0x77: {  	s23 =	simm.s32 $0x200;
	s22 =	simm.s32 $0x0;
	[sflag:s4] =	ssyncadd.s32 $0xFFFFFC00  }
.LBB2_2:
0x78: {  	p0 =	sne.s32 s23, $0xFE00;
	[tilespmem:s22+$0x5370] =	vst v3  }
0x79: {  	[tilespmem:s22+$0x1300] =	vst v3  }
0x7a: {  	[tilespmem:s22+$0x5300] =	vst v3  }
0x7b: {  	[tilespmem:s22+$0x1310] =	vst v3  }
0x7c: {  	[tilespmem:s22+$0x5310] =	vst v3  }
0x7d: {  	[tilespmem:s22+$0x1320] =	vst v3  }
0x7e: {  	[tilespmem:s22+$0x5320] =	vst v3  }
0x7f: {  	[tilespmem:s22+$0x1330] =	vst v3  }
0x80: {  	[tilespmem:s22+$0x5330] =	vst v3  }
0x81: {  	[tilespmem:s22+$0x1340] =	vst v3  }
0x82: {  	[tilespmem:s22+$0x5340] =	vst v3  }
.Ltmp0:
0x83: {  	[tilespmem:s22+$0x1350] =	vst v3;
	(pc) =	sbr.rel @p0 .LBB2_2-.Ltmp0, $4  }
0x84: {  	[tilespmem:s22+$0x5350] =	vst v3  }
0x85: {  	[tilespmem:s22+$0x1360] =	vst v3  }
0x86: {  	[tilespmem:s22+$0x5360] =	vst v3  }
0x87: {  	[tilespmem:s22+$0x1370] =	vst v3;
	s22 =	sshra.s32 s23, $0x2;
	s23 =	sadd.s32 $0x200, s23  }
0x88: {  	[tilespmem:s22+$0x5370] =	vst v3  }
0x89: {  	[tilespmem:s22+$0x1300] =	vst v3  }
0x8a: {  	[tilespmem:s22+$0x5300] =	vst v3  }
0x8b: {  	[tilespmem:s22+$0x1310] =	vst v3  }
0x8c: {  	[tilespmem:s22+$0x5310] =	vst v3  }
0x8d: {  	[tilespmem:s22+$0x1320] =	vst v3  }
0x8e: {  	[tilespmem:s22+$0x5320] =	vst v3  }
0x8f: {  	[tilespmem:s22+$0x1330] =	vst v3  }
0x90: {  	[tilespmem:s22+$0x5330] =	vst v3  }
0x91: {  	[tilespmem:s22+$0x1340] =	vst v3  }
0x92: {  	[tilespmem:s22+$0x5340] =	vst v3  }
0x93: {  	[tilespmem:s22+$0x1350] =	vst v3  }
0x94: {  	[tilespmem:s22+$0x5350] =	vst v3  }
0x95: {  	[tilespmem:s22+$0x1360] =	vst v3  }
0x96: {  	[tilespmem:s22+$0x5360] =	vst v3  }
0x97: {  	[tilespmem:s22+$0x1370] =	vst v3  }
0x98: {  	[spmem:s24] =	stream.linear.scatter [tilespmem:s6], [sflag:$0x4], $0x4000, $0x38;
	[tilespmem:$0x1EF08] =	vst v63  }
0x99: {  	_ =	swait.ge [sflag:s4], $0x4000  }
0x9a: {  	[sflag:s4] =	ssyncset.done $0x0  }
0x9b: {  	[sflag:s4] =	ssyncadd.s32 $0xFFFFC000  }
0x9c: {  	[spmem:s25] =	stream.linear.scatter [tilespmem:s3], [sflag:$0x4], $0x400, $0x38;
	[tilespmem:$0x1EF08] =	vst v63  }
0x9d: {  	_ =	swait.ge [sflag:s4], $0x400  }
0x9e: {  	[sflag:s4] =	ssyncset.done $0x0  }
0x9f: {  	[sflag:s4] =	ssyncadd.s32 $0xFFFFFC00  }
0xa0: {  	[spmem:s28] =	stream.linear.scatter [tilespmem:s6], [sflag:$0x4], $0x4000, $0x38;
	[tilespmem:$0x1EF08] =	vst v63  }
0xa1: {  	_ =	swait.ge [sflag:s4], $0x4000  }
0xa2: {  	[sflag:s4] =	ssyncset.done $0x0  }
0xa3: {  	[sflag:s4] =	ssyncadd.s32 $0xFFFFC000  }
0xa4: {  	[spmem:s29] =	stream.linear.scatter [tilespmem:s3], [sflag:$0x4], $0x400, $0x38;
	[tilespmem:$0x1EF08] =	vst v63  }
0xa5: {  	_ =	swait.ge [sflag:s4], $0x400  }
0xa6: {  	[sflag:s4] =	ssyncset.done $0x0  }
0xa7: {  	[sflag:s4] =	ssyncadd.s32 $0xFFFFFC00  }
0xa8: {  	[spmem:s30] =	stream.linear.scatter [tilespmem:s6], [sflag:$0x4], $0x4000, $0x38;
	[tilespmem:$0x1EF08] =	vst v63  }
0xa9: {  	_ =	swait.ge [sflag:s4], $0x4000  }
0xaa: {  	[sflag:s4] =	ssyncset.done $0x0  }
0xab: {  	s24 =	rddreg [dreg:$0x15];
	[sflag:s4] =	ssyncadd.s32 $0xFFFFC000  }
0xac: {  	[spmem:s24] =	stream.linear.scatter [tilespmem:s3], [sflag:$0x4], $0x400, $0x38;
	[tilespmem:$0x1EF08] =	vst v63  }
0xad: {  	_ =	swait.ge [sflag:s4], $0x400  }
0xae: {  	[sflag:s4] =	ssyncset.done $0x0  }
0xaf: {  	s25 =	rddreg [dreg:$0x16];
	[sflag:s4] =	ssyncadd.s32 $0xFFFFFC00  }
0xb0: {  	[spmem:s25] =	stream.linear.scatter [tilespmem:s6], [sflag:$0x4], $0x4000, $0x38;
	[tilespmem:$0x1EF08] =	vst v63  }
0xb1: {  	_ =	swait.ge [sflag:s4], $0x4000  }
0xb2: {  	[sflag:s4] =	ssyncset.done $0x0  }
0xb3: {  	s28 =	rddreg [dreg:$0x17];
	[sflag:s4] =	ssyncadd.s32 $0xFFFFC000  }
0xb4: {  	[spmem:s28] =	stream.linear.scatter [tilespmem:s3], [sflag:$0x4], $0x400, $0x38;
	[tilespmem:$0x1EF08] =	vst v63  }
0xb5: {  	_ =	swait.ge [sflag:s4], $0x400  }
0xb6: {  	[sflag:s4] =	ssyncset.done $0x0  }
0xb7: {  	s29 =	rddreg [dreg:$0x18];
	[sflag:s4] =	ssyncadd.s32 $0xFFFFFC00  }
0xb8: {  	[spmem:s29] =	stream.linear.scatter [tilespmem:s6], [sflag:$0x4], $0x3880, $0x38;
	[tilespmem:$0x1EF08] =	vst v63  }
0xb9: {  	_ =	swait.ge [sflag:s4], $0x3880  }
0xba: {  	[sflag:s4] =	ssyncset.done $0x0  }
0xbb: {  	s30 =	rddreg [dreg:$0x19];
	[sflag:s4] =	ssyncadd.s32 $0xFFFFC780  }
0xbc: {  	[spmem:s30] =	stream.linear.scatter [tilespmem:s3], [sflag:$0x4], $0x388, $0x38;
	[tilespmem:$0x1EF08] =	vst v63  }
0xbd: {  	_ =	swait.ge [sflag:s4], $0x388  }
0xbe: {  	[sflag:s4] =	ssyncset.done $0x0  }
0xbf: {  	[sflag:s4] =	ssyncadd.s32 $0xFFFFFC78  }
0xc0: {  	[bflag:$0x0] =	sbarrier.arrive $0xFFFF  }
0xc1: {  	[spmem:s1] =	stream.indirect.scatter.add.f32 [tilespmem:s6], [sflag:$0x3], $0x80, s7, s7, $0xb8;
	[tilespmem:$0x1EF08] =	vst v63  }
0xc2: {  	_ = 	snop  }
0xc3: {  	[spmem:s13] =	stream.indirect.scatter.add.f32 [tilespmem:s3], [sflag:$0x3], $0x8, s7, s7, $0xb8;
	[tilespmem:$0x1EF08] =	vst v63  }
0xc4: {  	_ = 	snop  }
0xc5: {  	[spmem:s1] =	stream.indirect.scatter.add.f32 [tilespmem:s9], [sflag:$0x3], $0x80, s8, s7, $0xb8;
	[tilespmem:$0x1EF08] =	vst v63  }
0xc6: {  	s22 =	simm.s32 $0x0;
	s23 =	simm.s32 $0x0  }
0xc7: {  	[spmem:s13] =	stream.indirect.scatter.add.f32 [tilespmem:s5], [sflag:$0x3], $0x8, s8, s7, $0xb8;
	[tilespmem:$0x1EF08] =	vst v63  }
.LBB2_4:
0xc8: {  	_ =	swait.ge [sflag:s10], $0x4000  }
0xc9: {  	[sflag:s10] =	ssyncset.done $0x0  }
0xca: {  	s24 =	sshll.u32 s23, $0x1;
	[sflag:s10] =	ssyncadd.s32 $0xFFFFC000  }
0xcb: {  	s25 =	sadd.s32 s26, s24;
	_ =	swait.ge [sflag:s10], $0x400  }
0xcc: {  	s25 =	sshll.u32 s25, $0x4;
	[sflag:s10] =	ssyncset.done $0x0  }
0xcd: {  	s25 =	sadd.s32 s0, s25;
	[sflag:s10] =	ssyncadd.s32 $0xFFFFFC00  }
0xce: {  	[tilespmem:s22], [sflag:$0x4] =	stream.strided.gather [hbm4b:s25+s7], $0x180, s11, s7, $0x38;
	[tilespmem:$0x1EF08] =	vst v63  }
0xcf: {  	_ =	swait.ge [sflag:s4], $0x180  }
0xd0: {  	[sflag:s4] =	ssyncset.done $0x0  }
0xd1: {  	[sflag:s4] =	ssyncadd.s32 $0xFFFFFE80  }
0xd2: {  	[tilespmem:s6], [sflag:$0x1] =	stream.indirect.gather [hbm4b:s17+s7], $0x80, s22, s7, $0xb8;
	[tilespmem:$0x1EF08] =	vst v63  }
0xd3: {  	_ = 	snop  }
0xd4: {  	[tilespmem:s14], [sflag:$0x2] =	stream.indirect.gather [hbm4b:s16+s7], $0x10, s22, s7, $0xb8;
	[tilespmem:$0x1EF08] =	vst v63  }
0xd5: {  	_ = 	snop  }
0xd6: {  	[tilespmem:s15], [sflag:$0x2] =	stream.indirect.gather [hbm4b:s16+s7], $0x10, s7, s7, $0xb8;
	[tilespmem:$0x1EF08] =	vst v63  }
0xd7: {  	_ =	swait.ge [sflag:s31], $0x800  }
0xd8: {  	[sflag:s31] =	ssyncset.done $0x0  }
0xd9: {  	[sflag:s31] =	ssyncadd.s32 $0xFFFFF800  }
0xda: {  	_ =	swait.ge [sflag:s31], $0x800  }
0xdb: {  	[sflag:s31] =	ssyncset.done $0x0  }
0xdc: {  	[sflag:s31] =	ssyncadd.s32 $0xFFFFF800  }
0xdd: {  	v1 =	vld.idx.msk [tilespmem:v0+s14+$0x0], $0xffff  }
0xde: {  	v4 =	vld.idx.msk [tilespmem:v17+s15+$0x0], $0xffff;
	_ =	sdelay $0x4  }
0xdf: {  	v1 =	vadd.f32 v4, v1;
	_ =	sdelay $0x1  }
0xe0: {  	v4 =	vmul.f32 $1.000000010e-01, v1;
	_ =	sdelay $0x1  }
0xe1: {  	v1 =	vmax.f32 v1, v4  }
0xe2: {  	v1 =	vmul.f32 $1.442695020e+00, v1;
	_ =	sdelay $0x1  }
0xe3: {  	(erf) = vpow2.f32 v1;
	_ =	sdelay $0x4  }
0xe4: {  	v1 =	vld [tilespmem:$0x100];
	_ =	sdelay $0x3  }
0xe5: {  	v4 =	vpop (erf)  }
0xe6: {  	v4 =	vmul.f32 v4, v1;
	_ =	sdelay $0x1  }
0xe7: {  	[tilespmem:v0+s18+$0x0] =	vst.idx.msk $0xffff, v4  }
0xe8: {  	[tilespmem:v2+s3+$0x0] =	vst.idx.msk $0xffff, v4  }
0xe9: {  	v4 =	vld.idx.msk [tilespmem:v20+s14+$0x0], $0xffff  }
0xea: {  	v5 =	vld.idx.msk [tilespmem:v23+s15+$0x0], $0xffff;
	_ =	sdelay $0x4  }
0xeb: {  	v4 =	vadd.f32 v5, v4;
	_ =	sdelay $0x1  }
0xec: {  	v5 =	vmul.f32 $1.000000010e-01, v4;
	_ =	sdelay $0x1  }
0xed: {  	v4 =	vmax.f32 v4, v5  }
0xee: {  	v4 =	vmul.f32 $1.442695020e+00, v4;
	_ =	sdelay $0x1  }
0xef: {  	(erf) = vpow2.f32 v4;
	_ =	sdelay $0x8  }
0xf0: {  	v4 =	vpop (erf)  }
0xf1: {  	v4 =	vmul.f32 v4, v1;
	_ =	sdelay $0x1  }
0xf2: {  	[tilespmem:v20+s18+$0x0] =	vst.idx.msk $0xffff, v4  }
0xf3: {  	[tilespmem:v54+s3+$0x0] =	vst.idx.msk $0xffff, v4  }
0xf4: {  	v4 =	vld.idx.msk [tilespmem:v55+s14+$0x0], $0xffff  }
0xf5: {  	v5 =	vld.idx.msk [tilespmem:v38+s15+$0x0], $0xffff;
	_ =	sdelay $0x4  }
0xf6: {  	v4 =	vadd.f32 v5, v4;
	_ =	sdelay $0x1  }
0xf7: {  	v5 =	vmul.f32 $1.000000010e-01, v4;
	_ =	sdelay $0x1  }
0xf8: {  	v4 =	vmax.f32 v4, v5  }
0xf9: {  	v4 =	vmul.f32 $1.442695020e+00, v4;
	_ =	sdelay $0x1  }
0xfa: {  	(erf) = vpow2.f32 v4;
	_ =	sdelay $0x8  }
0xfb: {  	v4 =	vpop (erf)  }
0xfc: {  	v4 =	vmul.f32 v4, v1;
	_ =	sdelay $0x1  }
0xfd: {  	[tilespmem:v55+s18+$0x0] =	vst.idx.msk $0xffff, v4  }
0xfe: {  	[tilespmem:v57+s3+$0x0] =	vst.idx.msk $0xffff, v4  }
0xff: {  	v4 =	vld.idx.msk [tilespmem:v58+s14+$0x0], $0xffff  }
0x100: {  	v5 =	vld.idx.msk [tilespmem:v47+s15+$0x0], $0xffff;
	_ =	sdelay $0x4  }
0x101: {  	v4 =	vadd.f32 v5, v4;
	_ =	sdelay $0x1  }
0x102: {  	v5 =	vmul.f32 $1.000000010e-01, v4;
	_ =	sdelay $0x1  }
0x103: {  	v4 =	vmax.f32 v4, v5  }
0x104: {  	v4 =	vmul.f32 $1.442695020e+00, v4;
	_ =	sdelay $0x1  }
0x105: {  	(erf) = vpow2.f32 v4;
	_ =	sdelay $0x8  }
0x106: {  	v4 =	vpop (erf)  }
0x107: {  	v1 =	vmul.f32 v4, v1;
	_ =	sdelay $0x1  }
0x108: {  	[tilespmem:v58+s18+$0x0] =	vst.idx.msk $0xffff, v1  }
0x109: {  	[tilespmem:v60+s3+$0x0] =	vst.idx.msk $0xffff, v1  }
0x10a: {  	v1 =	vld.idx.msk [tilespmem:v61+s14+$0x0], $0xffff  }
0x10b: {  	v4 =	vld.idx.msk [tilespmem:v56+s15+$0x0], $0xffff;
	_ =	sdelay $0x4  }
0x10c: {  	v1 =	vadd.f32 v4, v1;
	_ =	sdelay $0x1  }
0x10d: {  	v4 =	vmul.f32 $1.000000010e-01, v1;
	_ =	sdelay $0x1  }
0x10e: {  	v1 =	vmax.f32 v1, v4  }
0x10f: {  	v1 =	vmul.f32 $1.442695020e+00, v1;
	_ =	sdelay $0x1  }
0x110: {  	(erf) = vpow2.f32 v1;
	_ =	sdelay $0x3  }
0x111: {  	v5 =	vld [tilespmem:$0x1FD20]  }
0x112: {  	v1 =	vld [tilespmem:$0x110];
	_ =	sdelay $0x3  }
0x113: {  	v4 =	vpop (erf)  }
0x114: {  	v4 =	vmul.f32 v4, v1;
	_ =	sdelay $0x1  }
0x115: {  	v6 =	vld [tilespmem:$0x1FD30];
	[tilespmem:v61+s18+$0x0] =	vst.idx.msk $0xffff, v4  }
0x116: {  	[tilespmem:v5+s3+$0x0] =	vst.idx.msk $0xffff, v4;
	v5 =	vld [tilespmem:$0x1FD40];
	_ =	sdelay $0x6  }
0x117: {  	v4 =	vld.idx.msk [tilespmem:v6+s14+$0x0], $0xffff  }
0x118: {  	v5 =	vld.idx.msk [tilespmem:v5+s15+$0x0], $0xffff;
	_ =	sdelay $0x4  }
0x119: {  	v4 =	vadd.f32 v5, v4;
	_ =	sdelay $0x1  }
0x11a: {  	v5 =	vmul.f32 $1.000000010e-01, v4;
	_ =	sdelay $0x1  }
0x11b: {  	v4 =	vmax.f32 v4, v5  }
0x11c: {  	v4 =	vmul.f32 $1.442695020e+00, v4;
	_ =	sdelay $0x1  }
0x11d: {  	(erf) = vpow2.f32 v4;
	_ =	sdelay $0x4  }
0x11e: {  	v5 =	vld [tilespmem:$0x1FD50];
	_ =	sdelay $0x3  }
0x11f: {  	v4 =	vpop (erf)  }
0x120: {  	v4 =	vmul.f32 v4, v1;
	_ =	sdelay $0x1  }
0x121: {  	[tilespmem:v6+s18+$0x0] =	vst.idx.msk $0xffff, v4;
	v6 =	vld [tilespmem:$0x1FD60]  }
0x122: {  	[tilespmem:v5+s3+$0x0] =	vst.idx.msk $0xffff, v4;
	v5 =	vld [tilespmem:$0x1FD70];
	_ =	sdelay $0x6  }
0x123: {  	v4 =	vld.idx.msk [tilespmem:v6+s14+$0x0], $0xffff  }
0x124: {  	v5 =	vld.idx.msk [tilespmem:v5+s15+$0x0], $0xffff;
	_ =	sdelay $0x4  }
0x125: {  	v4 =	vadd.f32 v5, v4;
	_ =	sdelay $0x1  }
0x126: {  	v5 =	vmul.f32 $1.000000010e-01, v4;
	_ =	sdelay $0x1  }
0x127: {  	v4 =	vmax.f32 v4, v5  }
0x128: {  	v4 =	vmul.f32 $1.442695020e+00, v4;
	_ =	sdelay $0x1  }
0x129: {  	(erf) = vpow2.f32 v4;
	_ =	sdelay $0x4  }
0x12a: {  	v5 =	vld [tilespmem:$0x1FD80];
	_ =	sdelay $0x3  }
0x12b: {  	v4 =	vpop (erf)  }
0x12c: {  	v4 =	vmul.f32 v4, v1;
	_ =	sdelay $0x1  }
0x12d: {  	[tilespmem:v6+s18+$0x0] =	vst.idx.msk $0xffff, v4;
	v6 =	vld [tilespmem:$0x1FD90]  }
0x12e: {  	[tilespmem:v5+s3+$0x0] =	vst.idx.msk $0xffff, v4;
	v5 =	vld [tilespmem:$0x1FDA0];
	_ =	sdelay $0x6  }
0x12f: {  	v4 =	vld.idx.msk [tilespmem:v6+s14+$0x0], $0xffff  }
0x130: {  	v5 =	vld.idx.msk [tilespmem:v5+s15+$0x0], $0xffff;
	_ =	sdelay $0x4  }
0x131: {  	v4 =	vadd.f32 v5, v4;
	_ =	sdelay $0x1  }
0x132: {  	v5 =	vmul.f32 $1.000000010e-01, v4;
	_ =	sdelay $0x1  }
0x133: {  	v4 =	vmax.f32 v4, v5  }
0x134: {  	v4 =	vmul.f32 $1.442695020e+00, v4;
	_ =	sdelay $0x1  }
0x135: {  	(erf) = vpow2.f32 v4;
	_ =	sdelay $0x8  }
0x136: {  	v4 =	vpop (erf)  }
0x137: {  	v1 =	vmul.f32 v4, v1;
	v4 =	vld [tilespmem:$0x1FDB0];
	_ =	sdelay $0x6  }
0x138: {  	v5 =	vld [tilespmem:$0x1FDC0];
	[tilespmem:v6+s18+$0x0] =	vst.idx.msk $0xffff, v1  }
0x139: {  	[tilespmem:v4+s3+$0x0] =	vst.idx.msk $0xffff, v1;
	v4 =	vld [tilespmem:$0x1FDD0];
	_ =	sdelay $0x6  }
0x13a: {  	v1 =	vld.idx.msk [tilespmem:v5+s14+$0x0], $0xffff  }
0x13b: {  	v4 =	vld.idx.msk [tilespmem:v4+s15+$0x0], $0xffff;
	_ =	sdelay $0x4  }
0x13c: {  	v1 =	vadd.f32 v4, v1;
	_ =	sdelay $0x1  }
0x13d: {  	v4 =	vmul.f32 $1.000000010e-01, v1;
	_ =	sdelay $0x1  }
0x13e: {  	v1 =	vmax.f32 v1, v4  }
0x13f: {  	v1 =	vmul.f32 $1.442695020e+00, v1;
	_ =	sdelay $0x1  }
0x140: {  	(erf) = vpow2.f32 v1;
	_ =	sdelay $0x4  }
0x141: {  	v1 =	vld [tilespmem:$0x120];
	_ =	sdelay $0x3  }
0x142: {  	v4 =	vpop (erf)  }
0x143: {  	v4 =	vmul.f32 v4, v1;
	_ =	sdelay $0x1  }
0x144: {  	[tilespmem:v5+s18+$0x0] =	vst.idx.msk $0xffff, v4;
	v5 =	vld [tilespmem:$0x1FDE0];
	_ =	sdelay $0x6  }
0x145: {  	v6 =	vld [tilespmem:$0x1FDF0]  }
0x146: {  	[tilespmem:v5+s3+$0x0] =	vst.idx.msk $0xffff, v4;
	v5 =	vld [tilespmem:$0x1FE00];
	_ =	sdelay $0x6  }
0x147: {  	v4 =	vld.idx.msk [tilespmem:v6+s14+$0x0], $0xffff  }
0x148: {  	v5 =	vld.idx.msk [tilespmem:v5+s15+$0x0], $0xffff;
	_ =	sdelay $0x4  }
0x149: {  	v4 =	vadd.f32 v5, v4;
	_ =	sdelay $0x1  }
0x14a: {  	v5 =	vmul.f32 $1.000000010e-01, v4;
	_ =	sdelay $0x1  }
0x14b: {  	v4 =	vmax.f32 v4, v5  }
0x14c: {  	v4 =	vmul.f32 $1.442695020e+00, v4;
	_ =	sdelay $0x1  }
0x14d: {  	(erf) = vpow2.f32 v4;
	_ =	sdelay $0x4  }
0x14e: {  	v5 =	vld [tilespmem:$0x1FE10];
	_ =	sdelay $0x3  }
0x14f: {  	v4 =	vpop (erf)  }
0x150: {  	v4 =	vmul.f32 v4, v1;
	_ =	sdelay $0x1  }
0x151: {  	[tilespmem:v6+s18+$0x0] =	vst.idx.msk $0xffff, v4;
	v6 =	vld [tilespmem:$0x1FE20]  }
0x152: {  	[tilespmem:v5+s3+$0x0] =	vst.idx.msk $0xffff, v4;
	v5 =	vld [tilespmem:$0x1FE30];
	_ =	sdelay $0x6  }
0x153: {  	v4 =	vld.idx.msk [tilespmem:v6+s14+$0x0], $0xffff  }
0x154: {  	v5 =	vld.idx.msk [tilespmem:v5+s15+$0x0], $0xffff;
	_ =	sdelay $0x4  }
0x155: {  	v4 =	vadd.f32 v5, v4;
	_ =	sdelay $0x1  }
0x156: {  	v5 =	vmul.f32 $1.000000010e-01, v4;
	_ =	sdelay $0x1  }
0x157: {  	v4 =	vmax.f32 v4, v5  }
0x158: {  	v4 =	vmul.f32 $1.442695020e+00, v4;
	_ =	sdelay $0x1  }
0x159: {  	(erf) = vpow2.f32 v4;
	_ =	sdelay $0x4  }
0x15a: {  	v5 =	vld [tilespmem:$0x1FE40];
	_ =	sdelay $0x3  }
0x15b: {  	v4 =	vpop (erf)  }
0x15c: {  	v4 =	vmul.f32 v4, v1;
	_ =	sdelay $0x1  }
0x15d: {  	[tilespmem:v6+s18+$0x0] =	vst.idx.msk $0xffff, v4;
	v6 =	vld [tilespmem:$0x1FE50]  }
0x15e: {  	[tilespmem:v5+s3+$0x0] =	vst.idx.msk $0xffff, v4;
	v5 =	vld [tilespmem:$0x1FE60];
	_ =	sdelay $0x6  }
0x15f: {  	v4 =	vld.idx.msk [tilespmem:v6+s14+$0x0], $0xffff  }
0x160: {  	v5 =	vld.idx.msk [tilespmem:v5+s15+$0x0], $0xffff;
	_ =	sdelay $0x4  }
0x161: {  	v4 =	vadd.f32 v5, v4;
	_ =	sdelay $0x1  }
0x162: {  	v5 =	vmul.f32 $1.000000010e-01, v4;
	_ =	sdelay $0x1  }
0x163: {  	v4 =	vmax.f32 v4, v5  }
0x164: {  	v4 =	vmul.f32 $1.442695020e+00, v4;
	_ =	sdelay $0x1  }
0x165: {  	(erf) = vpow2.f32 v4;
	_ =	sdelay $0x8  }
0x166: {  	v4 =	vpop (erf)  }
0x167: {  	v1 =	vmul.f32 v4, v1;
	v4 =	vld [tilespmem:$0x1FE70];
	_ =	sdelay $0x6  }
0x168: {  	v5 =	vld [tilespmem:$0x1FE80];
	[tilespmem:v6+s18+$0x0] =	vst.idx.msk $0xffff, v1  }
0x169: {  	[tilespmem:v4+s3+$0x0] =	vst.idx.msk $0xffff, v1;
	v4 =	vld [tilespmem:$0x1FE90];
	_ =	sdelay $0x6  }
0x16a: {  	v1 =	vld.idx.msk [tilespmem:v5+s14+$0x0], $0xffff  }
0x16b: {  	v4 =	vld.idx.msk [tilespmem:v4+s15+$0x0], $0xffff;
	_ =	sdelay $0x4  }
0x16c: {  	v1 =	vadd.f32 v4, v1;
	_ =	sdelay $0x1  }
0x16d: {  	v4 =	vmul.f32 $1.000000010e-01, v1;
	_ =	sdelay $0x1  }
0x16e: {  	v1 =	vmax.f32 v1, v4  }
0x16f: {  	v1 =	vmul.f32 $1.442695020e+00, v1;
	_ =	sdelay $0x1  }
0x170: {  	(erf) = vpow2.f32 v1;
	_ =	sdelay $0x4  }
0x171: {  	v1 =	vld [tilespmem:$0x130];
	_ =	sdelay $0x3  }
0x172: {  	v4 =	vpop (erf)  }
0x173: {  	v4 =	vmul.f32 v4, v1;
	_ =	sdelay $0x1  }
0x174: {  	[tilespmem:v5+s18+$0x0] =	vst.idx.msk $0xffff, v4;
	v5 =	vld [tilespmem:$0x1FEA0];
	_ =	sdelay $0x6  }
0x175: {  	v6 =	vld [tilespmem:$0x1FEB0]  }
0x176: {  	[tilespmem:v5+s3+$0x0] =	vst.idx.msk $0xffff, v4;
	v5 =	vld [tilespmem:$0x1FEC0];
	_ =	sdelay $0x6  }
0x177: {  	v4 =	vld.idx.msk [tilespmem:v6+s14+$0x0], $0xffff  }
0x178: {  	v5 =	vld.idx.msk [tilespmem:v5+s15+$0x0], $0xffff;
	_ =	sdelay $0x4  }
0x179: {  	v4 =	vadd.f32 v5, v4;
	_ =	sdelay $0x1  }
0x17a: {  	v5 =	vmul.f32 $1.000000010e-01, v4;
	_ =	sdelay $0x1  }
0x17b: {  	v4 =	vmax.f32 v4, v5  }
0x17c: {  	v4 =	vmul.f32 $1.442695020e+00, v4;
	_ =	sdelay $0x1  }
0x17d: {  	(erf) = vpow2.f32 v4;
	_ =	sdelay $0x4  }
0x17e: {  	v5 =	vld [tilespmem:$0x1FED0];
	_ =	sdelay $0x3  }
0x17f: {  	v4 =	vpop (erf)  }
0x180: {  	v4 =	vmul.f32 v4, v1;
	_ =	sdelay $0x1  }
0x181: {  	[tilespmem:v6+s18+$0x0] =	vst.idx.msk $0xffff, v4;
	v6 =	vld [tilespmem:$0x1FEE0]  }
0x182: {  	[tilespmem:v5+s3+$0x0] =	vst.idx.msk $0xffff, v4;
	v5 =	vld [tilespmem:$0x1FEF0];
	_ =	sdelay $0x6  }
0x183: {  	v4 =	vld.idx.msk [tilespmem:v6+s14+$0x0], $0xffff  }
0x184: {  	v5 =	vld.idx.msk [tilespmem:v5+s15+$0x0], $0xffff;
	_ =	sdelay $0x4  }
0x185: {  	v4 =	vadd.f32 v5, v4;
	_ =	sdelay $0x1  }
0x186: {  	v5 =	vmul.f32 $1.000000010e-01, v4;
	_ =	sdelay $0x1  }
0x187: {  	v4 =	vmax.f32 v4, v5  }
0x188: {  	v4 =	vmul.f32 $1.442695020e+00, v4;
	_ =	sdelay $0x1  }
0x189: {  	(erf) = vpow2.f32 v4;
	_ =	sdelay $0x4  }
0x18a: {  	v5 =	vld [tilespmem:$0x1FF00];
	_ =	sdelay $0x3  }
0x18b: {  	v4 =	vpop (erf)  }
0x18c: {  	v4 =	vmul.f32 v4, v1;
	_ =	sdelay $0x1  }
0x18d: {  	[tilespmem:v6+s18+$0x0] =	vst.idx.msk $0xffff, v4;
	v6 =	vld [tilespmem:$0x1FF10]  }
0x18e: {  	[tilespmem:v5+s3+$0x0] =	vst.idx.msk $0xffff, v4;
	v5 =	vld [tilespmem:$0x1FF20];
	_ =	sdelay $0x6  }
0x18f: {  	v4 =	vld.idx.msk [tilespmem:v6+s14+$0x0], $0xffff  }
0x190: {  	v5 =	vld.idx.msk [tilespmem:v5+s15+$0x0], $0xffff;
	_ =	sdelay $0x4  }
0x191: {  	v4 =	vadd.f32 v5, v4;
	_ =	sdelay $0x1  }
0x192: {  	v5 =	vmul.f32 $1.000000010e-01, v4;
	_ =	sdelay $0x1  }
0x193: {  	v4 =	vmax.f32 v4, v5  }
0x194: {  	v4 =	vmul.f32 $1.442695020e+00, v4;
	_ =	sdelay $0x1  }
0x195: {  	(erf) = vpow2.f32 v4;
	_ =	sdelay $0x8  }
0x196: {  	v4 =	vpop (erf)  }
0x197: {  	v1 =	vmul.f32 v4, v1;
	v4 =	vld [tilespmem:$0x1FF30];
	_ =	sdelay $0x6  }
0x198: {  	v5 =	vld [tilespmem:$0x1FF40];
	[tilespmem:v6+s18+$0x0] =	vst.idx.msk $0xffff, v1  }
0x199: {  	[tilespmem:v4+s3+$0x0] =	vst.idx.msk $0xffff, v1;
	v4 =	vld [tilespmem:$0x1FF50];
	_ =	sdelay $0x6  }
0x19a: {  	v1 =	vld.idx.msk [tilespmem:v5+s14+$0x0], $0xffff  }
0x19b: {  	v4 =	vld.idx.msk [tilespmem:v4+s15+$0x0], $0xffff;
	_ =	sdelay $0x4  }
0x19c: {  	v1 =	vadd.f32 v4, v1;
	_ =	sdelay $0x1  }
0x19d: {  	v4 =	vmul.f32 $1.000000010e-01, v1;
	_ =	sdelay $0x1  }
0x19e: {  	v1 =	vmax.f32 v1, v4  }
0x19f: {  	v1 =	vmul.f32 $1.442695020e+00, v1;
	_ =	sdelay $0x1  }
0x1a0: {  	(erf) = vpow2.f32 v1;
	_ =	sdelay $0x4  }
0x1a1: {  	v1 =	vld [tilespmem:$0x140];
	_ =	sdelay $0x3  }
0x1a2: {  	v4 =	vpop (erf)  }
0x1a3: {  	v4 =	vmul.f32 v4, v1;
	_ =	sdelay $0x1  }
0x1a4: {  	[tilespmem:v5+s18+$0x0] =	vst.idx.msk $0xffff, v4;
	v5 =	vld [tilespmem:$0x1FF60];
	_ =	sdelay $0x6  }
0x1a5: {  	v6 =	vld [tilespmem:$0x1FF70]  }
0x1a6: {  	[tilespmem:v5+s3+$0x0] =	vst.idx.msk $0xffff, v4;
	v5 =	vld [tilespmem:$0x1FF80];
	_ =	sdelay $0x6  }
0x1a7: {  	v4 =	vld.idx.msk [tilespmem:v6+s14+$0x0], $0xffff  }
0x1a8: {  	v5 =	vld.idx.msk [tilespmem:v5+s15+$0x0], $0xffff;
	_ =	sdelay $0x4  }
0x1a9: {  	v4 =	vadd.f32 v5, v4;
	_ =	sdelay $0x1  }
0x1aa: {  	v5 =	vmul.f32 $1.000000010e-01, v4;
	_ =	sdelay $0x1  }
0x1ab: {  	v4 =	vmax.f32 v4, v5  }
0x1ac: {  	v4 =	vmul.f32 $1.442695020e+00, v4;
	_ =	sdelay $0x1  }
0x1ad: {  	(erf) = vpow2.f32 v4;
	_ =	sdelay $0x4  }
0x1ae: {  	v5 =	vld [tilespmem:$0x1FF90];
	_ =	sdelay $0x3  }
0x1af: {  	v4 =	vpop (erf)  }
0x1b0: {  	v4 =	vmul.f32 v4, v1;
	_ =	sdelay $0x1  }
0x1b1: {  	[tilespmem:v6+s18+$0x0] =	vst.idx.msk $0xffff, v4;
	v6 =	vld [tilespmem:$0x1FFA0]  }
0x1b2: {  	[tilespmem:v5+s3+$0x0] =	vst.idx.msk $0xffff, v4;
	v5 =	vld [tilespmem:$0x1FFB0];
	_ =	sdelay $0x6  }
0x1b3: {  	v4 =	vld.idx.msk [tilespmem:v6+s14+$0x0], $0xffff  }
0x1b4: {  	v5 =	vld.idx.msk [tilespmem:v5+s15+$0x0], $0xffff;
	_ =	sdelay $0x4  }
0x1b5: {  	v4 =	vadd.f32 v5, v4;
	_ =	sdelay $0x1  }
0x1b6: {  	v5 =	vmul.f32 $1.000000010e-01, v4;
	_ =	sdelay $0x1  }
0x1b7: {  	v4 =	vmax.f32 v4, v5  }
0x1b8: {  	v4 =	vmul.f32 $1.442695020e+00, v4;
	_ =	sdelay $0x1  }
0x1b9: {  	(erf) = vpow2.f32 v4;
	_ =	sdelay $0x4  }
0x1ba: {  	v5 =	vld [tilespmem:$0x1FFC0];
	_ =	sdelay $0x3  }
0x1bb: {  	v4 =	vpop (erf)  }
0x1bc: {  	v4 =	vmul.f32 v4, v1;
	_ =	sdelay $0x1  }
0x1bd: {  	v7 =	vld [tilespmem:$0x1FFD0];
	[tilespmem:v6+s18+$0x0] =	vst.idx.msk $0xffff, v4  }
0x1be: {  	[tilespmem:v5+s3+$0x0] =	vst.idx.msk $0xffff, v4;
	v5 =	vld [tilespmem:$0x1FFE0];
	_ =	sdelay $0x6  }
0x1bf: {  	v4 =	vld.idx.msk [tilespmem:v7+s14+$0x0], $0xffff  }
0x1c0: {  	v5 =	vld.idx.msk [tilespmem:v5+s15+$0x0], $0xffff;
	_ =	sdelay $0x4  }
0x1c1: {  	v4 =	vadd.f32 v5, v4;
	_ =	sdelay $0x1  }
0x1c2: {  	v5 =	vmul.f32 $1.000000010e-01, v4;
	_ =	sdelay $0x1  }
0x1c3: {  	v4 =	vmax.f32 v4, v5  }
0x1c4: {  	v4 =	vmul.f32 $1.442695020e+00, v4;
	_ =	sdelay $0x1  }
0x1c5: {  	(erf) = vpow2.f32 v4;
	_ =	sdelay $0x8  }
0x1c6: {  	v4 =	vpop (erf)  }
0x1c7: {  	v1 =	vmul.f32 v4, v1;
	v4 =	vld [tilespmem:$0x1FFF0];
	_ =	sdelay $0x4  }
0x1c8: {  	v6 =	vor.u32 $0x504, v0;
	_ =	sdelay $0x1  }
0x1c9: {  	[tilespmem:v7+s18+$0x0] =	vst.idx.msk $0xffff, v1  }
0x1ca: {  	[tilespmem:v4+s3+$0x0] =	vst.idx.msk $0xffff, v1  }
0x1cb: {  	v1 =	vld.idx.msk [tilespmem:v62+s14+$0x0], $0xffff  }
0x1cc: {  	v4 =	vld.idx.msk [tilespmem:v6+s15+$0x0], $0xffff;
	_ =	sdelay $0x4  }
0x1cd: {  	v1 =	vadd.f32 v4, v1;
	_ =	sdelay $0x1  }
0x1ce: {  	v4 =	vmul.f32 $1.000000010e-01, v1;
	_ =	sdelay $0x1  }
0x1cf: {  	v1 =	vmax.f32 v1, v4  }
0x1d0: {  	v1 =	vmul.f32 $1.442695020e+00, v1;
	_ =	sdelay $0x1  }
0x1d1: {  	(erf) = vpow2.f32 v1;
	_ =	sdelay $0x4  }
0x1d2: {  	v5 =	vld [tilespmem:$0x150];
	_ =	sdelay $0x2  }
0x1d3: {  	v7 =	vor.u32 $0x280, v2  }
0x1d4: {  	v63 =	vor.u32 $0x501, v0;
	v1 =	vpop (erf)  }
0x1d5: {  	v10 =	vor.u32 $0x505, v0;
	v1 =	vmul.f32 v1, v5;
	_ =	sdelay $0x1  }
0x1d6: {  	[tilespmem:v62+s18+$0x0] =	vst.idx.msk $0xffff, v1  }
0x1d7: {  	[tilespmem:v7+s3+$0x0] =	vst.idx.msk $0xffff, v1  }
0x1d8: {  	v1 =	vld.idx.msk [tilespmem:v63+s14+$0x0], $0xffff  }
0x1d9: {  	v4 =	vld.idx.msk [tilespmem:v10+s15+$0x0], $0xffff;
	_ =	sdelay $0x4  }
0x1da: {  	v1 =	vadd.f32 v4, v1;
	_ =	sdelay $0x1  }
0x1db: {  	v4 =	vmul.f32 $1.000000010e-01, v1;
	_ =	sdelay $0x1  }
0x1dc: {  	v1 =	vmax.f32 v1, v4  }
0x1dd: {  	v1 =	vmul.f32 $1.442695020e+00, v1;
	_ =	sdelay $0x1  }
0x1de: {  	(erf) = vpow2.f32 v1;
	_ =	sdelay $0x7  }
0x1df: {  	v12 =	vor.u32 $0x281, v2  }
0x1e0: {  	v1 =	vor.u32 $0x502, v0;
	v4 =	vpop (erf)  }
0x1e1: {  	v15 =	vor.u32 $0x506, v0;
	v4 =	vmul.f32 v4, v5;
	_ =	sdelay $0x1  }
0x1e2: {  	[tilespmem:v63+s18+$0x0] =	vst.idx.msk $0xffff, v4  }
0x1e3: {  	[tilespmem:v12+s3+$0x0] =	vst.idx.msk $0xffff, v4  }
0x1e4: {  	v4 =	vld.idx.msk [tilespmem:v1+s14+$0x0], $0xffff  }
0x1e5: {  	v8 =	vld.idx.msk [tilespmem:v15+s15+$0x0], $0xffff;
	_ =	sdelay $0x4  }
0x1e6: {  	v4 =	vadd.f32 v8, v4;
	_ =	sdelay $0x1  }
0x1e7: {  	v8 =	vmul.f32 $1.000000010e-01, v4;
	_ =	sdelay $0x1  }
0x1e8: {  	v4 =	vmax.f32 v4, v8  }
0x1e9: {  	v4 =	vmul.f32 $1.442695020e+00, v4;
	_ =	sdelay $0x1  }
0x1ea: {  	(erf) = vpow2.f32 v4;
	_ =	sdelay $0x7  }
0x1eb: {  	v16 =	vor.u32 $0x282, v2  }
0x1ec: {  	v4 =	vor.u32 $0x503, v0;
	v8 =	vpop (erf)  }
0x1ed: {  	v19 =	vor.u32 $0x507, v0;
	v8 =	vmul.f32 v8, v5;
	_ =	sdelay $0x1  }
0x1ee: {  	[tilespmem:v1+s18+$0x0] =	vst.idx.msk $0xffff, v8  }
0x1ef: {  	[tilespmem:v16+s3+$0x0] =	vst.idx.msk $0xffff, v8  }
0x1f0: {  	v8 =	vld.idx.msk [tilespmem:v4+s14+$0x0], $0xffff  }
0x1f1: {  	v9 =	vld.idx.msk [tilespmem:v19+s15+$0x0], $0xffff;
	_ =	sdelay $0x4  }
0x1f2: {  	v8 =	vadd.f32 v9, v8;
	_ =	sdelay $0x1  }
0x1f3: {  	v9 =	vmul.f32 $1.000000010e-01, v8;
	_ =	sdelay $0x1  }
0x1f4: {  	v8 =	vmax.f32 v8, v9  }
0x1f5: {  	v8 =	vmul.f32 $1.442695020e+00, v8;
	_ =	sdelay $0x1  }
0x1f6: {  	(erf) = vpow2.f32 v8;
	_ =	sdelay $0x7  }
0x1f7: {  	v21 =	vor.u32 $0x283, v2  }
0x1f8: {  	v9 =	vor.u32 $0x600, v0;
	v8 =	vpop (erf)  }
0x1f9: {  	v24 =	vor.u32 $0x604, v0;
	v5 =	vmul.f32 v8, v5;
	_ =	sdelay $0x1  }
0x1fa: {  	[tilespmem:v4+s18+$0x0] =	vst.idx.msk $0xffff, v5  }
0x1fb: {  	[tilespmem:v21+s3+$0x0] =	vst.idx.msk $0xffff, v5  }
0x1fc: {  	v5 =	vld.idx.msk [tilespmem:v9+s14+$0x0], $0xffff  }
0x1fd: {  	v8 =	vld.idx.msk [tilespmem:v24+s15+$0x0], $0xffff;
	_ =	sdelay $0x4  }
0x1fe: {  	v5 =	vadd.f32 v8, v5;
	_ =	sdelay $0x1  }
0x1ff: {  	v8 =	vmul.f32 $1.000000010e-01, v5;
	_ =	sdelay $0x1  }
0x200: {  	v5 =	vmax.f32 v5, v8  }
0x201: {  	v5 =	vmul.f32 $1.442695020e+00, v5;
	_ =	sdelay $0x1  }
0x202: {  	(erf) = vpow2.f32 v5;
	_ =	sdelay $0x4  }
0x203: {  	v5 =	vld [tilespmem:$0x160];
	_ =	sdelay $0x2  }
0x204: {  	v25 =	vor.u32 $0x300, v2  }
0x205: {  	v13 =	vor.u32 $0x601, v0;
	v8 =	vpop (erf)  }
0x206: {  	v28 =	vor.u32 $0x605, v0;
	v8 =	vmul.f32 v8, v5;
	_ =	sdelay $0x1  }
0x207: {  	[tilespmem:v9+s18+$0x0] =	vst.idx.msk $0xffff, v8  }
0x208: {  	[tilespmem:v25+s3+$0x0] =	vst.idx.msk $0xffff, v8  }
0x209: {  	v8 =	vld.idx.msk [tilespmem:v13+s14+$0x0], $0xffff  }
0x20a: {  	v11 =	vld.idx.msk [tilespmem:v28+s15+$0x0], $0xffff;
	_ =	sdelay $0x4  }
0x20b: {  	v8 =	vadd.f32 v11, v8;
	_ =	sdelay $0x1  }
0x20c: {  	v11 =	vmul.f32 $1.000000010e-01, v8;
	_ =	sdelay $0x1  }
0x20d: {  	v8 =	vmax.f32 v8, v11  }
0x20e: {  	v8 =	vmul.f32 $1.442695020e+00, v8;
	_ =	sdelay $0x1  }
0x20f: {  	(erf) = vpow2.f32 v8;
	_ =	sdelay $0x7  }
0x210: {  	v30 =	vor.u32 $0x301, v2  }
0x211: {  	v18 =	vor.u32 $0x602, v0;
	v8 =	vpop (erf)  }
0x212: {  	v33 =	vor.u32 $0x606, v0;
	v8 =	vmul.f32 v8, v5;
	_ =	sdelay $0x1  }
0x213: {  	[tilespmem:v13+s18+$0x0] =	vst.idx.msk $0xffff, v8  }
0x214: {  	[tilespmem:v30+s3+$0x0] =	vst.idx.msk $0xffff, v8  }
0x215: {  	v8 =	vld.idx.msk [tilespmem:v18+s14+$0x0], $0xffff  }
0x216: {  	v11 =	vld.idx.msk [tilespmem:v33+s15+$0x0], $0xffff;
	_ =	sdelay $0x4  }
0x217: {  	v8 =	vadd.f32 v11, v8;
	_ =	sdelay $0x1  }
0x218: {  	v11 =	vmul.f32 $1.000000010e-01, v8;
	_ =	sdelay $0x1  }
0x219: {  	v8 =	vmax.f32 v8, v11  }
0x21a: {  	v8 =	vmul.f32 $1.442695020e+00, v8;
	_ =	sdelay $0x1  }
0x21b: {  	(erf) = vpow2.f32 v8;
	_ =	sdelay $0x7  }
0x21c: {  	v34 =	vor.u32 $0x302, v2  }
0x21d: {  	v22 =	vor.u32 $0x603, v0;
	v8 =	vpop (erf)  }
0x21e: {  	v37 =	vor.u32 $0x607, v0;
	v8 =	vmul.f32 v8, v5;
	_ =	sdelay $0x1  }
0x21f: {  	[tilespmem:v18+s18+$0x0] =	vst.idx.msk $0xffff, v8  }
0x220: {  	[tilespmem:v34+s3+$0x0] =	vst.idx.msk $0xffff, v8  }
0x221: {  	v8 =	vld.idx.msk [tilespmem:v22+s14+$0x0], $0xffff  }
0x222: {  	v11 =	vld.idx.msk [tilespmem:v37+s15+$0x0], $0xffff;
	_ =	sdelay $0x4  }
0x223: {  	v8 =	vadd.f32 v11, v8;
	_ =	sdelay $0x1  }
0x224: {  	v11 =	vmul.f32 $1.000000010e-01, v8;
	_ =	sdelay $0x1  }
0x225: {  	v8 =	vmax.f32 v8, v11  }
0x226: {  	v8 =	vmul.f32 $1.442695020e+00, v8;
	_ =	sdelay $0x1  }
0x227: {  	(erf) = vpow2.f32 v8;
	_ =	sdelay $0x7  }
0x228: {  	v39 =	vor.u32 $0x303, v2  }
0x229: {  	v27 =	vor.u32 $0x700, v0;
	v8 =	vpop (erf)  }
0x22a: {  	v42 =	vor.u32 $0x704, v0;
	v5 =	vmul.f32 v8, v5;
	_ =	sdelay $0x1  }
0x22b: {  	[tilespmem:v22+s18+$0x0] =	vst.idx.msk $0xffff, v5  }
0x22c: {  	[tilespmem:v39+s3+$0x0] =	vst.idx.msk $0xffff, v5  }
0x22d: {  	v5 =	vld.idx.msk [tilespmem:v27+s14+$0x0], $0xffff  }
0x22e: {  	v8 =	vld.idx.msk [tilespmem:v42+s15+$0x0], $0xffff;
	_ =	sdelay $0x4  }
0x22f: {  	v5 =	vadd.f32 v8, v5;
	_ =	sdelay $0x1  }
0x230: {  	v8 =	vmul.f32 $1.000000010e-01, v5;
	_ =	sdelay $0x1  }
0x231: {  	v5 =	vmax.f32 v5, v8  }
0x232: {  	v5 =	vmul.f32 $1.442695020e+00, v5;
	_ =	sdelay $0x1  }
0x233: {  	(erf) = vpow2.f32 v5;
	_ =	sdelay $0x4  }
0x234: {  	v5 =	vld [tilespmem:$0x170];
	_ =	sdelay $0x2  }
0x235: {  	v43 =	vor.u32 $0x380, v2  }
0x236: {  	v31 =	vor.u32 $0x701, v0;
	v8 =	vpop (erf)  }
0x237: {  	v45 =	vor.u32 $0x705, v0;
	v8 =	vmul.f32 v8, v5;
	_ =	sdelay $0x1  }
0x238: {  	[tilespmem:v27+s18+$0x0] =	vst.idx.msk $0xffff, v8  }
0x239: {  	[tilespmem:v43+s3+$0x0] =	vst.idx.msk $0xffff, v8  }
0x23a: {  	v8 =	vld.idx.msk [tilespmem:v31+s14+$0x0], $0xffff  }
0x23b: {  	v11 =	vld.idx.msk [tilespmem:v45+s15+$0x0], $0xffff;
	_ =	sdelay $0x4  }
0x23c: {  	v8 =	vadd.f32 v11, v8;
	_ =	sdelay $0x1  }
0x23d: {  	v11 =	vmul.f32 $1.000000010e-01, v8;
	_ =	sdelay $0x1  }
0x23e: {  	v8 =	vmax.f32 v8, v11  }
0x23f: {  	v8 =	vmul.f32 $1.442695020e+00, v8;
	_ =	sdelay $0x1  }
0x240: {  	(erf) = vpow2.f32 v8;
	_ =	sdelay $0x7  }
0x241: {  	v46 =	vor.u32 $0x381, v2  }
0x242: {  	v36 =	vor.u32 $0x702, v0;
	v8 =	vpop (erf)  }
0x243: {  	v48 =	vor.u32 $0x706, v0;
	v8 =	vmul.f32 v8, v5;
	_ =	sdelay $0x1  }
0x244: {  	[tilespmem:v31+s18+$0x0] =	vst.idx.msk $0xffff, v8  }
0x245: {  	[tilespmem:v46+s3+$0x0] =	vst.idx.msk $0xffff, v8  }
0x246: {  	v8 =	vld.idx.msk [tilespmem:v36+s14+$0x0], $0xffff  }
0x247: {  	v11 =	vld.idx.msk [tilespmem:v48+s15+$0x0], $0xffff;
	_ =	sdelay $0x4  }
0x248: {  	v8 =	vadd.f32 v11, v8;
	_ =	sdelay $0x1  }
0x249: {  	v11 =	vmul.f32 $1.000000010e-01, v8;
	_ =	sdelay $0x1  }
0x24a: {  	v8 =	vmax.f32 v8, v11  }
0x24b: {  	v8 =	vmul.f32 $1.442695020e+00, v8;
	_ =	sdelay $0x1  }
0x24c: {  	(erf) = vpow2.f32 v8;
	_ =	sdelay $0x7  }
0x24d: {  	v49 =	vor.u32 $0x382, v2  }
0x24e: {  	v40 =	vor.u32 $0x703, v0;
	v8 =	vpop (erf)  }
0x24f: {  	v51 =	vor.u32 $0x707, v0;
	v8 =	vmul.f32 v8, v5;
	_ =	sdelay $0x1  }
0x250: {  	[tilespmem:v36+s18+$0x0] =	vst.idx.msk $0xffff, v8  }
0x251: {  	[tilespmem:v49+s3+$0x0] =	vst.idx.msk $0xffff, v8  }
0x252: {  	v8 =	vld.idx.msk [tilespmem:v40+s14+$0x0], $0xffff  }
0x253: {  	v11 =	vld.idx.msk [tilespmem:v51+s15+$0x0], $0xffff;
	_ =	sdelay $0x4  }
0x254: {  	v8 =	vadd.f32 v11, v8;
	_ =	sdelay $0x1  }
0x255: {  	v11 =	vmul.f32 $1.000000010e-01, v8;
	_ =	sdelay $0x1  }
0x256: {  	v8 =	vmax.f32 v8, v11  }
0x257: {  	v8 =	vmul.f32 $1.442695020e+00, v8;
	_ =	sdelay $0x1  }
0x258: {  	(erf) = vpow2.f32 v8;
	_ =	sdelay $0x7  }
0x259: {  	v52 =	vor.u32 $0x383, v2  }
0x25a: {  	v8 =	vpop (erf)  }
0x25b: {  	v5 =	vmul.f32 v8, v5;
	_ =	sdelay $0x1  }
0x25c: {  	[tilespmem:v40+s18+$0x0] =	vst.idx.msk $0xffff, v5  }
0x25d: {  	[tilespmem:v52+s3+$0x0] =	vst.idx.msk $0xffff, v5  }
0x25e: {  	_ =	swait.ge [sflag:s19], $0x4000  }
0x25f: {  	[sflag:s19] =	ssyncset.done $0x0  }
0x260: {  	s25 =	simm.s32 $0x1340;
	[sflag:s19] =	ssyncadd.s32 $0xFFFFC000  }
0x261: {  	s28 =	simm.s32 $0x0;
	v8 =	vld [tilespmem:s25+$0xFFFFFFD0]  }
0x262: {  	v11 =	vld [tilespmem:s28+$0x9B00]  }
0x263: {  	v14 =	vld [tilespmem:s25+$0x20]  }
0x264: {  	v26 =	vmov v17;
	v17 =	vld [tilespmem:s25+$0xFFFFFFC0]  }
0x265: {  	v29 =	vmov v20;
	v20 =	vld [tilespmem:s25+$0xFFFFFFE0]  }
0x266: {  	v35 =	vmov v54;
	v54 =	vld [tilespmem:s25+$0xFFFFFFF0]  }
0x267: {  	v41 =	vmovc v38;
	v59 =	vmovc v56;
	v38 =	vmov v55;
	v56 =	vmov v61;
	v55 =	vld [tilespmem:s25+$0x30];
	v61 =	vbroadcast v11, $0x0  }
0x268: {  	v50 =	vmovc v47;
	v53 =	vmovc v60;
	v47 =	vmov v58;
	v58 =	vld [tilespmem:s25+$0x0];
	v5 =	vbroadcast v11, $0x3;
	v60 =	vbroadcast v11, $0x1  }
0x269: {  	v17 =	vmul.f32 v61, v17;
	v8 =	vmul.f32 v8, v61;
	v61 =	vld [tilespmem:s25+$0x10]  }
0x26a: {  	v44 =	vmov v57;
	v57 =	vbroadcast v11, $0x2  }
0x26b: {  	v32 =	vmov v23;
	s29 =	simm.s32 $0x1340;
	s28 =	simm.s32 $0x40;
	v14 =	vmul.f32 v14, v5;
	v11 =	vmul.f32 v20, v60  }
.LBB2_5:
0x26c: {  	p0 =	sne.s32 s28, $0x1FC0  }
0x26d: {  	[tilespmem:s25+$0xFFFFFFC0] =	vst v17;
	v17 =	vmul.f32 v58, v57;
	v5 =	vmul.f32 v55, v5;
	s29 =	sadd.s32 $0x80, s29;
	s30 =	smov.u32 s28;
	s28 =	sadd.s32 $0x40, s28  }
0x26e: {  	v20 =	vmul.f32 v54, v60;
	v55 =	vmul.f32 v61, v57;
	[tilespmem:s25+$0x20] =	vst v14  }
0x26f: {  	[tilespmem:s25+$0xFFFFFFD0] =	vst v8  }
0x270: {  	[tilespmem:s25+$0xFFFFFFE0] =	vst v11  }
0x271: {  	[tilespmem:s25+$0x30] =	vst v5  }
0x272: {  	v54 =	vld [tilespmem:s29+$0xFFFFFFF0];
	[tilespmem:s25+$0x10] =	vst v55  }
0x273: {  	v8 =	vld [tilespmem:s29+$0xFFFFFFD0];
	[tilespmem:s25+$0xFFFFFFF0] =	vst v20  }
0x274: {  	s30 =	sshra.s32 s30, $0x2;
	v11 =	vld [tilespmem:s29+$0x20];
	[tilespmem:s25+$0x0] =	vst v17;
	s25 =	smov.u32 s29  }
0x275: {  	v14 =	vld [tilespmem:s30+$0x9B00]  }
0x276: {  	v55 =	vld [tilespmem:s29+$0x30]  }
0x277: {  	v17 =	vld [tilespmem:s29+$0xFFFFFFC0]  }
0x278: {  	v20 =	vld [tilespmem:s29+$0xFFFFFFE0]  }
.Ltmp1:
0x279: {  	v58 =	vld [tilespmem:s29+$0x0];
	(pc) =	sbr.rel @p0 .LBB2_5-.Ltmp1, $4  }
0x27a: {  	v23 =	vbroadcast v14, $0x0;
	v61 =	vld [tilespmem:s29+$0x10];
	v5 =	vbroadcast v14, $0x3  }
0x27b: {  	v60 =	vbroadcast v14, $0x1;
	v57 =	vbroadcast v14, $0x2  }
0x27c: {  	v17 =	vmul.f32 v23, v17;
	v14 =	vmul.f32 v11, v5  }
0x27d: {  	v8 =	vmul.f32 v8, v23;
	v11 =	vmul.f32 v20, v60  }
0x27e: {  	[tilespmem:s25+$0xFFFFFFC0] =	vst v17  }
0x27f: {  	[tilespmem:s25+$0x20] =	vst v14  }
0x280: {  	v5 =	vmul.f32 v55, v5;
	[tilespmem:s25+$0xFFFFFFD0] =	vst v8  }
0x281: {  	[tilespmem:s25+$0xFFFFFFE0] =	vst v11;
	v8 =	vmul.f32 v61, v57  }
0x282: {  	v11 =	vmul.f32 v54, v60;
	[tilespmem:s25+$0x30] =	vst v5  }
0x283: {  	v5 =	vmul.f32 v58, v57;
	[tilespmem:s25+$0x10] =	vst v8  }
0x284: {  	[tilespmem:s25+$0xFFFFFFF0] =	vst v11  }
0x285: {  	[tilespmem:s25+$0x0] =	vst v5  }
0x286: {  	[spmem:s1] =	stream.indirect.scatter.add.f32 [tilespmem:s6], [sflag:$0x3], $0x80, s7, s7, $0xb8;
	[tilespmem:$0x1EF08] =	vst v63  }
0x287: {  	_ = 	snop  }
0x288: {  	[spmem:s13] =	stream.indirect.scatter.add.f32 [tilespmem:s3], [sflag:$0x3], $0x8, s7, s7, $0xb8;
	[tilespmem:$0x1EF08] =	vst v63  }
0x289: {  	_ =	swait.ge [sflag:s10], $0x4000  }
0x28a: {  	[sflag:s10] =	ssyncset.done $0x0  }
0x28b: {  	s24 =	sadd.s32 s24, s12;
	[sflag:s10] =	ssyncadd.s32 $0xFFFFC000  }
0x28c: {  	s24 =	sshll.u32 s24, $0x4;
	_ =	swait.ge [sflag:s10], $0x400  }
0x28d: {  	s24 =	sand.u32 $0x1FFFFFF0, s24;
	[sflag:s10] =	ssyncset.done $0x0  }
0x28e: {  	s24 =	sadd.s32 s0, s24;
	[sflag:s10] =	ssyncadd.s32 $0xFFFFFC00  }
0x28f: {  	[tilespmem:s20], [sflag:$0x4] =	stream.strided.gather [hbm4b:s24+s7], $0x180, s11, s7, $0x38;
	[tilespmem:$0x1EF08] =	vst v63  }
0x290: {  	_ =	swait.ge [sflag:s4], $0x180  }
0x291: {  	[sflag:s4] =	ssyncset.done $0x0  }
0x292: {  	[sflag:s4] =	ssyncadd.s32 $0xFFFFFE80  }
0x293: {  	[tilespmem:s9], [sflag:$0x1] =	stream.indirect.gather [hbm4b:s17+s7], $0x80, s20, s7, $0xb8;
	[tilespmem:$0x1EF08] =	vst v63  }
0x294: {  	_ = 	snop  }
0x295: {  	[tilespmem:s14], [sflag:$0x2] =	stream.indirect.gather [hbm4b:s16+s7], $0x10, s20, s7, $0xb8;
	[tilespmem:$0x1EF08] =	vst v63  }
0x296: {  	_ = 	snop  }
0x297: {  	[tilespmem:s15], [sflag:$0x2] =	stream.indirect.gather [hbm4b:s16+s7], $0x10, s8, s7, $0xb8;
	[tilespmem:$0x1EF08] =	vst v63  }
0x298: {  	_ =	swait.ge [sflag:s31], $0x800  }
0x299: {  	[sflag:s31] =	ssyncset.done $0x0  }
0x29a: {  	[sflag:s31] =	ssyncadd.s32 $0xFFFFF800  }
0x29b: {  	_ =	swait.ge [sflag:s31], $0x800  }
0x29c: {  	[sflag:s31] =	ssyncset.done $0x0  }
0x29d: {  	[sflag:s31] =	ssyncadd.s32 $0xFFFFF800  }
0x29e: {  	v5 =	vld.idx.msk [tilespmem:v0+s14+$0x0], $0xffff  }
0x29f: {  	v8 =	vld.idx.msk [tilespmem:v26+s15+$0x0], $0xffff;
	_ =	sdelay $0x4  }
0x2a0: {  	v5 =	vadd.f32 v8, v5;
	_ =	sdelay $0x1  }
0x2a1: {  	v8 =	vmul.f32 $1.000000010e-01, v5;
	_ =	sdelay $0x1  }
0x2a2: {  	v5 =	vmax.f32 v5, v8  }
0x2a3: {  	v5 =	vmul.f32 $1.442695020e+00, v5;
	_ =	sdelay $0x1  }
0x2a4: {  	(erf) = vpow2.f32 v5;
	_ =	sdelay $0x4  }
0x2a5: {  	v5 =	vld [tilespmem:$0x280];
	_ =	sdelay $0x3  }
0x2a6: {  	v8 =	vpop (erf)  }
0x2a7: {  	v8 =	vmul.f32 v8, v5;
	_ =	sdelay $0x1  }
0x2a8: {  	[tilespmem:v0+s18+$0x0] =	vst.idx.msk $0xffff, v8  }
0x2a9: {  	[tilespmem:v2+s5+$0x0] =	vst.idx.msk $0xffff, v8  }
0x2aa: {  	v8 =	vld.idx.msk [tilespmem:v29+s14+$0x0], $0xffff  }
0x2ab: {  	v11 =	vld.idx.msk [tilespmem:v32+s15+$0x0], $0xffff;
	_ =	sdelay $0x4  }
0x2ac: {  	v8 =	vadd.f32 v11, v8;
	_ =	sdelay $0x1  }
0x2ad: {  	v11 =	vmul.f32 $1.000000010e-01, v8;
	_ =	sdelay $0x1  }
0x2ae: {  	v8 =	vmax.f32 v8, v11  }
0x2af: {  	v8 =	vmul.f32 $1.442695020e+00, v8;
	_ =	sdelay $0x1  }
0x2b0: {  	(erf) = vpow2.f32 v8;
	_ =	sdelay $0x8  }
0x2b1: {  	v8 =	vpop (erf)  }
0x2b2: {  	v8 =	vmul.f32 v8, v5;
	_ =	sdelay $0x1  }
0x2b3: {  	[tilespmem:v29+s18+$0x0] =	vst.idx.msk $0xffff, v8  }
0x2b4: {  	[tilespmem:v35+s5+$0x0] =	vst.idx.msk $0xffff, v8  }
0x2b5: {  	v8 =	vld.idx.msk [tilespmem:v38+s14+$0x0], $0xffff  }
0x2b6: {  	v11 =	vld.idx.msk [tilespmem:v41+s15+$0x0], $0xffff;
	_ =	sdelay $0x4  }
0x2b7: {  	v8 =	vadd.f32 v11, v8;
	_ =	sdelay $0x1  }
0x2b8: {  	v11 =	vmul.f32 $1.000000010e-01, v8;
	_ =	sdelay $0x1  }
0x2b9: {  	v8 =	vmax.f32 v8, v11  }
0x2ba: {  	v8 =	vmul.f32 $1.442695020e+00, v8;
	_ =	sdelay $0x1  }
0x2bb: {  	(erf) = vpow2.f32 v8;
	_ =	sdelay $0x6  }
0x2bc: {  	v55 =	vmov v38;
	_ =	sdelay $0x1  }
0x2bd: {  	v8 =	vpop (erf)  }
0x2be: {  	v8 =	vmul.f32 v8, v5;
	_ =	sdelay $0x1  }
0x2bf: {  	[tilespmem:v55+s18+$0x0] =	vst.idx.msk $0xffff, v8  }
0x2c0: {  	[tilespmem:v44+s5+$0x0] =	vst.idx.msk $0xffff, v8  }
0x2c1: {  	v8 =	vld.idx.msk [tilespmem:v47+s14+$0x0], $0xffff  }
0x2c2: {  	v11 =	vld.idx.msk [tilespmem:v50+s15+$0x0], $0xffff;
	_ =	sdelay $0x4  }
0x2c3: {  	v8 =	vadd.f32 v11, v8;
	_ =	sdelay $0x1  }
0x2c4: {  	v11 =	vmul.f32 $1.000000010e-01, v8;
	_ =	sdelay $0x1  }
0x2c5: {  	v8 =	vmax.f32 v8, v11  }
0x2c6: {  	v8 =	vmul.f32 $1.442695020e+00, v8;
	_ =	sdelay $0x1  }
0x2c7: {  	(erf) = vpow2.f32 v8;
	_ =	sdelay $0x6  }
0x2c8: {  	v58 =	vmov v47;
	_ =	sdelay $0x1  }
0x2c9: {  	v8 =	vpop (erf)  }
0x2ca: {  	v5 =	vmul.f32 v8, v5;
	_ =	sdelay $0x1  }
0x2cb: {  	[tilespmem:v58+s18+$0x0] =	vst.idx.msk $0xffff, v5  }
0x2cc: {  	[tilespmem:v53+s5+$0x0] =	vst.idx.msk $0xffff, v5  }
0x2cd: {  	v5 =	vld.idx.msk [tilespmem:v56+s14+$0x0], $0xffff  }
0x2ce: {  	v8 =	vld.idx.msk [tilespmem:v59+s15+$0x0], $0xffff;
	_ =	sdelay $0x4  }
0x2cf: {  	v5 =	vadd.f32 v8, v5;
	_ =	sdelay $0x1  }
0x2d0: {  	v8 =	vmul.f32 $1.000000010e-01, v5;
	_ =	sdelay $0x1  }
0x2d1: {  	v5 =	vmax.f32 v5, v8  }
0x2d2: {  	v5 =	vmul.f32 $1.442695020e+00, v5;
	_ =	sdelay $0x1  }
0x2d3: {  	(erf) = vpow2.f32 v5;
	_ =	sdelay $0x3  }
0x2d4: {  	v11 =	vld [tilespmem:$0x1FD20]  }
0x2d5: {  	v5 =	vld [tilespmem:$0x290];
	_ =	sdelay $0x1  }
0x2d6: {  	v61 =	vmov v56;
	_ =	sdelay $0x1  }
0x2d7: {  	v8 =	vpop (erf)  }
0x2d8: {  	v8 =	vmul.f32 v8, v5;
	_ =	sdelay $0x1  }
0x2d9: {  	v14 =	vld [tilespmem:$0x1FD30];
	[tilespmem:v61+s18+$0x0] =	vst.idx.msk $0xffff, v8  }
0x2da: {  	[tilespmem:v11+s5+$0x0] =	vst.idx.msk $0xffff, v8;
	v11 =	vld [tilespmem:$0x1FD40];
	_ =	sdelay $0x6  }
0x2db: {  	v8 =	vld.idx.msk [tilespmem:v14+s14+$0x0], $0xffff  }
0x2dc: {  	v11 =	vld.idx.msk [tilespmem:v11+s15+$0x0], $0xffff;
	_ =	sdelay $0x4  }
0x2dd: {  	v8 =	vadd.f32 v11, v8;
	_ =	sdelay $0x1  }
0x2de: {  	v11 =	vmul.f32 $1.000000010e-01, v8;
	_ =	sdelay $0x1  }
0x2df: {  	v8 =	vmax.f32 v8, v11  }
0x2e0: {  	v8 =	vmul.f32 $1.442695020e+00, v8;
	_ =	sdelay $0x1  }
0x2e1: {  	(erf) = vpow2.f32 v8;
	_ =	sdelay $0x4  }
0x2e2: {  	v11 =	vld [tilespmem:$0x1FD50];
	_ =	sdelay $0x3  }
0x2e3: {  	v8 =	vpop (erf)  }
0x2e4: {  	v8 =	vmul.f32 v8, v5;
	_ =	sdelay $0x1  }
0x2e5: {  	[tilespmem:v14+s18+$0x0] =	vst.idx.msk $0xffff, v8;
	v14 =	vld [tilespmem:$0x1FD60]  }
0x2e6: {  	[tilespmem:v11+s5+$0x0] =	vst.idx.msk $0xffff, v8;
	v11 =	vld [tilespmem:$0x1FD70];
	_ =	sdelay $0x6  }
0x2e7: {  	v8 =	vld.idx.msk [tilespmem:v14+s14+$0x0], $0xffff  }
0x2e8: {  	v11 =	vld.idx.msk [tilespmem:v11+s15+$0x0], $0xffff;
	_ =	sdelay $0x4  }
0x2e9: {  	v8 =	vadd.f32 v11, v8;
	_ =	sdelay $0x1  }
0x2ea: {  	v11 =	vmul.f32 $1.000000010e-01, v8;
	_ =	sdelay $0x1  }
0x2eb: {  	v8 =	vmax.f32 v8, v11  }
0x2ec: {  	v8 =	vmul.f32 $1.442695020e+00, v8;
	_ =	sdelay $0x1  }
0x2ed: {  	(erf) = vpow2.f32 v8;
	_ =	sdelay $0x4  }
0x2ee: {  	v11 =	vld [tilespmem:$0x1FD80];
	_ =	sdelay $0x3  }
0x2ef: {  	v8 =	vpop (erf)  }
0x2f0: {  	v8 =	vmul.f32 v8, v5;
	_ =	sdelay $0x1  }
0x2f1: {  	[tilespmem:v14+s18+$0x0] =	vst.idx.msk $0xffff, v8;
	v14 =	vld [tilespmem:$0x1FD90]  }
0x2f2: {  	[tilespmem:v11+s5+$0x0] =	vst.idx.msk $0xffff, v8;
	v11 =	vld [tilespmem:$0x1FDA0];
	_ =	sdelay $0x6  }
0x2f3: {  	v8 =	vld.idx.msk [tilespmem:v14+s14+$0x0], $0xffff  }
0x2f4: {  	v11 =	vld.idx.msk [tilespmem:v11+s15+$0x0], $0xffff;
	_ =	sdelay $0x4  }
0x2f5: {  	v8 =	vadd.f32 v11, v8;
	_ =	sdelay $0x1  }
0x2f6: {  	v11 =	vmul.f32 $1.000000010e-01, v8;
	_ =	sdelay $0x1  }
0x2f7: {  	v8 =	vmax.f32 v8, v11  }
0x2f8: {  	v8 =	vmul.f32 $1.442695020e+00, v8;
	_ =	sdelay $0x1  }
0x2f9: {  	(erf) = vpow2.f32 v8;
	_ =	sdelay $0x8  }
0x2fa: {  	v8 =	vpop (erf)  }
0x2fb: {  	v5 =	vmul.f32 v8, v5;
	v8 =	vld [tilespmem:$0x1FDB0];
	_ =	sdelay $0x6  }
0x2fc: {  	v11 =	vld [tilespmem:$0x1FDC0];
	[tilespmem:v14+s18+$0x0] =	vst.idx.msk $0xffff, v5  }
0x2fd: {  	[tilespmem:v8+s5+$0x0] =	vst.idx.msk $0xffff, v5;
	v8 =	vld [tilespmem:$0x1FDD0];
	_ =	sdelay $0x6  }
0x2fe: {  	v5 =	vld.idx.msk [tilespmem:v11+s14+$0x0], $0xffff  }
0x2ff: {  	v8 =	vld.idx.msk [tilespmem:v8+s15+$0x0], $0xffff;
	_ =	sdelay $0x4  }
0x300: {  	v5 =	vadd.f32 v8, v5;
	_ =	sdelay $0x1  }
0x301: {  	v8 =	vmul.f32 $1.000000010e-01, v5;
	_ =	sdelay $0x1  }
0x302: {  	v5 =	vmax.f32 v5, v8  }
0x303: {  	v5 =	vmul.f32 $1.442695020e+00, v5;
	_ =	sdelay $0x1  }
0x304: {  	(erf) = vpow2.f32 v5;
	_ =	sdelay $0x4  }
0x305: {  	v5 =	vld [tilespmem:$0x2A0];
	_ =	sdelay $0x3  }
0x306: {  	v8 =	vpop (erf)  }
0x307: {  	v8 =	vmul.f32 v8, v5;
	_ =	sdelay $0x1  }
0x308: {  	[tilespmem:v11+s18+$0x0] =	vst.idx.msk $0xffff, v8;
	v11 =	vld [tilespmem:$0x1FDE0];
	_ =	sdelay $0x6  }
0x309: {  	v14 =	vld [tilespmem:$0x1FDF0]  }
0x30a: {  	[tilespmem:v11+s5+$0x0] =	vst.idx.msk $0xffff, v8;
	v11 =	vld [tilespmem:$0x1FE00];
	_ =	sdelay $0x6  }
0x30b: {  	v8 =	vld.idx.msk [tilespmem:v14+s14+$0x0], $0xffff  }
0x30c: {  	v11 =	vld.idx.msk [tilespmem:v11+s15+$0x0], $0xffff;
	_ =	sdelay $0x4  }
0x30d: {  	v8 =	vadd.f32 v11, v8;
	_ =	sdelay $0x1  }
0x30e: {  	v11 =	vmul.f32 $1.000000010e-01, v8;
	_ =	sdelay $0x1  }
0x30f: {  	v8 =	vmax.f32 v8, v11  }
0x310: {  	v8 =	vmul.f32 $1.442695020e+00, v8;
	_ =	sdelay $0x1  }
0x311: {  	(erf) = vpow2.f32 v8;
	_ =	sdelay $0x4  }
0x312: {  	v11 =	vld [tilespmem:$0x1FE10];
	_ =	sdelay $0x3  }
0x313: {  	v8 =	vpop (erf)  }
0x314: {  	v8 =	vmul.f32 v8, v5;
	_ =	sdelay $0x1  }
0x315: {  	[tilespmem:v14+s18+$0x0] =	vst.idx.msk $0xffff, v8;
	v14 =	vld [tilespmem:$0x1FE20]  }
0x316: {  	[tilespmem:v11+s5+$0x0] =	vst.idx.msk $0xffff, v8;
	v11 =	vld [tilespmem:$0x1FE30];
	_ =	sdelay $0x6  }
0x317: {  	v8 =	vld.idx.msk [tilespmem:v14+s14+$0x0], $0xffff  }
0x318: {  	v11 =	vld.idx.msk [tilespmem:v11+s15+$0x0], $0xffff;
	_ =	sdelay $0x4  }
0x319: {  	v8 =	vadd.f32 v11, v8;
	_ =	sdelay $0x1  }
0x31a: {  	v11 =	vmul.f32 $1.000000010e-01, v8;
	_ =	sdelay $0x1  }
0x31b: {  	v8 =	vmax.f32 v8, v11  }
0x31c: {  	v8 =	vmul.f32 $1.442695020e+00, v8;
	_ =	sdelay $0x1  }
0x31d: {  	(erf) = vpow2.f32 v8;
	_ =	sdelay $0x4  }
0x31e: {  	v11 =	vld [tilespmem:$0x1FE40];
	_ =	sdelay $0x3  }
0x31f: {  	v8 =	vpop (erf)  }
0x320: {  	v8 =	vmul.f32 v8, v5;
	_ =	sdelay $0x1  }
0x321: {  	[tilespmem:v14+s18+$0x0] =	vst.idx.msk $0xffff, v8;
	v14 =	vld [tilespmem:$0x1FE50]  }
0x322: {  	[tilespmem:v11+s5+$0x0] =	vst.idx.msk $0xffff, v8;
	v11 =	vld [tilespmem:$0x1FE60];
	_ =	sdelay $0x6  }
0x323: {  	v8 =	vld.idx.msk [tilespmem:v14+s14+$0x0], $0xffff  }
0x324: {  	v11 =	vld.idx.msk [tilespmem:v11+s15+$0x0], $0xffff;
	_ =	sdelay $0x4  }
0x325: {  	v8 =	vadd.f32 v11, v8;
	_ =	sdelay $0x1  }
0x326: {  	v11 =	vmul.f32 $1.000000010e-01, v8;
	_ =	sdelay $0x1  }
0x327: {  	v8 =	vmax.f32 v8, v11  }
0x328: {  	v8 =	vmul.f32 $1.442695020e+00, v8;
	_ =	sdelay $0x1  }
0x329: {  	(erf) = vpow2.f32 v8;
	_ =	sdelay $0x8  }
0x32a: {  	v8 =	vpop (erf)  }
0x32b: {  	v5 =	vmul.f32 v8, v5;
	v8 =	vld [tilespmem:$0x1FE70];
	_ =	sdelay $0x6  }
0x32c: {  	v11 =	vld [tilespmem:$0x1FE80];
	[tilespmem:v14+s18+$0x0] =	vst.idx.msk $0xffff, v5  }
0x32d: {  	[tilespmem:v8+s5+$0x0] =	vst.idx.msk $0xffff, v5;
	v8 =	vld [tilespmem:$0x1FE90];
	_ =	sdelay $0x6  }
0x32e: {  	v5 =	vld.idx.msk [tilespmem:v11+s14+$0x0], $0xffff  }
0x32f: {  	v8 =	vld.idx.msk [tilespmem:v8+s15+$0x0], $0xffff;
	_ =	sdelay $0x4  }
0x330: {  	v5 =	vadd.f32 v8, v5;
	_ =	sdelay $0x1  }
0x331: {  	v8 =	vmul.f32 $1.000000010e-01, v5;
	_ =	sdelay $0x1  }
0x332: {  	v5 =	vmax.f32 v5, v8  }
0x333: {  	v5 =	vmul.f32 $1.442695020e+00, v5;
	_ =	sdelay $0x1  }
0x334: {  	(erf) = vpow2.f32 v5;
	_ =	sdelay $0x4  }
0x335: {  	v5 =	vld [tilespmem:$0x2B0];
	_ =	sdelay $0x3  }
0x336: {  	v8 =	vpop (erf)  }
0x337: {  	v8 =	vmul.f32 v8, v5;
	_ =	sdelay $0x1  }
0x338: {  	[tilespmem:v11+s18+$0x0] =	vst.idx.msk $0xffff, v8;
	v11 =	vld [tilespmem:$0x1FEA0];
	_ =	sdelay $0x6  }
0x339: {  	v14 =	vld [tilespmem:$0x1FEB0]  }
0x33a: {  	[tilespmem:v11+s5+$0x0] =	vst.idx.msk $0xffff, v8;
	v11 =	vld [tilespmem:$0x1FEC0];
	_ =	sdelay $0x6  }
0x33b: {  	v8 =	vld.idx.msk [tilespmem:v14+s14+$0x0], $0xffff  }
0x33c: {  	v11 =	vld.idx.msk [tilespmem:v11+s15+$0x0], $0xffff;
	_ =	sdelay $0x4  }
0x33d: {  	v8 =	vadd.f32 v11, v8;
	_ =	sdelay $0x1  }
0x33e: {  	v11 =	vmul.f32 $1.000000010e-01, v8;
	_ =	sdelay $0x1  }
0x33f: {  	v8 =	vmax.f32 v8, v11  }
0x340: {  	v8 =	vmul.f32 $1.442695020e+00, v8;
	_ =	sdelay $0x1  }
0x341: {  	(erf) = vpow2.f32 v8;
	_ =	sdelay $0x4  }
0x342: {  	v11 =	vld [tilespmem:$0x1FED0];
	_ =	sdelay $0x3  }
0x343: {  	v8 =	vpop (erf)  }
0x344: {  	v8 =	vmul.f32 v8, v5;
	_ =	sdelay $0x1  }
0x345: {  	[tilespmem:v14+s18+$0x0] =	vst.idx.msk $0xffff, v8;
	v14 =	vld [tilespmem:$0x1FEE0]  }
0x346: {  	[tilespmem:v11+s5+$0x0] =	vst.idx.msk $0xffff, v8;
	v11 =	vld [tilespmem:$0x1FEF0];
	_ =	sdelay $0x6  }
0x347: {  	v8 =	vld.idx.msk [tilespmem:v14+s14+$0x0], $0xffff  }
0x348: {  	v11 =	vld.idx.msk [tilespmem:v11+s15+$0x0], $0xffff;
	_ =	sdelay $0x4  }
0x349: {  	v8 =	vadd.f32 v11, v8;
	_ =	sdelay $0x1  }
0x34a: {  	v11 =	vmul.f32 $1.000000010e-01, v8;
	_ =	sdelay $0x1  }
0x34b: {  	v8 =	vmax.f32 v8, v11  }
0x34c: {  	v8 =	vmul.f32 $1.442695020e+00, v8;
	_ =	sdelay $0x1  }
0x34d: {  	(erf) = vpow2.f32 v8;
	_ =	sdelay $0x4  }
0x34e: {  	v11 =	vld [tilespmem:$0x1FF00];
	_ =	sdelay $0x3  }
0x34f: {  	v8 =	vpop (erf)  }
0x350: {  	v8 =	vmul.f32 v8, v5;
	_ =	sdelay $0x1  }
0x351: {  	[tilespmem:v14+s18+$0x0] =	vst.idx.msk $0xffff, v8;
	v14 =	vld [tilespmem:$0x1FF10]  }
0x352: {  	[tilespmem:v11+s5+$0x0] =	vst.idx.msk $0xffff, v8;
	v11 =	vld [tilespmem:$0x1FF20];
	_ =	sdelay $0x6  }
0x353: {  	v8 =	vld.idx.msk [tilespmem:v14+s14+$0x0], $0xffff  }
0x354: {  	v11 =	vld.idx.msk [tilespmem:v11+s15+$0x0], $0xffff;
	_ =	sdelay $0x4  }
0x355: {  	v8 =	vadd.f32 v11, v8;
	_ =	sdelay $0x1  }
0x356: {  	v11 =	vmul.f32 $1.000000010e-01, v8;
	_ =	sdelay $0x1  }
0x357: {  	v8 =	vmax.f32 v8, v11  }
0x358: {  	v8 =	vmul.f32 $1.442695020e+00, v8;
	_ =	sdelay $0x1  }
0x359: {  	(erf) = vpow2.f32 v8;
	_ =	sdelay $0x8  }
0x35a: {  	v8 =	vpop (erf)  }
0x35b: {  	v5 =	vmul.f32 v8, v5;
	v8 =	vld [tilespmem:$0x1FF30];
	_ =	sdelay $0x6  }
0x35c: {  	v11 =	vld [tilespmem:$0x1FF40];
	[tilespmem:v14+s18+$0x0] =	vst.idx.msk $0xffff, v5  }
0x35d: {  	[tilespmem:v8+s5+$0x0] =	vst.idx.msk $0xffff, v5;
	v8 =	vld [tilespmem:$0x1FF50];
	_ =	sdelay $0x6  }
0x35e: {  	v5 =	vld.idx.msk [tilespmem:v11+s14+$0x0], $0xffff  }
0x35f: {  	v8 =	vld.idx.msk [tilespmem:v8+s15+$0x0], $0xffff;
	_ =	sdelay $0x4  }
0x360: {  	v5 =	vadd.f32 v8, v5;
	_ =	sdelay $0x1  }
0x361: {  	v8 =	vmul.f32 $1.000000010e-01, v5;
	_ =	sdelay $0x1  }
0x362: {  	v5 =	vmax.f32 v5, v8  }
0x363: {  	v5 =	vmul.f32 $1.442695020e+00, v5;
	_ =	sdelay $0x1  }
0x364: {  	(erf) = vpow2.f32 v5;
	_ =	sdelay $0x4  }
0x365: {  	v5 =	vld [tilespmem:$0x2C0];
	_ =	sdelay $0x3  }
0x366: {  	v8 =	vpop (erf)  }
0x367: {  	v8 =	vmul.f32 v8, v5;
	_ =	sdelay $0x1  }
0x368: {  	[tilespmem:v11+s18+$0x0] =	vst.idx.msk $0xffff, v8;
	v11 =	vld [tilespmem:$0x1FF60];
	_ =	sdelay $0x6  }
0x369: {  	v14 =	vld [tilespmem:$0x1FF70]  }
0x36a: {  	[tilespmem:v11+s5+$0x0] =	vst.idx.msk $0xffff, v8;
	v11 =	vld [tilespmem:$0x1FF80];
	_ =	sdelay $0x6  }
0x36b: {  	v8 =	vld.idx.msk [tilespmem:v14+s14+$0x0], $0xffff  }
0x36c: {  	v11 =	vld.idx.msk [tilespmem:v11+s15+$0x0], $0xffff;
	_ =	sdelay $0x4  }
0x36d: {  	v8 =	vadd.f32 v11, v8;
	_ =	sdelay $0x1  }
0x36e: {  	v11 =	vmul.f32 $1.000000010e-01, v8;
	_ =	sdelay $0x1  }
0x36f: {  	v8 =	vmax.f32 v8, v11  }
0x370: {  	v8 =	vmul.f32 $1.442695020e+00, v8;
	_ =	sdelay $0x1  }
0x371: {  	(erf) = vpow2.f32 v8;
	_ =	sdelay $0x4  }
0x372: {  	v11 =	vld [tilespmem:$0x1FF90];
	_ =	sdelay $0x3  }
0x373: {  	v8 =	vpop (erf)  }
0x374: {  	v8 =	vmul.f32 v8, v5;
	_ =	sdelay $0x1  }
0x375: {  	[tilespmem:v14+s18+$0x0] =	vst.idx.msk $0xffff, v8;
	v14 =	vld [tilespmem:$0x1FFA0]  }
0x376: {  	[tilespmem:v11+s5+$0x0] =	vst.idx.msk $0xffff, v8;
	v11 =	vld [tilespmem:$0x1FFB0];
	_ =	sdelay $0x6  }
0x377: {  	v8 =	vld.idx.msk [tilespmem:v14+s14+$0x0], $0xffff  }
0x378: {  	v11 =	vld.idx.msk [tilespmem:v11+s15+$0x0], $0xffff;
	_ =	sdelay $0x4  }
0x379: {  	v8 =	vadd.f32 v11, v8;
	_ =	sdelay $0x1  }
0x37a: {  	v11 =	vmul.f32 $1.000000010e-01, v8;
	_ =	sdelay $0x1  }
0x37b: {  	v8 =	vmax.f32 v8, v11  }
0x37c: {  	v8 =	vmul.f32 $1.442695020e+00, v8;
	_ =	sdelay $0x1  }
0x37d: {  	(erf) = vpow2.f32 v8;
	_ =	sdelay $0x4  }
0x37e: {  	v11 =	vld [tilespmem:$0x1FFC0];
	_ =	sdelay $0x3  }
0x37f: {  	v8 =	vpop (erf)  }
0x380: {  	v8 =	vmul.f32 v8, v5;
	_ =	sdelay $0x1  }
0x381: {  	[tilespmem:v14+s18+$0x0] =	vst.idx.msk $0xffff, v8;
	v14 =	vld [tilespmem:$0x1FFD0]  }
0x382: {  	[tilespmem:v11+s5+$0x0] =	vst.idx.msk $0xffff, v8;
	v11 =	vld [tilespmem:$0x1FFE0];
	_ =	sdelay $0x6  }
0x383: {  	v8 =	vld.idx.msk [tilespmem:v14+s14+$0x0], $0xffff  }
0x384: {  	v11 =	vld.idx.msk [tilespmem:v11+s15+$0x0], $0xffff;
	_ =	sdelay $0x4  }
0x385: {  	v8 =	vadd.f32 v11, v8;
	_ =	sdelay $0x1  }
0x386: {  	v11 =	vmul.f32 $1.000000010e-01, v8;
	_ =	sdelay $0x1  }
0x387: {  	v8 =	vmax.f32 v8, v11  }
0x388: {  	v8 =	vmul.f32 $1.442695020e+00, v8;
	_ =	sdelay $0x1  }
0x389: {  	(erf) = vpow2.f32 v8;
	_ =	sdelay $0x8  }
0x38a: {  	v8 =	vpop (erf)  }
0x38b: {  	v5 =	vmul.f32 v8, v5;
	v8 =	vld [tilespmem:$0x1FFF0];
	_ =	sdelay $0x6  }
0x38c: {  	[tilespmem:v14+s18+$0x0] =	vst.idx.msk $0xffff, v5  }
0x38d: {  	[tilespmem:v8+s5+$0x0] =	vst.idx.msk $0xffff, v5  }
0x38e: {  	v5 =	vld.idx.msk [tilespmem:v62+s14+$0x0], $0xffff  }
0x38f: {  	v6 =	vld.idx.msk [tilespmem:v6+s15+$0x0], $0xffff;
	_ =	sdelay $0x4  }
0x390: {  	v5 =	vadd.f32 v6, v5;
	_ =	sdelay $0x1  }
0x391: {  	v6 =	vmul.f32 $1.000000010e-01, v5;
	_ =	sdelay $0x1  }
0x392: {  	v5 =	vmax.f32 v5, v6  }
0x393: {  	v5 =	vmul.f32 $1.442695020e+00, v5;
	_ =	sdelay $0x1  }
0x394: {  	(erf) = vpow2.f32 v5;
	_ =	sdelay $0x4  }
0x395: {  	v5 =	vld [tilespmem:$0x2D0];
	_ =	sdelay $0x3  }
0x396: {  	v6 =	vpop (erf)  }
0x397: {  	v6 =	vmul.f32 v6, v5;
	_ =	sdelay $0x1  }
0x398: {  	[tilespmem:v62+s18+$0x0] =	vst.idx.msk $0xffff, v6  }
0x399: {  	[tilespmem:v7+s5+$0x0] =	vst.idx.msk $0xffff, v6  }
0x39a: {  	v6 =	vld.idx.msk [tilespmem:v63+s14+$0x0], $0xffff  }
0x39b: {  	v7 =	vld.idx.msk [tilespmem:v10+s15+$0x0], $0xffff;
	_ =	sdelay $0x4  }
0x39c: {  	v6 =	vadd.f32 v7, v6;
	_ =	sdelay $0x1  }
0x39d: {  	v7 =	vmul.f32 $1.000000010e-01, v6;
	_ =	sdelay $0x1  }
0x39e: {  	v6 =	vmax.f32 v6, v7  }
0x39f: {  	v6 =	vmul.f32 $1.442695020e+00, v6;
	_ =	sdelay $0x1  }
0x3a0: {  	(erf) = vpow2.f32 v6;
	_ =	sdelay $0x8  }
0x3a1: {  	v6 =	vpop (erf)  }
0x3a2: {  	v6 =	vmul.f32 v6, v5;
	_ =	sdelay $0x1  }
0x3a3: {  	[tilespmem:v63+s18+$0x0] =	vst.idx.msk $0xffff, v6  }
0x3a4: {  	[tilespmem:v12+s5+$0x0] =	vst.idx.msk $0xffff, v6  }
0x3a5: {  	v6 =	vld.idx.msk [tilespmem:v1+s14+$0x0], $0xffff  }
0x3a6: {  	v7 =	vld.idx.msk [tilespmem:v15+s15+$0x0], $0xffff;
	_ =	sdelay $0x4  }
0x3a7: {  	v6 =	vadd.f32 v7, v6;
	_ =	sdelay $0x1  }
0x3a8: {  	v7 =	vmul.f32 $1.000000010e-01, v6;
	_ =	sdelay $0x1  }
0x3a9: {  	v6 =	vmax.f32 v6, v7  }
0x3aa: {  	v6 =	vmul.f32 $1.442695020e+00, v6;
	_ =	sdelay $0x1  }
0x3ab: {  	(erf) = vpow2.f32 v6;
	_ =	sdelay $0x8  }
0x3ac: {  	v6 =	vpop (erf)  }
0x3ad: {  	v6 =	vmul.f32 v6, v5;
	_ =	sdelay $0x1  }
0x3ae: {  	[tilespmem:v1+s18+$0x0] =	vst.idx.msk $0xffff, v6  }
0x3af: {  	[tilespmem:v16+s5+$0x0] =	vst.idx.msk $0xffff, v6  }
0x3b0: {  	v1 =	vld.idx.msk [tilespmem:v4+s14+$0x0], $0xffff  }
0x3b1: {  	v6 =	vld.idx.msk [tilespmem:v19+s15+$0x0], $0xffff;
	_ =	sdelay $0x4  }
0x3b2: {  	v1 =	vadd.f32 v6, v1;
	_ =	sdelay $0x1  }
0x3b3: {  	v6 =	vmul.f32 $1.000000010e-01, v1;
	_ =	sdelay $0x1  }
0x3b4: {  	v1 =	vmax.f32 v1, v6  }
0x3b5: {  	v1 =	vmul.f32 $1.442695020e+00, v1;
	_ =	sdelay $0x1  }
0x3b6: {  	(erf) = vpow2.f32 v1;
	_ =	sdelay $0x8  }
0x3b7: {  	v1 =	vpop (erf)  }
0x3b8: {  	v1 =	vmul.f32 v1, v5;
	_ =	sdelay $0x1  }
0x3b9: {  	[tilespmem:v4+s18+$0x0] =	vst.idx.msk $0xffff, v1  }
0x3ba: {  	[tilespmem:v21+s5+$0x0] =	vst.idx.msk $0xffff, v1  }
0x3bb: {  	v1 =	vld.idx.msk [tilespmem:v9+s14+$0x0], $0xffff  }
0x3bc: {  	v4 =	vld.idx.msk [tilespmem:v24+s15+$0x0], $0xffff;
	_ =	sdelay $0x4  }
0x3bd: {  	v1 =	vadd.f32 v4, v1;
	_ =	sdelay $0x1  }
0x3be: {  	v4 =	vmul.f32 $1.000000010e-01, v1;
	_ =	sdelay $0x1  }
0x3bf: {  	v1 =	vmax.f32 v1, v4  }
0x3c0: {  	v1 =	vmul.f32 $1.442695020e+00, v1;
	_ =	sdelay $0x1  }
0x3c1: {  	(erf) = vpow2.f32 v1;
	_ =	sdelay $0x4  }
0x3c2: {  	v1 =	vld [tilespmem:$0x2E0];
	_ =	sdelay $0x3  }
0x3c3: {  	v4 =	vpop (erf)  }
0x3c4: {  	v4 =	vmul.f32 v4, v1;
	_ =	sdelay $0x1  }
0x3c5: {  	[tilespmem:v9+s18+$0x0] =	vst.idx.msk $0xffff, v4  }
0x3c6: {  	[tilespmem:v25+s5+$0x0] =	vst.idx.msk $0xffff, v4  }
0x3c7: {  	v4 =	vld.idx.msk [tilespmem:v13+s14+$0x0], $0xffff  }
0x3c8: {  	v5 =	vld.idx.msk [tilespmem:v28+s15+$0x0], $0xffff;
	_ =	sdelay $0x4  }
0x3c9: {  	v4 =	vadd.f32 v5, v4;
	_ =	sdelay $0x1  }
0x3ca: {  	v5 =	vmul.f32 $1.000000010e-01, v4;
	_ =	sdelay $0x1  }
0x3cb: {  	v4 =	vmax.f32 v4, v5  }
0x3cc: {  	v4 =	vmul.f32 $1.442695020e+00, v4;
	_ =	sdelay $0x1  }
0x3cd: {  	(erf) = vpow2.f32 v4;
	_ =	sdelay $0x8  }
0x3ce: {  	v4 =	vpop (erf)  }
0x3cf: {  	v4 =	vmul.f32 v4, v1;
	_ =	sdelay $0x1  }
0x3d0: {  	[tilespmem:v13+s18+$0x0] =	vst.idx.msk $0xffff, v4  }
0x3d1: {  	[tilespmem:v30+s5+$0x0] =	vst.idx.msk $0xffff, v4  }
0x3d2: {  	v4 =	vld.idx.msk [tilespmem:v18+s14+$0x0], $0xffff  }
0x3d3: {  	v5 =	vld.idx.msk [tilespmem:v33+s15+$0x0], $0xffff;
	_ =	sdelay $0x4  }
0x3d4: {  	v4 =	vadd.f32 v5, v4;
	_ =	sdelay $0x1  }
0x3d5: {  	v5 =	vmul.f32 $1.000000010e-01, v4;
	_ =	sdelay $0x1  }
0x3d6: {  	v4 =	vmax.f32 v4, v5  }
0x3d7: {  	v4 =	vmul.f32 $1.442695020e+00, v4;
	_ =	sdelay $0x1  }
0x3d8: {  	(erf) = vpow2.f32 v4;
	_ =	sdelay $0x8  }
0x3d9: {  	v4 =	vpop (erf)  }
0x3da: {  	v4 =	vmul.f32 v4, v1;
	_ =	sdelay $0x1  }
0x3db: {  	[tilespmem:v18+s18+$0x0] =	vst.idx.msk $0xffff, v4  }
0x3dc: {  	[tilespmem:v34+s5+$0x0] =	vst.idx.msk $0xffff, v4  }
0x3dd: {  	v4 =	vld.idx.msk [tilespmem:v22+s14+$0x0], $0xffff  }
0x3de: {  	v5 =	vld.idx.msk [tilespmem:v37+s15+$0x0], $0xffff;
	_ =	sdelay $0x4  }
0x3df: {  	v4 =	vadd.f32 v5, v4;
	_ =	sdelay $0x1  }
0x3e0: {  	v5 =	vmul.f32 $1.000000010e-01, v4;
	_ =	sdelay $0x1  }
0x3e1: {  	v4 =	vmax.f32 v4, v5  }
0x3e2: {  	v4 =	vmul.f32 $1.442695020e+00, v4;
	_ =	sdelay $0x1  }
0x3e3: {  	(erf) = vpow2.f32 v4;
	_ =	sdelay $0x8  }
0x3e4: {  	v4 =	vpop (erf)  }
0x3e5: {  	v1 =	vmul.f32 v4, v1;
	_ =	sdelay $0x1  }
0x3e6: {  	[tilespmem:v22+s18+$0x0] =	vst.idx.msk $0xffff, v1  }
0x3e7: {  	[tilespmem:v39+s5+$0x0] =	vst.idx.msk $0xffff, v1  }
0x3e8: {  	v1 =	vld.idx.msk [tilespmem:v27+s14+$0x0], $0xffff  }
0x3e9: {  	v4 =	vld.idx.msk [tilespmem:v42+s15+$0x0], $0xffff;
	_ =	sdelay $0x4  }
0x3ea: {  	v1 =	vadd.f32 v4, v1;
	_ =	sdelay $0x1  }
0x3eb: {  	v4 =	vmul.f32 $1.000000010e-01, v1;
	_ =	sdelay $0x1  }
0x3ec: {  	v1 =	vmax.f32 v1, v4  }
0x3ed: {  	v1 =	vmul.f32 $1.442695020e+00, v1;
	_ =	sdelay $0x1  }
0x3ee: {  	(erf) = vpow2.f32 v1;
	_ =	sdelay $0x4  }
0x3ef: {  	v1 =	vld [tilespmem:$0x2F0];
	_ =	sdelay $0x3  }
0x3f0: {  	v4 =	vpop (erf)  }
0x3f1: {  	v4 =	vmul.f32 v4, v1;
	_ =	sdelay $0x1  }
0x3f2: {  	[tilespmem:v27+s18+$0x0] =	vst.idx.msk $0xffff, v4  }
0x3f3: {  	[tilespmem:v43+s5+$0x0] =	vst.idx.msk $0xffff, v4  }
0x3f4: {  	v4 =	vld.idx.msk [tilespmem:v31+s14+$0x0], $0xffff  }
0x3f5: {  	v5 =	vld.idx.msk [tilespmem:v45+s15+$0x0], $0xffff;
	_ =	sdelay $0x4  }
0x3f6: {  	v4 =	vadd.f32 v5, v4;
	_ =	sdelay $0x1  }
0x3f7: {  	v5 =	vmul.f32 $1.000000010e-01, v4;
	_ =	sdelay $0x1  }
0x3f8: {  	v4 =	vmax.f32 v4, v5  }
0x3f9: {  	v4 =	vmul.f32 $1.442695020e+00, v4;
	_ =	sdelay $0x1  }
0x3fa: {  	(erf) = vpow2.f32 v4;
	_ =	sdelay $0x8  }
0x3fb: {  	v4 =	vpop (erf)  }
0x3fc: {  	v4 =	vmul.f32 v4, v1;
	_ =	sdelay $0x1  }
0x3fd: {  	[tilespmem:v31+s18+$0x0] =	vst.idx.msk $0xffff, v4  }
0x3fe: {  	[tilespmem:v46+s5+$0x0] =	vst.idx.msk $0xffff, v4  }
0x3ff: {  	v4 =	vld.idx.msk [tilespmem:v36+s14+$0x0], $0xffff  }
0x400: {  	v5 =	vld.idx.msk [tilespmem:v48+s15+$0x0], $0xffff;
	_ =	sdelay $0x4  }
0x401: {  	v4 =	vadd.f32 v5, v4;
	_ =	sdelay $0x1  }
0x402: {  	v5 =	vmul.f32 $1.000000010e-01, v4;
	_ =	sdelay $0x1  }
0x403: {  	v4 =	vmax.f32 v4, v5  }
0x404: {  	v4 =	vmul.f32 $1.442695020e+00, v4;
	_ =	sdelay $0x1  }
0x405: {  	(erf) = vpow2.f32 v4;
	_ =	sdelay $0x8  }
0x406: {  	v4 =	vpop (erf)  }
0x407: {  	v4 =	vmul.f32 v4, v1;
	_ =	sdelay $0x1  }
0x408: {  	[tilespmem:v36+s18+$0x0] =	vst.idx.msk $0xffff, v4  }
0x409: {  	[tilespmem:v49+s5+$0x0] =	vst.idx.msk $0xffff, v4  }
0x40a: {  	v4 =	vld.idx.msk [tilespmem:v40+s14+$0x0], $0xffff  }
0x40b: {  	v5 =	vld.idx.msk [tilespmem:v51+s15+$0x0], $0xffff;
	_ =	sdelay $0x4  }
0x40c: {  	v4 =	vadd.f32 v5, v4;
	_ =	sdelay $0x1  }
0x40d: {  	v5 =	vmul.f32 $1.000000010e-01, v4;
	_ =	sdelay $0x1  }
0x40e: {  	v4 =	vmax.f32 v4, v5  }
0x40f: {  	v4 =	vmul.f32 $1.442695020e+00, v4;
	_ =	sdelay $0x1  }
0x410: {  	(erf) = vpow2.f32 v4;
	_ =	sdelay $0x8  }
0x411: {  	v4 =	vpop (erf)  }
0x412: {  	v1 =	vmul.f32 v4, v1;
	_ =	sdelay $0x1  }
0x413: {  	[tilespmem:v40+s18+$0x0] =	vst.idx.msk $0xffff, v1  }
0x414: {  	[tilespmem:v52+s5+$0x0] =	vst.idx.msk $0xffff, v1  }
0x415: {  	_ =	swait.ge [sflag:s19], $0x4000  }
0x416: {  	[sflag:s19] =	ssyncset.done $0x0  }
0x417: {  	s24 =	simm.s32 $0x5340;
	[sflag:s19] =	ssyncadd.s32 $0xFFFFC000  }
0x418: {  	s30 =	simm.s32 $0x0;
	v8 =	vld [tilespmem:s24+$0xFFFFFFD0]  }
0x419: {  	v6 =	vld [tilespmem:s30+$0x9B00]  }
0x41a: {  	v11 =	vld [tilespmem:s24+$0x20]  }
0x41b: {  	v10 =	vld [tilespmem:s24+$0xFFFFFFC0]  }
0x41c: {  	v12 =	vld [tilespmem:s24+$0xFFFFFFE0]  }
0x41d: {  	v1 =	vld [tilespmem:s24+$0xFFFFFFF0]  }
0x41e: {  	v4 =	vld [tilespmem:s24+$0x30];
	v14 =	vbroadcast v6, $0x0  }
0x41f: {  	v7 =	vld [tilespmem:s24+$0x0];
	v5 =	vbroadcast v6, $0x3  }
0x420: {  	v17 =	vmovc v26;
	v20 =	vmovc v29;
	v23 =	vmov v32;
	v9 =	vbroadcast v6, $0x1;
	v13 =	vmul.f32 v14, v10;
	v10 =	vld [tilespmem:s24+$0x10]  }
0x421: {  	v54 =	vmovc v35;
	v60 =	vmovc v53;
	v57 =	vmov v44;
	v6 =	vbroadcast v6, $0x2;
	v8 =	vmul.f32 v8, v14  }
0x422: {  	s28 =	simm.s32 $0x5340;
	s25 =	simm.s32 $0x40;
	v38 =	vmovc v41;
	v47 =	vmovc v50;
	v56 =	vmov v59;
	v11 =	vmul.f32 v11, v5;
	v12 =	vmul.f32 v12, v9  }
.LBB2_7:
0x423: {  	p0 =	sne.s32 s25, $0x1FC0  }
0x424: {  	[tilespmem:s24+$0xFFFFFFC0] =	vst v13;
	v7 =	vmul.f32 v7, v6;
	v4 =	vmul.f32 v4, v5;
	s28 =	sadd.s32 $0x80, s28;
	s29 =	smov.u32 s25;
	s25 =	sadd.s32 $0x40, s25  }
0x425: {  	v5 =	vmul.f32 v1, v9;
	v6 =	vmul.f32 v10, v6;
	[tilespmem:s24+$0x20] =	vst v11  }
0x426: {  	[tilespmem:s24+$0xFFFFFFD0] =	vst v8  }
0x427: {  	[tilespmem:s24+$0xFFFFFFE0] =	vst v12  }
0x428: {  	[tilespmem:s24+$0x30] =	vst v4  }
0x429: {  	v1 =	vld [tilespmem:s28+$0xFFFFFFF0];
	[tilespmem:s24+$0x10] =	vst v6  }
0x42a: {  	v8 =	vld [tilespmem:s28+$0xFFFFFFD0];
	[tilespmem:s24+$0xFFFFFFF0] =	vst v5  }
0x42b: {  	s29 =	sshra.s32 s29, $0x2;
	v11 =	vld [tilespmem:s28+$0x20];
	[tilespmem:s24+$0x0] =	vst v7;
	s24 =	smov.u32 s28  }
0x42c: {  	v6 =	vld [tilespmem:s29+$0x9B00]  }
0x42d: {  	v4 =	vld [tilespmem:s28+$0x30]  }
0x42e: {  	v12 =	vld [tilespmem:s28+$0xFFFFFFC0]  }
0x42f: {  	v14 =	vld [tilespmem:s28+$0xFFFFFFE0]  }
.Ltmp2:
0x430: {  	v7 =	vld [tilespmem:s28+$0x0];
	(pc) =	sbr.rel @p0 .LBB2_7-.Ltmp2, $4  }
0x431: {  	v15 =	vbroadcast v6, $0x0;
	v10 =	vld [tilespmem:s28+$0x10];
	v5 =	vbroadcast v6, $0x3  }
0x432: {  	v9 =	vbroadcast v6, $0x1;
	v6 =	vbroadcast v6, $0x2  }
0x433: {  	v13 =	vmul.f32 v15, v12;
	v11 =	vmul.f32 v11, v5  }
0x434: {  	v8 =	vmul.f32 v8, v15;
	v12 =	vmul.f32 v14, v9  }
0x435: {  	[tilespmem:s24+$0xFFFFFFC0] =	vst v13  }
0x436: {  	[tilespmem:s24+$0x20] =	vst v11  }
0x437: {  	v4 =	vmul.f32 v4, v5;
	[tilespmem:s24+$0xFFFFFFD0] =	vst v8  }
0x438: {  	v1 =	vmul.f32 v1, v9;
	[tilespmem:s24+$0xFFFFFFE0] =	vst v12  }
0x439: {  	s23 =	sadd.s32 $0x1, s23;
	v5 =	vmul.f32 v10, v6;
	[tilespmem:s24+$0x30] =	vst v4  }
0x43a: {  	p0 =	sne.s32 s23, $0x28;
	v4 =	vmul.f32 v7, v6;
	[tilespmem:s24+$0xFFFFFFF0] =	vst v1  }
.Ltmp3:
0x43b: {  	[tilespmem:s24+$0x10] =	vst v5;
	(pc) =	sbr.rel @p0 .LBB2_4-.Ltmp3, $4  }
0x43c: {  	[tilespmem:s24+$0x0] =	vst v4  }
0x43d: {  	[spmem:s1] =	stream.indirect.scatter.add.f32 [tilespmem:s9], [sflag:$0x3], $0x80, s8, s7, $0xb8;
	[tilespmem:$0x1EF08] =	vst v63  }
0x43e: {  	_ = 	snop  }
0x43f: {  	[spmem:s13] =	stream.indirect.scatter.add.f32 [tilespmem:s5], [sflag:$0x3], $0x8, s8, s7, $0xb8;
	[tilespmem:$0x1EF08] =	vst v63  }
0x440: {  	_ =	swait.ge [sflag:s10], $0x4000  }
0x441: {  	[sflag:s10] =	ssyncset.done $0x0  }
0x442: {  	[sflag:s10] =	ssyncadd.s32 $0xFFFFC000  }
0x443: {  	_ =	swait.ge [sflag:s10], $0x400  }
0x444: {  	[sflag:s10] =	ssyncset.done $0x0  }
0x445: {  	[sflag:s10] =	ssyncadd.s32 $0xFFFFFC00  }
0x446: {  	_ =	swait.ge [sflag:s10], $0x4000  }
0x447: {  	[sflag:s10] =	ssyncset.done $0x0  }
0x448: {  	[sflag:s10] =	ssyncadd.s32 $0xFFFFC000  }
0x449: {  	_ =	swait.ge [sflag:s10], $0x400  }
0x44a: {  	[sflag:s10] =	ssyncset.done $0x0  }
0x44b: {  	[sflag:s10] =	ssyncadd.s32 $0xFFFFFC00  }
0x44c: {  	[bflag:$0x0] =	sbarrier.arrive $0xFFFF  }
0x44d: {  	s24 =	rddreg [dreg:$0x10]  }
0x44e: {  	[tilespmem:s6], [sflag:$0x4] =	stream.linear.gather [spmem:s24], $0x4000, $0x38;
	[tilespmem:$0x1EF08] =	vst v63  }
0x44f: {  	_ =	swait.ge [sflag:s4], $0x4000  }
0x450: {  	[sflag:s4] =	ssyncset.done $0x0  }
0x451: {  	s22 =	rddreg [dreg:$0x5];
	[sflag:s4] =	ssyncadd.s32 $0xFFFFC000  }
0x452: {  	[hbm4b:s22+s2] =	stream.linear.scatter [tilespmem:s6], [sflag:$0x4], $0x4000, $0x38;
	[tilespmem:$0x1EF08] =	vst v63  }
0x453: {  	_ =	swait.ge [sflag:s4], $0x4000  }
0x454: {  	[sflag:s4] =	ssyncset.done $0x0  }
0x455: {  	s25 =	rddreg [dreg:$0x11];
	[sflag:s4] =	ssyncadd.s32 $0xFFFFC000  }
0x456: {  	[tilespmem:s3], [sflag:$0x4] =	stream.linear.gather [spmem:s25], $0x400, $0x38;
	[tilespmem:$0x1EF08] =	vst v63  }
0x457: {  	_ =	swait.ge [sflag:s4], $0x400  }
0x458: {  	[sflag:s4] =	ssyncset.done $0x0  }
0x459: {  	s23 =	rddreg [dreg:$0x6];
	[sflag:s4] =	ssyncadd.s32 $0xFFFFFC00  }
0x45a: {  	[hbm4b:s23+s2] =	stream.linear.scatter [tilespmem:s3], [sflag:$0x4], $0x400, $0x38;
	[tilespmem:$0x1EF08] =	vst v63  }
0x45b: {  	_ =	swait.ge [sflag:s4], $0x400  }
0x45c: {  	[sflag:s4] =	ssyncset.done $0x0  }
0x45d: {  	s28 =	rddreg [dreg:$0x12];
	[sflag:s4] =	ssyncadd.s32 $0xFFFFFC00  }
0x45e: {  	[tilespmem:s6], [sflag:$0x4] =	stream.linear.gather [spmem:s28], $0x4000, $0x38;
	[tilespmem:$0x1EF08] =	vst v63  }
0x45f: {  	_ =	swait.ge [sflag:s4], $0x4000  }
0x460: {  	[sflag:s4] =	ssyncset.done $0x0  }
0x461: {  	s23 =	rddreg [dreg:$0x7];
	[sflag:s4] =	ssyncadd.s32 $0xFFFFC000  }
0x462: {  	[hbm4b:s23+s2] =	stream.linear.scatter [tilespmem:s6], [sflag:$0x4], $0x4000, $0x38;
	[tilespmem:$0x1EF08] =	vst v63  }
0x463: {  	_ =	swait.ge [sflag:s4], $0x4000  }
0x464: {  	[sflag:s4] =	ssyncset.done $0x0  }
0x465: {  	s29 =	rddreg [dreg:$0x13];
	[sflag:s4] =	ssyncadd.s32 $0xFFFFC000  }
0x466: {  	[tilespmem:s3], [sflag:$0x4] =	stream.linear.gather [spmem:s29], $0x400, $0x38;
	[tilespmem:$0x1EF08] =	vst v63  }
0x467: {  	_ =	swait.ge [sflag:s4], $0x400  }
0x468: {  	[sflag:s4] =	ssyncset.done $0x0  }
0x469: {  	s23 =	rddreg [dreg:$0xb];
	[sflag:s4] =	ssyncadd.s32 $0xFFFFFC00  }
0x46a: {  	[hbm4b:s23+s2] =	stream.linear.scatter [tilespmem:s3], [sflag:$0x4], $0x400, $0x38;
	[tilespmem:$0x1EF08] =	vst v63  }
0x46b: {  	_ =	swait.ge [sflag:s4], $0x400  }
0x46c: {  	[sflag:s4] =	ssyncset.done $0x0  }
0x46d: {  	s30 =	rddreg [dreg:$0x14];
	[sflag:s4] =	ssyncadd.s32 $0xFFFFFC00  }
0x46e: {  	[tilespmem:s6], [sflag:$0x4] =	stream.linear.gather [spmem:s30], $0x4000, $0x38;
	[tilespmem:$0x1EF08] =	vst v63  }
0x46f: {  	_ =	swait.ge [sflag:s4], $0x4000  }
0x470: {  	[sflag:s4] =	ssyncset.done $0x0  }
0x471: {  	s23 =	rddreg [dreg:$0x8];
	[sflag:s4] =	ssyncadd.s32 $0xFFFFC000  }
0x472: {  	[hbm4b:s23+s2] =	stream.linear.scatter [tilespmem:s6], [sflag:$0x4], $0x4000, $0x38;
	[tilespmem:$0x1EF08] =	vst v63  }
0x473: {  	_ =	swait.ge [sflag:s4], $0x4000  }
0x474: {  	[sflag:s4] =	ssyncset.done $0x0  }
0x475: {  	s23 =	rddreg [dreg:$0x15];
	[sflag:s4] =	ssyncadd.s32 $0xFFFFC000  }
0x476: {  	[tilespmem:s3], [sflag:$0x4] =	stream.linear.gather [spmem:s23], $0x400, $0x38;
	[tilespmem:$0x1EF08] =	vst v63  }
0x477: {  	_ =	swait.ge [sflag:s4], $0x400  }
0x478: {  	[sflag:s4] =	ssyncset.done $0x0  }
0x479: {  	s23 =	rddreg [dreg:$0xc];
	[sflag:s4] =	ssyncadd.s32 $0xFFFFFC00  }
0x47a: {  	[hbm4b:s23+s2] =	stream.linear.scatter [tilespmem:s3], [sflag:$0x4], $0x400, $0x38;
	[tilespmem:$0x1EF08] =	vst v63  }
0x47b: {  	_ =	swait.ge [sflag:s4], $0x400  }
0x47c: {  	[sflag:s4] =	ssyncset.done $0x0  }
0x47d: {  	s23 =	rddreg [dreg:$0x16];
	[sflag:s4] =	ssyncadd.s32 $0xFFFFFC00  }
0x47e: {  	[tilespmem:s6], [sflag:$0x4] =	stream.linear.gather [spmem:s23], $0x4000, $0x38;
	[tilespmem:$0x1EF08] =	vst v63  }
0x47f: {  	_ =	swait.ge [sflag:s4], $0x4000  }
0x480: {  	[sflag:s4] =	ssyncset.done $0x0  }
0x481: {  	s23 =	rddreg [dreg:$0x9];
	[sflag:s4] =	ssyncadd.s32 $0xFFFFC000  }
0x482: {  	[hbm4b:s23+s2] =	stream.linear.scatter [tilespmem:s6], [sflag:$0x4], $0x4000, $0x38;
	[tilespmem:$0x1EF08] =	vst v63  }
0x483: {  	_ =	swait.ge [sflag:s4], $0x4000  }
0x484: {  	[sflag:s4] =	ssyncset.done $0x0  }
0x485: {  	s23 =	rddreg [dreg:$0x17];
	[sflag:s4] =	ssyncadd.s32 $0xFFFFC000  }
0x486: {  	[tilespmem:s3], [sflag:$0x4] =	stream.linear.gather [spmem:s23], $0x400, $0x38;
	[tilespmem:$0x1EF08] =	vst v63  }
0x487: {  	_ =	swait.ge [sflag:s4], $0x400  }
0x488: {  	[sflag:s4] =	ssyncset.done $0x0  }
0x489: {  	s23 =	rddreg [dreg:$0xd];
	[sflag:s4] =	ssyncadd.s32 $0xFFFFFC00  }
0x48a: {  	[hbm4b:s23+s2] =	stream.linear.scatter [tilespmem:s3], [sflag:$0x4], $0x400, $0x38;
	[tilespmem:$0x1EF08] =	vst v63  }
0x48b: {  	_ =	swait.ge [sflag:s4], $0x400  }
0x48c: {  	[sflag:s4] =	ssyncset.done $0x0  }
0x48d: {  	s23 =	rddreg [dreg:$0x18];
	[sflag:s4] =	ssyncadd.s32 $0xFFFFFC00  }
0x48e: {  	[tilespmem:s6], [sflag:$0x4] =	stream.linear.gather [spmem:s23], $0x3880, $0x38;
	[tilespmem:$0x1EF08] =	vst v63  }
0x48f: {  	_ =	swait.ge [sflag:s4], $0x3880  }
0x490: {  	[sflag:s4] =	ssyncset.done $0x0  }
0x491: {  	s23 =	rddreg [dreg:$0xa];
	[sflag:s4] =	ssyncadd.s32 $0xFFFFC780  }
0x492: {  	[hbm4b:s23+s2] =	stream.linear.scatter [tilespmem:s6], [sflag:$0x4], $0x3880, $0x38;
	[tilespmem:$0x1EF08] =	vst v63  }
0x493: {  	_ =	swait.ge [sflag:s4], $0x3880  }
0x494: {  	[sflag:s4] =	ssyncset.done $0x0  }
0x495: {  	s23 =	rddreg [dreg:$0x19];
	[sflag:s4] =	ssyncadd.s32 $0xFFFFC780  }
0x496: {  	[tilespmem:s3], [sflag:$0x4] =	stream.linear.gather [spmem:s23], $0x388, $0x38;
	[tilespmem:$0x1EF08] =	vst v63  }
0x497: {  	_ =	swait.ge [sflag:s4], $0x388  }
0x498: {  	[sflag:s4] =	ssyncset.done $0x0  }
0x499: {  	s23 =	rddreg [dreg:$0xe];
	[sflag:s4] =	ssyncadd.s32 $0xFFFFFC78  }
0x49a: {  	[hbm4b:s23+s2] =	stream.linear.scatter [tilespmem:s3], [sflag:$0x4], $0x388, $0x38;
	[tilespmem:$0x1EF08] =	vst v63  }
0x49b: {  	_ =	swait.ge [sflag:s4], $0x388  }
0x49c: {  	s21 =	sadd.s32 $0x1, s21;
	s23 =	rddreg [dreg:$0x1a]  }
0x49d: {  	p0 =	sne.s32 s21, s23  }
.Ltmp4:
0x49e: {  	_ = 	snop;
	(pc) =	sbr.rel @p0 .LBB2_1-.Ltmp4, $3  }
0x49f: {  	_ =	sdelay $0x1  }
0x4a0: {  	[sflag:s4] =	ssyncset.done $0x0  }
0x4a1: {  	[sflag:s4] =	ssyncadd.s32 $0xFFFFFC78  }
0x4a2: {  	_ =	sfence.sel $0x180000  }
0x4a3: {  	[bflag:$0x0] =	sbarrier.arrive $0xFFFF  }
0x4a4: {  	_ =	strace $0x90000047  }
0x4a5: {  	s0 =	stileid.u32;
	[bflag:$0x2] =	sbarrier.arrive $0xFFFF  }
0x4a6: {  	p0 =	sne.s32 s0, $0x0;
	s0 =	rddreg [dreg:$0x4]  }
0x4a7: {  	s0 =	sadd.s32 @!p0 $0x100000, s0  }
0x4a8: {  	[sflag:s0] =	ssyncadd.tile.s32 @!p0 $0x1;
	_ =	shalt  }
.Lfunc_end2:
_tile_overlayer_lowered:
.L_overlay_start_2:
0x4a9: {  	(tag) =	ssettag $0x2  }
0x4aa: {  	s0 =	rddreg [dreg:$0x0];
	s2 =	stileid.u32  }
0x4ab: {  	s1 =	rddreg [dreg:$0x1];
	p0 =	sne.s32 s2, $0x0  }
0x4ac: {  	s3 =	rddreg [dreg:$0x2];
	[bflag:$0x3] =	sbarrier.arrive $0xFFFF;
	s2 =	simm.s32 @!p0 $0x1C04  }
0x4ad: {  	[timem:s3], [sflag:s2] =	dma.local @!p0 [hbm:s0], s1  }
0x4ae: {  	s0 =	simm.s32 @!p0 $0x4  }
0x4af: {  	_ =	swait.ge @!p0 [sflag:s0], s1  }
0x4b0: {  	s1 =	ssub.s32 @!p0 $0x0, s1;
	[sflag:s0] =	ssyncset.done @!p0 $0x0  }
0x4b1: {  	[sflag:s0] =	ssyncadd.s32 @!p0 s1  }
0x4b2: {  	[bflag:$0x3] =	sbarrier.arrive $0xFFFF  }
0x4b3: {  	_ =	shalt  }

</sc_bundles>
